<compile_context>
chip_gen: v7x
topology: tpu7x:2x2x1
jax: 0.10.2.dev20260603
libtpu: 0.0.44.dev20260713+nightly
codegen_flags: <defaults>
</compile_context>

<pallas_src>
import functools

import jax
import jax.numpy as jnp
from jax import lax
from jax.experimental import pallas as pl
from jax.experimental.pallas import tpu as pltpu
from jax.experimental.pallas import tpu_sc as plsc

_KEEP_RATIO = 0.2
_LEAKY_SLOPE = 0.1
_NC, _NS, _L = 2, 16, 16
_BITS = 26


def _topk_mask_body(x_ref, o_ref, *, k):
    x = x_ref[0]
    xa = jnp.where(x >= 0, x, jnp.float32(_LEAKY_SLOPE) * x)
    bits = jax.lax.bitcast_convert_type(xa, jnp.int32)
    key = jnp.where(bits >= 0, bits, bits ^ jnp.int32(0x7FFFFFFF))
    s = key.shape[1]

    def step(i, t):
        b = 31 - i
        cand = t + jax.lax.shift_left(jnp.int32(1), b.astype(jnp.int32))
        cnt = jnp.sum((key >= cand).astype(jnp.int32), axis=0, keepdims=True)
        return jnp.where(cnt >= k, cand, t)

    t0 = jnp.full((1, s), jnp.iinfo(jnp.int32).min, dtype=jnp.int32)
    t = jax.lax.fori_loop(0, _BITS, step, t0)
    o_ref[0] = jnp.where(key >= t, xa, jnp.float32(0.0))


def _tc_topk(xr, k, off=0):
    n, c, s = xr.shape
    y = pl.pallas_call(
        functools.partial(_topk_mask_body, k=k),
        grid=(n - off,),
        in_specs=[pl.BlockSpec((1, c, s), lambda i: (i + off, 0, 0))],
        out_specs=pl.BlockSpec((1, c, s), lambda i: (i + off, 0, 0)),
        out_shape=jax.ShapeDtypeStruct((n, c, s), jnp.float32),
        compiler_params=pltpu.CompilerParams(
            dimension_semantics=("arbitrary",),
        ),
    )(xr)
    return y


def _sc_topk(xr, k, nblk):
    n, c, s = xr.shape
    tile_p = 128
    sub = tile_p // _L
    tiles = s // tile_p
    int_min = jnp.iinfo(jnp.int32).min
    mesh = plsc.VectorSubcoreMesh(core_axis_name="c", subcore_axis_name="s")

    total_tiles = nblk * tiles
    n_workers = _NC * _NS
    tiles_per_worker = total_tiles // n_workers
    assert total_tiles % n_workers == 0

    @functools.partial(
        pl.kernel,
        out_type=jax.ShapeDtypeStruct((nblk, c, s), jnp.float32),
        mesh=mesh,
        scratch_types=[
            pltpu.VMEM((c, tile_p), jnp.float32),
        ],
    )
    def sck(x_hbm, o_hbm, buf):
        wid = lax.axis_index("s") * _NC + lax.axis_index("c")

        def tile_body(ti, _):
            gt = wid * tiles_per_worker + ti
            blk = lax.div(gt, jnp.int32(tiles))
            p0 = pl.multiple_of(lax.rem(gt, jnp.int32(tiles)) * tile_p,
                                tile_p)
            pltpu.sync_copy(x_hbm.at[blk, :, pl.ds(p0, tile_p)], buf)

            def key_chunk(ci, _):
                for sj in range(sub):
                    v = buf[ci, pl.ds(sj * _L, _L)]
                    va = jnp.where(v >= 0, v, jnp.float32(_LEAKY_SLOPE) * v)
                    b32 = lax.bitcast_convert_type(va, jnp.int32)
                    kk = jnp.where(b32 >= 0, b32, b32 ^ jnp.int32(0x7FFFFFFF))
                    buf[ci, pl.ds(sj * _L, _L)] = lax.bitcast_convert_type(
                        kk, jnp.float32)
                return 0

            lax.fori_loop(0, c, key_chunk, 0, unroll=4)

            ts = []
            for sj in range(sub):
                def bisect_step(i, t, sj=sj):
                    b = (31 - i).astype(jnp.int32)
                    cand = t + lax.shift_left(jnp.int32(1), b)

                    def cnt_chunk(ci, acc, sj=sj, cand=cand):
                        kk = lax.bitcast_convert_type(
                            buf[ci, pl.ds(sj * _L, _L)], jnp.int32)
                        return acc + jnp.where(kk >= cand, jnp.int32(1),
                                               jnp.int32(0))

                    cnt = lax.fori_loop(0, c, cnt_chunk,
                                        jnp.zeros((_L,), jnp.int32),
                                        unroll=8)
                    return jnp.where(cnt >= k, cand, t)

                ts.append(lax.fori_loop(
                    0, _BITS, bisect_step,
                    jnp.full((_L,), int_min, jnp.int32)))

            def out_chunk(ci, _):
                for sj in range(sub):
                    kk = lax.bitcast_convert_type(
                        buf[ci, pl.ds(sj * _L, _L)], jnp.int32)
                    b32 = jnp.where(kk >= 0, kk, kk ^ jnp.int32(0x7FFFFFFF))
                    va = lax.bitcast_convert_type(b32, jnp.float32)
                    buf[ci, pl.ds(sj * _L, _L)] = jnp.where(
                        kk >= ts[sj], va, jnp.float32(0.0))
                return 0

            lax.fori_loop(0, c, out_chunk, 0, unroll=4)
            pltpu.sync_copy(buf, o_hbm.at[blk, :, pl.ds(p0, tile_p)])
            return 0

        lax.fori_loop(0, tiles_per_worker, tile_body, 0)

    return sck(xr)


_SC_BLOCKS = 8


def kernel(x):
    n, c, h, w = x.shape
    k = max(1, int(c * _KEEP_RATIO))
    xr = x.reshape(n, c, h * w)
    y_sc = _sc_topk(xr, k, _SC_BLOCKS)
    y_tc = _tc_topk(xr, k, _SC_BLOCKS)
    y = lax.dynamic_update_slice(y_tc, y_sc, (0, 0, 0))
    return y.reshape(n, c, h, w)

# --- scband reference (transcript-rebuilt; emitter-appended) ---
"""Pipeline reference for scband-top-kactivation-65128884076803 (READ-ONLY COPY).

The authoritative reference and input builder live on the scoring server;
editing this copy changes nothing except your own understanding.
"""

import jax, jax.numpy as jnp
import numpy as np

KEEP_RATIO = 0.2
LEAKY_SLOPE = 0.1


def setup_inputs(seed: int = 0) -> dict:
    key = jax.random.key(seed)
    x = jax.random.normal(key, (32, 768, 32, 32), dtype=jnp.float32)
    return {"x": x}


def reference(x):
    # activation: leaky relu, slope 0.1
    xa = jnp.where(x >= 0, x, LEAKY_SLOPE * x)
    N, C, H, W = xa.shape
    k = max(1, int(C * KEEP_RATIO))
    # channel mode: top-k channels at each (n, h, w)
    xt = jnp.transpose(xa, (0, 2, 3, 1)).reshape(-1, C)  # [N*H*W, C]
    score = xt  # use_abs=False
    _, idx = jax.lax.top_k(score, k)  # [M, k]
    rows = jnp.arange(xt.shape[0])[:, None]
    mask = jnp.zeros_like(xt).at[rows, idx].set(1.0)
    y = xt * mask
    y = jnp.transpose(y.reshape(N, H, W, C), (0, 3, 1, 2))
    return y

if __name__ == "__main__":
    import jax
    _d = setup_inputs()
    print(jax.jit(kernel)(*tuple(_d.values())))

</pallas_src>

<mosaic_0001>
#map = affine_map<(d0, d1) -> (0, 0, 0)>
module attributes {stable_mosaic.version = 14 : i64} {
  func.func @sck(%arg0: i32, %arg1: i32, %arg2: memref<32x768x1024xf32, #tpu.memory_space<hbm>>, %arg3: memref<8x768x1024xf32, #tpu.memory_space<hbm>>, %arg4: memref<768x128xf32, #tpu.memory_space<vmem>>) attributes {dimension_semantics = [#tpu.dimension_semantics<core_parallel>, #tpu.dimension_semantics<subcore_parallel>], iteration_bounds = array<i64: 2, 16>, scalar_prefetch = 0 : i64, scratch_operands = 1 : i64, tpu.core_type = #tpu.core_type<sc_vector_subcore>, window_params = [{transform_indices = #map}, {transform_indices = #map}]} {
    %mul3A = arith.constant 2 : i32
    %mul3A_0 = arith.muli %arg1, %mul3A : i32
    %add3A = arith.addi %mul3A_0, %arg0 : i32
    %scan3A = arith.constant 0 : i32
    %scan3A_1 = arith.constant 0 : i32
    %scan3A_2 = arith.constant 2 : i32
    %scan3A_3 = arith.addi %scan3A_1, %scan3A_2 : i32
    %scan3A_4 = arith.constant 1 : i32
    %scan3A_5 = scf.for %scan3A_7 = %scan3A_1 to %scan3A_3 step %scan3A_4 iter_args(%scan3A_8 = %scan3A) -> (i32)  : i32 {
      %mul3A_9 = arith.constant 2 : i32
      %mul3A_10 = arith.muli %add3A, %mul3A_9 : i32
      %add3A_11 = arith.addi %mul3A_10, %scan3A_7 : i32
      %div3A = arith.constant 8 : i32
      %div3A_12 = arith.divsi %add3A_11, %div3A : i32
      %rem3A = arith.constant 8 : i32
      %rem3A_13 = arith.remsi %add3A_11, %rem3A : i32
      %mul3A_14 = arith.constant 128 : i32
      %mul3A_15 = arith.muli %rem3A_13, %mul3A_14 : i32
      %multiple_of3A = tpu.assume_multiple %mul3A_15, 128 : i32
      "tpu.region"() ({
        %run_scoped3A = tpu.sem_alloc : memref<!tpu.dma_semaphore, #tpu.memory_space<semaphore_mem>>
        %dma_start3A = arith.constant 0 : i32
        %dma_start3A_94 = tpu.memref_slice %arg2[%div3A_12, %dma_start3A, %multiple_of3A] : memref<32x768x1024xf32, #tpu.memory_space<hbm>> -> memref<1x768x128xf32, #tpu.memory_space<hbm>>
        %dma_start3A_95 = tpu.memref_squeeze %dma_start3A_94 : memref<1x768x128xf32, #tpu.memory_space<hbm>> -> memref<768x128xf32, #tpu.memory_space<hbm>>
        %dma_start3A_96 = arith.constant 0 : i32
        %dma_start3A_97 = tpu.memref_slice %arg2[%div3A_12, %dma_start3A_96, %multiple_of3A] : memref<32x768x1024xf32, #tpu.memory_space<hbm>> -> memref<1x768x128xf32, #tpu.memory_space<hbm>>
        %dma_start3A_98 = tpu.memref_squeeze %dma_start3A_97 : memref<1x768x128xf32, #tpu.memory_space<hbm>> -> memref<768x128xf32, #tpu.memory_space<hbm>>
        tpu.enqueue_dma source(%dma_start3A_98 : memref<768x128xf32, #tpu.memory_space<hbm>>) target(%arg4 : memref<768x128xf32, #tpu.memory_space<vmem>>) target_semaphore(%run_scoped3A : memref<!tpu.dma_semaphore, #tpu.memory_space<semaphore_mem>>)
        %dma_wait3A = arith.constant 0 : i32
        %dma_wait3A_99 = tpu.memref_slice %arg2[%div3A_12, %dma_wait3A, %multiple_of3A] : memref<32x768x1024xf32, #tpu.memory_space<hbm>> -> memref<1x768x128xf32, #tpu.memory_space<hbm>>
        %dma_wait3A_100 = tpu.memref_squeeze %dma_wait3A_99 : memref<1x768x128xf32, #tpu.memory_space<hbm>> -> memref<768x128xf32, #tpu.memory_space<hbm>>
        %dma_wait3A_101 = arith.constant 0 : i32
        %dma_wait3A_102 = tpu.memref_slice %arg2[%div3A_12, %dma_wait3A_101, %multiple_of3A] : memref<32x768x1024xf32, #tpu.memory_space<hbm>> -> memref<1x768x128xf32, #tpu.memory_space<hbm>>
        %dma_wait3A_103 = tpu.memref_squeeze %dma_wait3A_102 : memref<1x768x128xf32, #tpu.memory_space<hbm>> -> memref<768x128xf32, #tpu.memory_space<hbm>>
        tpu.wait_dma2 semaphore(%run_scoped3A : memref<!tpu.dma_semaphore, #tpu.memory_space<semaphore_mem>>) src(%dma_wait3A_103 : memref<768x128xf32, #tpu.memory_space<hbm>>) dst(%arg4 : memref<768x128xf32, #tpu.memory_space<vmem>>)
        tpu.yield
      }) : () -> ()
      %scan3A_16 = arith.constant 0 : i32
      %scan3A_17 = arith.constant 0 : i32
      %scan3A_18 = arith.constant 768 : i32
      %scan3A_19 = arith.addi %scan3A_17, %scan3A_18 : i32
      %scan3A_20 = arith.constant 4 : i32
      %scan3A_21 = scf.for %scan3A_94 = %scan3A_17 to %scan3A_19 step %scan3A_20 iter_args(%scan3A_95 = %scan3A_16) -> (i32)  : i32 {
        %get3A = arith.index_cast %scan3A_94 : i32 to index
        %get3A_96 = arith.constant 0 : index
        %get3A_97 = tpu.vector_load %arg4[%get3A, %get3A_96] {strides = array<i32>} : memref<768x128xf32, #tpu.memory_space<vmem>>, vector<1x16xf32>,
        %get3A_98 = vector.shape_cast %get3A_97 : vector<1x16xf32> to vector<16xf32>
        %ge3A = arith.constant 0.000000e+00 : f32
        %ge3A_99 = vector.broadcast %ge3A : f32 to vector<16xf32>
        %ge3A_100 = arith.cmpf oge, %get3A_98, %ge3A_99 : vector<16xf32>
        %mul3A_101 = arith.constant 1.000000e-01 : f32
        %mul3A_102 = vector.broadcast %mul3A_101 : f32 to vector<16xf32>
        %mul3A_103 = arith.mulf %mul3A_102, %get3A_98 : vector<16xf32>
        %select_n3A = arith.select %ge3A_100, %get3A_98, %mul3A_103 : vector<16xi1>, vector<16xf32>
        %bitcast_convert_type3A = tpu.bitcast %select_n3A : vector<16xf32> -> vector<16xi32>
        %ge3A_104 = arith.constant 0 : i32
        %ge3A_105 = vector.broadcast %ge3A_104 : i32 to vector<16xi32>
        %ge3A_106 = arith.cmpi sge, %bitcast_convert_type3A, %ge3A_105 : vector<16xi32>
        %xor3A = arith.constant 2147483647 : i32
        %xor3A_107 = vector.broadcast %xor3A : i32 to vector<16xi32>
        %xor3A_108 = arith.xori %bitcast_convert_type3A, %xor3A_107 : vector<16xi32>
        %select_n3A_109 = arith.select %ge3A_106, %bitcast_convert_type3A, %xor3A_108 : vector<16xi1>, vector<16xi32>
        %bitcast_convert_type3A_110 = tpu.bitcast %select_n3A_109 : vector<16xi32> -> vector<16xf32>
        %swap3A = arith.index_cast %scan3A_94 : i32 to index
        %swap3A_111 = arith.constant 0 : index
        %swap3A_112 = tpu.vector_load %arg4[%swap3A, %swap3A_111] {strides = array<i32>} : memref<768x128xf32, #tpu.memory_space<vmem>>, vector<1x16xf32>,
        %swap3A_113 = vector.shape_cast %swap3A_112 : vector<1x16xf32> to vector<16xf32>
        %swap3A_114 = vector.shape_cast %bitcast_convert_type3A_110 : vector<16xf32> to vector<1x16xf32>
        tpu.vector_store %arg4[%swap3A, %swap3A_111], %swap3A_114 {strides = array<i32>} : memref<768x128xf32, #tpu.memory_space<vmem>>, vector<1x16xf32>,
        %get3A_115 = arith.index_cast %scan3A_94 : i32 to index
        %get3A_116 = arith.constant 16 : index
        %get3A_117 = tpu.vector_load %arg4[%get3A_115, %get3A_116] {strides = array<i32>} : memref<768x128xf32, #tpu.memory_space<vmem>>, vector<1x16xf32>,
        %get3A_118 = vector.shape_cast %get3A_117 : vector<1x16xf32> to vector<16xf32>
        %ge3A_119 = arith.constant 0.000000e+00 : f32
        %ge3A_120 = vector.broadcast %ge3A_119 : f32 to vector<16xf32>
        %ge3A_121 = arith.cmpf oge, %get3A_118, %ge3A_120 : vector<16xf32>
        %mul3A_122 = arith.constant 1.000000e-01 : f32
        %mul3A_123 = vector.broadcast %mul3A_122 : f32 to vector<16xf32>
        %mul3A_124 = arith.mulf %mul3A_123, %get3A_118 : vector<16xf32>
        %select_n3A_125 = arith.select %ge3A_121, %get3A_118, %mul3A_124 : vector<16xi1>, vector<16xf32>
        %bitcast_convert_type3A_126 = tpu.bitcast %select_n3A_125 : vector<16xf32> -> vector<16xi32>
        %ge3A_127 = arith.constant 0 : i32
        %ge3A_128 = vector.broadcast %ge3A_127 : i32 to vector<16xi32>
        %ge3A_129 = arith.cmpi sge, %bitcast_convert_type3A_126, %ge3A_128 : vector<16xi32>
        %xor3A_130 = arith.constant 2147483647 : i32
        %xor3A_131 = vector.broadcast %xor3A_130 : i32 to vector<16xi32>
        %xor3A_132 = arith.xori %bitcast_convert_type3A_126, %xor3A_131 : vector<16xi32>
        %select_n3A_133 = arith.select %ge3A_129, %bitcast_convert_type3A_126, %xor3A_132 : vector<16xi1>, vector<16xi32>
        %bitcast_convert_type3A_134 = tpu.bitcast %select_n3A_133 : vector<16xi32> -> vector<16xf32>
        %swap3A_135 = arith.index_cast %scan3A_94 : i32 to index
        %swap3A_136 = arith.constant 16 : index
        %swap3A_137 = tpu.vector_load %arg4[%swap3A_135, %swap3A_136] {strides = array<i32>} : memref<768x128xf32, #tpu.memory_space<vmem>>, vector<1x16xf32>,
        %swap3A_138 = vector.shape_cast %swap3A_137 : vector<1x16xf32> to vector<16xf32>
        %swap3A_139 = vector.shape_cast %bitcast_convert_type3A_134 : vector<16xf32> to vector<1x16xf32>
        tpu.vector_store %arg4[%swap3A_135, %swap3A_136], %swap3A_139 {strides = array<i32>} : memref<768x128xf32, #tpu.memory_space<vmem>>, vector<1x16xf32>,
        %get3A_140 = arith.index_cast %scan3A_94 : i32 to index
        %get3A_141 = arith.constant 32 : index
        %get3A_142 = tpu.vector_load %arg4[%get3A_140, %get3A_141] {strides = array<i32>} : memref<768x128xf32, #tpu.memory_space<vmem>>, vector<1x16xf32>,
        %get3A_143 = vector.shape_cast %get3A_142 : vector<1x16xf32> to vector<16xf32>
        %ge3A_144 = arith.constant 0.000000e+00 : f32
        %ge3A_145 = vector.broadcast %ge3A_144 : f32 to vector<16xf32>
        %ge3A_146 = arith.cmpf oge, %get3A_143, %ge3A_145 : vector<16xf32>
        %mul3A_147 = arith.constant 1.000000e-01 : f32
        %mul3A_148 = vector.broadcast %mul3A_147 : f32 to vector<16xf32>
        %mul3A_149 = arith.mulf %mul3A_148, %get3A_143 : vector<16xf32>
        %select_n3A_150 = arith.select %ge3A_146, %get3A_143, %mul3A_149 : vector<16xi1>, vector<16xf32>
        %bitcast_convert_type3A_151 = tpu.bitcast %select_n3A_150 : vector<16xf32> -> vector<16xi32>
        %ge3A_152 = arith.constant 0 : i32
        %ge3A_153 = vector.broadcast %ge3A_152 : i32 to vector<16xi32>
        %ge3A_154 = arith.cmpi sge, %bitcast_convert_type3A_151, %ge3A_153 : vector<16xi32>
        %xor3A_155 = arith.constant 2147483647 : i32
        %xor3A_156 = vector.broadcast %xor3A_155 : i32 to vector<16xi32>
        %xor3A_157 = arith.xori %bitcast_convert_type3A_151, %xor3A_156 : vector<16xi32>
        %select_n3A_158 = arith.select %ge3A_154, %bitcast_convert_type3A_151, %xor3A_157 : vector<16xi1>, vector<16xi32>
        %bitcast_convert_type3A_159 = tpu.bitcast %select_n3A_158 : vector<16xi32> -> vector<16xf32>
        %swap3A_160 = arith.index_cast %scan3A_94 : i32 to index
        %swap3A_161 = arith.constant 32 : index
        %swap3A_162 = tpu.vector_load %arg4[%swap3A_160, %swap3A_161] {strides = array<i32>} : memref<768x128xf32, #tpu.memory_space<vmem>>, vector<1x16xf32>,
        %swap3A_163 = vector.shape_cast %swap3A_162 : vector<1x16xf32> to vector<16xf32>
        %swap3A_164 = vector.shape_cast %bitcast_convert_type3A_159 : vector<16xf32> to vector<1x16xf32>
        tpu.vector_store %arg4[%swap3A_160, %swap3A_161], %swap3A_164 {strides = array<i32>} : memref<768x128xf32, #tpu.memory_space<vmem>>, vector<1x16xf32>,
        %get3A_165 = arith.index_cast %scan3A_94 : i32 to index
        %get3A_166 = arith.constant 48 : index
        %get3A_167 = tpu.vector_load %arg4[%get3A_165, %get3A_166] {strides = array<i32>} : memref<768x128xf32, #tpu.memory_space<vmem>>, vector<1x16xf32>,
        %get3A_168 = vector.shape_cast %get3A_167 : vector<1x16xf32> to vector<16xf32>
        %ge3A_169 = arith.constant 0.000000e+00 : f32
        %ge3A_170 = vector.broadcast %ge3A_169 : f32 to vector<16xf32>
        %ge3A_171 = arith.cmpf oge, %get3A_168, %ge3A_170 : vector<16xf32>
        %mul3A_172 = arith.constant 1.000000e-01 : f32
        %mul3A_173 = vector.broadcast %mul3A_172 : f32 to vector<16xf32>
        %mul3A_174 = arith.mulf %mul3A_173, %get3A_168 : vector<16xf32>
        %select_n3A_175 = arith.select %ge3A_171, %get3A_168, %mul3A_174 : vector<16xi1>, vector<16xf32>
        %bitcast_convert_type3A_176 = tpu.bitcast %select_n3A_175 : vector<16xf32> -> vector<16xi32>
        %ge3A_177 = arith.constant 0 : i32
        %ge3A_178 = vector.broadcast %ge3A_177 : i32 to vector<16xi32>
        %ge3A_179 = arith.cmpi sge, %bitcast_convert_type3A_176, %ge3A_178 : vector<16xi32>
        %xor3A_180 = arith.constant 2147483647 : i32
        %xor3A_181 = vector.broadcast %xor3A_180 : i32 to vector<16xi32>
        %xor3A_182 = arith.xori %bitcast_convert_type3A_176, %xor3A_181 : vector<16xi32>
        %select_n3A_183 = arith.select %ge3A_179, %bitcast_convert_type3A_176, %xor3A_182 : vector<16xi1>, vector<16xi32>
        %bitcast_convert_type3A_184 = tpu.bitcast %select_n3A_183 : vector<16xi32> -> vector<16xf32>
        %swap3A_185 = arith.index_cast %scan3A_94 : i32 to index
        %swap3A_186 = arith.constant 48 : index
        %swap3A_187 = tpu.vector_load %arg4[%swap3A_185, %swap3A_186] {strides = array<i32>} : memref<768x128xf32, #tpu.memory_space<vmem>>, vector<1x16xf32>,
        %swap3A_188 = vector.shape_cast %swap3A_187 : vector<1x16xf32> to vector<16xf32>
        %swap3A_189 = vector.shape_cast %bitcast_convert_type3A_184 : vector<16xf32> to vector<1x16xf32>
        tpu.vector_store %arg4[%swap3A_185, %swap3A_186], %swap3A_189 {strides = array<i32>} : memref<768x128xf32, #tpu.memory_space<vmem>>, vector<1x16xf32>,
        %get3A_190 = arith.index_cast %scan3A_94 : i32 to index
        %get3A_191 = arith.constant 64 : index
        %get3A_192 = tpu.vector_load %arg4[%get3A_190, %get3A_191] {strides = array<i32>} : memref<768x128xf32, #tpu.memory_space<vmem>>, vector<1x16xf32>,
        %get3A_193 = vector.shape_cast %get3A_192 : vector<1x16xf32> to vector<16xf32>
        %ge3A_194 = arith.constant 0.000000e+00 : f32
        %ge3A_195 = vector.broadcast %ge3A_194 : f32 to vector<16xf32>
        %ge3A_196 = arith.cmpf oge, %get3A_193, %ge3A_195 : vector<16xf32>
        %mul3A_197 = arith.constant 1.000000e-01 : f32
        %mul3A_198 = vector.broadcast %mul3A_197 : f32 to vector<16xf32>
        %mul3A_199 = arith.mulf %mul3A_198, %get3A_193 : vector<16xf32>
        %select_n3A_200 = arith.select %ge3A_196, %get3A_193, %mul3A_199 : vector<16xi1>, vector<16xf32>
        %bitcast_convert_type3A_201 = tpu.bitcast %select_n3A_200 : vector<16xf32> -> vector<16xi32>
        %ge3A_202 = arith.constant 0 : i32
        %ge3A_203 = vector.broadcast %ge3A_202 : i32 to vector<16xi32>
        %ge3A_204 = arith.cmpi sge, %bitcast_convert_type3A_201, %ge3A_203 : vector<16xi32>
        %xor3A_205 = arith.constant 2147483647 : i32
        %xor3A_206 = vector.broadcast %xor3A_205 : i32 to vector<16xi32>
        %xor3A_207 = arith.xori %bitcast_convert_type3A_201, %xor3A_206 : vector<16xi32>
        %select_n3A_208 = arith.select %ge3A_204, %bitcast_convert_type3A_201, %xor3A_207 : vector<16xi1>, vector<16xi32>
        %bitcast_convert_type3A_209 = tpu.bitcast %select_n3A_208 : vector<16xi32> -> vector<16xf32>
        %swap3A_210 = arith.index_cast %scan3A_94 : i32 to index
        %swap3A_211 = arith.constant 64 : index
        %swap3A_212 = tpu.vector_load %arg4[%swap3A_210, %swap3A_211] {strides = array<i32>} : memref<768x128xf32, #tpu.memory_space<vmem>>, vector<1x16xf32>,
        %swap3A_213 = vector.shape_cast %swap3A_212 : vector<1x16xf32> to vector<16xf32>
        %swap3A_214 = vector.shape_cast %bitcast_convert_type3A_209 : vector<16xf32> to vector<1x16xf32>
        tpu.vector_store %arg4[%swap3A_210, %swap3A_211], %swap3A_214 {strides = array<i32>} : memref<768x128xf32, #tpu.memory_space<vmem>>, vector<1x16xf32>,
        %get3A_215 = arith.index_cast %scan3A_94 : i32 to index
        %get3A_216 = arith.constant 80 : index
        %get3A_217 = tpu.vector_load %arg4[%get3A_215, %get3A_216] {strides = array<i32>} : memref<768x128xf32, #tpu.memory_space<vmem>>, vector<1x16xf32>,
        %get3A_218 = vector.shape_cast %get3A_217 : vector<1x16xf32> to vector<16xf32>
        %ge3A_219 = arith.constant 0.000000e+00 : f32
        %ge3A_220 = vector.broadcast %ge3A_219 : f32 to vector<16xf32>
        %ge3A_221 = arith.cmpf oge, %get3A_218, %ge3A_220 : vector<16xf32>
        %mul3A_222 = arith.constant 1.000000e-01 : f32
        %mul3A_223 = vector.broadcast %mul3A_222 : f32 to vector<16xf32>
        %mul3A_224 = arith.mulf %mul3A_223, %get3A_218 : vector<16xf32>
        %select_n3A_225 = arith.select %ge3A_221, %get3A_218, %mul3A_224 : vector<16xi1>, vector<16xf32>
        %bitcast_convert_type3A_226 = tpu.bitcast %select_n3A_225 : vector<16xf32> -> vector<16xi32>
        %ge3A_227 = arith.constant 0 : i32
        %ge3A_228 = vector.broadcast %ge3A_227 : i32 to vector<16xi32>
        %ge3A_229 = arith.cmpi sge, %bitcast_convert_type3A_226, %ge3A_228 : vector<16xi32>
        %xor3A_230 = arith.constant 2147483647 : i32
        %xor3A_231 = vector.broadcast %xor3A_230 : i32 to vector<16xi32>
        %xor3A_232 = arith.xori %bitcast_convert_type3A_226, %xor3A_231 : vector<16xi32>
        %select_n3A_233 = arith.select %ge3A_229, %bitcast_convert_type3A_226, %xor3A_232 : vector<16xi1>, vector<16xi32>
        %bitcast_convert_type3A_234 = tpu.bitcast %select_n3A_233 : vector<16xi32> -> vector<16xf32>
        %swap3A_235 = arith.index_cast %scan3A_94 : i32 to index
        %swap3A_236 = arith.constant 80 : index
        %swap3A_237 = tpu.vector_load %arg4[%swap3A_235, %swap3A_236] {strides = array<i32>} : memref<768x128xf32, #tpu.memory_space<vmem>>, vector<1x16xf32>,
        %swap3A_238 = vector.shape_cast %swap3A_237 : vector<1x16xf32> to vector<16xf32>
        %swap3A_239 = vector.shape_cast %bitcast_convert_type3A_234 : vector<16xf32> to vector<1x16xf32>
        tpu.vector_store %arg4[%swap3A_235, %swap3A_236], %swap3A_239 {strides = array<i32>} : memref<768x128xf32, #tpu.memory_space<vmem>>, vector<1x16xf32>,
        %get3A_240 = arith.index_cast %scan3A_94 : i32 to index
        %get3A_241 = arith.constant 96 : index
        %get3A_242 = tpu.vector_load %arg4[%get3A_240, %get3A_241] {strides = array<i32>} : memref<768x128xf32, #tpu.memory_space<vmem>>, vector<1x16xf32>,
        %get3A_243 = vector.shape_cast %get3A_242 : vector<1x16xf32> to vector<16xf32>
        %ge3A_244 = arith.constant 0.000000e+00 : f32
        %ge3A_245 = vector.broadcast %ge3A_244 : f32 to vector<16xf32>
        %ge3A_246 = arith.cmpf oge, %get3A_243, %ge3A_245 : vector<16xf32>
        %mul3A_247 = arith.constant 1.000000e-01 : f32
        %mul3A_248 = vector.broadcast %mul3A_247 : f32 to vector<16xf32>
        %mul3A_249 = arith.mulf %mul3A_248, %get3A_243 : vector<16xf32>
        %select_n3A_250 = arith.select %ge3A_246, %get3A_243, %mul3A_249 : vector<16xi1>, vector<16xf32>
        %bitcast_convert_type3A_251 = tpu.bitcast %select_n3A_250 : vector<16xf32> -> vector<16xi32>
        %ge3A_252 = arith.constant 0 : i32
        %ge3A_253 = vector.broadcast %ge3A_252 : i32 to vector<16xi32>
        %ge3A_254 = arith.cmpi sge, %bitcast_convert_type3A_251, %ge3A_253 : vector<16xi32>
        %xor3A_255 = arith.constant 2147483647 : i32
        %xor3A_256 = vector.broadcast %xor3A_255 : i32 to vector<16xi32>
        %xor3A_257 = arith.xori %bitcast_convert_type3A_251, %xor3A_256 : vector<16xi32>
        %select_n3A_258 = arith.select %ge3A_254, %bitcast_convert_type3A_251, %xor3A_257 : vector<16xi1>, vector<16xi32>
        %bitcast_convert_type3A_259 = tpu.bitcast %select_n3A_258 : vector<16xi32> -> vector<16xf32>
        %swap3A_260 = arith.index_cast %scan3A_94 : i32 to index
        %swap3A_261 = arith.constant 96 : index
        %swap3A_262 = tpu.vector_load %arg4[%swap3A_260, %swap3A_261] {strides = array<i32>} : memref<768x128xf32, #tpu.memory_space<vmem>>, vector<1x16xf32>,
        %swap3A_263 = vector.shape_cast %swap3A_262 : vector<1x16xf32> to vector<16xf32>
        %swap3A_264 = vector.shape_cast %bitcast_convert_type3A_259 : vector<16xf32> to vector<1x16xf32>
        tpu.vector_store %arg4[%swap3A_260, %swap3A_261], %swap3A_264 {strides = array<i32>} : memref<768x128xf32, #tpu.memory_space<vmem>>, vector<1x16xf32>,
        %get3A_265 = arith.index_cast %scan3A_94 : i32 to index
        %get3A_266 = arith.constant 112 : index
        %get3A_267 = tpu.vector_load %arg4[%get3A_265, %get3A_266] {strides = array<i32>} : memref<768x128xf32, #tpu.memory_space<vmem>>, vector<1x16xf32>,
        %get3A_268 = vector.shape_cast %get3A_267 : vector<1x16xf32> to vector<16xf32>
        %ge3A_269 = arith.constant 0.000000e+00 : f32
        %ge3A_270 = vector.broadcast %ge3A_269 : f32 to vector<16xf32>
        %ge3A_271 = arith.cmpf oge, %get3A_268, %ge3A_270 : vector<16xf32>
        %mul3A_272 = arith.constant 1.000000e-01 : f32
        %mul3A_273 = vector.broadcast %mul3A_272 : f32 to vector<16xf32>
        %mul3A_274 = arith.mulf %mul3A_273, %get3A_268 : vector<16xf32>
        %select_n3A_275 = arith.select %ge3A_271, %get3A_268, %mul3A_274 : vector<16xi1>, vector<16xf32>
        %bitcast_convert_type3A_276 = tpu.bitcast %select_n3A_275 : vector<16xf32> -> vector<16xi32>
        %ge3A_277 = arith.constant 0 : i32
        %ge3A_278 = vector.broadcast %ge3A_277 : i32 to vector<16xi32>
        %ge3A_279 = arith.cmpi sge, %bitcast_convert_type3A_276, %ge3A_278 : vector<16xi32>
        %xor3A_280 = arith.constant 2147483647 : i32
        %xor3A_281 = vector.broadcast %xor3A_280 : i32 to vector<16xi32>
        %xor3A_282 = arith.xori %bitcast_convert_type3A_276, %xor3A_281 : vector<16xi32>
        %select_n3A_283 = arith.select %ge3A_279, %bitcast_convert_type3A_276, %xor3A_282 : vector<16xi1>, vector<16xi32>
        %bitcast_convert_type3A_284 = tpu.bitcast %select_n3A_283 : vector<16xi32> -> vector<16xf32>
        %swap3A_285 = arith.index_cast %scan3A_94 : i32 to index
        %swap3A_286 = arith.constant 112 : index
        %swap3A_287 = tpu.vector_load %arg4[%swap3A_285, %swap3A_286] {strides = array<i32>} : memref<768x128xf32, #tpu.memory_space<vmem>>, vector<1x16xf32>,
        %swap3A_288 = vector.shape_cast %swap3A_287 : vector<1x16xf32> to vector<16xf32>
        %swap3A_289 = vector.shape_cast %bitcast_convert_type3A_284 : vector<16xf32> to vector<1x16xf32>
        tpu.vector_store %arg4[%swap3A_285, %swap3A_286], %swap3A_289 {strides = array<i32>} : memref<768x128xf32, #tpu.memory_space<vmem>>, vector<1x16xf32>,
        %scan3A_290 = arith.constant 0 : i32
        %scan3A_291 = arith.constant 1 : i32
        %scan3A_292 = arith.addi %scan3A_94, %scan3A_291 : i32
        %get3A_293 = arith.index_cast %scan3A_292 : i32 to index
        %get3A_294 = arith.constant 0 : index
        %get3A_295 = tpu.vector_load %arg4[%get3A_293, %get3A_294] {strides = array<i32>} : memref<768x128xf32, #tpu.memory_space<vmem>>, vector<1x16xf32>,
        %get3A_296 = vector.shape_cast %get3A_295 : vector<1x16xf32> to vector<16xf32>
        %ge3A_297 = arith.constant 0.000000e+00 : f32
        %ge3A_298 = vector.broadcast %ge3A_297 : f32 to vector<16xf32>
        %ge3A_299 = arith.cmpf oge, %get3A_296, %ge3A_298 : vector<16xf32>
        %mul3A_300 = arith.constant 1.000000e-01 : f32
        %mul3A_301 = vector.broadcast %mul3A_300 : f32 to vector<16xf32>
        %mul3A_302 = arith.mulf %mul3A_301, %get3A_296 : vector<16xf32>
        %select_n3A_303 = arith.select %ge3A_299, %get3A_296, %mul3A_302 : vector<16xi1>, vector<16xf32>
        %bitcast_convert_type3A_304 = tpu.bitcast %select_n3A_303 : vector<16xf32> -> vector<16xi32>
        %ge3A_305 = arith.constant 0 : i32
        %ge3A_306 = vector.broadcast %ge3A_305 : i32 to vector<16xi32>
        %ge3A_307 = arith.cmpi sge, %bitcast_convert_type3A_304, %ge3A_306 : vector<16xi32>
        %xor3A_308 = arith.constant 2147483647 : i32
        %xor3A_309 = vector.broadcast %xor3A_308 : i32 to vector<16xi32>
        %xor3A_310 = arith.xori %bitcast_convert_type3A_304, %xor3A_309 : vector<16xi32>
        %select_n3A_311 = arith.select %ge3A_307, %bitcast_convert_type3A_304, %xor3A_310 : vector<16xi1>, vector<16xi32>
        %bitcast_convert_type3A_312 = tpu.bitcast %select_n3A_311 : vector<16xi32> -> vector<16xf32>
        %swap3A_313 = arith.index_cast %scan3A_292 : i32 to index
        %swap3A_314 = arith.constant 0 : index
        %swap3A_315 = tpu.vector_load %arg4[%swap3A_313, %swap3A_314] {strides = array<i32>} : memref<768x128xf32, #tpu.memory_space<vmem>>, vector<1x16xf32>,
        %swap3A_316 = vector.shape_cast %swap3A_315 : vector<1x16xf32> to vector<16xf32>
        %swap3A_317 = vector.shape_cast %bitcast_convert_type3A_312 : vector<16xf32> to vector<1x16xf32>
        tpu.vector_store %arg4[%swap3A_313, %swap3A_314], %swap3A_317 {strides = array<i32>} : memref<768x128xf32, #tpu.memory_space<vmem>>, vector<1x16xf32>,
        %get3A_318 = arith.index_cast %scan3A_292 : i32 to index
        %get3A_319 = arith.constant 16 : index
        %get3A_320 = tpu.vector_load %arg4[%get3A_318, %get3A_319] {strides = array<i32>} : memref<768x128xf32, #tpu.memory_space<vmem>>, vector<1x16xf32>,
        %get3A_321 = vector.shape_cast %get3A_320 : vector<1x16xf32> to vector<16xf32>
        %ge3A_322 = arith.constant 0.000000e+00 : f32
        %ge3A_323 = vector.broadcast %ge3A_322 : f32 to vector<16xf32>
        %ge3A_324 = arith.cmpf oge, %get3A_321, %ge3A_323 : vector<16xf32>
        %mul3A_325 = arith.constant 1.000000e-01 : f32
        %mul3A_326 = vector.broadcast %mul3A_325 : f32 to vector<16xf32>
        %mul3A_327 = arith.mulf %mul3A_326, %get3A_321 : vector<16xf32>
        %select_n3A_328 = arith.select %ge3A_324, %get3A_321, %mul3A_327 : vector<16xi1>, vector<16xf32>
        %bitcast_convert_type3A_329 = tpu.bitcast %select_n3A_328 : vector<16xf32> -> vector<16xi32>
        %ge3A_330 = arith.constant 0 : i32
        %ge3A_331 = vector.broadcast %ge3A_330 : i32 to vector<16xi32>
        %ge3A_332 = arith.cmpi sge, %bitcast_convert_type3A_329, %ge3A_331 : vector<16xi32>
        %xor3A_333 = arith.constant 2147483647 : i32
        %xor3A_334 = vector.broadcast %xor3A_333 : i32 to vector<16xi32>
        %xor3A_335 = arith.xori %bitcast_convert_type3A_329, %xor3A_334 : vector<16xi32>
        %select_n3A_336 = arith.select %ge3A_332, %bitcast_convert_type3A_329, %xor3A_335 : vector<16xi1>, vector<16xi32>
        %bitcast_convert_type3A_337 = tpu.bitcast %select_n3A_336 : vector<16xi32> -> vector<16xf32>
        %swap3A_338 = arith.index_cast %scan3A_292 : i32 to index
        %swap3A_339 = arith.constant 16 : index
        %swap3A_340 = tpu.vector_load %arg4[%swap3A_338, %swap3A_339] {strides = array<i32>} : memref<768x128xf32, #tpu.memory_space<vmem>>, vector<1x16xf32>,
        %swap3A_341 = vector.shape_cast %swap3A_340 : vector<1x16xf32> to vector<16xf32>
        %swap3A_342 = vector.shape_cast %bitcast_convert_type3A_337 : vector<16xf32> to vector<1x16xf32>
        tpu.vector_store %arg4[%swap3A_338, %swap3A_339], %swap3A_342 {strides = array<i32>} : memref<768x128xf32, #tpu.memory_space<vmem>>, vector<1x16xf32>,
        %get3A_343 = arith.index_cast %scan3A_292 : i32 to index
        %get3A_344 = arith.constant 32 : index
        %get3A_345 = tpu.vector_load %arg4[%get3A_343, %get3A_344] {strides = array<i32>} : memref<768x128xf32, #tpu.memory_space<vmem>>, vector<1x16xf32>,
        %get3A_346 = vector.shape_cast %get3A_345 : vector<1x16xf32> to vector<16xf32>
        %ge3A_347 = arith.constant 0.000000e+00 : f32
        %ge3A_348 = vector.broadcast %ge3A_347 : f32 to vector<16xf32>
        %ge3A_349 = arith.cmpf oge, %get3A_346, %ge3A_348 : vector<16xf32>
        %mul3A_350 = arith.constant 1.000000e-01 : f32
        %mul3A_351 = vector.broadcast %mul3A_350 : f32 to vector<16xf32>
        %mul3A_352 = arith.mulf %mul3A_351, %get3A_346 : vector<16xf32>
        %select_n3A_353 = arith.select %ge3A_349, %get3A_346, %mul3A_352 : vector<16xi1>, vector<16xf32>
        %bitcast_convert_type3A_354 = tpu.bitcast %select_n3A_353 : vector<16xf32> -> vector<16xi32>
        %ge3A_355 = arith.constant 0 : i32
        %ge3A_356 = vector.broadcast %ge3A_355 : i32 to vector<16xi32>
        %ge3A_357 = arith.cmpi sge, %bitcast_convert_type3A_354, %ge3A_356 : vector<16xi32>
        %xor3A_358 = arith.constant 2147483647 : i32
        %xor3A_359 = vector.broadcast %xor3A_358 : i32 to vector<16xi32>
        %xor3A_360 = arith.xori %bitcast_convert_type3A_354, %xor3A_359 : vector<16xi32>
        %select_n3A_361 = arith.select %ge3A_357, %bitcast_convert_type3A_354, %xor3A_360 : vector<16xi1>, vector<16xi32>
        %bitcast_convert_type3A_362 = tpu.bitcast %select_n3A_361 : vector<16xi32> -> vector<16xf32>
        %swap3A_363 = arith.index_cast %scan3A_292 : i32 to index
        %swap3A_364 = arith.constant 32 : index
        %swap3A_365 = tpu.vector_load %arg4[%swap3A_363, %swap3A_364] {strides = array<i32>} : memref<768x128xf32, #tpu.memory_space<vmem>>, vector<1x16xf32>,
        %swap3A_366 = vector.shape_cast %swap3A_365 : vector<1x16xf32> to vector<16xf32>
        %swap3A_367 = vector.shape_cast %bitcast_convert_type3A_362 : vector<16xf32> to vector<1x16xf32>
        tpu.vector_store %arg4[%swap3A_363, %swap3A_364], %swap3A_367 {strides = array<i32>} : memref<768x128xf32, #tpu.memory_space<vmem>>, vector<1x16xf32>,
        %get3A_368 = arith.index_cast %scan3A_292 : i32 to index
        %get3A_369 = arith.constant 48 : index
        %get3A_370 = tpu.vector_load %arg4[%get3A_368, %get3A_369] {strides = array<i32>} : memref<768x128xf32, #tpu.memory_space<vmem>>, vector<1x16xf32>,
        %get3A_371 = vector.shape_cast %get3A_370 : vector<1x16xf32> to vector<16xf32>
        %ge3A_372 = arith.constant 0.000000e+00 : f32
        %ge3A_373 = vector.broadcast %ge3A_372 : f32 to vector<16xf32>
        %ge3A_374 = arith.cmpf oge, %get3A_371, %ge3A_373 : vector<16xf32>
        %mul3A_375 = arith.constant 1.000000e-01 : f32
        %mul3A_376 = vector.broadcast %mul3A_375 : f32 to vector<16xf32>
        %mul3A_377 = arith.mulf %mul3A_376, %get3A_371 : vector<16xf32>
        %select_n3A_378 = arith.select %ge3A_374, %get3A_371, %mul3A_377 : vector<16xi1>, vector<16xf32>
        %bitcast_convert_type3A_379 = tpu.bitcast %select_n3A_378 : vector<16xf32> -> vector<16xi32>
        %ge3A_380 = arith.constant 0 : i32
        %ge3A_381 = vector.broadcast %ge3A_380 : i32 to vector<16xi32>
        %ge3A_382 = arith.cmpi sge, %bitcast_convert_type3A_379, %ge3A_381 : vector<16xi32>
        %xor3A_383 = arith.constant 2147483647 : i32
        %xor3A_384 = vector.broadcast %xor3A_383 : i32 to vector<16xi32>
        %xor3A_385 = arith.xori %bitcast_convert_type3A_379, %xor3A_384 : vector<16xi32>
        %select_n3A_386 = arith.select %ge3A_382, %bitcast_convert_type3A_379, %xor3A_385 : vector<16xi1>, vector<16xi32>
        %bitcast_convert_type3A_387 = tpu.bitcast %select_n3A_386 : vector<16xi32> -> vector<16xf32>
        %swap3A_388 = arith.index_cast %scan3A_292 : i32 to index
        %swap3A_389 = arith.constant 48 : index
        %swap3A_390 = tpu.vector_load %arg4[%swap3A_388, %swap3A_389] {strides = array<i32>} : memref<768x128xf32, #tpu.memory_space<vmem>>, vector<1x16xf32>,
        %swap3A_391 = vector.shape_cast %swap3A_390 : vector<1x16xf32> to vector<16xf32>
        %swap3A_392 = vector.shape_cast %bitcast_convert_type3A_387 : vector<16xf32> to vector<1x16xf32>
        tpu.vector_store %arg4[%swap3A_388, %swap3A_389], %swap3A_392 {strides = array<i32>} : memref<768x128xf32, #tpu.memory_space<vmem>>, vector<1x16xf32>,
        %get3A_393 = arith.index_cast %scan3A_292 : i32 to index
        %get3A_394 = arith.constant 64 : index
        %get3A_395 = tpu.vector_load %arg4[%get3A_393, %get3A_394] {strides = array<i32>} : memref<768x128xf32, #tpu.memory_space<vmem>>, vector<1x16xf32>,
        %get3A_396 = vector.shape_cast %get3A_395 : vector<1x16xf32> to vector<16xf32>
        %ge3A_397 = arith.constant 0.000000e+00 : f32
        %ge3A_398 = vector.broadcast %ge3A_397 : f32 to vector<16xf32>
        %ge3A_399 = arith.cmpf oge, %get3A_396, %ge3A_398 : vector<16xf32>
        %mul3A_400 = arith.constant 1.000000e-01 : f32
        %mul3A_401 = vector.broadcast %mul3A_400 : f32 to vector<16xf32>
        %mul3A_402 = arith.mulf %mul3A_401, %get3A_396 : vector<16xf32>
        %select_n3A_403 = arith.select %ge3A_399, %get3A_396, %mul3A_402 : vector<16xi1>, vector<16xf32>
        %bitcast_convert_type3A_404 = tpu.bitcast %select_n3A_403 : vector<16xf32> -> vector<16xi32>
        %ge3A_405 = arith.constant 0 : i32
        %ge3A_406 = vector.broadcast %ge3A_405 : i32 to vector<16xi32>
        %ge3A_407 = arith.cmpi sge, %bitcast_convert_type3A_404, %ge3A_406 : vector<16xi32>
        %xor3A_408 = arith.constant 2147483647 : i32
        %xor3A_409 = vector.broadcast %xor3A_408 : i32 to vector<16xi32>
        %xor3A_410 = arith.xori %bitcast_convert_type3A_404, %xor3A_409 : vector<16xi32>
        %select_n3A_411 = arith.select %ge3A_407, %bitcast_convert_type3A_404, %xor3A_410 : vector<16xi1>, vector<16xi32>
        %bitcast_convert_type3A_412 = tpu.bitcast %select_n3A_411 : vector<16xi32> -> vector<16xf32>
        %swap3A_413 = arith.index_cast %scan3A_292 : i32 to index
        %swap3A_414 = arith.constant 64 : index
        %swap3A_415 = tpu.vector_load %arg4[%swap3A_413, %swap3A_414] {strides = array<i32>} : memref<768x128xf32, #tpu.memory_space<vmem>>, vector<1x16xf32>,
        %swap3A_416 = vector.shape_cast %swap3A_415 : vector<1x16xf32> to vector<16xf32>
        %swap3A_417 = vector.shape_cast %bitcast_convert_type3A_412 : vector<16xf32> to vector<1x16xf32>
        tpu.vector_store %arg4[%swap3A_413, %swap3A_414], %swap3A_417 {strides = array<i32>} : memref<768x128xf32, #tpu.memory_space<vmem>>, vector<1x16xf32>,
        %get3A_418 = arith.index_cast %scan3A_292 : i32 to index
        %get3A_419 = arith.constant 80 : index
        %get3A_420 = tpu.vector_load %arg4[%get3A_418, %get3A_419] {strides = array<i32>} : memref<768x128xf32, #tpu.memory_space<vmem>>, vector<1x16xf32>,
        %get3A_421 = vector.shape_cast %get3A_420 : vector<1x16xf32> to vector<16xf32>
        %ge3A_422 = arith.constant 0.000000e+00 : f32
        %ge3A_423 = vector.broadcast %ge3A_422 : f32 to vector<16xf32>
        %ge3A_424 = arith.cmpf oge, %get3A_421, %ge3A_423 : vector<16xf32>
        %mul3A_425 = arith.constant 1.000000e-01 : f32
        %mul3A_426 = vector.broadcast %mul3A_425 : f32 to vector<16xf32>
        %mul3A_427 = arith.mulf %mul3A_426, %get3A_421 : vector<16xf32>
        %select_n3A_428 = arith.select %ge3A_424, %get3A_421, %mul3A_427 : vector<16xi1>, vector<16xf32>
        %bitcast_convert_type3A_429 = tpu.bitcast %select_n3A_428 : vector<16xf32> -> vector<16xi32>
        %ge3A_430 = arith.constant 0 : i32
        %ge3A_431 = vector.broadcast %ge3A_430 : i32 to vector<16xi32>
        %ge3A_432 = arith.cmpi sge, %bitcast_convert_type3A_429, %ge3A_431 : vector<16xi32>
        %xor3A_433 = arith.constant 2147483647 : i32
        %xor3A_434 = vector.broadcast %xor3A_433 : i32 to vector<16xi32>
        %xor3A_435 = arith.xori %bitcast_convert_type3A_429, %xor3A_434 : vector<16xi32>
        %select_n3A_436 = arith.select %ge3A_432, %bitcast_convert_type3A_429, %xor3A_435 : vector<16xi1>, vector<16xi32>
        %bitcast_convert_type3A_437 = tpu.bitcast %select_n3A_436 : vector<16xi32> -> vector<16xf32>
        %swap3A_438 = arith.index_cast %scan3A_292 : i32 to index
        %swap3A_439 = arith.constant 80 : index
        %swap3A_440 = tpu.vector_load %arg4[%swap3A_438, %swap3A_439] {strides = array<i32>} : memref<768x128xf32, #tpu.memory_space<vmem>>, vector<1x16xf32>,
        %swap3A_441 = vector.shape_cast %swap3A_440 : vector<1x16xf32> to vector<16xf32>
        %swap3A_442 = vector.shape_cast %bitcast_convert_type3A_437 : vector<16xf32> to vector<1x16xf32>
        tpu.vector_store %arg4[%swap3A_438, %swap3A_439], %swap3A_442 {strides = array<i32>} : memref<768x128xf32, #tpu.memory_space<vmem>>, vector<1x16xf32>,
        %get3A_443 = arith.index_cast %scan3A_292 : i32 to index
        %get3A_444 = arith.constant 96 : index
        %get3A_445 = tpu.vector_load %arg4[%get3A_443, %get3A_444] {strides = array<i32>} : memref<768x128xf32, #tpu.memory_space<vmem>>, vector<1x16xf32>,
        %get3A_446 = vector.shape_cast %get3A_445 : vector<1x16xf32> to vector<16xf32>
        %ge3A_447 = arith.constant 0.000000e+00 : f32
        %ge3A_448 = vector.broadcast %ge3A_447 : f32 to vector<16xf32>
        %ge3A_449 = arith.cmpf oge, %get3A_446, %ge3A_448 : vector<16xf32>
        %mul3A_450 = arith.constant 1.000000e-01 : f32
        %mul3A_451 = vector.broadcast %mul3A_450 : f32 to vector<16xf32>
        %mul3A_452 = arith.mulf %mul3A_451, %get3A_446 : vector<16xf32>
        %select_n3A_453 = arith.select %ge3A_449, %get3A_446, %mul3A_452 : vector<16xi1>, vector<16xf32>
        %bitcast_convert_type3A_454 = tpu.bitcast %select_n3A_453 : vector<16xf32> -> vector<16xi32>
        %ge3A_455 = arith.constant 0 : i32
        %ge3A_456 = vector.broadcast %ge3A_455 : i32 to vector<16xi32>
        %ge3A_457 = arith.cmpi sge, %bitcast_convert_type3A_454, %ge3A_456 : vector<16xi32>
        %xor3A_458 = arith.constant 2147483647 : i32
        %xor3A_459 = vector.broadcast %xor3A_458 : i32 to vector<16xi32>
        %xor3A_460 = arith.xori %bitcast_convert_type3A_454, %xor3A_459 : vector<16xi32>
        %select_n3A_461 = arith.select %ge3A_457, %bitcast_convert_type3A_454, %xor3A_460 : vector<16xi1>, vector<16xi32>
        %bitcast_convert_type3A_462 = tpu.bitcast %select_n3A_461 : vector<16xi32> -> vector<16xf32>
        %swap3A_463 = arith.index_cast %scan3A_292 : i32 to index
        %swap3A_464 = arith.constant 96 : index
        %swap3A_465 = tpu.vector_load %arg4[%swap3A_463, %swap3A_464] {strides = array<i32>} : memref<768x128xf32, #tpu.memory_space<vmem>>, vector<1x16xf32>,
        %swap3A_466 = vector.shape_cast %swap3A_465 : vector<1x16xf32> to vector<16xf32>
        %swap3A_467 = vector.shape_cast %bitcast_convert_type3A_462 : vector<16xf32> to vector<1x16xf32>
        tpu.vector_store %arg4[%swap3A_463, %swap3A_464], %swap3A_467 {strides = array<i32>} : memref<768x128xf32, #tpu.memory_space<vmem>>, vector<1x16xf32>,
        %get3A_468 = arith.index_cast %scan3A_292 : i32 to index
        %get3A_469 = arith.constant 112 : index
        %get3A_470 = tpu.vector_load %arg4[%get3A_468, %get3A_469] {strides = array<i32>} : memref<768x128xf32, #tpu.memory_space<vmem>>, vector<1x16xf32>,
        %get3A_471 = vector.shape_cast %get3A_470 : vector<1x16xf32> to vector<16xf32>
        %ge3A_472 = arith.constant 0.000000e+00 : f32
        %ge3A_473 = vector.broadcast %ge3A_472 : f32 to vector<16xf32>
        %ge3A_474 = arith.cmpf oge, %get3A_471, %ge3A_473 : vector<16xf32>
        %mul3A_475 = arith.constant 1.000000e-01 : f32
        %mul3A_476 = vector.broadcast %mul3A_475 : f32 to vector<16xf32>
        %mul3A_477 = arith.mulf %mul3A_476, %get3A_471 : vector<16xf32>
        %select_n3A_478 = arith.select %ge3A_474, %get3A_471, %mul3A_477 : vector<16xi1>, vector<16xf32>
        %bitcast_convert_type3A_479 = tpu.bitcast %select_n3A_478 : vector<16xf32> -> vector<16xi32>
        %ge3A_480 = arith.constant 0 : i32
        %ge3A_481 = vector.broadcast %ge3A_480 : i32 to vector<16xi32>
        %ge3A_482 = arith.cmpi sge, %bitcast_convert_type3A_479, %ge3A_481 : vector<16xi32>
        %xor3A_483 = arith.constant 2147483647 : i32
        %xor3A_484 = vector.broadcast %xor3A_483 : i32 to vector<16xi32>
        %xor3A_485 = arith.xori %bitcast_convert_type3A_479, %xor3A_484 : vector<16xi32>
        %select_n3A_486 = arith.select %ge3A_482, %bitcast_convert_type3A_479, %xor3A_485 : vector<16xi1>, vector<16xi32>
        %bitcast_convert_type3A_487 = tpu.bitcast %select_n3A_486 : vector<16xi32> -> vector<16xf32>
        %swap3A_488 = arith.index_cast %scan3A_292 : i32 to index
        %swap3A_489 = arith.constant 112 : index
        %swap3A_490 = tpu.vector_load %arg4[%swap3A_488, %swap3A_489] {strides = array<i32>} : memref<768x128xf32, #tpu.memory_space<vmem>>, vector<1x16xf32>,
        %swap3A_491 = vector.shape_cast %swap3A_490 : vector<1x16xf32> to vector<16xf32>
        %swap3A_492 = vector.shape_cast %bitcast_convert_type3A_487 : vector<16xf32> to vector<1x16xf32>
        tpu.vector_store %arg4[%swap3A_488, %swap3A_489], %swap3A_492 {strides = array<i32>} : memref<768x128xf32, #tpu.memory_space<vmem>>, vector<1x16xf32>,
        %scan3A_493 = arith.constant 0 : i32
        %scan3A_494 = arith.constant 2 : i32
        %scan3A_495 = arith.addi %scan3A_94, %scan3A_494 : i32
        %get3A_496 = arith.index_cast %scan3A_495 : i32 to index
        %get3A_497 = arith.constant 0 : index
        %get3A_498 = tpu.vector_load %arg4[%get3A_496, %get3A_497] {strides = array<i32>} : memref<768x128xf32, #tpu.memory_space<vmem>>, vector<1x16xf32>,
        %get3A_499 = vector.shape_cast %get3A_498 : vector<1x16xf32> to vector<16xf32>
        %ge3A_500 = arith.constant 0.000000e+00 : f32
        %ge3A_501 = vector.broadcast %ge3A_500 : f32 to vector<16xf32>
        %ge3A_502 = arith.cmpf oge, %get3A_499, %ge3A_501 : vector<16xf32>
        %mul3A_503 = arith.constant 1.000000e-01 : f32
        %mul3A_504 = vector.broadcast %mul3A_503 : f32 to vector<16xf32>
        %mul3A_505 = arith.mulf %mul3A_504, %get3A_499 : vector<16xf32>
        %select_n3A_506 = arith.select %ge3A_502, %get3A_499, %mul3A_505 : vector<16xi1>, vector<16xf32>
        %bitcast_convert_type3A_507 = tpu.bitcast %select_n3A_506 : vector<16xf32> -> vector<16xi32>
        %ge3A_508 = arith.constant 0 : i32
        %ge3A_509 = vector.broadcast %ge3A_508 : i32 to vector<16xi32>
        %ge3A_510 = arith.cmpi sge, %bitcast_convert_type3A_507, %ge3A_509 : vector<16xi32>
        %xor3A_511 = arith.constant 2147483647 : i32
        %xor3A_512 = vector.broadcast %xor3A_511 : i32 to vector<16xi32>
        %xor3A_513 = arith.xori %bitcast_convert_type3A_507, %xor3A_512 : vector<16xi32>
        %select_n3A_514 = arith.select %ge3A_510, %bitcast_convert_type3A_507, %xor3A_513 : vector<16xi1>, vector<16xi32>
        %bitcast_convert_type3A_515 = tpu.bitcast %select_n3A_514 : vector<16xi32> -> vector<16xf32>
        %swap3A_516 = arith.index_cast %scan3A_495 : i32 to index
        %swap3A_517 = arith.constant 0 : index
        %swap3A_518 = tpu.vector_load %arg4[%swap3A_516, %swap3A_517] {strides = array<i32>} : memref<768x128xf32, #tpu.memory_space<vmem>>, vector<1x16xf32>,
        %swap3A_519 = vector.shape_cast %swap3A_518 : vector<1x16xf32> to vector<16xf32>
        %swap3A_520 = vector.shape_cast %bitcast_convert_type3A_515 : vector<16xf32> to vector<1x16xf32>
        tpu.vector_store %arg4[%swap3A_516, %swap3A_517], %swap3A_520 {strides = array<i32>} : memref<768x128xf32, #tpu.memory_space<vmem>>, vector<1x16xf32>,
        %get3A_521 = arith.index_cast %scan3A_495 : i32 to index
        %get3A_522 = arith.constant 16 : index
        %get3A_523 = tpu.vector_load %arg4[%get3A_521, %get3A_522] {strides = array<i32>} : memref<768x128xf32, #tpu.memory_space<vmem>>, vector<1x16xf32>,
        %get3A_524 = vector.shape_cast %get3A_523 : vector<1x16xf32> to vector<16xf32>
        %ge3A_525 = arith.constant 0.000000e+00 : f32
        %ge3A_526 = vector.broadcast %ge3A_525 : f32 to vector<16xf32>
        %ge3A_527 = arith.cmpf oge, %get3A_524, %ge3A_526 : vector<16xf32>
        %mul3A_528 = arith.constant 1.000000e-01 : f32
        %mul3A_529 = vector.broadcast %mul3A_528 : f32 to vector<16xf32>
        %mul3A_530 = arith.mulf %mul3A_529, %get3A_524 : vector<16xf32>
        %select_n3A_531 = arith.select %ge3A_527, %get3A_524, %mul3A_530 : vector<16xi1>, vector<16xf32>
        %bitcast_convert_type3A_532 = tpu.bitcast %select_n3A_531 : vector<16xf32> -> vector<16xi32>
        %ge3A_533 = arith.constant 0 : i32
        %ge3A_534 = vector.broadcast %ge3A_533 : i32 to vector<16xi32>
        %ge3A_535 = arith.cmpi sge, %bitcast_convert_type3A_532, %ge3A_534 : vector<16xi32>
        %xor3A_536 = arith.constant 2147483647 : i32
        %xor3A_537 = vector.broadcast %xor3A_536 : i32 to vector<16xi32>
        %xor3A_538 = arith.xori %bitcast_convert_type3A_532, %xor3A_537 : vector<16xi32>
        %select_n3A_539 = arith.select %ge3A_535, %bitcast_convert_type3A_532, %xor3A_538 : vector<16xi1>, vector<16xi32>
        %bitcast_convert_type3A_540 = tpu.bitcast %select_n3A_539 : vector<16xi32> -> vector<16xf32>
        %swap3A_541 = arith.index_cast %scan3A_495 : i32 to index
        %swap3A_542 = arith.constant 16 : index
        %swap3A_543 = tpu.vector_load %arg4[%swap3A_541, %swap3A_542] {strides = array<i32>} : memref<768x128xf32, #tpu.memory_space<vmem>>, vector<1x16xf32>,
        %swap3A_544 = vector.shape_cast %swap3A_543 : vector<1x16xf32> to vector<16xf32>
        %swap3A_545 = vector.shape_cast %bitcast_convert_type3A_540 : vector<16xf32> to vector<1x16xf32>
        tpu.vector_store %arg4[%swap3A_541, %swap3A_542], %swap3A_545 {strides = array<i32>} : memref<768x128xf32, #tpu.memory_space<vmem>>, vector<1x16xf32>,
        %get3A_546 = arith.index_cast %scan3A_495 : i32 to index
        %get3A_547 = arith.constant 32 : index
        %get3A_548 = tpu.vector_load %arg4[%get3A_546, %get3A_547] {strides = array<i32>} : memref<768x128xf32, #tpu.memory_space<vmem>>, vector<1x16xf32>,
        %get3A_549 = vector.shape_cast %get3A_548 : vector<1x16xf32> to vector<16xf32>
        %ge3A_550 = arith.constant 0.000000e+00 : f32
        %ge3A_551 = vector.broadcast %ge3A_550 : f32 to vector<16xf32>
        %ge3A_552 = arith.cmpf oge, %get3A_549, %ge3A_551 : vector<16xf32>
        %mul3A_553 = arith.constant 1.000000e-01 : f32
        %mul3A_554 = vector.broadcast %mul3A_553 : f32 to vector<16xf32>
        %mul3A_555 = arith.mulf %mul3A_554, %get3A_549 : vector<16xf32>
        %select_n3A_556 = arith.select %ge3A_552, %get3A_549, %mul3A_555 : vector<16xi1>, vector<16xf32>
        %bitcast_convert_type3A_557 = tpu.bitcast %select_n3A_556 : vector<16xf32> -> vector<16xi32>
        %ge3A_558 = arith.constant 0 : i32
        %ge3A_559 = vector.broadcast %ge3A_558 : i32 to vector<16xi32>
        %ge3A_560 = arith.cmpi sge, %bitcast_convert_type3A_557, %ge3A_559 : vector<16xi32>
        %xor3A_561 = arith.constant 2147483647 : i32
        %xor3A_562 = vector.broadcast %xor3A_561 : i32 to vector<16xi32>
        %xor3A_563 = arith.xori %bitcast_convert_type3A_557, %xor3A_562 : vector<16xi32>
        %select_n3A_564 = arith.select %ge3A_560, %bitcast_convert_type3A_557, %xor3A_563 : vector<16xi1>, vector<16xi32>
        %bitcast_convert_type3A_565 = tpu.bitcast %select_n3A_564 : vector<16xi32> -> vector<16xf32>
        %swap3A_566 = arith.index_cast %scan3A_495 : i32 to index
        %swap3A_567 = arith.constant 32 : index
        %swap3A_568 = tpu.vector_load %arg4[%swap3A_566, %swap3A_567] {strides = array<i32>} : memref<768x128xf32, #tpu.memory_space<vmem>>, vector<1x16xf32>,
        %swap3A_569 = vector.shape_cast %swap3A_568 : vector<1x16xf32> to vector<16xf32>
        %swap3A_570 = vector.shape_cast %bitcast_convert_type3A_565 : vector<16xf32> to vector<1x16xf32>
        tpu.vector_store %arg4[%swap3A_566, %swap3A_567], %swap3A_570 {strides = array<i32>} : memref<768x128xf32, #tpu.memory_space<vmem>>, vector<1x16xf32>,
        %get3A_571 = arith.index_cast %scan3A_495 : i32 to index
        %get3A_572 = arith.constant 48 : index
        %get3A_573 = tpu.vector_load %arg4[%get3A_571, %get3A_572] {strides = array<i32>} : memref<768x128xf32, #tpu.memory_space<vmem>>, vector<1x16xf32>,
        %get3A_574 = vector.shape_cast %get3A_573 : vector<1x16xf32> to vector<16xf32>
        %ge3A_575 = arith.constant 0.000000e+00 : f32
        %ge3A_576 = vector.broadcast %ge3A_575 : f32 to vector<16xf32>
        %ge3A_577 = arith.cmpf oge, %get3A_574, %ge3A_576 : vector<16xf32>
        %mul3A_578 = arith.constant 1.000000e-01 : f32
        %mul3A_579 = vector.broadcast %mul3A_578 : f32 to vector<16xf32>
        %mul3A_580 = arith.mulf %mul3A_579, %get3A_574 : vector<16xf32>
        %select_n3A_581 = arith.select %ge3A_577, %get3A_574, %mul3A_580 : vector<16xi1>, vector<16xf32>
        %bitcast_convert_type3A_582 = tpu.bitcast %select_n3A_581 : vector<16xf32> -> vector<16xi32>
        %ge3A_583 = arith.constant 0 : i32
        %ge3A_584 = vector.broadcast %ge3A_583 : i32 to vector<16xi32>
        %ge3A_585 = arith.cmpi sge, %bitcast_convert_type3A_582, %ge3A_584 : vector<16xi32>
        %xor3A_586 = arith.constant 2147483647 : i32
        %xor3A_587 = vector.broadcast %xor3A_586 : i32 to vector<16xi32>
        %xor3A_588 = arith.xori %bitcast_convert_type3A_582, %xor3A_587 : vector<16xi32>
        %select_n3A_589 = arith.select %ge3A_585, %bitcast_convert_type3A_582, %xor3A_588 : vector<16xi1>, vector<16xi32>
        %bitcast_convert_type3A_590 = tpu.bitcast %select_n3A_589 : vector<16xi32> -> vector<16xf32>
        %swap3A_591 = arith.index_cast %scan3A_495 : i32 to index
        %swap3A_592 = arith.constant 48 : index
        %swap3A_593 = tpu.vector_load %arg4[%swap3A_591, %swap3A_592] {strides = array<i32>} : memref<768x128xf32, #tpu.memory_space<vmem>>, vector<1x16xf32>,
        %swap3A_594 = vector.shape_cast %swap3A_593 : vector<1x16xf32> to vector<16xf32>
        %swap3A_595 = vector.shape_cast %bitcast_convert_type3A_590 : vector<16xf32> to vector<1x16xf32>
        tpu.vector_store %arg4[%swap3A_591, %swap3A_592], %swap3A_595 {strides = array<i32>} : memref<768x128xf32, #tpu.memory_space<vmem>>, vector<1x16xf32>,
        %get3A_596 = arith.index_cast %scan3A_495 : i32 to index
        %get3A_597 = arith.constant 64 : index
        %get3A_598 = tpu.vector_load %arg4[%get3A_596, %get3A_597] {strides = array<i32>} : memref<768x128xf32, #tpu.memory_space<vmem>>, vector<1x16xf32>,
        %get3A_599 = vector.shape_cast %get3A_598 : vector<1x16xf32> to vector<16xf32>
        %ge3A_600 = arith.constant 0.000000e+00 : f32
        %ge3A_601 = vector.broadcast %ge3A_600 : f32 to vector<16xf32>
        %ge3A_602 = arith.cmpf oge, %get3A_599, %ge3A_601 : vector<16xf32>
        %mul3A_603 = arith.constant 1.000000e-01 : f32
        %mul3A_604 = vector.broadcast %mul3A_603 : f32 to vector<16xf32>
        %mul3A_605 = arith.mulf %mul3A_604, %get3A_599 : vector<16xf32>
        %select_n3A_606 = arith.select %ge3A_602, %get3A_599, %mul3A_605 : vector<16xi1>, vector<16xf32>
        %bitcast_convert_type3A_607 = tpu.bitcast %select_n3A_606 : vector<16xf32> -> vector<16xi32>
        %ge3A_608 = arith.constant 0 : i32
        %ge3A_609 = vector.broadcast %ge3A_608 : i32 to vector<16xi32>
        %ge3A_610 = arith.cmpi sge, %bitcast_convert_type3A_607, %ge3A_609 : vector<16xi32>
        %xor3A_611 = arith.constant 2147483647 : i32
        %xor3A_612 = vector.broadcast %xor3A_611 : i32 to vector<16xi32>
        %xor3A_613 = arith.xori %bitcast_convert_type3A_607, %xor3A_612 : vector<16xi32>
        %select_n3A_614 = arith.select %ge3A_610, %bitcast_convert_type3A_607, %xor3A_613 : vector<16xi1>, vector<16xi32>
        %bitcast_convert_type3A_615 = tpu.bitcast %select_n3A_614 : vector<16xi32> -> vector<16xf32>
        %swap3A_616 = arith.index_cast %scan3A_495 : i32 to index
        %swap3A_617 = arith.constant 64 : index
        %swap3A_618 = tpu.vector_load %arg4[%swap3A_616, %swap3A_617] {strides = array<i32>} : memref<768x128xf32, #tpu.memory_space<vmem>>, vector<1x16xf32>,
        %swap3A_619 = vector.shape_cast %swap3A_618 : vector<1x16xf32> to vector<16xf32>
        %swap3A_620 = vector.shape_cast %bitcast_convert_type3A_615 : vector<16xf32> to vector<1x16xf32>
        tpu.vector_store %arg4[%swap3A_616, %swap3A_617], %swap3A_620 {strides = array<i32>} : memref<768x128xf32, #tpu.memory_space<vmem>>, vector<1x16xf32>,
        %get3A_621 = arith.index_cast %scan3A_495 : i32 to index
        %get3A_622 = arith.constant 80 : index
        %get3A_623 = tpu.vector_load %arg4[%get3A_621, %get3A_622] {strides = array<i32>} : memref<768x128xf32, #tpu.memory_space<vmem>>, vector<1x16xf32>,
        %get3A_624 = vector.shape_cast %get3A_623 : vector<1x16xf32> to vector<16xf32>
        %ge3A_625 = arith.constant 0.000000e+00 : f32
        %ge3A_626 = vector.broadcast %ge3A_625 : f32 to vector<16xf32>
        %ge3A_627 = arith.cmpf oge, %get3A_624, %ge3A_626 : vector<16xf32>
        %mul3A_628 = arith.constant 1.000000e-01 : f32
        %mul3A_629 = vector.broadcast %mul3A_628 : f32 to vector<16xf32>
        %mul3A_630 = arith.mulf %mul3A_629, %get3A_624 : vector<16xf32>
        %select_n3A_631 = arith.select %ge3A_627, %get3A_624, %mul3A_630 : vector<16xi1>, vector<16xf32>
        %bitcast_convert_type3A_632 = tpu.bitcast %select_n3A_631 : vector<16xf32> -> vector<16xi32>
        %ge3A_633 = arith.constant 0 : i32
        %ge3A_634 = vector.broadcast %ge3A_633 : i32 to vector<16xi32>
        %ge3A_635 = arith.cmpi sge, %bitcast_convert_type3A_632, %ge3A_634 : vector<16xi32>
        %xor3A_636 = arith.constant 2147483647 : i32
        %xor3A_637 = vector.broadcast %xor3A_636 : i32 to vector<16xi32>
        %xor3A_638 = arith.xori %bitcast_convert_type3A_632, %xor3A_637 : vector<16xi32>
        %select_n3A_639 = arith.select %ge3A_635, %bitcast_convert_type3A_632, %xor3A_638 : vector<16xi1>, vector<16xi32>
        %bitcast_convert_type3A_640 = tpu.bitcast %select_n3A_639 : vector<16xi32> -> vector<16xf32>
        %swap3A_641 = arith.index_cast %scan3A_495 : i32 to index
        %swap3A_642 = arith.constant 80 : index
        %swap3A_643 = tpu.vector_load %arg4[%swap3A_641, %swap3A_642] {strides = array<i32>} : memref<768x128xf32, #tpu.memory_space<vmem>>, vector<1x16xf32>,
        %swap3A_644 = vector.shape_cast %swap3A_643 : vector<1x16xf32> to vector<16xf32>
        %swap3A_645 = vector.shape_cast %bitcast_convert_type3A_640 : vector<16xf32> to vector<1x16xf32>
        tpu.vector_store %arg4[%swap3A_641, %swap3A_642], %swap3A_645 {strides = array<i32>} : memref<768x128xf32, #tpu.memory_space<vmem>>, vector<1x16xf32>,
        %get3A_646 = arith.index_cast %scan3A_495 : i32 to index
        %get3A_647 = arith.constant 96 : index
        %get3A_648 = tpu.vector_load %arg4[%get3A_646, %get3A_647] {strides = array<i32>} : memref<768x128xf32, #tpu.memory_space<vmem>>, vector<1x16xf32>,
        %get3A_649 = vector.shape_cast %get3A_648 : vector<1x16xf32> to vector<16xf32>
        %ge3A_650 = arith.constant 0.000000e+00 : f32
        %ge3A_651 = vector.broadcast %ge3A_650 : f32 to vector<16xf32>
        %ge3A_652 = arith.cmpf oge, %get3A_649, %ge3A_651 : vector<16xf32>
        %mul3A_653 = arith.constant 1.000000e-01 : f32
        %mul3A_654 = vector.broadcast %mul3A_653 : f32 to vector<16xf32>
        %mul3A_655 = arith.mulf %mul3A_654, %get3A_649 : vector<16xf32>
        %select_n3A_656 = arith.select %ge3A_652, %get3A_649, %mul3A_655 : vector<16xi1>, vector<16xf32>
        %bitcast_convert_type3A_657 = tpu.bitcast %select_n3A_656 : vector<16xf32> -> vector<16xi32>
        %ge3A_658 = arith.constant 0 : i32
        %ge3A_659 = vector.broadcast %ge3A_658 : i32 to vector<16xi32>
        %ge3A_660 = arith.cmpi sge, %bitcast_convert_type3A_657, %ge3A_659 : vector<16xi32>
        %xor3A_661 = arith.constant 2147483647 : i32
        %xor3A_662 = vector.broadcast %xor3A_661 : i32 to vector<16xi32>
        %xor3A_663 = arith.xori %bitcast_convert_type3A_657, %xor3A_662 : vector<16xi32>
        %select_n3A_664 = arith.select %ge3A_660, %bitcast_convert_type3A_657, %xor3A_663 : vector<16xi1>, vector<16xi32>
        %bitcast_convert_type3A_665 = tpu.bitcast %select_n3A_664 : vector<16xi32> -> vector<16xf32>
        %swap3A_666 = arith.index_cast %scan3A_495 : i32 to index
        %swap3A_667 = arith.constant 96 : index
        %swap3A_668 = tpu.vector_load %arg4[%swap3A_666, %swap3A_667] {strides = array<i32>} : memref<768x128xf32, #tpu.memory_space<vmem>>, vector<1x16xf32>,
        %swap3A_669 = vector.shape_cast %swap3A_668 : vector<1x16xf32> to vector<16xf32>
        %swap3A_670 = vector.shape_cast %bitcast_convert_type3A_665 : vector<16xf32> to vector<1x16xf32>
        tpu.vector_store %arg4[%swap3A_666, %swap3A_667], %swap3A_670 {strides = array<i32>} : memref<768x128xf32, #tpu.memory_space<vmem>>, vector<1x16xf32>,
        %get3A_671 = arith.index_cast %scan3A_495 : i32 to index
        %get3A_672 = arith.constant 112 : index
        %get3A_673 = tpu.vector_load %arg4[%get3A_671, %get3A_672] {strides = array<i32>} : memref<768x128xf32, #tpu.memory_space<vmem>>, vector<1x16xf32>,
        %get3A_674 = vector.shape_cast %get3A_673 : vector<1x16xf32> to vector<16xf32>
        %ge3A_675 = arith.constant 0.000000e+00 : f32
        %ge3A_676 = vector.broadcast %ge3A_675 : f32 to vector<16xf32>
        %ge3A_677 = arith.cmpf oge, %get3A_674, %ge3A_676 : vector<16xf32>
        %mul3A_678 = arith.constant 1.000000e-01 : f32
        %mul3A_679 = vector.broadcast %mul3A_678 : f32 to vector<16xf32>
        %mul3A_680 = arith.mulf %mul3A_679, %get3A_674 : vector<16xf32>
        %select_n3A_681 = arith.select %ge3A_677, %get3A_674, %mul3A_680 : vector<16xi1>, vector<16xf32>
        %bitcast_convert_type3A_682 = tpu.bitcast %select_n3A_681 : vector<16xf32> -> vector<16xi32>
        %ge3A_683 = arith.constant 0 : i32
        %ge3A_684 = vector.broadcast %ge3A_683 : i32 to vector<16xi32>
        %ge3A_685 = arith.cmpi sge, %bitcast_convert_type3A_682, %ge3A_684 : vector<16xi32>
        %xor3A_686 = arith.constant 2147483647 : i32
        %xor3A_687 = vector.broadcast %xor3A_686 : i32 to vector<16xi32>
        %xor3A_688 = arith.xori %bitcast_convert_type3A_682, %xor3A_687 : vector<16xi32>
        %select_n3A_689 = arith.select %ge3A_685, %bitcast_convert_type3A_682, %xor3A_688 : vector<16xi1>, vector<16xi32>
        %bitcast_convert_type3A_690 = tpu.bitcast %select_n3A_689 : vector<16xi32> -> vector<16xf32>
        %swap3A_691 = arith.index_cast %scan3A_495 : i32 to index
        %swap3A_692 = arith.constant 112 : index
        %swap3A_693 = tpu.vector_load %arg4[%swap3A_691, %swap3A_692] {strides = array<i32>} : memref<768x128xf32, #tpu.memory_space<vmem>>, vector<1x16xf32>,
        %swap3A_694 = vector.shape_cast %swap3A_693 : vector<1x16xf32> to vector<16xf32>
        %swap3A_695 = vector.shape_cast %bitcast_convert_type3A_690 : vector<16xf32> to vector<1x16xf32>
        tpu.vector_store %arg4[%swap3A_691, %swap3A_692], %swap3A_695 {strides = array<i32>} : memref<768x128xf32, #tpu.memory_space<vmem>>, vector<1x16xf32>,
        %scan3A_696 = arith.constant 0 : i32
        %scan3A_697 = arith.constant 3 : i32
        %scan3A_698 = arith.addi %scan3A_94, %scan3A_697 : i32
        %get3A_699 = arith.index_cast %scan3A_698 : i32 to index
        %get3A_700 = arith.constant 0 : index
        %get3A_701 = tpu.vector_load %arg4[%get3A_699, %get3A_700] {strides = array<i32>} : memref<768x128xf32, #tpu.memory_space<vmem>>, vector<1x16xf32>,
        %get3A_702 = vector.shape_cast %get3A_701 : vector<1x16xf32> to vector<16xf32>
        %ge3A_703 = arith.constant 0.000000e+00 : f32
        %ge3A_704 = vector.broadcast %ge3A_703 : f32 to vector<16xf32>
        %ge3A_705 = arith.cmpf oge, %get3A_702, %ge3A_704 : vector<16xf32>
        %mul3A_706 = arith.constant 1.000000e-01 : f32
        %mul3A_707 = vector.broadcast %mul3A_706 : f32 to vector<16xf32>
        %mul3A_708 = arith.mulf %mul3A_707, %get3A_702 : vector<16xf32>
        %select_n3A_709 = arith.select %ge3A_705, %get3A_702, %mul3A_708 : vector<16xi1>, vector<16xf32>
        %bitcast_convert_type3A_710 = tpu.bitcast %select_n3A_709 : vector<16xf32> -> vector<16xi32>
        %ge3A_711 = arith.constant 0 : i32
        %ge3A_712 = vector.broadcast %ge3A_711 : i32 to vector<16xi32>
        %ge3A_713 = arith.cmpi sge, %bitcast_convert_type3A_710, %ge3A_712 : vector<16xi32>
        %xor3A_714 = arith.constant 2147483647 : i32
        %xor3A_715 = vector.broadcast %xor3A_714 : i32 to vector<16xi32>
        %xor3A_716 = arith.xori %bitcast_convert_type3A_710, %xor3A_715 : vector<16xi32>
        %select_n3A_717 = arith.select %ge3A_713, %bitcast_convert_type3A_710, %xor3A_716 : vector<16xi1>, vector<16xi32>
        %bitcast_convert_type3A_718 = tpu.bitcast %select_n3A_717 : vector<16xi32> -> vector<16xf32>
        %swap3A_719 = arith.index_cast %scan3A_698 : i32 to index
        %swap3A_720 = arith.constant 0 : index
        %swap3A_721 = tpu.vector_load %arg4[%swap3A_719, %swap3A_720] {strides = array<i32>} : memref<768x128xf32, #tpu.memory_space<vmem>>, vector<1x16xf32>,
        %swap3A_722 = vector.shape_cast %swap3A_721 : vector<1x16xf32> to vector<16xf32>
        %swap3A_723 = vector.shape_cast %bitcast_convert_type3A_718 : vector<16xf32> to vector<1x16xf32>
        tpu.vector_store %arg4[%swap3A_719, %swap3A_720], %swap3A_723 {strides = array<i32>} : memref<768x128xf32, #tpu.memory_space<vmem>>, vector<1x16xf32>,
        %get3A_724 = arith.index_cast %scan3A_698 : i32 to index
        %get3A_725 = arith.constant 16 : index
        %get3A_726 = tpu.vector_load %arg4[%get3A_724, %get3A_725] {strides = array<i32>} : memref<768x128xf32, #tpu.memory_space<vmem>>, vector<1x16xf32>,
        %get3A_727 = vector.shape_cast %get3A_726 : vector<1x16xf32> to vector<16xf32>
        %ge3A_728 = arith.constant 0.000000e+00 : f32
        %ge3A_729 = vector.broadcast %ge3A_728 : f32 to vector<16xf32>
        %ge3A_730 = arith.cmpf oge, %get3A_727, %ge3A_729 : vector<16xf32>
        %mul3A_731 = arith.constant 1.000000e-01 : f32
        %mul3A_732 = vector.broadcast %mul3A_731 : f32 to vector<16xf32>
        %mul3A_733 = arith.mulf %mul3A_732, %get3A_727 : vector<16xf32>
        %select_n3A_734 = arith.select %ge3A_730, %get3A_727, %mul3A_733 : vector<16xi1>, vector<16xf32>
        %bitcast_convert_type3A_735 = tpu.bitcast %select_n3A_734 : vector<16xf32> -> vector<16xi32>
        %ge3A_736 = arith.constant 0 : i32
        %ge3A_737 = vector.broadcast %ge3A_736 : i32 to vector<16xi32>
        %ge3A_738 = arith.cmpi sge, %bitcast_convert_type3A_735, %ge3A_737 : vector<16xi32>
        %xor3A_739 = arith.constant 2147483647 : i32
        %xor3A_740 = vector.broadcast %xor3A_739 : i32 to vector<16xi32>
        %xor3A_741 = arith.xori %bitcast_convert_type3A_735, %xor3A_740 : vector<16xi32>
        %select_n3A_742 = arith.select %ge3A_738, %bitcast_convert_type3A_735, %xor3A_741 : vector<16xi1>, vector<16xi32>
        %bitcast_convert_type3A_743 = tpu.bitcast %select_n3A_742 : vector<16xi32> -> vector<16xf32>
        %swap3A_744 = arith.index_cast %scan3A_698 : i32 to index
        %swap3A_745 = arith.constant 16 : index
        %swap3A_746 = tpu.vector_load %arg4[%swap3A_744, %swap3A_745] {strides = array<i32>} : memref<768x128xf32, #tpu.memory_space<vmem>>, vector<1x16xf32>,
        %swap3A_747 = vector.shape_cast %swap3A_746 : vector<1x16xf32> to vector<16xf32>
        %swap3A_748 = vector.shape_cast %bitcast_convert_type3A_743 : vector<16xf32> to vector<1x16xf32>
        tpu.vector_store %arg4[%swap3A_744, %swap3A_745], %swap3A_748 {strides = array<i32>} : memref<768x128xf32, #tpu.memory_space<vmem>>, vector<1x16xf32>,
        %get3A_749 = arith.index_cast %scan3A_698 : i32 to index
        %get3A_750 = arith.constant 32 : index
        %get3A_751 = tpu.vector_load %arg4[%get3A_749, %get3A_750] {strides = array<i32>} : memref<768x128xf32, #tpu.memory_space<vmem>>, vector<1x16xf32>,
        %get3A_752 = vector.shape_cast %get3A_751 : vector<1x16xf32> to vector<16xf32>
        %ge3A_753 = arith.constant 0.000000e+00 : f32
        %ge3A_754 = vector.broadcast %ge3A_753 : f32 to vector<16xf32>
        %ge3A_755 = arith.cmpf oge, %get3A_752, %ge3A_754 : vector<16xf32>
        %mul3A_756 = arith.constant 1.000000e-01 : f32
        %mul3A_757 = vector.broadcast %mul3A_756 : f32 to vector<16xf32>
        %mul3A_758 = arith.mulf %mul3A_757, %get3A_752 : vector<16xf32>
        %select_n3A_759 = arith.select %ge3A_755, %get3A_752, %mul3A_758 : vector<16xi1>, vector<16xf32>
        %bitcast_convert_type3A_760 = tpu.bitcast %select_n3A_759 : vector<16xf32> -> vector<16xi32>
        %ge3A_761 = arith.constant 0 : i32
        %ge3A_762 = vector.broadcast %ge3A_761 : i32 to vector<16xi32>
        %ge3A_763 = arith.cmpi sge, %bitcast_convert_type3A_760, %ge3A_762 : vector<16xi32>
        %xor3A_764 = arith.constant 2147483647 : i32
        %xor3A_765 = vector.broadcast %xor3A_764 : i32 to vector<16xi32>
        %xor3A_766 = arith.xori %bitcast_convert_type3A_760, %xor3A_765 : vector<16xi32>
        %select_n3A_767 = arith.select %ge3A_763, %bitcast_convert_type3A_760, %xor3A_766 : vector<16xi1>, vector<16xi32>
        %bitcast_convert_type3A_768 = tpu.bitcast %select_n3A_767 : vector<16xi32> -> vector<16xf32>
        %swap3A_769 = arith.index_cast %scan3A_698 : i32 to index
        %swap3A_770 = arith.constant 32 : index
        %swap3A_771 = tpu.vector_load %arg4[%swap3A_769, %swap3A_770] {strides = array<i32>} : memref<768x128xf32, #tpu.memory_space<vmem>>, vector<1x16xf32>,
        %swap3A_772 = vector.shape_cast %swap3A_771 : vector<1x16xf32> to vector<16xf32>
        %swap3A_773 = vector.shape_cast %bitcast_convert_type3A_768 : vector<16xf32> to vector<1x16xf32>
        tpu.vector_store %arg4[%swap3A_769, %swap3A_770], %swap3A_773 {strides = array<i32>} : memref<768x128xf32, #tpu.memory_space<vmem>>, vector<1x16xf32>,
        %get3A_774 = arith.index_cast %scan3A_698 : i32 to index
        %get3A_775 = arith.constant 48 : index
        %get3A_776 = tpu.vector_load %arg4[%get3A_774, %get3A_775] {strides = array<i32>} : memref<768x128xf32, #tpu.memory_space<vmem>>, vector<1x16xf32>,
        %get3A_777 = vector.shape_cast %get3A_776 : vector<1x16xf32> to vector<16xf32>
        %ge3A_778 = arith.constant 0.000000e+00 : f32
        %ge3A_779 = vector.broadcast %ge3A_778 : f32 to vector<16xf32>
        %ge3A_780 = arith.cmpf oge, %get3A_777, %ge3A_779 : vector<16xf32>
        %mul3A_781 = arith.constant 1.000000e-01 : f32
        %mul3A_782 = vector.broadcast %mul3A_781 : f32 to vector<16xf32>
        %mul3A_783 = arith.mulf %mul3A_782, %get3A_777 : vector<16xf32>
        %select_n3A_784 = arith.select %ge3A_780, %get3A_777, %mul3A_783 : vector<16xi1>, vector<16xf32>
        %bitcast_convert_type3A_785 = tpu.bitcast %select_n3A_784 : vector<16xf32> -> vector<16xi32>
        %ge3A_786 = arith.constant 0 : i32
        %ge3A_787 = vector.broadcast %ge3A_786 : i32 to vector<16xi32>
        %ge3A_788 = arith.cmpi sge, %bitcast_convert_type3A_785, %ge3A_787 : vector<16xi32>
        %xor3A_789 = arith.constant 2147483647 : i32
        %xor3A_790 = vector.broadcast %xor3A_789 : i32 to vector<16xi32>
        %xor3A_791 = arith.xori %bitcast_convert_type3A_785, %xor3A_790 : vector<16xi32>
        %select_n3A_792 = arith.select %ge3A_788, %bitcast_convert_type3A_785, %xor3A_791 : vector<16xi1>, vector<16xi32>
        %bitcast_convert_type3A_793 = tpu.bitcast %select_n3A_792 : vector<16xi32> -> vector<16xf32>
        %swap3A_794 = arith.index_cast %scan3A_698 : i32 to index
        %swap3A_795 = arith.constant 48 : index
        %swap3A_796 = tpu.vector_load %arg4[%swap3A_794, %swap3A_795] {strides = array<i32>} : memref<768x128xf32, #tpu.memory_space<vmem>>, vector<1x16xf32>,
        %swap3A_797 = vector.shape_cast %swap3A_796 : vector<1x16xf32> to vector<16xf32>
        %swap3A_798 = vector.shape_cast %bitcast_convert_type3A_793 : vector<16xf32> to vector<1x16xf32>
        tpu.vector_store %arg4[%swap3A_794, %swap3A_795], %swap3A_798 {strides = array<i32>} : memref<768x128xf32, #tpu.memory_space<vmem>>, vector<1x16xf32>,
        %get3A_799 = arith.index_cast %scan3A_698 : i32 to index
        %get3A_800 = arith.constant 64 : index
        %get3A_801 = tpu.vector_load %arg4[%get3A_799, %get3A_800] {strides = array<i32>} : memref<768x128xf32, #tpu.memory_space<vmem>>, vector<1x16xf32>,
        %get3A_802 = vector.shape_cast %get3A_801 : vector<1x16xf32> to vector<16xf32>
        %ge3A_803 = arith.constant 0.000000e+00 : f32
        %ge3A_804 = vector.broadcast %ge3A_803 : f32 to vector<16xf32>
        %ge3A_805 = arith.cmpf oge, %get3A_802, %ge3A_804 : vector<16xf32>
        %mul3A_806 = arith.constant 1.000000e-01 : f32
        %mul3A_807 = vector.broadcast %mul3A_806 : f32 to vector<16xf32>
        %mul3A_808 = arith.mulf %mul3A_807, %get3A_802 : vector<16xf32>
        %select_n3A_809 = arith.select %ge3A_805, %get3A_802, %mul3A_808 : vector<16xi1>, vector<16xf32>
        %bitcast_convert_type3A_810 = tpu.bitcast %select_n3A_809 : vector<16xf32> -> vector<16xi32>
        %ge3A_811 = arith.constant 0 : i32
        %ge3A_812 = vector.broadcast %ge3A_811 : i32 to vector<16xi32>
        %ge3A_813 = arith.cmpi sge, %bitcast_convert_type3A_810, %ge3A_812 : vector<16xi32>
        %xor3A_814 = arith.constant 2147483647 : i32
        %xor3A_815 = vector.broadcast %xor3A_814 : i32 to vector<16xi32>
        %xor3A_816 = arith.xori %bitcast_convert_type3A_810, %xor3A_815 : vector<16xi32>
        %select_n3A_817 = arith.select %ge3A_813, %bitcast_convert_type3A_810, %xor3A_816 : vector<16xi1>, vector<16xi32>
        %bitcast_convert_type3A_818 = tpu.bitcast %select_n3A_817 : vector<16xi32> -> vector<16xf32>
        %swap3A_819 = arith.index_cast %scan3A_698 : i32 to index
        %swap3A_820 = arith.constant 64 : index
        %swap3A_821 = tpu.vector_load %arg4[%swap3A_819, %swap3A_820] {strides = array<i32>} : memref<768x128xf32, #tpu.memory_space<vmem>>, vector<1x16xf32>,
        %swap3A_822 = vector.shape_cast %swap3A_821 : vector<1x16xf32> to vector<16xf32>
        %swap3A_823 = vector.shape_cast %bitcast_convert_type3A_818 : vector<16xf32> to vector<1x16xf32>
        tpu.vector_store %arg4[%swap3A_819, %swap3A_820], %swap3A_823 {strides = array<i32>} : memref<768x128xf32, #tpu.memory_space<vmem>>, vector<1x16xf32>,
        %get3A_824 = arith.index_cast %scan3A_698 : i32 to index
        %get3A_825 = arith.constant 80 : index
        %get3A_826 = tpu.vector_load %arg4[%get3A_824, %get3A_825] {strides = array<i32>} : memref<768x128xf32, #tpu.memory_space<vmem>>, vector<1x16xf32>,
        %get3A_827 = vector.shape_cast %get3A_826 : vector<1x16xf32> to vector<16xf32>
        %ge3A_828 = arith.constant 0.000000e+00 : f32
        %ge3A_829 = vector.broadcast %ge3A_828 : f32 to vector<16xf32>
        %ge3A_830 = arith.cmpf oge, %get3A_827, %ge3A_829 : vector<16xf32>
        %mul3A_831 = arith.constant 1.000000e-01 : f32
        %mul3A_832 = vector.broadcast %mul3A_831 : f32 to vector<16xf32>
        %mul3A_833 = arith.mulf %mul3A_832, %get3A_827 : vector<16xf32>
        %select_n3A_834 = arith.select %ge3A_830, %get3A_827, %mul3A_833 : vector<16xi1>, vector<16xf32>
        %bitcast_convert_type3A_835 = tpu.bitcast %select_n3A_834 : vector<16xf32> -> vector<16xi32>
        %ge3A_836 = arith.constant 0 : i32
        %ge3A_837 = vector.broadcast %ge3A_836 : i32 to vector<16xi32>
        %ge3A_838 = arith.cmpi sge, %bitcast_convert_type3A_835, %ge3A_837 : vector<16xi32>
        %xor3A_839 = arith.constant 2147483647 : i32
        %xor3A_840 = vector.broadcast %xor3A_839 : i32 to vector<16xi32>
        %xor3A_841 = arith.xori %bitcast_convert_type3A_835, %xor3A_840 : vector<16xi32>
        %select_n3A_842 = arith.select %ge3A_838, %bitcast_convert_type3A_835, %xor3A_841 : vector<16xi1>, vector<16xi32>
        %bitcast_convert_type3A_843 = tpu.bitcast %select_n3A_842 : vector<16xi32> -> vector<16xf32>
        %swap3A_844 = arith.index_cast %scan3A_698 : i32 to index
        %swap3A_845 = arith.constant 80 : index
        %swap3A_846 = tpu.vector_load %arg4[%swap3A_844, %swap3A_845] {strides = array<i32>} : memref<768x128xf32, #tpu.memory_space<vmem>>, vector<1x16xf32>,
        %swap3A_847 = vector.shape_cast %swap3A_846 : vector<1x16xf32> to vector<16xf32>
        %swap3A_848 = vector.shape_cast %bitcast_convert_type3A_843 : vector<16xf32> to vector<1x16xf32>
        tpu.vector_store %arg4[%swap3A_844, %swap3A_845], %swap3A_848 {strides = array<i32>} : memref<768x128xf32, #tpu.memory_space<vmem>>, vector<1x16xf32>,
        %get3A_849 = arith.index_cast %scan3A_698 : i32 to index
        %get3A_850 = arith.constant 96 : index
        %get3A_851 = tpu.vector_load %arg4[%get3A_849, %get3A_850] {strides = array<i32>} : memref<768x128xf32, #tpu.memory_space<vmem>>, vector<1x16xf32>,
        %get3A_852 = vector.shape_cast %get3A_851 : vector<1x16xf32> to vector<16xf32>
        %ge3A_853 = arith.constant 0.000000e+00 : f32
        %ge3A_854 = vector.broadcast %ge3A_853 : f32 to vector<16xf32>
        %ge3A_855 = arith.cmpf oge, %get3A_852, %ge3A_854 : vector<16xf32>
        %mul3A_856 = arith.constant 1.000000e-01 : f32
        %mul3A_857 = vector.broadcast %mul3A_856 : f32 to vector<16xf32>
        %mul3A_858 = arith.mulf %mul3A_857, %get3A_852 : vector<16xf32>
        %select_n3A_859 = arith.select %ge3A_855, %get3A_852, %mul3A_858 : vector<16xi1>, vector<16xf32>
        %bitcast_convert_type3A_860 = tpu.bitcast %select_n3A_859 : vector<16xf32> -> vector<16xi32>
        %ge3A_861 = arith.constant 0 : i32
        %ge3A_862 = vector.broadcast %ge3A_861 : i32 to vector<16xi32>
        %ge3A_863 = arith.cmpi sge, %bitcast_convert_type3A_860, %ge3A_862 : vector<16xi32>
        %xor3A_864 = arith.constant 2147483647 : i32
        %xor3A_865 = vector.broadcast %xor3A_864 : i32 to vector<16xi32>
        %xor3A_866 = arith.xori %bitcast_convert_type3A_860, %xor3A_865 : vector<16xi32>
        %select_n3A_867 = arith.select %ge3A_863, %bitcast_convert_type3A_860, %xor3A_866 : vector<16xi1>, vector<16xi32>
        %bitcast_convert_type3A_868 = tpu.bitcast %select_n3A_867 : vector<16xi32> -> vector<16xf32>
        %swap3A_869 = arith.index_cast %scan3A_698 : i32 to index
        %swap3A_870 = arith.constant 96 : index
        %swap3A_871 = tpu.vector_load %arg4[%swap3A_869, %swap3A_870] {strides = array<i32>} : memref<768x128xf32, #tpu.memory_space<vmem>>, vector<1x16xf32>,
        %swap3A_872 = vector.shape_cast %swap3A_871 : vector<1x16xf32> to vector<16xf32>
        %swap3A_873 = vector.shape_cast %bitcast_convert_type3A_868 : vector<16xf32> to vector<1x16xf32>
        tpu.vector_store %arg4[%swap3A_869, %swap3A_870], %swap3A_873 {strides = array<i32>} : memref<768x128xf32, #tpu.memory_space<vmem>>, vector<1x16xf32>,
        %get3A_874 = arith.index_cast %scan3A_698 : i32 to index
        %get3A_875 = arith.constant 112 : index
        %get3A_876 = tpu.vector_load %arg4[%get3A_874, %get3A_875] {strides = array<i32>} : memref<768x128xf32, #tpu.memory_space<vmem>>, vector<1x16xf32>,
        %get3A_877 = vector.shape_cast %get3A_876 : vector<1x16xf32> to vector<16xf32>
        %ge3A_878 = arith.constant 0.000000e+00 : f32
        %ge3A_879 = vector.broadcast %ge3A_878 : f32 to vector<16xf32>
        %ge3A_880 = arith.cmpf oge, %get3A_877, %ge3A_879 : vector<16xf32>
        %mul3A_881 = arith.constant 1.000000e-01 : f32
        %mul3A_882 = vector.broadcast %mul3A_881 : f32 to vector<16xf32>
        %mul3A_883 = arith.mulf %mul3A_882, %get3A_877 : vector<16xf32>
        %select_n3A_884 = arith.select %ge3A_880, %get3A_877, %mul3A_883 : vector<16xi1>, vector<16xf32>
        %bitcast_convert_type3A_885 = tpu.bitcast %select_n3A_884 : vector<16xf32> -> vector<16xi32>
        %ge3A_886 = arith.constant 0 : i32
        %ge3A_887 = vector.broadcast %ge3A_886 : i32 to vector<16xi32>
        %ge3A_888 = arith.cmpi sge, %bitcast_convert_type3A_885, %ge3A_887 : vector<16xi32>
        %xor3A_889 = arith.constant 2147483647 : i32
        %xor3A_890 = vector.broadcast %xor3A_889 : i32 to vector<16xi32>
        %xor3A_891 = arith.xori %bitcast_convert_type3A_885, %xor3A_890 : vector<16xi32>
        %select_n3A_892 = arith.select %ge3A_888, %bitcast_convert_type3A_885, %xor3A_891 : vector<16xi1>, vector<16xi32>
        %bitcast_convert_type3A_893 = tpu.bitcast %select_n3A_892 : vector<16xi32> -> vector<16xf32>
        %swap3A_894 = arith.index_cast %scan3A_698 : i32 to index
        %swap3A_895 = arith.constant 112 : index
        %swap3A_896 = tpu.vector_load %arg4[%swap3A_894, %swap3A_895] {strides = array<i32>} : memref<768x128xf32, #tpu.memory_space<vmem>>, vector<1x16xf32>,
        %swap3A_897 = vector.shape_cast %swap3A_896 : vector<1x16xf32> to vector<16xf32>
        %swap3A_898 = vector.shape_cast %bitcast_convert_type3A_893 : vector<16xf32> to vector<1x16xf32>
        tpu.vector_store %arg4[%swap3A_894, %swap3A_895], %swap3A_898 {strides = array<i32>} : memref<768x128xf32, #tpu.memory_space<vmem>>, vector<1x16xf32>,
        %scan3A_899 = arith.constant 0 : i32
        scf.yield %scan3A_899 : i32
      }
      %scan3A_22 = arith.constant 768 : i32
      %broadcast_in_dim3A = arith.constant -2147483648 : i32
      %broadcast_in_dim3A_23 = vector.broadcast %broadcast_in_dim3A : i32 to vector<16xi32>
      %scan3A_24 = arith.constant 0 : i32
      %scan3A_25 = arith.constant 26 : i32
      %scan3A_26 = arith.addi %scan3A_24, %scan3A_25 : i32
      %scan3A_27 = arith.constant 1 : i32
      %scan3A_28 = scf.for %scan3A_94 = %scan3A_24 to %scan3A_26 step %scan3A_27 iter_args(%scan3A_95 = %broadcast_in_dim3A_23) -> (vector<16xi32>)  : i32 {
        %sub3A = arith.constant 31 : i32
        %sub3A_96 = arith.subi %sub3A, %scan3A_94 : i32
        %shift_left3A = arith.constant 1 : i32
        %shift_left3A_97 = arith.shli %shift_left3A, %sub3A_96 : i32
        %add3A_98 = vector.broadcast %shift_left3A_97 : i32 to vector<16xi32>
        %add3A_99 = arith.addi %scan3A_95, %add3A_98 : vector<16xi32>
        %broadcast_in_dim3A_100 = arith.constant 0 : i32
        %broadcast_in_dim3A_101 = vector.broadcast %broadcast_in_dim3A_100 : i32 to vector<16xi32>
        %scan3A_102 = arith.constant 0 : i32
        %scan3A_103 = arith.constant 768 : i32
        %scan3A_104 = arith.addi %scan3A_102, %scan3A_103 : i32
        %scan3A_105 = arith.constant 8 : i32
        %scan3A_106 = scf.for %scan3A_110 = %scan3A_102 to %scan3A_104 step %scan3A_105 iter_args(%scan3A_111 = %broadcast_in_dim3A_101) -> (vector<16xi32>)  : i32 {
          %get3A = arith.index_cast %scan3A_110 : i32 to index
          %get3A_112 = arith.constant 0 : index
          %get3A_113 = tpu.vector_load %arg4[%get3A, %get3A_112] {strides = array<i32>} : memref<768x128xf32, #tpu.memory_space<vmem>>, vector<1x16xf32>,
          %get3A_114 = vector.shape_cast %get3A_113 : vector<1x16xf32> to vector<16xf32>
          %bitcast_convert_type3A = tpu.bitcast %get3A_114 : vector<16xf32> -> vector<16xi32>
          %ge3A_115 = arith.cmpi sge, %bitcast_convert_type3A, %add3A_99 : vector<16xi32>
          %jit3A = arith.constant 1 : i32
          %jit3A_116 = arith.constant 0 : i32
          %broadcast_in_dim3A_117 = vector.broadcast %jit3A : i32 to vector<16xi32>
          %broadcast_in_dim3A_118 = vector.broadcast %jit3A_116 : i32 to vector<16xi32>
          %select_n3A_119 = arith.select %ge3A_115, %broadcast_in_dim3A_117, %broadcast_in_dim3A_118 : vector<16xi1>, vector<16xi32>
          %add3A_120 = arith.addi %scan3A_111, %select_n3A_119 : vector<16xi32>
          %scan3A_121 = arith.constant 1 : i32
          %scan3A_122 = arith.addi %scan3A_110, %scan3A_121 : i32
          %get3A_123 = arith.index_cast %scan3A_122 : i32 to index
          %get3A_124 = arith.constant 0 : index
          %get3A_125 = tpu.vector_load %arg4[%get3A_123, %get3A_124] {strides = array<i32>} : memref<768x128xf32, #tpu.memory_space<vmem>>, vector<1x16xf32>,
          %get3A_126 = vector.shape_cast %get3A_125 : vector<1x16xf32> to vector<16xf32>
          %bitcast_convert_type3A_127 = tpu.bitcast %get3A_126 : vector<16xf32> -> vector<16xi32>
          %ge3A_128 = arith.cmpi sge, %bitcast_convert_type3A_127, %add3A_99 : vector<16xi32>
          %jit3A_129 = arith.constant 1 : i32
          %jit3A_130 = arith.constant 0 : i32
          %broadcast_in_dim3A_131 = vector.broadcast %jit3A_129 : i32 to vector<16xi32>
          %broadcast_in_dim3A_132 = vector.broadcast %jit3A_130 : i32 to vector<16xi32>
          %select_n3A_133 = arith.select %ge3A_128, %broadcast_in_dim3A_131, %broadcast_in_dim3A_132 : vector<16xi1>, vector<16xi32>
          %add3A_134 = arith.addi %add3A_120, %select_n3A_133 : vector<16xi32>
          %scan3A_135 = arith.constant 2 : i32
          %scan3A_136 = arith.addi %scan3A_110, %scan3A_135 : i32
          %get3A_137 = arith.index_cast %scan3A_136 : i32 to index
          %get3A_138 = arith.constant 0 : index
          %get3A_139 = tpu.vector_load %arg4[%get3A_137, %get3A_138] {strides = array<i32>} : memref<768x128xf32, #tpu.memory_space<vmem>>, vector<1x16xf32>,
          %get3A_140 = vector.shape_cast %get3A_139 : vector<1x16xf32> to vector<16xf32>
          %bitcast_convert_type3A_141 = tpu.bitcast %get3A_140 : vector<16xf32> -> vector<16xi32>
          %ge3A_142 = arith.cmpi sge, %bitcast_convert_type3A_141, %add3A_99 : vector<16xi32>
          %jit3A_143 = arith.constant 1 : i32
          %jit3A_144 = arith.constant 0 : i32
          %broadcast_in_dim3A_145 = vector.broadcast %jit3A_143 : i32 to vector<16xi32>
          %broadcast_in_dim3A_146 = vector.broadcast %jit3A_144 : i32 to vector<16xi32>
          %select_n3A_147 = arith.select %ge3A_142, %broadcast_in_dim3A_145, %broadcast_in_dim3A_146 : vector<16xi1>, vector<16xi32>
          %add3A_148 = arith.addi %add3A_134, %select_n3A_147 : vector<16xi32>
          %scan3A_149 = arith.constant 3 : i32
          %scan3A_150 = arith.addi %scan3A_110, %scan3A_149 : i32
          %get3A_151 = arith.index_cast %scan3A_150 : i32 to index
          %get3A_152 = arith.constant 0 : index
          %get3A_153 = tpu.vector_load %arg4[%get3A_151, %get3A_152] {strides = array<i32>} : memref<768x128xf32, #tpu.memory_space<vmem>>, vector<1x16xf32>,
          %get3A_154 = vector.shape_cast %get3A_153 : vector<1x16xf32> to vector<16xf32>
          %bitcast_convert_type3A_155 = tpu.bitcast %get3A_154 : vector<16xf32> -> vector<16xi32>
          %ge3A_156 = arith.cmpi sge, %bitcast_convert_type3A_155, %add3A_99 : vector<16xi32>
          %jit3A_157 = arith.constant 1 : i32
          %jit3A_158 = arith.constant 0 : i32
          %broadcast_in_dim3A_159 = vector.broadcast %jit3A_157 : i32 to vector<16xi32>
          %broadcast_in_dim3A_160 = vector.broadcast %jit3A_158 : i32 to vector<16xi32>
          %select_n3A_161 = arith.select %ge3A_156, %broadcast_in_dim3A_159, %broadcast_in_dim3A_160 : vector<16xi1>, vector<16xi32>
          %add3A_162 = arith.addi %add3A_148, %select_n3A_161 : vector<16xi32>
          %scan3A_163 = arith.constant 4 : i32
          %scan3A_164 = arith.addi %scan3A_110, %scan3A_163 : i32
          %get3A_165 = arith.index_cast %scan3A_164 : i32 to index
          %get3A_166 = arith.constant 0 : index
          %get3A_167 = tpu.vector_load %arg4[%get3A_165, %get3A_166] {strides = array<i32>} : memref<768x128xf32, #tpu.memory_space<vmem>>, vector<1x16xf32>,
          %get3A_168 = vector.shape_cast %get3A_167 : vector<1x16xf32> to vector<16xf32>
          %bitcast_convert_type3A_169 = tpu.bitcast %get3A_168 : vector<16xf32> -> vector<16xi32>
          %ge3A_170 = arith.cmpi sge, %bitcast_convert_type3A_169, %add3A_99 : vector<16xi32>
          %jit3A_171 = arith.constant 1 : i32
          %jit3A_172 = arith.constant 0 : i32
          %broadcast_in_dim3A_173 = vector.broadcast %jit3A_171 : i32 to vector<16xi32>
          %broadcast_in_dim3A_174 = vector.broadcast %jit3A_172 : i32 to vector<16xi32>
          %select_n3A_175 = arith.select %ge3A_170, %broadcast_in_dim3A_173, %broadcast_in_dim3A_174 : vector<16xi1>, vector<16xi32>
          %add3A_176 = arith.addi %add3A_162, %select_n3A_175 : vector<16xi32>
          %scan3A_177 = arith.constant 5 : i32
          %scan3A_178 = arith.addi %scan3A_110, %scan3A_177 : i32
          %get3A_179 = arith.index_cast %scan3A_178 : i32 to index
          %get3A_180 = arith.constant 0 : index
          %get3A_181 = tpu.vector_load %arg4[%get3A_179, %get3A_180] {strides = array<i32>} : memref<768x128xf32, #tpu.memory_space<vmem>>, vector<1x16xf32>,
          %get3A_182 = vector.shape_cast %get3A_181 : vector<1x16xf32> to vector<16xf32>
          %bitcast_convert_type3A_183 = tpu.bitcast %get3A_182 : vector<16xf32> -> vector<16xi32>
          %ge3A_184 = arith.cmpi sge, %bitcast_convert_type3A_183, %add3A_99 : vector<16xi32>
          %jit3A_185 = arith.constant 1 : i32
          %jit3A_186 = arith.constant 0 : i32
          %broadcast_in_dim3A_187 = vector.broadcast %jit3A_185 : i32 to vector<16xi32>
          %broadcast_in_dim3A_188 = vector.broadcast %jit3A_186 : i32 to vector<16xi32>
          %select_n3A_189 = arith.select %ge3A_184, %broadcast_in_dim3A_187, %broadcast_in_dim3A_188 : vector<16xi1>, vector<16xi32>
          %add3A_190 = arith.addi %add3A_176, %select_n3A_189 : vector<16xi32>
          %scan3A_191 = arith.constant 6 : i32
          %scan3A_192 = arith.addi %scan3A_110, %scan3A_191 : i32
          %get3A_193 = arith.index_cast %scan3A_192 : i32 to index
          %get3A_194 = arith.constant 0 : index
          %get3A_195 = tpu.vector_load %arg4[%get3A_193, %get3A_194] {strides = array<i32>} : memref<768x128xf32, #tpu.memory_space<vmem>>, vector<1x16xf32>,
          %get3A_196 = vector.shape_cast %get3A_195 : vector<1x16xf32> to vector<16xf32>
          %bitcast_convert_type3A_197 = tpu.bitcast %get3A_196 : vector<16xf32> -> vector<16xi32>
          %ge3A_198 = arith.cmpi sge, %bitcast_convert_type3A_197, %add3A_99 : vector<16xi32>
          %jit3A_199 = arith.constant 1 : i32
          %jit3A_200 = arith.constant 0 : i32
          %broadcast_in_dim3A_201 = vector.broadcast %jit3A_199 : i32 to vector<16xi32>
          %broadcast_in_dim3A_202 = vector.broadcast %jit3A_200 : i32 to vector<16xi32>
          %select_n3A_203 = arith.select %ge3A_198, %broadcast_in_dim3A_201, %broadcast_in_dim3A_202 : vector<16xi1>, vector<16xi32>
          %add3A_204 = arith.addi %add3A_190, %select_n3A_203 : vector<16xi32>
          %scan3A_205 = arith.constant 7 : i32
          %scan3A_206 = arith.addi %scan3A_110, %scan3A_205 : i32
          %get3A_207 = arith.index_cast %scan3A_206 : i32 to index
          %get3A_208 = arith.constant 0 : index
          %get3A_209 = tpu.vector_load %arg4[%get3A_207, %get3A_208] {strides = array<i32>} : memref<768x128xf32, #tpu.memory_space<vmem>>, vector<1x16xf32>,
          %get3A_210 = vector.shape_cast %get3A_209 : vector<1x16xf32> to vector<16xf32>
          %bitcast_convert_type3A_211 = tpu.bitcast %get3A_210 : vector<16xf32> -> vector<16xi32>
          %ge3A_212 = arith.cmpi sge, %bitcast_convert_type3A_211, %add3A_99 : vector<16xi32>
          %jit3A_213 = arith.constant 1 : i32
          %jit3A_214 = arith.constant 0 : i32
          %broadcast_in_dim3A_215 = vector.broadcast %jit3A_213 : i32 to vector<16xi32>
          %broadcast_in_dim3A_216 = vector.broadcast %jit3A_214 : i32 to vector<16xi32>
          %select_n3A_217 = arith.select %ge3A_212, %broadcast_in_dim3A_215, %broadcast_in_dim3A_216 : vector<16xi1>, vector<16xi32>
          %add3A_218 = arith.addi %add3A_204, %select_n3A_217 : vector<16xi32>
          scf.yield %add3A_218 : vector<16xi32>
        }
        %scan3A_107 = arith.constant 768 : i32
        %ge3A = arith.constant 153 : i32
        %ge3A_108 = vector.broadcast %ge3A : i32 to vector<16xi32>
        %ge3A_109 = arith.cmpi sge, %scan3A_106, %ge3A_108 : vector<16xi32>
        %select_n3A = arith.select %ge3A_109, %add3A_99, %scan3A_95 : vector<16xi1>, vector<16xi32>
        scf.yield %select_n3A : vector<16xi32>
      }
      %scan3A_29 = arith.constant 26 : i32
      %broadcast_in_dim3A_30 = arith.constant -2147483648 : i32
      %broadcast_in_dim3A_31 = vector.broadcast %broadcast_in_dim3A_30 : i32 to vector<16xi32>
      %scan3A_32 = arith.constant 0 : i32
      %scan3A_33 = arith.constant 26 : i32
      %scan3A_34 = arith.addi %scan3A_32, %scan3A_33 : i32
      %scan3A_35 = arith.constant 1 : i32
      %scan3A_36 = scf.for %scan3A_94 = %scan3A_32 to %scan3A_34 step %scan3A_35 iter_args(%scan3A_95 = %broadcast_in_dim3A_31) -> (vector<16xi32>)  : i32 {
        %sub3A = arith.constant 31 : i32
        %sub3A_96 = arith.subi %sub3A, %scan3A_94 : i32
        %shift_left3A = arith.constant 1 : i32
        %shift_left3A_97 = arith.shli %shift_left3A, %sub3A_96 : i32
        %add3A_98 = vector.broadcast %shift_left3A_97 : i32 to vector<16xi32>
        %add3A_99 = arith.addi %scan3A_95, %add3A_98 : vector<16xi32>
        %broadcast_in_dim3A_100 = arith.constant 0 : i32
        %broadcast_in_dim3A_101 = vector.broadcast %broadcast_in_dim3A_100 : i32 to vector<16xi32>
        %scan3A_102 = arith.constant 0 : i32
        %scan3A_103 = arith.constant 768 : i32
        %scan3A_104 = arith.addi %scan3A_102, %scan3A_103 : i32
        %scan3A_105 = arith.constant 8 : i32
        %scan3A_106 = scf.for %scan3A_110 = %scan3A_102 to %scan3A_104 step %scan3A_105 iter_args(%scan3A_111 = %broadcast_in_dim3A_101) -> (vector<16xi32>)  : i32 {
          %get3A = arith.index_cast %scan3A_110 : i32 to index
          %get3A_112 = arith.constant 16 : index
          %get3A_113 = tpu.vector_load %arg4[%get3A, %get3A_112] {strides = array<i32>} : memref<768x128xf32, #tpu.memory_space<vmem>>, vector<1x16xf32>,
          %get3A_114 = vector.shape_cast %get3A_113 : vector<1x16xf32> to vector<16xf32>
          %bitcast_convert_type3A = tpu.bitcast %get3A_114 : vector<16xf32> -> vector<16xi32>
          %ge3A_115 = arith.cmpi sge, %bitcast_convert_type3A, %add3A_99 : vector<16xi32>
          %jit3A = arith.constant 1 : i32
          %jit3A_116 = arith.constant 0 : i32
          %broadcast_in_dim3A_117 = vector.broadcast %jit3A : i32 to vector<16xi32>
          %broadcast_in_dim3A_118 = vector.broadcast %jit3A_116 : i32 to vector<16xi32>
          %select_n3A_119 = arith.select %ge3A_115, %broadcast_in_dim3A_117, %broadcast_in_dim3A_118 : vector<16xi1>, vector<16xi32>
          %add3A_120 = arith.addi %scan3A_111, %select_n3A_119 : vector<16xi32>
          %scan3A_121 = arith.constant 1 : i32
          %scan3A_122 = arith.addi %scan3A_110, %scan3A_121 : i32
          %get3A_123 = arith.index_cast %scan3A_122 : i32 to index
          %get3A_124 = arith.constant 16 : index
          %get3A_125 = tpu.vector_load %arg4[%get3A_123, %get3A_124] {strides = array<i32>} : memref<768x128xf32, #tpu.memory_space<vmem>>, vector<1x16xf32>,
          %get3A_126 = vector.shape_cast %get3A_125 : vector<1x16xf32> to vector<16xf32>
          %bitcast_convert_type3A_127 = tpu.bitcast %get3A_126 : vector<16xf32> -> vector<16xi32>
          %ge3A_128 = arith.cmpi sge, %bitcast_convert_type3A_127, %add3A_99 : vector<16xi32>
          %jit3A_129 = arith.constant 1 : i32
          %jit3A_130 = arith.constant 0 : i32
          %broadcast_in_dim3A_131 = vector.broadcast %jit3A_129 : i32 to vector<16xi32>
          %broadcast_in_dim3A_132 = vector.broadcast %jit3A_130 : i32 to vector<16xi32>
          %select_n3A_133 = arith.select %ge3A_128, %broadcast_in_dim3A_131, %broadcast_in_dim3A_132 : vector<16xi1>, vector<16xi32>
          %add3A_134 = arith.addi %add3A_120, %select_n3A_133 : vector<16xi32>
          %scan3A_135 = arith.constant 2 : i32
          %scan3A_136 = arith.addi %scan3A_110, %scan3A_135 : i32
          %get3A_137 = arith.index_cast %scan3A_136 : i32 to index
          %get3A_138 = arith.constant 16 : index
          %get3A_139 = tpu.vector_load %arg4[%get3A_137, %get3A_138] {strides = array<i32>} : memref<768x128xf32, #tpu.memory_space<vmem>>, vector<1x16xf32>,
          %get3A_140 = vector.shape_cast %get3A_139 : vector<1x16xf32> to vector<16xf32>
          %bitcast_convert_type3A_141 = tpu.bitcast %get3A_140 : vector<16xf32> -> vector<16xi32>
          %ge3A_142 = arith.cmpi sge, %bitcast_convert_type3A_141, %add3A_99 : vector<16xi32>
          %jit3A_143 = arith.constant 1 : i32
          %jit3A_144 = arith.constant 0 : i32
          %broadcast_in_dim3A_145 = vector.broadcast %jit3A_143 : i32 to vector<16xi32>
          %broadcast_in_dim3A_146 = vector.broadcast %jit3A_144 : i32 to vector<16xi32>
          %select_n3A_147 = arith.select %ge3A_142, %broadcast_in_dim3A_145, %broadcast_in_dim3A_146 : vector<16xi1>, vector<16xi32>
          %add3A_148 = arith.addi %add3A_134, %select_n3A_147 : vector<16xi32>
          %scan3A_149 = arith.constant 3 : i32
          %scan3A_150 = arith.addi %scan3A_110, %scan3A_149 : i32
          %get3A_151 = arith.index_cast %scan3A_150 : i32 to index
          %get3A_152 = arith.constant 16 : index
          %get3A_153 = tpu.vector_load %arg4[%get3A_151, %get3A_152] {strides = array<i32>} : memref<768x128xf32, #tpu.memory_space<vmem>>, vector<1x16xf32>,
          %get3A_154 = vector.shape_cast %get3A_153 : vector<1x16xf32> to vector<16xf32>
          %bitcast_convert_type3A_155 = tpu.bitcast %get3A_154 : vector<16xf32> -> vector<16xi32>
          %ge3A_156 = arith.cmpi sge, %bitcast_convert_type3A_155, %add3A_99 : vector<16xi32>
          %jit3A_157 = arith.constant 1 : i32
          %jit3A_158 = arith.constant 0 : i32
          %broadcast_in_dim3A_159 = vector.broadcast %jit3A_157 : i32 to vector<16xi32>
          %broadcast_in_dim3A_160 = vector.broadcast %jit3A_158 : i32 to vector<16xi32>
          %select_n3A_161 = arith.select %ge3A_156, %broadcast_in_dim3A_159, %broadcast_in_dim3A_160 : vector<16xi1>, vector<16xi32>
          %add3A_162 = arith.addi %add3A_148, %select_n3A_161 : vector<16xi32>
          %scan3A_163 = arith.constant 4 : i32
          %scan3A_164 = arith.addi %scan3A_110, %scan3A_163 : i32
          %get3A_165 = arith.index_cast %scan3A_164 : i32 to index
          %get3A_166 = arith.constant 16 : index
          %get3A_167 = tpu.vector_load %arg4[%get3A_165, %get3A_166] {strides = array<i32>} : memref<768x128xf32, #tpu.memory_space<vmem>>, vector<1x16xf32>,
          %get3A_168 = vector.shape_cast %get3A_167 : vector<1x16xf32> to vector<16xf32>
          %bitcast_convert_type3A_169 = tpu.bitcast %get3A_168 : vector<16xf32> -> vector<16xi32>
          %ge3A_170 = arith.cmpi sge, %bitcast_convert_type3A_169, %add3A_99 : vector<16xi32>
          %jit3A_171 = arith.constant 1 : i32
          %jit3A_172 = arith.constant 0 : i32
          %broadcast_in_dim3A_173 = vector.broadcast %jit3A_171 : i32 to vector<16xi32>
          %broadcast_in_dim3A_174 = vector.broadcast %jit3A_172 : i32 to vector<16xi32>
          %select_n3A_175 = arith.select %ge3A_170, %broadcast_in_dim3A_173, %broadcast_in_dim3A_174 : vector<16xi1>, vector<16xi32>
          %add3A_176 = arith.addi %add3A_162, %select_n3A_175 : vector<16xi32>
          %scan3A_177 = arith.constant 5 : i32
          %scan3A_178 = arith.addi %scan3A_110, %scan3A_177 : i32
          %get3A_179 = arith.index_cast %scan3A_178 : i32 to index
          %get3A_180 = arith.constant 16 : index
          %get3A_181 = tpu.vector_load %arg4[%get3A_179, %get3A_180] {strides = array<i32>} : memref<768x128xf32, #tpu.memory_space<vmem>>, vector<1x16xf32>,
          %get3A_182 = vector.shape_cast %get3A_181 : vector<1x16xf32> to vector<16xf32>
          %bitcast_convert_type3A_183 = tpu.bitcast %get3A_182 : vector<16xf32> -> vector<16xi32>
          %ge3A_184 = arith.cmpi sge, %bitcast_convert_type3A_183, %add3A_99 : vector<16xi32>
          %jit3A_185 = arith.constant 1 : i32
          %jit3A_186 = arith.constant 0 : i32
          %broadcast_in_dim3A_187 = vector.broadcast %jit3A_185 : i32 to vector<16xi32>
          %broadcast_in_dim3A_188 = vector.broadcast %jit3A_186 : i32 to vector<16xi32>
          %select_n3A_189 = arith.select %ge3A_184, %broadcast_in_dim3A_187, %broadcast_in_dim3A_188 : vector<16xi1>, vector<16xi32>
          %add3A_190 = arith.addi %add3A_176, %select_n3A_189 : vector<16xi32>
          %scan3A_191 = arith.constant 6 : i32
          %scan3A_192 = arith.addi %scan3A_110, %scan3A_191 : i32
          %get3A_193 = arith.index_cast %scan3A_192 : i32 to index
          %get3A_194 = arith.constant 16 : index
          %get3A_195 = tpu.vector_load %arg4[%get3A_193, %get3A_194] {strides = array<i32>} : memref<768x128xf32, #tpu.memory_space<vmem>>, vector<1x16xf32>,
          %get3A_196 = vector.shape_cast %get3A_195 : vector<1x16xf32> to vector<16xf32>
          %bitcast_convert_type3A_197 = tpu.bitcast %get3A_196 : vector<16xf32> -> vector<16xi32>
          %ge3A_198 = arith.cmpi sge, %bitcast_convert_type3A_197, %add3A_99 : vector<16xi32>
          %jit3A_199 = arith.constant 1 : i32
          %jit3A_200 = arith.constant 0 : i32
          %broadcast_in_dim3A_201 = vector.broadcast %jit3A_199 : i32 to vector<16xi32>
          %broadcast_in_dim3A_202 = vector.broadcast %jit3A_200 : i32 to vector<16xi32>
          %select_n3A_203 = arith.select %ge3A_198, %broadcast_in_dim3A_201, %broadcast_in_dim3A_202 : vector<16xi1>, vector<16xi32>
          %add3A_204 = arith.addi %add3A_190, %select_n3A_203 : vector<16xi32>
          %scan3A_205 = arith.constant 7 : i32
          %scan3A_206 = arith.addi %scan3A_110, %scan3A_205 : i32
          %get3A_207 = arith.index_cast %scan3A_206 : i32 to index
          %get3A_208 = arith.constant 16 : index
          %get3A_209 = tpu.vector_load %arg4[%get3A_207, %get3A_208] {strides = array<i32>} : memref<768x128xf32, #tpu.memory_space<vmem>>, vector<1x16xf32>,
          %get3A_210 = vector.shape_cast %get3A_209 : vector<1x16xf32> to vector<16xf32>
          %bitcast_convert_type3A_211 = tpu.bitcast %get3A_210 : vector<16xf32> -> vector<16xi32>
          %ge3A_212 = arith.cmpi sge, %bitcast_convert_type3A_211, %add3A_99 : vector<16xi32>
          %jit3A_213 = arith.constant 1 : i32
          %jit3A_214 = arith.constant 0 : i32
          %broadcast_in_dim3A_215 = vector.broadcast %jit3A_213 : i32 to vector<16xi32>
          %broadcast_in_dim3A_216 = vector.broadcast %jit3A_214 : i32 to vector<16xi32>
          %select_n3A_217 = arith.select %ge3A_212, %broadcast_in_dim3A_215, %broadcast_in_dim3A_216 : vector<16xi1>, vector<16xi32>
          %add3A_218 = arith.addi %add3A_204, %select_n3A_217 : vector<16xi32>
          scf.yield %add3A_218 : vector<16xi32>
        }
        %scan3A_107 = arith.constant 768 : i32
        %ge3A = arith.constant 153 : i32
        %ge3A_108 = vector.broadcast %ge3A : i32 to vector<16xi32>
        %ge3A_109 = arith.cmpi sge, %scan3A_106, %ge3A_108 : vector<16xi32>
        %select_n3A = arith.select %ge3A_109, %add3A_99, %scan3A_95 : vector<16xi1>, vector<16xi32>
        scf.yield %select_n3A : vector<16xi32>
      }
      %scan3A_37 = arith.constant 26 : i32
      %broadcast_in_dim3A_38 = arith.constant -2147483648 : i32
      %broadcast_in_dim3A_39 = vector.broadcast %broadcast_in_dim3A_38 : i32 to vector<16xi32>
      %scan3A_40 = arith.constant 0 : i32
      %scan3A_41 = arith.constant 26 : i32
      %scan3A_42 = arith.addi %scan3A_40, %scan3A_41 : i32
      %scan3A_43 = arith.constant 1 : i32
      %scan3A_44 = scf.for %scan3A_94 = %scan3A_40 to %scan3A_42 step %scan3A_43 iter_args(%scan3A_95 = %broadcast_in_dim3A_39) -> (vector<16xi32>)  : i32 {
        %sub3A = arith.constant 31 : i32
        %sub3A_96 = arith.subi %sub3A, %scan3A_94 : i32
        %shift_left3A = arith.constant 1 : i32
        %shift_left3A_97 = arith.shli %shift_left3A, %sub3A_96 : i32
        %add3A_98 = vector.broadcast %shift_left3A_97 : i32 to vector<16xi32>
        %add3A_99 = arith.addi %scan3A_95, %add3A_98 : vector<16xi32>
        %broadcast_in_dim3A_100 = arith.constant 0 : i32
        %broadcast_in_dim3A_101 = vector.broadcast %broadcast_in_dim3A_100 : i32 to vector<16xi32>
        %scan3A_102 = arith.constant 0 : i32
        %scan3A_103 = arith.constant 768 : i32
        %scan3A_104 = arith.addi %scan3A_102, %scan3A_103 : i32
        %scan3A_105 = arith.constant 8 : i32
        %scan3A_106 = scf.for %scan3A_110 = %scan3A_102 to %scan3A_104 step %scan3A_105 iter_args(%scan3A_111 = %broadcast_in_dim3A_101) -> (vector<16xi32>)  : i32 {
          %get3A = arith.index_cast %scan3A_110 : i32 to index
          %get3A_112 = arith.constant 32 : index
          %get3A_113 = tpu.vector_load %arg4[%get3A, %get3A_112] {strides = array<i32>} : memref<768x128xf32, #tpu.memory_space<vmem>>, vector<1x16xf32>,
          %get3A_114 = vector.shape_cast %get3A_113 : vector<1x16xf32> to vector<16xf32>
          %bitcast_convert_type3A = tpu.bitcast %get3A_114 : vector<16xf32> -> vector<16xi32>
          %ge3A_115 = arith.cmpi sge, %bitcast_convert_type3A, %add3A_99 : vector<16xi32>
          %jit3A = arith.constant 1 : i32
          %jit3A_116 = arith.constant 0 : i32
          %broadcast_in_dim3A_117 = vector.broadcast %jit3A : i32 to vector<16xi32>
          %broadcast_in_dim3A_118 = vector.broadcast %jit3A_116 : i32 to vector<16xi32>
          %select_n3A_119 = arith.select %ge3A_115, %broadcast_in_dim3A_117, %broadcast_in_dim3A_118 : vector<16xi1>, vector<16xi32>
          %add3A_120 = arith.addi %scan3A_111, %select_n3A_119 : vector<16xi32>
          %scan3A_121 = arith.constant 1 : i32
          %scan3A_122 = arith.addi %scan3A_110, %scan3A_121 : i32
          %get3A_123 = arith.index_cast %scan3A_122 : i32 to index
          %get3A_124 = arith.constant 32 : index
          %get3A_125 = tpu.vector_load %arg4[%get3A_123, %get3A_124] {strides = array<i32>} : memref<768x128xf32, #tpu.memory_space<vmem>>, vector<1x16xf32>,
          %get3A_126 = vector.shape_cast %get3A_125 : vector<1x16xf32> to vector<16xf32>
          %bitcast_convert_type3A_127 = tpu.bitcast %get3A_126 : vector<16xf32> -> vector<16xi32>
          %ge3A_128 = arith.cmpi sge, %bitcast_convert_type3A_127, %add3A_99 : vector<16xi32>
          %jit3A_129 = arith.constant 1 : i32
          %jit3A_130 = arith.constant 0 : i32
          %broadcast_in_dim3A_131 = vector.broadcast %jit3A_129 : i32 to vector<16xi32>
          %broadcast_in_dim3A_132 = vector.broadcast %jit3A_130 : i32 to vector<16xi32>
          %select_n3A_133 = arith.select %ge3A_128, %broadcast_in_dim3A_131, %broadcast_in_dim3A_132 : vector<16xi1>, vector<16xi32>
          %add3A_134 = arith.addi %add3A_120, %select_n3A_133 : vector<16xi32>
          %scan3A_135 = arith.constant 2 : i32
          %scan3A_136 = arith.addi %scan3A_110, %scan3A_135 : i32
          %get3A_137 = arith.index_cast %scan3A_136 : i32 to index
          %get3A_138 = arith.constant 32 : index
          %get3A_139 = tpu.vector_load %arg4[%get3A_137, %get3A_138] {strides = array<i32>} : memref<768x128xf32, #tpu.memory_space<vmem>>, vector<1x16xf32>,
          %get3A_140 = vector.shape_cast %get3A_139 : vector<1x16xf32> to vector<16xf32>
          %bitcast_convert_type3A_141 = tpu.bitcast %get3A_140 : vector<16xf32> -> vector<16xi32>
          %ge3A_142 = arith.cmpi sge, %bitcast_convert_type3A_141, %add3A_99 : vector<16xi32>
          %jit3A_143 = arith.constant 1 : i32
          %jit3A_144 = arith.constant 0 : i32
          %broadcast_in_dim3A_145 = vector.broadcast %jit3A_143 : i32 to vector<16xi32>
          %broadcast_in_dim3A_146 = vector.broadcast %jit3A_144 : i32 to vector<16xi32>
          %select_n3A_147 = arith.select %ge3A_142, %broadcast_in_dim3A_145, %broadcast_in_dim3A_146 : vector<16xi1>, vector<16xi32>
          %add3A_148 = arith.addi %add3A_134, %select_n3A_147 : vector<16xi32>
          %scan3A_149 = arith.constant 3 : i32
          %scan3A_150 = arith.addi %scan3A_110, %scan3A_149 : i32
          %get3A_151 = arith.index_cast %scan3A_150 : i32 to index
          %get3A_152 = arith.constant 32 : index
          %get3A_153 = tpu.vector_load %arg4[%get3A_151, %get3A_152] {strides = array<i32>} : memref<768x128xf32, #tpu.memory_space<vmem>>, vector<1x16xf32>,
          %get3A_154 = vector.shape_cast %get3A_153 : vector<1x16xf32> to vector<16xf32>
          %bitcast_convert_type3A_155 = tpu.bitcast %get3A_154 : vector<16xf32> -> vector<16xi32>
          %ge3A_156 = arith.cmpi sge, %bitcast_convert_type3A_155, %add3A_99 : vector<16xi32>
          %jit3A_157 = arith.constant 1 : i32
          %jit3A_158 = arith.constant 0 : i32
          %broadcast_in_dim3A_159 = vector.broadcast %jit3A_157 : i32 to vector<16xi32>
          %broadcast_in_dim3A_160 = vector.broadcast %jit3A_158 : i32 to vector<16xi32>
          %select_n3A_161 = arith.select %ge3A_156, %broadcast_in_dim3A_159, %broadcast_in_dim3A_160 : vector<16xi1>, vector<16xi32>
          %add3A_162 = arith.addi %add3A_148, %select_n3A_161 : vector<16xi32>
          %scan3A_163 = arith.constant 4 : i32
          %scan3A_164 = arith.addi %scan3A_110, %scan3A_163 : i32
          %get3A_165 = arith.index_cast %scan3A_164 : i32 to index
          %get3A_166 = arith.constant 32 : index
          %get3A_167 = tpu.vector_load %arg4[%get3A_165, %get3A_166] {strides = array<i32>} : memref<768x128xf32, #tpu.memory_space<vmem>>, vector<1x16xf32>,
          %get3A_168 = vector.shape_cast %get3A_167 : vector<1x16xf32> to vector<16xf32>
          %bitcast_convert_type3A_169 = tpu.bitcast %get3A_168 : vector<16xf32> -> vector<16xi32>
          %ge3A_170 = arith.cmpi sge, %bitcast_convert_type3A_169, %add3A_99 : vector<16xi32>
          %jit3A_171 = arith.constant 1 : i32
          %jit3A_172 = arith.constant 0 : i32
          %broadcast_in_dim3A_173 = vector.broadcast %jit3A_171 : i32 to vector<16xi32>
          %broadcast_in_dim3A_174 = vector.broadcast %jit3A_172 : i32 to vector<16xi32>
          %select_n3A_175 = arith.select %ge3A_170, %broadcast_in_dim3A_173, %broadcast_in_dim3A_174 : vector<16xi1>, vector<16xi32>
          %add3A_176 = arith.addi %add3A_162, %select_n3A_175 : vector<16xi32>
          %scan3A_177 = arith.constant 5 : i32
          %scan3A_178 = arith.addi %scan3A_110, %scan3A_177 : i32
          %get3A_179 = arith.index_cast %scan3A_178 : i32 to index
          %get3A_180 = arith.constant 32 : index
          %get3A_181 = tpu.vector_load %arg4[%get3A_179, %get3A_180] {strides = array<i32>} : memref<768x128xf32, #tpu.memory_space<vmem>>, vector<1x16xf32>,
          %get3A_182 = vector.shape_cast %get3A_181 : vector<1x16xf32> to vector<16xf32>
          %bitcast_convert_type3A_183 = tpu.bitcast %get3A_182 : vector<16xf32> -> vector<16xi32>
          %ge3A_184 = arith.cmpi sge, %bitcast_convert_type3A_183, %add3A_99 : vector<16xi32>
          %jit3A_185 = arith.constant 1 : i32
          %jit3A_186 = arith.constant 0 : i32
          %broadcast_in_dim3A_187 = vector.broadcast %jit3A_185 : i32 to vector<16xi32>
          %broadcast_in_dim3A_188 = vector.broadcast %jit3A_186 : i32 to vector<16xi32>
          %select_n3A_189 = arith.select %ge3A_184, %broadcast_in_dim3A_187, %broadcast_in_dim3A_188 : vector<16xi1>, vector<16xi32>
          %add3A_190 = arith.addi %add3A_176, %select_n3A_189 : vector<16xi32>
          %scan3A_191 = arith.constant 6 : i32
          %scan3A_192 = arith.addi %scan3A_110, %scan3A_191 : i32
          %get3A_193 = arith.index_cast %scan3A_192 : i32 to index
          %get3A_194 = arith.constant 32 : index
          %get3A_195 = tpu.vector_load %arg4[%get3A_193, %get3A_194] {strides = array<i32>} : memref<768x128xf32, #tpu.memory_space<vmem>>, vector<1x16xf32>,
          %get3A_196 = vector.shape_cast %get3A_195 : vector<1x16xf32> to vector<16xf32>
          %bitcast_convert_type3A_197 = tpu.bitcast %get3A_196 : vector<16xf32> -> vector<16xi32>
          %ge3A_198 = arith.cmpi sge, %bitcast_convert_type3A_197, %add3A_99 : vector<16xi32>
          %jit3A_199 = arith.constant 1 : i32
          %jit3A_200 = arith.constant 0 : i32
          %broadcast_in_dim3A_201 = vector.broadcast %jit3A_199 : i32 to vector<16xi32>
          %broadcast_in_dim3A_202 = vector.broadcast %jit3A_200 : i32 to vector<16xi32>
          %select_n3A_203 = arith.select %ge3A_198, %broadcast_in_dim3A_201, %broadcast_in_dim3A_202 : vector<16xi1>, vector<16xi32>
          %add3A_204 = arith.addi %add3A_190, %select_n3A_203 : vector<16xi32>
          %scan3A_205 = arith.constant 7 : i32
          %scan3A_206 = arith.addi %scan3A_110, %scan3A_205 : i32
          %get3A_207 = arith.index_cast %scan3A_206 : i32 to index
          %get3A_208 = arith.constant 32 : index
          %get3A_209 = tpu.vector_load %arg4[%get3A_207, %get3A_208] {strides = array<i32>} : memref<768x128xf32, #tpu.memory_space<vmem>>, vector<1x16xf32>,
          %get3A_210 = vector.shape_cast %get3A_209 : vector<1x16xf32> to vector<16xf32>
          %bitcast_convert_type3A_211 = tpu.bitcast %get3A_210 : vector<16xf32> -> vector<16xi32>
          %ge3A_212 = arith.cmpi sge, %bitcast_convert_type3A_211, %add3A_99 : vector<16xi32>
          %jit3A_213 = arith.constant 1 : i32
          %jit3A_214 = arith.constant 0 : i32
          %broadcast_in_dim3A_215 = vector.broadcast %jit3A_213 : i32 to vector<16xi32>
          %broadcast_in_dim3A_216 = vector.broadcast %jit3A_214 : i32 to vector<16xi32>
          %select_n3A_217 = arith.select %ge3A_212, %broadcast_in_dim3A_215, %broadcast_in_dim3A_216 : vector<16xi1>, vector<16xi32>
          %add3A_218 = arith.addi %add3A_204, %select_n3A_217 : vector<16xi32>
          scf.yield %add3A_218 : vector<16xi32>
        }
        %scan3A_107 = arith.constant 768 : i32
        %ge3A = arith.constant 153 : i32
        %ge3A_108 = vector.broadcast %ge3A : i32 to vector<16xi32>
        %ge3A_109 = arith.cmpi sge, %scan3A_106, %ge3A_108 : vector<16xi32>
        %select_n3A = arith.select %ge3A_109, %add3A_99, %scan3A_95 : vector<16xi1>, vector<16xi32>
        scf.yield %select_n3A : vector<16xi32>
      }
      %scan3A_45 = arith.constant 26 : i32
      %broadcast_in_dim3A_46 = arith.constant -2147483648 : i32
      %broadcast_in_dim3A_47 = vector.broadcast %broadcast_in_dim3A_46 : i32 to vector<16xi32>
      %scan3A_48 = arith.constant 0 : i32
      %scan3A_49 = arith.constant 26 : i32
      %scan3A_50 = arith.addi %scan3A_48, %scan3A_49 : i32
      %scan3A_51 = arith.constant 1 : i32
      %scan3A_52 = scf.for %scan3A_94 = %scan3A_48 to %scan3A_50 step %scan3A_51 iter_args(%scan3A_95 = %broadcast_in_dim3A_47) -> (vector<16xi32>)  : i32 {
        %sub3A = arith.constant 31 : i32
        %sub3A_96 = arith.subi %sub3A, %scan3A_94 : i32
        %shift_left3A = arith.constant 1 : i32
        %shift_left3A_97 = arith.shli %shift_left3A, %sub3A_96 : i32
        %add3A_98 = vector.broadcast %shift_left3A_97 : i32 to vector<16xi32>
        %add3A_99 = arith.addi %scan3A_95, %add3A_98 : vector<16xi32>
        %broadcast_in_dim3A_100 = arith.constant 0 : i32
        %broadcast_in_dim3A_101 = vector.broadcast %broadcast_in_dim3A_100 : i32 to vector<16xi32>
        %scan3A_102 = arith.constant 0 : i32
        %scan3A_103 = arith.constant 768 : i32
        %scan3A_104 = arith.addi %scan3A_102, %scan3A_103 : i32
        %scan3A_105 = arith.constant 8 : i32
        %scan3A_106 = scf.for %scan3A_110 = %scan3A_102 to %scan3A_104 step %scan3A_105 iter_args(%scan3A_111 = %broadcast_in_dim3A_101) -> (vector<16xi32>)  : i32 {
          %get3A = arith.index_cast %scan3A_110 : i32 to index
          %get3A_112 = arith.constant 48 : index
          %get3A_113 = tpu.vector_load %arg4[%get3A, %get3A_112] {strides = array<i32>} : memref<768x128xf32, #tpu.memory_space<vmem>>, vector<1x16xf32>,
          %get3A_114 = vector.shape_cast %get3A_113 : vector<1x16xf32> to vector<16xf32>
          %bitcast_convert_type3A = tpu.bitcast %get3A_114 : vector<16xf32> -> vector<16xi32>
          %ge3A_115 = arith.cmpi sge, %bitcast_convert_type3A, %add3A_99 : vector<16xi32>
          %jit3A = arith.constant 1 : i32
          %jit3A_116 = arith.constant 0 : i32
          %broadcast_in_dim3A_117 = vector.broadcast %jit3A : i32 to vector<16xi32>
          %broadcast_in_dim3A_118 = vector.broadcast %jit3A_116 : i32 to vector<16xi32>
          %select_n3A_119 = arith.select %ge3A_115, %broadcast_in_dim3A_117, %broadcast_in_dim3A_118 : vector<16xi1>, vector<16xi32>
          %add3A_120 = arith.addi %scan3A_111, %select_n3A_119 : vector<16xi32>
          %scan3A_121 = arith.constant 1 : i32
          %scan3A_122 = arith.addi %scan3A_110, %scan3A_121 : i32
          %get3A_123 = arith.index_cast %scan3A_122 : i32 to index
          %get3A_124 = arith.constant 48 : index
          %get3A_125 = tpu.vector_load %arg4[%get3A_123, %get3A_124] {strides = array<i32>} : memref<768x128xf32, #tpu.memory_space<vmem>>, vector<1x16xf32>,
          %get3A_126 = vector.shape_cast %get3A_125 : vector<1x16xf32> to vector<16xf32>
          %bitcast_convert_type3A_127 = tpu.bitcast %get3A_126 : vector<16xf32> -> vector<16xi32>
          %ge3A_128 = arith.cmpi sge, %bitcast_convert_type3A_127, %add3A_99 : vector<16xi32>
          %jit3A_129 = arith.constant 1 : i32
          %jit3A_130 = arith.constant 0 : i32
          %broadcast_in_dim3A_131 = vector.broadcast %jit3A_129 : i32 to vector<16xi32>
          %broadcast_in_dim3A_132 = vector.broadcast %jit3A_130 : i32 to vector<16xi32>
          %select_n3A_133 = arith.select %ge3A_128, %broadcast_in_dim3A_131, %broadcast_in_dim3A_132 : vector<16xi1>, vector<16xi32>
          %add3A_134 = arith.addi %add3A_120, %select_n3A_133 : vector<16xi32>
          %scan3A_135 = arith.constant 2 : i32
          %scan3A_136 = arith.addi %scan3A_110, %scan3A_135 : i32
          %get3A_137 = arith.index_cast %scan3A_136 : i32 to index
          %get3A_138 = arith.constant 48 : index
          %get3A_139 = tpu.vector_load %arg4[%get3A_137, %get3A_138] {strides = array<i32>} : memref<768x128xf32, #tpu.memory_space<vmem>>, vector<1x16xf32>,
          %get3A_140 = vector.shape_cast %get3A_139 : vector<1x16xf32> to vector<16xf32>
          %bitcast_convert_type3A_141 = tpu.bitcast %get3A_140 : vector<16xf32> -> vector<16xi32>
          %ge3A_142 = arith.cmpi sge, %bitcast_convert_type3A_141, %add3A_99 : vector<16xi32>
          %jit3A_143 = arith.constant 1 : i32
          %jit3A_144 = arith.constant 0 : i32
          %broadcast_in_dim3A_145 = vector.broadcast %jit3A_143 : i32 to vector<16xi32>
          %broadcast_in_dim3A_146 = vector.broadcast %jit3A_144 : i32 to vector<16xi32>
          %select_n3A_147 = arith.select %ge3A_142, %broadcast_in_dim3A_145, %broadcast_in_dim3A_146 : vector<16xi1>, vector<16xi32>
          %add3A_148 = arith.addi %add3A_134, %select_n3A_147 : vector<16xi32>
          %scan3A_149 = arith.constant 3 : i32
          %scan3A_150 = arith.addi %scan3A_110, %scan3A_149 : i32
          %get3A_151 = arith.index_cast %scan3A_150 : i32 to index
          %get3A_152 = arith.constant 48 : index
          %get3A_153 = tpu.vector_load %arg4[%get3A_151, %get3A_152] {strides = array<i32>} : memref<768x128xf32, #tpu.memory_space<vmem>>, vector<1x16xf32>,
          %get3A_154 = vector.shape_cast %get3A_153 : vector<1x16xf32> to vector<16xf32>
          %bitcast_convert_type3A_155 = tpu.bitcast %get3A_154 : vector<16xf32> -> vector<16xi32>
          %ge3A_156 = arith.cmpi sge, %bitcast_convert_type3A_155, %add3A_99 : vector<16xi32>
          %jit3A_157 = arith.constant 1 : i32
          %jit3A_158 = arith.constant 0 : i32
          %broadcast_in_dim3A_159 = vector.broadcast %jit3A_157 : i32 to vector<16xi32>
          %broadcast_in_dim3A_160 = vector.broadcast %jit3A_158 : i32 to vector<16xi32>
          %select_n3A_161 = arith.select %ge3A_156, %broadcast_in_dim3A_159, %broadcast_in_dim3A_160 : vector<16xi1>, vector<16xi32>
          %add3A_162 = arith.addi %add3A_148, %select_n3A_161 : vector<16xi32>
          %scan3A_163 = arith.constant 4 : i32
          %scan3A_164 = arith.addi %scan3A_110, %scan3A_163 : i32
          %get3A_165 = arith.index_cast %scan3A_164 : i32 to index
          %get3A_166 = arith.constant 48 : index
          %get3A_167 = tpu.vector_load %arg4[%get3A_165, %get3A_166] {strides = array<i32>} : memref<768x128xf32, #tpu.memory_space<vmem>>, vector<1x16xf32>,
          %get3A_168 = vector.shape_cast %get3A_167 : vector<1x16xf32> to vector<16xf32>
          %bitcast_convert_type3A_169 = tpu.bitcast %get3A_168 : vector<16xf32> -> vector<16xi32>
          %ge3A_170 = arith.cmpi sge, %bitcast_convert_type3A_169, %add3A_99 : vector<16xi32>
          %jit3A_171 = arith.constant 1 : i32
          %jit3A_172 = arith.constant 0 : i32
          %broadcast_in_dim3A_173 = vector.broadcast %jit3A_171 : i32 to vector<16xi32>
          %broadcast_in_dim3A_174 = vector.broadcast %jit3A_172 : i32 to vector<16xi32>
          %select_n3A_175 = arith.select %ge3A_170, %broadcast_in_dim3A_173, %broadcast_in_dim3A_174 : vector<16xi1>, vector<16xi32>
          %add3A_176 = arith.addi %add3A_162, %select_n3A_175 : vector<16xi32>
          %scan3A_177 = arith.constant 5 : i32
          %scan3A_178 = arith.addi %scan3A_110, %scan3A_177 : i32
          %get3A_179 = arith.index_cast %scan3A_178 : i32 to index
          %get3A_180 = arith.constant 48 : index
          %get3A_181 = tpu.vector_load %arg4[%get3A_179, %get3A_180] {strides = array<i32>} : memref<768x128xf32, #tpu.memory_space<vmem>>, vector<1x16xf32>,
          %get3A_182 = vector.shape_cast %get3A_181 : vector<1x16xf32> to vector<16xf32>
          %bitcast_convert_type3A_183 = tpu.bitcast %get3A_182 : vector<16xf32> -> vector<16xi32>
          %ge3A_184 = arith.cmpi sge, %bitcast_convert_type3A_183, %add3A_99 : vector<16xi32>
          %jit3A_185 = arith.constant 1 : i32
          %jit3A_186 = arith.constant 0 : i32
          %broadcast_in_dim3A_187 = vector.broadcast %jit3A_185 : i32 to vector<16xi32>
          %broadcast_in_dim3A_188 = vector.broadcast %jit3A_186 : i32 to vector<16xi32>
          %select_n3A_189 = arith.select %ge3A_184, %broadcast_in_dim3A_187, %broadcast_in_dim3A_188 : vector<16xi1>, vector<16xi32>
          %add3A_190 = arith.addi %add3A_176, %select_n3A_189 : vector<16xi32>
          %scan3A_191 = arith.constant 6 : i32
          %scan3A_192 = arith.addi %scan3A_110, %scan3A_191 : i32
          %get3A_193 = arith.index_cast %scan3A_192 : i32 to index
          %get3A_194 = arith.constant 48 : index
          %get3A_195 = tpu.vector_load %arg4[%get3A_193, %get3A_194] {strides = array<i32>} : memref<768x128xf32, #tpu.memory_space<vmem>>, vector<1x16xf32>,
          %get3A_196 = vector.shape_cast %get3A_195 : vector<1x16xf32> to vector<16xf32>
          %bitcast_convert_type3A_197 = tpu.bitcast %get3A_196 : vector<16xf32> -> vector<16xi32>
          %ge3A_198 = arith.cmpi sge, %bitcast_convert_type3A_197, %add3A_99 : vector<16xi32>
          %jit3A_199 = arith.constant 1 : i32
          %jit3A_200 = arith.constant 0 : i32
          %broadcast_in_dim3A_201 = vector.broadcast %jit3A_199 : i32 to vector<16xi32>
          %broadcast_in_dim3A_202 = vector.broadcast %jit3A_200 : i32 to vector<16xi32>
          %select_n3A_203 = arith.select %ge3A_198, %broadcast_in_dim3A_201, %broadcast_in_dim3A_202 : vector<16xi1>, vector<16xi32>
          %add3A_204 = arith.addi %add3A_190, %select_n3A_203 : vector<16xi32>
          %scan3A_205 = arith.constant 7 : i32
          %scan3A_206 = arith.addi %scan3A_110, %scan3A_205 : i32
          %get3A_207 = arith.index_cast %scan3A_206 : i32 to index
          %get3A_208 = arith.constant 48 : index
          %get3A_209 = tpu.vector_load %arg4[%get3A_207, %get3A_208] {strides = array<i32>} : memref<768x128xf32, #tpu.memory_space<vmem>>, vector<1x16xf32>,
          %get3A_210 = vector.shape_cast %get3A_209 : vector<1x16xf32> to vector<16xf32>
          %bitcast_convert_type3A_211 = tpu.bitcast %get3A_210 : vector<16xf32> -> vector<16xi32>
          %ge3A_212 = arith.cmpi sge, %bitcast_convert_type3A_211, %add3A_99 : vector<16xi32>
          %jit3A_213 = arith.constant 1 : i32
          %jit3A_214 = arith.constant 0 : i32
          %broadcast_in_dim3A_215 = vector.broadcast %jit3A_213 : i32 to vector<16xi32>
          %broadcast_in_dim3A_216 = vector.broadcast %jit3A_214 : i32 to vector<16xi32>
          %select_n3A_217 = arith.select %ge3A_212, %broadcast_in_dim3A_215, %broadcast_in_dim3A_216 : vector<16xi1>, vector<16xi32>
          %add3A_218 = arith.addi %add3A_204, %select_n3A_217 : vector<16xi32>
          scf.yield %add3A_218 : vector<16xi32>
        }
        %scan3A_107 = arith.constant 768 : i32
        %ge3A = arith.constant 153 : i32
        %ge3A_108 = vector.broadcast %ge3A : i32 to vector<16xi32>
        %ge3A_109 = arith.cmpi sge, %scan3A_106, %ge3A_108 : vector<16xi32>
        %select_n3A = arith.select %ge3A_109, %add3A_99, %scan3A_95 : vector<16xi1>, vector<16xi32>
        scf.yield %select_n3A : vector<16xi32>
      }
      %scan3A_53 = arith.constant 26 : i32
      %broadcast_in_dim3A_54 = arith.constant -2147483648 : i32
      %broadcast_in_dim3A_55 = vector.broadcast %broadcast_in_dim3A_54 : i32 to vector<16xi32>
      %scan3A_56 = arith.constant 0 : i32
      %scan3A_57 = arith.constant 26 : i32
      %scan3A_58 = arith.addi %scan3A_56, %scan3A_57 : i32
      %scan3A_59 = arith.constant 1 : i32
      %scan3A_60 = scf.for %scan3A_94 = %scan3A_56 to %scan3A_58 step %scan3A_59 iter_args(%scan3A_95 = %broadcast_in_dim3A_55) -> (vector<16xi32>)  : i32 {
        %sub3A = arith.constant 31 : i32
        %sub3A_96 = arith.subi %sub3A, %scan3A_94 : i32
        %shift_left3A = arith.constant 1 : i32
        %shift_left3A_97 = arith.shli %shift_left3A, %sub3A_96 : i32
        %add3A_98 = vector.broadcast %shift_left3A_97 : i32 to vector<16xi32>
        %add3A_99 = arith.addi %scan3A_95, %add3A_98 : vector<16xi32>
        %broadcast_in_dim3A_100 = arith.constant 0 : i32
        %broadcast_in_dim3A_101 = vector.broadcast %broadcast_in_dim3A_100 : i32 to vector<16xi32>
        %scan3A_102 = arith.constant 0 : i32
        %scan3A_103 = arith.constant 768 : i32
        %scan3A_104 = arith.addi %scan3A_102, %scan3A_103 : i32
        %scan3A_105 = arith.constant 8 : i32
        %scan3A_106 = scf.for %scan3A_110 = %scan3A_102 to %scan3A_104 step %scan3A_105 iter_args(%scan3A_111 = %broadcast_in_dim3A_101) -> (vector<16xi32>)  : i32 {
          %get3A = arith.index_cast %scan3A_110 : i32 to index
          %get3A_112 = arith.constant 64 : index
          %get3A_113 = tpu.vector_load %arg4[%get3A, %get3A_112] {strides = array<i32>} : memref<768x128xf32, #tpu.memory_space<vmem>>, vector<1x16xf32>,
          %get3A_114 = vector.shape_cast %get3A_113 : vector<1x16xf32> to vector<16xf32>
          %bitcast_convert_type3A = tpu.bitcast %get3A_114 : vector<16xf32> -> vector<16xi32>
          %ge3A_115 = arith.cmpi sge, %bitcast_convert_type3A, %add3A_99 : vector<16xi32>
          %jit3A = arith.constant 1 : i32
          %jit3A_116 = arith.constant 0 : i32
          %broadcast_in_dim3A_117 = vector.broadcast %jit3A : i32 to vector<16xi32>
          %broadcast_in_dim3A_118 = vector.broadcast %jit3A_116 : i32 to vector<16xi32>
          %select_n3A_119 = arith.select %ge3A_115, %broadcast_in_dim3A_117, %broadcast_in_dim3A_118 : vector<16xi1>, vector<16xi32>
          %add3A_120 = arith.addi %scan3A_111, %select_n3A_119 : vector<16xi32>
          %scan3A_121 = arith.constant 1 : i32
          %scan3A_122 = arith.addi %scan3A_110, %scan3A_121 : i32
          %get3A_123 = arith.index_cast %scan3A_122 : i32 to index
          %get3A_124 = arith.constant 64 : index
          %get3A_125 = tpu.vector_load %arg4[%get3A_123, %get3A_124] {strides = array<i32>} : memref<768x128xf32, #tpu.memory_space<vmem>>, vector<1x16xf32>,
          %get3A_126 = vector.shape_cast %get3A_125 : vector<1x16xf32> to vector<16xf32>
          %bitcast_convert_type3A_127 = tpu.bitcast %get3A_126 : vector<16xf32> -> vector<16xi32>
          %ge3A_128 = arith.cmpi sge, %bitcast_convert_type3A_127, %add3A_99 : vector<16xi32>
          %jit3A_129 = arith.constant 1 : i32
          %jit3A_130 = arith.constant 0 : i32
          %broadcast_in_dim3A_131 = vector.broadcast %jit3A_129 : i32 to vector<16xi32>
          %broadcast_in_dim3A_132 = vector.broadcast %jit3A_130 : i32 to vector<16xi32>
          %select_n3A_133 = arith.select %ge3A_128, %broadcast_in_dim3A_131, %broadcast_in_dim3A_132 : vector<16xi1>, vector<16xi32>
          %add3A_134 = arith.addi %add3A_120, %select_n3A_133 : vector<16xi32>
          %scan3A_135 = arith.constant 2 : i32
          %scan3A_136 = arith.addi %scan3A_110, %scan3A_135 : i32
          %get3A_137 = arith.index_cast %scan3A_136 : i32 to index
          %get3A_138 = arith.constant 64 : index
          %get3A_139 = tpu.vector_load %arg4[%get3A_137, %get3A_138] {strides = array<i32>} : memref<768x128xf32, #tpu.memory_space<vmem>>, vector<1x16xf32>,
          %get3A_140 = vector.shape_cast %get3A_139 : vector<1x16xf32> to vector<16xf32>
          %bitcast_convert_type3A_141 = tpu.bitcast %get3A_140 : vector<16xf32> -> vector<16xi32>
          %ge3A_142 = arith.cmpi sge, %bitcast_convert_type3A_141, %add3A_99 : vector<16xi32>
          %jit3A_143 = arith.constant 1 : i32
          %jit3A_144 = arith.constant 0 : i32
          %broadcast_in_dim3A_145 = vector.broadcast %jit3A_143 : i32 to vector<16xi32>
          %broadcast_in_dim3A_146 = vector.broadcast %jit3A_144 : i32 to vector<16xi32>
          %select_n3A_147 = arith.select %ge3A_142, %broadcast_in_dim3A_145, %broadcast_in_dim3A_146 : vector<16xi1>, vector<16xi32>
          %add3A_148 = arith.addi %add3A_134, %select_n3A_147 : vector<16xi32>
          %scan3A_149 = arith.constant 3 : i32
          %scan3A_150 = arith.addi %scan3A_110, %scan3A_149 : i32
          %get3A_151 = arith.index_cast %scan3A_150 : i32 to index
          %get3A_152 = arith.constant 64 : index
          %get3A_153 = tpu.vector_load %arg4[%get3A_151, %get3A_152] {strides = array<i32>} : memref<768x128xf32, #tpu.memory_space<vmem>>, vector<1x16xf32>,
          %get3A_154 = vector.shape_cast %get3A_153 : vector<1x16xf32> to vector<16xf32>
          %bitcast_convert_type3A_155 = tpu.bitcast %get3A_154 : vector<16xf32> -> vector<16xi32>
          %ge3A_156 = arith.cmpi sge, %bitcast_convert_type3A_155, %add3A_99 : vector<16xi32>
          %jit3A_157 = arith.constant 1 : i32
          %jit3A_158 = arith.constant 0 : i32
          %broadcast_in_dim3A_159 = vector.broadcast %jit3A_157 : i32 to vector<16xi32>
          %broadcast_in_dim3A_160 = vector.broadcast %jit3A_158 : i32 to vector<16xi32>
          %select_n3A_161 = arith.select %ge3A_156, %broadcast_in_dim3A_159, %broadcast_in_dim3A_160 : vector<16xi1>, vector<16xi32>
          %add3A_162 = arith.addi %add3A_148, %select_n3A_161 : vector<16xi32>
          %scan3A_163 = arith.constant 4 : i32
          %scan3A_164 = arith.addi %scan3A_110, %scan3A_163 : i32
          %get3A_165 = arith.index_cast %scan3A_164 : i32 to index
          %get3A_166 = arith.constant 64 : index
          %get3A_167 = tpu.vector_load %arg4[%get3A_165, %get3A_166] {strides = array<i32>} : memref<768x128xf32, #tpu.memory_space<vmem>>, vector<1x16xf32>,
          %get3A_168 = vector.shape_cast %get3A_167 : vector<1x16xf32> to vector<16xf32>
          %bitcast_convert_type3A_169 = tpu.bitcast %get3A_168 : vector<16xf32> -> vector<16xi32>
          %ge3A_170 = arith.cmpi sge, %bitcast_convert_type3A_169, %add3A_99 : vector<16xi32>
          %jit3A_171 = arith.constant 1 : i32
          %jit3A_172 = arith.constant 0 : i32
          %broadcast_in_dim3A_173 = vector.broadcast %jit3A_171 : i32 to vector<16xi32>
          %broadcast_in_dim3A_174 = vector.broadcast %jit3A_172 : i32 to vector<16xi32>
          %select_n3A_175 = arith.select %ge3A_170, %broadcast_in_dim3A_173, %broadcast_in_dim3A_174 : vector<16xi1>, vector<16xi32>
          %add3A_176 = arith.addi %add3A_162, %select_n3A_175 : vector<16xi32>
          %scan3A_177 = arith.constant 5 : i32
          %scan3A_178 = arith.addi %scan3A_110, %scan3A_177 : i32
          %get3A_179 = arith.index_cast %scan3A_178 : i32 to index
          %get3A_180 = arith.constant 64 : index
          %get3A_181 = tpu.vector_load %arg4[%get3A_179, %get3A_180] {strides = array<i32>} : memref<768x128xf32, #tpu.memory_space<vmem>>, vector<1x16xf32>,
          %get3A_182 = vector.shape_cast %get3A_181 : vector<1x16xf32> to vector<16xf32>
          %bitcast_convert_type3A_183 = tpu.bitcast %get3A_182 : vector<16xf32> -> vector<16xi32>
          %ge3A_184 = arith.cmpi sge, %bitcast_convert_type3A_183, %add3A_99 : vector<16xi32>
          %jit3A_185 = arith.constant 1 : i32
          %jit3A_186 = arith.constant 0 : i32
          %broadcast_in_dim3A_187 = vector.broadcast %jit3A_185 : i32 to vector<16xi32>
          %broadcast_in_dim3A_188 = vector.broadcast %jit3A_186 : i32 to vector<16xi32>
          %select_n3A_189 = arith.select %ge3A_184, %broadcast_in_dim3A_187, %broadcast_in_dim3A_188 : vector<16xi1>, vector<16xi32>
          %add3A_190 = arith.addi %add3A_176, %select_n3A_189 : vector<16xi32>
          %scan3A_191 = arith.constant 6 : i32
          %scan3A_192 = arith.addi %scan3A_110, %scan3A_191 : i32
          %get3A_193 = arith.index_cast %scan3A_192 : i32 to index
          %get3A_194 = arith.constant 64 : index
          %get3A_195 = tpu.vector_load %arg4[%get3A_193, %get3A_194] {strides = array<i32>} : memref<768x128xf32, #tpu.memory_space<vmem>>, vector<1x16xf32>,
          %get3A_196 = vector.shape_cast %get3A_195 : vector<1x16xf32> to vector<16xf32>
          %bitcast_convert_type3A_197 = tpu.bitcast %get3A_196 : vector<16xf32> -> vector<16xi32>
          %ge3A_198 = arith.cmpi sge, %bitcast_convert_type3A_197, %add3A_99 : vector<16xi32>
          %jit3A_199 = arith.constant 1 : i32
          %jit3A_200 = arith.constant 0 : i32
          %broadcast_in_dim3A_201 = vector.broadcast %jit3A_199 : i32 to vector<16xi32>
          %broadcast_in_dim3A_202 = vector.broadcast %jit3A_200 : i32 to vector<16xi32>
          %select_n3A_203 = arith.select %ge3A_198, %broadcast_in_dim3A_201, %broadcast_in_dim3A_202 : vector<16xi1>, vector<16xi32>
          %add3A_204 = arith.addi %add3A_190, %select_n3A_203 : vector<16xi32>
          %scan3A_205 = arith.constant 7 : i32
          %scan3A_206 = arith.addi %scan3A_110, %scan3A_205 : i32
          %get3A_207 = arith.index_cast %scan3A_206 : i32 to index
          %get3A_208 = arith.constant 64 : index
          %get3A_209 = tpu.vector_load %arg4[%get3A_207, %get3A_208] {strides = array<i32>} : memref<768x128xf32, #tpu.memory_space<vmem>>, vector<1x16xf32>,
          %get3A_210 = vector.shape_cast %get3A_209 : vector<1x16xf32> to vector<16xf32>
          %bitcast_convert_type3A_211 = tpu.bitcast %get3A_210 : vector<16xf32> -> vector<16xi32>
          %ge3A_212 = arith.cmpi sge, %bitcast_convert_type3A_211, %add3A_99 : vector<16xi32>
          %jit3A_213 = arith.constant 1 : i32
          %jit3A_214 = arith.constant 0 : i32
          %broadcast_in_dim3A_215 = vector.broadcast %jit3A_213 : i32 to vector<16xi32>
          %broadcast_in_dim3A_216 = vector.broadcast %jit3A_214 : i32 to vector<16xi32>
          %select_n3A_217 = arith.select %ge3A_212, %broadcast_in_dim3A_215, %broadcast_in_dim3A_216 : vector<16xi1>, vector<16xi32>
          %add3A_218 = arith.addi %add3A_204, %select_n3A_217 : vector<16xi32>
          scf.yield %add3A_218 : vector<16xi32>
        }
        %scan3A_107 = arith.constant 768 : i32
        %ge3A = arith.constant 153 : i32
        %ge3A_108 = vector.broadcast %ge3A : i32 to vector<16xi32>
        %ge3A_109 = arith.cmpi sge, %scan3A_106, %ge3A_108 : vector<16xi32>
        %select_n3A = arith.select %ge3A_109, %add3A_99, %scan3A_95 : vector<16xi1>, vector<16xi32>
        scf.yield %select_n3A : vector<16xi32>
      }
      %scan3A_61 = arith.constant 26 : i32
      %broadcast_in_dim3A_62 = arith.constant -2147483648 : i32
      %broadcast_in_dim3A_63 = vector.broadcast %broadcast_in_dim3A_62 : i32 to vector<16xi32>
      %scan3A_64 = arith.constant 0 : i32
      %scan3A_65 = arith.constant 26 : i32
      %scan3A_66 = arith.addi %scan3A_64, %scan3A_65 : i32
      %scan3A_67 = arith.constant 1 : i32
      %scan3A_68 = scf.for %scan3A_94 = %scan3A_64 to %scan3A_66 step %scan3A_67 iter_args(%scan3A_95 = %broadcast_in_dim3A_63) -> (vector<16xi32>)  : i32 {
        %sub3A = arith.constant 31 : i32
        %sub3A_96 = arith.subi %sub3A, %scan3A_94 : i32
        %shift_left3A = arith.constant 1 : i32
        %shift_left3A_97 = arith.shli %shift_left3A, %sub3A_96 : i32
        %add3A_98 = vector.broadcast %shift_left3A_97 : i32 to vector<16xi32>
        %add3A_99 = arith.addi %scan3A_95, %add3A_98 : vector<16xi32>
        %broadcast_in_dim3A_100 = arith.constant 0 : i32
        %broadcast_in_dim3A_101 = vector.broadcast %broadcast_in_dim3A_100 : i32 to vector<16xi32>
        %scan3A_102 = arith.constant 0 : i32
        %scan3A_103 = arith.constant 768 : i32
        %scan3A_104 = arith.addi %scan3A_102, %scan3A_103 : i32
        %scan3A_105 = arith.constant 8 : i32
        %scan3A_106 = scf.for %scan3A_110 = %scan3A_102 to %scan3A_104 step %scan3A_105 iter_args(%scan3A_111 = %broadcast_in_dim3A_101) -> (vector<16xi32>)  : i32 {
          %get3A = arith.index_cast %scan3A_110 : i32 to index
          %get3A_112 = arith.constant 80 : index
          %get3A_113 = tpu.vector_load %arg4[%get3A, %get3A_112] {strides = array<i32>} : memref<768x128xf32, #tpu.memory_space<vmem>>, vector<1x16xf32>,
          %get3A_114 = vector.shape_cast %get3A_113 : vector<1x16xf32> to vector<16xf32>
          %bitcast_convert_type3A = tpu.bitcast %get3A_114 : vector<16xf32> -> vector<16xi32>
          %ge3A_115 = arith.cmpi sge, %bitcast_convert_type3A, %add3A_99 : vector<16xi32>
          %jit3A = arith.constant 1 : i32
          %jit3A_116 = arith.constant 0 : i32
          %broadcast_in_dim3A_117 = vector.broadcast %jit3A : i32 to vector<16xi32>
          %broadcast_in_dim3A_118 = vector.broadcast %jit3A_116 : i32 to vector<16xi32>
          %select_n3A_119 = arith.select %ge3A_115, %broadcast_in_dim3A_117, %broadcast_in_dim3A_118 : vector<16xi1>, vector<16xi32>
          %add3A_120 = arith.addi %scan3A_111, %select_n3A_119 : vector<16xi32>
          %scan3A_121 = arith.constant 1 : i32
          %scan3A_122 = arith.addi %scan3A_110, %scan3A_121 : i32
          %get3A_123 = arith.index_cast %scan3A_122 : i32 to index
          %get3A_124 = arith.constant 80 : index
          %get3A_125 = tpu.vector_load %arg4[%get3A_123, %get3A_124] {strides = array<i32>} : memref<768x128xf32, #tpu.memory_space<vmem>>, vector<1x16xf32>,
          %get3A_126 = vector.shape_cast %get3A_125 : vector<1x16xf32> to vector<16xf32>
          %bitcast_convert_type3A_127 = tpu.bitcast %get3A_126 : vector<16xf32> -> vector<16xi32>
          %ge3A_128 = arith.cmpi sge, %bitcast_convert_type3A_127, %add3A_99 : vector<16xi32>
          %jit3A_129 = arith.constant 1 : i32
          %jit3A_130 = arith.constant 0 : i32
          %broadcast_in_dim3A_131 = vector.broadcast %jit3A_129 : i32 to vector<16xi32>
          %broadcast_in_dim3A_132 = vector.broadcast %jit3A_130 : i32 to vector<16xi32>
          %select_n3A_133 = arith.select %ge3A_128, %broadcast_in_dim3A_131, %broadcast_in_dim3A_132 : vector<16xi1>, vector<16xi32>
          %add3A_134 = arith.addi %add3A_120, %select_n3A_133 : vector<16xi32>
          %scan3A_135 = arith.constant 2 : i32
          %scan3A_136 = arith.addi %scan3A_110, %scan3A_135 : i32
          %get3A_137 = arith.index_cast %scan3A_136 : i32 to index
          %get3A_138 = arith.constant 80 : index
          %get3A_139 = tpu.vector_load %arg4[%get3A_137, %get3A_138] {strides = array<i32>} : memref<768x128xf32, #tpu.memory_space<vmem>>, vector<1x16xf32>,
          %get3A_140 = vector.shape_cast %get3A_139 : vector<1x16xf32> to vector<16xf32>
          %bitcast_convert_type3A_141 = tpu.bitcast %get3A_140 : vector<16xf32> -> vector<16xi32>
          %ge3A_142 = arith.cmpi sge, %bitcast_convert_type3A_141, %add3A_99 : vector<16xi32>
          %jit3A_143 = arith.constant 1 : i32
          %jit3A_144 = arith.constant 0 : i32
          %broadcast_in_dim3A_145 = vector.broadcast %jit3A_143 : i32 to vector<16xi32>
          %broadcast_in_dim3A_146 = vector.broadcast %jit3A_144 : i32 to vector<16xi32>
          %select_n3A_147 = arith.select %ge3A_142, %broadcast_in_dim3A_145, %broadcast_in_dim3A_146 : vector<16xi1>, vector<16xi32>
          %add3A_148 = arith.addi %add3A_134, %select_n3A_147 : vector<16xi32>
          %scan3A_149 = arith.constant 3 : i32
          %scan3A_150 = arith.addi %scan3A_110, %scan3A_149 : i32
          %get3A_151 = arith.index_cast %scan3A_150 : i32 to index
          %get3A_152 = arith.constant 80 : index
          %get3A_153 = tpu.vector_load %arg4[%get3A_151, %get3A_152] {strides = array<i32>} : memref<768x128xf32, #tpu.memory_space<vmem>>, vector<1x16xf32>,
          %get3A_154 = vector.shape_cast %get3A_153 : vector<1x16xf32> to vector<16xf32>
          %bitcast_convert_type3A_155 = tpu.bitcast %get3A_154 : vector<16xf32> -> vector<16xi32>
          %ge3A_156 = arith.cmpi sge, %bitcast_convert_type3A_155, %add3A_99 : vector<16xi32>
          %jit3A_157 = arith.constant 1 : i32
          %jit3A_158 = arith.constant 0 : i32
          %broadcast_in_dim3A_159 = vector.broadcast %jit3A_157 : i32 to vector<16xi32>
          %broadcast_in_dim3A_160 = vector.broadcast %jit3A_158 : i32 to vector<16xi32>
          %select_n3A_161 = arith.select %ge3A_156, %broadcast_in_dim3A_159, %broadcast_in_dim3A_160 : vector<16xi1>, vector<16xi32>
          %add3A_162 = arith.addi %add3A_148, %select_n3A_161 : vector<16xi32>
          %scan3A_163 = arith.constant 4 : i32
          %scan3A_164 = arith.addi %scan3A_110, %scan3A_163 : i32
          %get3A_165 = arith.index_cast %scan3A_164 : i32 to index
          %get3A_166 = arith.constant 80 : index
          %get3A_167 = tpu.vector_load %arg4[%get3A_165, %get3A_166] {strides = array<i32>} : memref<768x128xf32, #tpu.memory_space<vmem>>, vector<1x16xf32>,
          %get3A_168 = vector.shape_cast %get3A_167 : vector<1x16xf32> to vector<16xf32>
          %bitcast_convert_type3A_169 = tpu.bitcast %get3A_168 : vector<16xf32> -> vector<16xi32>
          %ge3A_170 = arith.cmpi sge, %bitcast_convert_type3A_169, %add3A_99 : vector<16xi32>
          %jit3A_171 = arith.constant 1 : i32
          %jit3A_172 = arith.constant 0 : i32
          %broadcast_in_dim3A_173 = vector.broadcast %jit3A_171 : i32 to vector<16xi32>
          %broadcast_in_dim3A_174 = vector.broadcast %jit3A_172 : i32 to vector<16xi32>
          %select_n3A_175 = arith.select %ge3A_170, %broadcast_in_dim3A_173, %broadcast_in_dim3A_174 : vector<16xi1>, vector<16xi32>
          %add3A_176 = arith.addi %add3A_162, %select_n3A_175 : vector<16xi32>
          %scan3A_177 = arith.constant 5 : i32
          %scan3A_178 = arith.addi %scan3A_110, %scan3A_177 : i32
          %get3A_179 = arith.index_cast %scan3A_178 : i32 to index
          %get3A_180 = arith.constant 80 : index
          %get3A_181 = tpu.vector_load %arg4[%get3A_179, %get3A_180] {strides = array<i32>} : memref<768x128xf32, #tpu.memory_space<vmem>>, vector<1x16xf32>,
          %get3A_182 = vector.shape_cast %get3A_181 : vector<1x16xf32> to vector<16xf32>
          %bitcast_convert_type3A_183 = tpu.bitcast %get3A_182 : vector<16xf32> -> vector<16xi32>
          %ge3A_184 = arith.cmpi sge, %bitcast_convert_type3A_183, %add3A_99 : vector<16xi32>
          %jit3A_185 = arith.constant 1 : i32
          %jit3A_186 = arith.constant 0 : i32
          %broadcast_in_dim3A_187 = vector.broadcast %jit3A_185 : i32 to vector<16xi32>
          %broadcast_in_dim3A_188 = vector.broadcast %jit3A_186 : i32 to vector<16xi32>
          %select_n3A_189 = arith.select %ge3A_184, %broadcast_in_dim3A_187, %broadcast_in_dim3A_188 : vector<16xi1>, vector<16xi32>
          %add3A_190 = arith.addi %add3A_176, %select_n3A_189 : vector<16xi32>
          %scan3A_191 = arith.constant 6 : i32
          %scan3A_192 = arith.addi %scan3A_110, %scan3A_191 : i32
          %get3A_193 = arith.index_cast %scan3A_192 : i32 to index
          %get3A_194 = arith.constant 80 : index
          %get3A_195 = tpu.vector_load %arg4[%get3A_193, %get3A_194] {strides = array<i32>} : memref<768x128xf32, #tpu.memory_space<vmem>>, vector<1x16xf32>,
          %get3A_196 = vector.shape_cast %get3A_195 : vector<1x16xf32> to vector<16xf32>
          %bitcast_convert_type3A_197 = tpu.bitcast %get3A_196 : vector<16xf32> -> vector<16xi32>
          %ge3A_198 = arith.cmpi sge, %bitcast_convert_type3A_197, %add3A_99 : vector<16xi32>
          %jit3A_199 = arith.constant 1 : i32
          %jit3A_200 = arith.constant 0 : i32
          %broadcast_in_dim3A_201 = vector.broadcast %jit3A_199 : i32 to vector<16xi32>
          %broadcast_in_dim3A_202 = vector.broadcast %jit3A_200 : i32 to vector<16xi32>
          %select_n3A_203 = arith.select %ge3A_198, %broadcast_in_dim3A_201, %broadcast_in_dim3A_202 : vector<16xi1>, vector<16xi32>
          %add3A_204 = arith.addi %add3A_190, %select_n3A_203 : vector<16xi32>
          %scan3A_205 = arith.constant 7 : i32
          %scan3A_206 = arith.addi %scan3A_110, %scan3A_205 : i32
          %get3A_207 = arith.index_cast %scan3A_206 : i32 to index
          %get3A_208 = arith.constant 80 : index
          %get3A_209 = tpu.vector_load %arg4[%get3A_207, %get3A_208] {strides = array<i32>} : memref<768x128xf32, #tpu.memory_space<vmem>>, vector<1x16xf32>,
          %get3A_210 = vector.shape_cast %get3A_209 : vector<1x16xf32> to vector<16xf32>
          %bitcast_convert_type3A_211 = tpu.bitcast %get3A_210 : vector<16xf32> -> vector<16xi32>
          %ge3A_212 = arith.cmpi sge, %bitcast_convert_type3A_211, %add3A_99 : vector<16xi32>
          %jit3A_213 = arith.constant 1 : i32
          %jit3A_214 = arith.constant 0 : i32
          %broadcast_in_dim3A_215 = vector.broadcast %jit3A_213 : i32 to vector<16xi32>
          %broadcast_in_dim3A_216 = vector.broadcast %jit3A_214 : i32 to vector<16xi32>
          %select_n3A_217 = arith.select %ge3A_212, %broadcast_in_dim3A_215, %broadcast_in_dim3A_216 : vector<16xi1>, vector<16xi32>
          %add3A_218 = arith.addi %add3A_204, %select_n3A_217 : vector<16xi32>
          scf.yield %add3A_218 : vector<16xi32>
        }
        %scan3A_107 = arith.constant 768 : i32
        %ge3A = arith.constant 153 : i32
        %ge3A_108 = vector.broadcast %ge3A : i32 to vector<16xi32>
        %ge3A_109 = arith.cmpi sge, %scan3A_106, %ge3A_108 : vector<16xi32>
        %select_n3A = arith.select %ge3A_109, %add3A_99, %scan3A_95 : vector<16xi1>, vector<16xi32>
        scf.yield %select_n3A : vector<16xi32>
      }
      %scan3A_69 = arith.constant 26 : i32
      %broadcast_in_dim3A_70 = arith.constant -2147483648 : i32
      %broadcast_in_dim3A_71 = vector.broadcast %broadcast_in_dim3A_70 : i32 to vector<16xi32>
      %scan3A_72 = arith.constant 0 : i32
      %scan3A_73 = arith.constant 26 : i32
      %scan3A_74 = arith.addi %scan3A_72, %scan3A_73 : i32
      %scan3A_75 = arith.constant 1 : i32
      %scan3A_76 = scf.for %scan3A_94 = %scan3A_72 to %scan3A_74 step %scan3A_75 iter_args(%scan3A_95 = %broadcast_in_dim3A_71) -> (vector<16xi32>)  : i32 {
        %sub3A = arith.constant 31 : i32
        %sub3A_96 = arith.subi %sub3A, %scan3A_94 : i32
        %shift_left3A = arith.constant 1 : i32
        %shift_left3A_97 = arith.shli %shift_left3A, %sub3A_96 : i32
        %add3A_98 = vector.broadcast %shift_left3A_97 : i32 to vector<16xi32>
        %add3A_99 = arith.addi %scan3A_95, %add3A_98 : vector<16xi32>
        %broadcast_in_dim3A_100 = arith.constant 0 : i32
        %broadcast_in_dim3A_101 = vector.broadcast %broadcast_in_dim3A_100 : i32 to vector<16xi32>
        %scan3A_102 = arith.constant 0 : i32
        %scan3A_103 = arith.constant 768 : i32
        %scan3A_104 = arith.addi %scan3A_102, %scan3A_103 : i32
        %scan3A_105 = arith.constant 8 : i32
        %scan3A_106 = scf.for %scan3A_110 = %scan3A_102 to %scan3A_104 step %scan3A_105 iter_args(%scan3A_111 = %broadcast_in_dim3A_101) -> (vector<16xi32>)  : i32 {
          %get3A = arith.index_cast %scan3A_110 : i32 to index
          %get3A_112 = arith.constant 96 : index
          %get3A_113 = tpu.vector_load %arg4[%get3A, %get3A_112] {strides = array<i32>} : memref<768x128xf32, #tpu.memory_space<vmem>>, vector<1x16xf32>,
          %get3A_114 = vector.shape_cast %get3A_113 : vector<1x16xf32> to vector<16xf32>
          %bitcast_convert_type3A = tpu.bitcast %get3A_114 : vector<16xf32> -> vector<16xi32>
          %ge3A_115 = arith.cmpi sge, %bitcast_convert_type3A, %add3A_99 : vector<16xi32>
          %jit3A = arith.constant 1 : i32
          %jit3A_116 = arith.constant 0 : i32
          %broadcast_in_dim3A_117 = vector.broadcast %jit3A : i32 to vector<16xi32>
          %broadcast_in_dim3A_118 = vector.broadcast %jit3A_116 : i32 to vector<16xi32>
          %select_n3A_119 = arith.select %ge3A_115, %broadcast_in_dim3A_117, %broadcast_in_dim3A_118 : vector<16xi1>, vector<16xi32>
          %add3A_120 = arith.addi %scan3A_111, %select_n3A_119 : vector<16xi32>
          %scan3A_121 = arith.constant 1 : i32
          %scan3A_122 = arith.addi %scan3A_110, %scan3A_121 : i32
          %get3A_123 = arith.index_cast %scan3A_122 : i32 to index
          %get3A_124 = arith.constant 96 : index
          %get3A_125 = tpu.vector_load %arg4[%get3A_123, %get3A_124] {strides = array<i32>} : memref<768x128xf32, #tpu.memory_space<vmem>>, vector<1x16xf32>,
          %get3A_126 = vector.shape_cast %get3A_125 : vector<1x16xf32> to vector<16xf32>
          %bitcast_convert_type3A_127 = tpu.bitcast %get3A_126 : vector<16xf32> -> vector<16xi32>
          %ge3A_128 = arith.cmpi sge, %bitcast_convert_type3A_127, %add3A_99 : vector<16xi32>
          %jit3A_129 = arith.constant 1 : i32
          %jit3A_130 = arith.constant 0 : i32
          %broadcast_in_dim3A_131 = vector.broadcast %jit3A_129 : i32 to vector<16xi32>
          %broadcast_in_dim3A_132 = vector.broadcast %jit3A_130 : i32 to vector<16xi32>
          %select_n3A_133 = arith.select %ge3A_128, %broadcast_in_dim3A_131, %broadcast_in_dim3A_132 : vector<16xi1>, vector<16xi32>
          %add3A_134 = arith.addi %add3A_120, %select_n3A_133 : vector<16xi32>
          %scan3A_135 = arith.constant 2 : i32
          %scan3A_136 = arith.addi %scan3A_110, %scan3A_135 : i32
          %get3A_137 = arith.index_cast %scan3A_136 : i32 to index
          %get3A_138 = arith.constant 96 : index
          %get3A_139 = tpu.vector_load %arg4[%get3A_137, %get3A_138] {strides = array<i32>} : memref<768x128xf32, #tpu.memory_space<vmem>>, vector<1x16xf32>,
          %get3A_140 = vector.shape_cast %get3A_139 : vector<1x16xf32> to vector<16xf32>
          %bitcast_convert_type3A_141 = tpu.bitcast %get3A_140 : vector<16xf32> -> vector<16xi32>
          %ge3A_142 = arith.cmpi sge, %bitcast_convert_type3A_141, %add3A_99 : vector<16xi32>
          %jit3A_143 = arith.constant 1 : i32
          %jit3A_144 = arith.constant 0 : i32
          %broadcast_in_dim3A_145 = vector.broadcast %jit3A_143 : i32 to vector<16xi32>
          %broadcast_in_dim3A_146 = vector.broadcast %jit3A_144 : i32 to vector<16xi32>
          %select_n3A_147 = arith.select %ge3A_142, %broadcast_in_dim3A_145, %broadcast_in_dim3A_146 : vector<16xi1>, vector<16xi32>
          %add3A_148 = arith.addi %add3A_134, %select_n3A_147 : vector<16xi32>
          %scan3A_149 = arith.constant 3 : i32
          %scan3A_150 = arith.addi %scan3A_110, %scan3A_149 : i32
          %get3A_151 = arith.index_cast %scan3A_150 : i32 to index
          %get3A_152 = arith.constant 96 : index
          %get3A_153 = tpu.vector_load %arg4[%get3A_151, %get3A_152] {strides = array<i32>} : memref<768x128xf32, #tpu.memory_space<vmem>>, vector<1x16xf32>,
          %get3A_154 = vector.shape_cast %get3A_153 : vector<1x16xf32> to vector<16xf32>
          %bitcast_convert_type3A_155 = tpu.bitcast %get3A_154 : vector<16xf32> -> vector<16xi32>
          %ge3A_156 = arith.cmpi sge, %bitcast_convert_type3A_155, %add3A_99 : vector<16xi32>
          %jit3A_157 = arith.constant 1 : i32
          %jit3A_158 = arith.constant 0 : i32
          %broadcast_in_dim3A_159 = vector.broadcast %jit3A_157 : i32 to vector<16xi32>
          %broadcast_in_dim3A_160 = vector.broadcast %jit3A_158 : i32 to vector<16xi32>
          %select_n3A_161 = arith.select %ge3A_156, %broadcast_in_dim3A_159, %broadcast_in_dim3A_160 : vector<16xi1>, vector<16xi32>
          %add3A_162 = arith.addi %add3A_148, %select_n3A_161 : vector<16xi32>
          %scan3A_163 = arith.constant 4 : i32
          %scan3A_164 = arith.addi %scan3A_110, %scan3A_163 : i32
          %get3A_165 = arith.index_cast %scan3A_164 : i32 to index
          %get3A_166 = arith.constant 96 : index
          %get3A_167 = tpu.vector_load %arg4[%get3A_165, %get3A_166] {strides = array<i32>} : memref<768x128xf32, #tpu.memory_space<vmem>>, vector<1x16xf32>,
          %get3A_168 = vector.shape_cast %get3A_167 : vector<1x16xf32> to vector<16xf32>
          %bitcast_convert_type3A_169 = tpu.bitcast %get3A_168 : vector<16xf32> -> vector<16xi32>
          %ge3A_170 = arith.cmpi sge, %bitcast_convert_type3A_169, %add3A_99 : vector<16xi32>
          %jit3A_171 = arith.constant 1 : i32
          %jit3A_172 = arith.constant 0 : i32
          %broadcast_in_dim3A_173 = vector.broadcast %jit3A_171 : i32 to vector<16xi32>
          %broadcast_in_dim3A_174 = vector.broadcast %jit3A_172 : i32 to vector<16xi32>
          %select_n3A_175 = arith.select %ge3A_170, %broadcast_in_dim3A_173, %broadcast_in_dim3A_174 : vector<16xi1>, vector<16xi32>
          %add3A_176 = arith.addi %add3A_162, %select_n3A_175 : vector<16xi32>
          %scan3A_177 = arith.constant 5 : i32
          %scan3A_178 = arith.addi %scan3A_110, %scan3A_177 : i32
          %get3A_179 = arith.index_cast %scan3A_178 : i32 to index
          %get3A_180 = arith.constant 96 : index
          %get3A_181 = tpu.vector_load %arg4[%get3A_179, %get3A_180] {strides = array<i32>} : memref<768x128xf32, #tpu.memory_space<vmem>>, vector<1x16xf32>,
          %get3A_182 = vector.shape_cast %get3A_181 : vector<1x16xf32> to vector<16xf32>
          %bitcast_convert_type3A_183 = tpu.bitcast %get3A_182 : vector<16xf32> -> vector<16xi32>
          %ge3A_184 = arith.cmpi sge, %bitcast_convert_type3A_183, %add3A_99 : vector<16xi32>
          %jit3A_185 = arith.constant 1 : i32
          %jit3A_186 = arith.constant 0 : i32
          %broadcast_in_dim3A_187 = vector.broadcast %jit3A_185 : i32 to vector<16xi32>
          %broadcast_in_dim3A_188 = vector.broadcast %jit3A_186 : i32 to vector<16xi32>
          %select_n3A_189 = arith.select %ge3A_184, %broadcast_in_dim3A_187, %broadcast_in_dim3A_188 : vector<16xi1>, vector<16xi32>
          %add3A_190 = arith.addi %add3A_176, %select_n3A_189 : vector<16xi32>
          %scan3A_191 = arith.constant 6 : i32
          %scan3A_192 = arith.addi %scan3A_110, %scan3A_191 : i32
          %get3A_193 = arith.index_cast %scan3A_192 : i32 to index
          %get3A_194 = arith.constant 96 : index
          %get3A_195 = tpu.vector_load %arg4[%get3A_193, %get3A_194] {strides = array<i32>} : memref<768x128xf32, #tpu.memory_space<vmem>>, vector<1x16xf32>,
          %get3A_196 = vector.shape_cast %get3A_195 : vector<1x16xf32> to vector<16xf32>
          %bitcast_convert_type3A_197 = tpu.bitcast %get3A_196 : vector<16xf32> -> vector<16xi32>
          %ge3A_198 = arith.cmpi sge, %bitcast_convert_type3A_197, %add3A_99 : vector<16xi32>
          %jit3A_199 = arith.constant 1 : i32
          %jit3A_200 = arith.constant 0 : i32
          %broadcast_in_dim3A_201 = vector.broadcast %jit3A_199 : i32 to vector<16xi32>
          %broadcast_in_dim3A_202 = vector.broadcast %jit3A_200 : i32 to vector<16xi32>
          %select_n3A_203 = arith.select %ge3A_198, %broadcast_in_dim3A_201, %broadcast_in_dim3A_202 : vector<16xi1>, vector<16xi32>
          %add3A_204 = arith.addi %add3A_190, %select_n3A_203 : vector<16xi32>
          %scan3A_205 = arith.constant 7 : i32
          %scan3A_206 = arith.addi %scan3A_110, %scan3A_205 : i32
          %get3A_207 = arith.index_cast %scan3A_206 : i32 to index
          %get3A_208 = arith.constant 96 : index
          %get3A_209 = tpu.vector_load %arg4[%get3A_207, %get3A_208] {strides = array<i32>} : memref<768x128xf32, #tpu.memory_space<vmem>>, vector<1x16xf32>,
          %get3A_210 = vector.shape_cast %get3A_209 : vector<1x16xf32> to vector<16xf32>
          %bitcast_convert_type3A_211 = tpu.bitcast %get3A_210 : vector<16xf32> -> vector<16xi32>
          %ge3A_212 = arith.cmpi sge, %bitcast_convert_type3A_211, %add3A_99 : vector<16xi32>
          %jit3A_213 = arith.constant 1 : i32
          %jit3A_214 = arith.constant 0 : i32
          %broadcast_in_dim3A_215 = vector.broadcast %jit3A_213 : i32 to vector<16xi32>
          %broadcast_in_dim3A_216 = vector.broadcast %jit3A_214 : i32 to vector<16xi32>
          %select_n3A_217 = arith.select %ge3A_212, %broadcast_in_dim3A_215, %broadcast_in_dim3A_216 : vector<16xi1>, vector<16xi32>
          %add3A_218 = arith.addi %add3A_204, %select_n3A_217 : vector<16xi32>
          scf.yield %add3A_218 : vector<16xi32>
        }
        %scan3A_107 = arith.constant 768 : i32
        %ge3A = arith.constant 153 : i32
        %ge3A_108 = vector.broadcast %ge3A : i32 to vector<16xi32>
        %ge3A_109 = arith.cmpi sge, %scan3A_106, %ge3A_108 : vector<16xi32>
        %select_n3A = arith.select %ge3A_109, %add3A_99, %scan3A_95 : vector<16xi1>, vector<16xi32>
        scf.yield %select_n3A : vector<16xi32>
      }
      %scan3A_77 = arith.constant 26 : i32
      %broadcast_in_dim3A_78 = arith.constant -2147483648 : i32
      %broadcast_in_dim3A_79 = vector.broadcast %broadcast_in_dim3A_78 : i32 to vector<16xi32>
      %scan3A_80 = arith.constant 0 : i32
      %scan3A_81 = arith.constant 26 : i32
      %scan3A_82 = arith.addi %scan3A_80, %scan3A_81 : i32
      %scan3A_83 = arith.constant 1 : i32
      %scan3A_84 = scf.for %scan3A_94 = %scan3A_80 to %scan3A_82 step %scan3A_83 iter_args(%scan3A_95 = %broadcast_in_dim3A_79) -> (vector<16xi32>)  : i32 {
        %sub3A = arith.constant 31 : i32
        %sub3A_96 = arith.subi %sub3A, %scan3A_94 : i32
        %shift_left3A = arith.constant 1 : i32
        %shift_left3A_97 = arith.shli %shift_left3A, %sub3A_96 : i32
        %add3A_98 = vector.broadcast %shift_left3A_97 : i32 to vector<16xi32>
        %add3A_99 = arith.addi %scan3A_95, %add3A_98 : vector<16xi32>
        %broadcast_in_dim3A_100 = arith.constant 0 : i32
        %broadcast_in_dim3A_101 = vector.broadcast %broadcast_in_dim3A_100 : i32 to vector<16xi32>
        %scan3A_102 = arith.constant 0 : i32
        %scan3A_103 = arith.constant 768 : i32
        %scan3A_104 = arith.addi %scan3A_102, %scan3A_103 : i32
        %scan3A_105 = arith.constant 8 : i32
        %scan3A_106 = scf.for %scan3A_110 = %scan3A_102 to %scan3A_104 step %scan3A_105 iter_args(%scan3A_111 = %broadcast_in_dim3A_101) -> (vector<16xi32>)  : i32 {
          %get3A = arith.index_cast %scan3A_110 : i32 to index
          %get3A_112 = arith.constant 112 : index
          %get3A_113 = tpu.vector_load %arg4[%get3A, %get3A_112] {strides = array<i32>} : memref<768x128xf32, #tpu.memory_space<vmem>>, vector<1x16xf32>,
          %get3A_114 = vector.shape_cast %get3A_113 : vector<1x16xf32> to vector<16xf32>
          %bitcast_convert_type3A = tpu.bitcast %get3A_114 : vector<16xf32> -> vector<16xi32>
          %ge3A_115 = arith.cmpi sge, %bitcast_convert_type3A, %add3A_99 : vector<16xi32>
          %jit3A = arith.constant 1 : i32
          %jit3A_116 = arith.constant 0 : i32
          %broadcast_in_dim3A_117 = vector.broadcast %jit3A : i32 to vector<16xi32>
          %broadcast_in_dim3A_118 = vector.broadcast %jit3A_116 : i32 to vector<16xi32>
          %select_n3A_119 = arith.select %ge3A_115, %broadcast_in_dim3A_117, %broadcast_in_dim3A_118 : vector<16xi1>, vector<16xi32>
          %add3A_120 = arith.addi %scan3A_111, %select_n3A_119 : vector<16xi32>
          %scan3A_121 = arith.constant 1 : i32
          %scan3A_122 = arith.addi %scan3A_110, %scan3A_121 : i32
          %get3A_123 = arith.index_cast %scan3A_122 : i32 to index
          %get3A_124 = arith.constant 112 : index
          %get3A_125 = tpu.vector_load %arg4[%get3A_123, %get3A_124] {strides = array<i32>} : memref<768x128xf32, #tpu.memory_space<vmem>>, vector<1x16xf32>,
          %get3A_126 = vector.shape_cast %get3A_125 : vector<1x16xf32> to vector<16xf32>
          %bitcast_convert_type3A_127 = tpu.bitcast %get3A_126 : vector<16xf32> -> vector<16xi32>
          %ge3A_128 = arith.cmpi sge, %bitcast_convert_type3A_127, %add3A_99 : vector<16xi32>
          %jit3A_129 = arith.constant 1 : i32
          %jit3A_130 = arith.constant 0 : i32
          %broadcast_in_dim3A_131 = vector.broadcast %jit3A_129 : i32 to vector<16xi32>
          %broadcast_in_dim3A_132 = vector.broadcast %jit3A_130 : i32 to vector<16xi32>
          %select_n3A_133 = arith.select %ge3A_128, %broadcast_in_dim3A_131, %broadcast_in_dim3A_132 : vector<16xi1>, vector<16xi32>
          %add3A_134 = arith.addi %add3A_120, %select_n3A_133 : vector<16xi32>
          %scan3A_135 = arith.constant 2 : i32
          %scan3A_136 = arith.addi %scan3A_110, %scan3A_135 : i32
          %get3A_137 = arith.index_cast %scan3A_136 : i32 to index
          %get3A_138 = arith.constant 112 : index
          %get3A_139 = tpu.vector_load %arg4[%get3A_137, %get3A_138] {strides = array<i32>} : memref<768x128xf32, #tpu.memory_space<vmem>>, vector<1x16xf32>,
          %get3A_140 = vector.shape_cast %get3A_139 : vector<1x16xf32> to vector<16xf32>
          %bitcast_convert_type3A_141 = tpu.bitcast %get3A_140 : vector<16xf32> -> vector<16xi32>
          %ge3A_142 = arith.cmpi sge, %bitcast_convert_type3A_141, %add3A_99 : vector<16xi32>
          %jit3A_143 = arith.constant 1 : i32
          %jit3A_144 = arith.constant 0 : i32
          %broadcast_in_dim3A_145 = vector.broadcast %jit3A_143 : i32 to vector<16xi32>
          %broadcast_in_dim3A_146 = vector.broadcast %jit3A_144 : i32 to vector<16xi32>
          %select_n3A_147 = arith.select %ge3A_142, %broadcast_in_dim3A_145, %broadcast_in_dim3A_146 : vector<16xi1>, vector<16xi32>
          %add3A_148 = arith.addi %add3A_134, %select_n3A_147 : vector<16xi32>
          %scan3A_149 = arith.constant 3 : i32
          %scan3A_150 = arith.addi %scan3A_110, %scan3A_149 : i32
          %get3A_151 = arith.index_cast %scan3A_150 : i32 to index
          %get3A_152 = arith.constant 112 : index
          %get3A_153 = tpu.vector_load %arg4[%get3A_151, %get3A_152] {strides = array<i32>} : memref<768x128xf32, #tpu.memory_space<vmem>>, vector<1x16xf32>,
          %get3A_154 = vector.shape_cast %get3A_153 : vector<1x16xf32> to vector<16xf32>
          %bitcast_convert_type3A_155 = tpu.bitcast %get3A_154 : vector<16xf32> -> vector<16xi32>
          %ge3A_156 = arith.cmpi sge, %bitcast_convert_type3A_155, %add3A_99 : vector<16xi32>
          %jit3A_157 = arith.constant 1 : i32
          %jit3A_158 = arith.constant 0 : i32
          %broadcast_in_dim3A_159 = vector.broadcast %jit3A_157 : i32 to vector<16xi32>
          %broadcast_in_dim3A_160 = vector.broadcast %jit3A_158 : i32 to vector<16xi32>
          %select_n3A_161 = arith.select %ge3A_156, %broadcast_in_dim3A_159, %broadcast_in_dim3A_160 : vector<16xi1>, vector<16xi32>
          %add3A_162 = arith.addi %add3A_148, %select_n3A_161 : vector<16xi32>
          %scan3A_163 = arith.constant 4 : i32
          %scan3A_164 = arith.addi %scan3A_110, %scan3A_163 : i32
          %get3A_165 = arith.index_cast %scan3A_164 : i32 to index
          %get3A_166 = arith.constant 112 : index
          %get3A_167 = tpu.vector_load %arg4[%get3A_165, %get3A_166] {strides = array<i32>} : memref<768x128xf32, #tpu.memory_space<vmem>>, vector<1x16xf32>,
          %get3A_168 = vector.shape_cast %get3A_167 : vector<1x16xf32> to vector<16xf32>
          %bitcast_convert_type3A_169 = tpu.bitcast %get3A_168 : vector<16xf32> -> vector<16xi32>
          %ge3A_170 = arith.cmpi sge, %bitcast_convert_type3A_169, %add3A_99 : vector<16xi32>
          %jit3A_171 = arith.constant 1 : i32
          %jit3A_172 = arith.constant 0 : i32
          %broadcast_in_dim3A_173 = vector.broadcast %jit3A_171 : i32 to vector<16xi32>
          %broadcast_in_dim3A_174 = vector.broadcast %jit3A_172 : i32 to vector<16xi32>
          %select_n3A_175 = arith.select %ge3A_170, %broadcast_in_dim3A_173, %broadcast_in_dim3A_174 : vector<16xi1>, vector<16xi32>
          %add3A_176 = arith.addi %add3A_162, %select_n3A_175 : vector<16xi32>
          %scan3A_177 = arith.constant 5 : i32
          %scan3A_178 = arith.addi %scan3A_110, %scan3A_177 : i32
          %get3A_179 = arith.index_cast %scan3A_178 : i32 to index
          %get3A_180 = arith.constant 112 : index
          %get3A_181 = tpu.vector_load %arg4[%get3A_179, %get3A_180] {strides = array<i32>} : memref<768x128xf32, #tpu.memory_space<vmem>>, vector<1x16xf32>,
          %get3A_182 = vector.shape_cast %get3A_181 : vector<1x16xf32> to vector<16xf32>
          %bitcast_convert_type3A_183 = tpu.bitcast %get3A_182 : vector<16xf32> -> vector<16xi32>
          %ge3A_184 = arith.cmpi sge, %bitcast_convert_type3A_183, %add3A_99 : vector<16xi32>
          %jit3A_185 = arith.constant 1 : i32
          %jit3A_186 = arith.constant 0 : i32
          %broadcast_in_dim3A_187 = vector.broadcast %jit3A_185 : i32 to vector<16xi32>
          %broadcast_in_dim3A_188 = vector.broadcast %jit3A_186 : i32 to vector<16xi32>
          %select_n3A_189 = arith.select %ge3A_184, %broadcast_in_dim3A_187, %broadcast_in_dim3A_188 : vector<16xi1>, vector<16xi32>
          %add3A_190 = arith.addi %add3A_176, %select_n3A_189 : vector<16xi32>
          %scan3A_191 = arith.constant 6 : i32
          %scan3A_192 = arith.addi %scan3A_110, %scan3A_191 : i32
          %get3A_193 = arith.index_cast %scan3A_192 : i32 to index
          %get3A_194 = arith.constant 112 : index
          %get3A_195 = tpu.vector_load %arg4[%get3A_193, %get3A_194] {strides = array<i32>} : memref<768x128xf32, #tpu.memory_space<vmem>>, vector<1x16xf32>,
          %get3A_196 = vector.shape_cast %get3A_195 : vector<1x16xf32> to vector<16xf32>
          %bitcast_convert_type3A_197 = tpu.bitcast %get3A_196 : vector<16xf32> -> vector<16xi32>
          %ge3A_198 = arith.cmpi sge, %bitcast_convert_type3A_197, %add3A_99 : vector<16xi32>
          %jit3A_199 = arith.constant 1 : i32
          %jit3A_200 = arith.constant 0 : i32
          %broadcast_in_dim3A_201 = vector.broadcast %jit3A_199 : i32 to vector<16xi32>
          %broadcast_in_dim3A_202 = vector.broadcast %jit3A_200 : i32 to vector<16xi32>
          %select_n3A_203 = arith.select %ge3A_198, %broadcast_in_dim3A_201, %broadcast_in_dim3A_202 : vector<16xi1>, vector<16xi32>
          %add3A_204 = arith.addi %add3A_190, %select_n3A_203 : vector<16xi32>
          %scan3A_205 = arith.constant 7 : i32
          %scan3A_206 = arith.addi %scan3A_110, %scan3A_205 : i32
          %get3A_207 = arith.index_cast %scan3A_206 : i32 to index
          %get3A_208 = arith.constant 112 : index
          %get3A_209 = tpu.vector_load %arg4[%get3A_207, %get3A_208] {strides = array<i32>} : memref<768x128xf32, #tpu.memory_space<vmem>>, vector<1x16xf32>,
          %get3A_210 = vector.shape_cast %get3A_209 : vector<1x16xf32> to vector<16xf32>
          %bitcast_convert_type3A_211 = tpu.bitcast %get3A_210 : vector<16xf32> -> vector<16xi32>
          %ge3A_212 = arith.cmpi sge, %bitcast_convert_type3A_211, %add3A_99 : vector<16xi32>
          %jit3A_213 = arith.constant 1 : i32
          %jit3A_214 = arith.constant 0 : i32
          %broadcast_in_dim3A_215 = vector.broadcast %jit3A_213 : i32 to vector<16xi32>
          %broadcast_in_dim3A_216 = vector.broadcast %jit3A_214 : i32 to vector<16xi32>
          %select_n3A_217 = arith.select %ge3A_212, %broadcast_in_dim3A_215, %broadcast_in_dim3A_216 : vector<16xi1>, vector<16xi32>
          %add3A_218 = arith.addi %add3A_204, %select_n3A_217 : vector<16xi32>
          scf.yield %add3A_218 : vector<16xi32>
        }
        %scan3A_107 = arith.constant 768 : i32
        %ge3A = arith.constant 153 : i32
        %ge3A_108 = vector.broadcast %ge3A : i32 to vector<16xi32>
        %ge3A_109 = arith.cmpi sge, %scan3A_106, %ge3A_108 : vector<16xi32>
        %select_n3A = arith.select %ge3A_109, %add3A_99, %scan3A_95 : vector<16xi1>, vector<16xi32>
        scf.yield %select_n3A : vector<16xi32>
      }
      %scan3A_85 = arith.constant 26 : i32
      %scan3A_86 = arith.constant 0 : i32
      %scan3A_87 = arith.constant 0 : i32
      %scan3A_88 = arith.constant 768 : i32
      %scan3A_89 = arith.addi %scan3A_87, %scan3A_88 : i32
      %scan3A_90 = arith.constant 4 : i32
      %scan3A_91 = scf.for %scan3A_94 = %scan3A_87 to %scan3A_89 step %scan3A_90 iter_args(%scan3A_95 = %scan3A_86) -> (i32)  : i32 {
        %get3A = arith.index_cast %scan3A_94 : i32 to index
        %get3A_96 = arith.constant 0 : index
        %get3A_97 = tpu.vector_load %arg4[%get3A, %get3A_96] {strides = array<i32>} : memref<768x128xf32, #tpu.memory_space<vmem>>, vector<1x16xf32>,
        %get3A_98 = vector.shape_cast %get3A_97 : vector<1x16xf32> to vector<16xf32>
        %bitcast_convert_type3A = tpu.bitcast %get3A_98 : vector<16xf32> -> vector<16xi32>
        %ge3A = arith.constant 0 : i32
        %ge3A_99 = vector.broadcast %ge3A : i32 to vector<16xi32>
        %ge3A_100 = arith.cmpi sge, %bitcast_convert_type3A, %ge3A_99 : vector<16xi32>
        %xor3A = arith.constant 2147483647 : i32
        %xor3A_101 = vector.broadcast %xor3A : i32 to vector<16xi32>
        %xor3A_102 = arith.xori %bitcast_convert_type3A, %xor3A_101 : vector<16xi32>
        %select_n3A = arith.select %ge3A_100, %bitcast_convert_type3A, %xor3A_102 : vector<16xi1>, vector<16xi32>
        %bitcast_convert_type3A_103 = tpu.bitcast %select_n3A : vector<16xi32> -> vector<16xf32>
        %ge3A_104 = arith.cmpi sge, %bitcast_convert_type3A, %scan3A_28 : vector<16xi32>
        %jit3A = arith.constant 0.000000e+00 : f32
        %broadcast_in_dim3A_105 = vector.broadcast %jit3A : f32 to vector<16xf32>
        %select_n3A_106 = arith.select %ge3A_104, %bitcast_convert_type3A_103, %broadcast_in_dim3A_105 : vector<16xi1>, vector<16xf32>
        %swap3A = arith.index_cast %scan3A_94 : i32 to index
        %swap3A_107 = arith.constant 0 : index
        %swap3A_108 = tpu.vector_load %arg4[%swap3A, %swap3A_107] {strides = array<i32>} : memref<768x128xf32, #tpu.memory_space<vmem>>, vector<1x16xf32>,
        %swap3A_109 = vector.shape_cast %swap3A_108 : vector<1x16xf32> to vector<16xf32>
        %swap3A_110 = vector.shape_cast %select_n3A_106 : vector<16xf32> to vector<1x16xf32>
        tpu.vector_store %arg4[%swap3A, %swap3A_107], %swap3A_110 {strides = array<i32>} : memref<768x128xf32, #tpu.memory_space<vmem>>, vector<1x16xf32>,
        %get3A_111 = arith.index_cast %scan3A_94 : i32 to index
        %get3A_112 = arith.constant 16 : index
        %get3A_113 = tpu.vector_load %arg4[%get3A_111, %get3A_112] {strides = array<i32>} : memref<768x128xf32, #tpu.memory_space<vmem>>, vector<1x16xf32>,
        %get3A_114 = vector.shape_cast %get3A_113 : vector<1x16xf32> to vector<16xf32>
        %bitcast_convert_type3A_115 = tpu.bitcast %get3A_114 : vector<16xf32> -> vector<16xi32>
        %ge3A_116 = arith.constant 0 : i32
        %ge3A_117 = vector.broadcast %ge3A_116 : i32 to vector<16xi32>
        %ge3A_118 = arith.cmpi sge, %bitcast_convert_type3A_115, %ge3A_117 : vector<16xi32>
        %xor3A_119 = arith.constant 2147483647 : i32
        %xor3A_120 = vector.broadcast %xor3A_119 : i32 to vector<16xi32>
        %xor3A_121 = arith.xori %bitcast_convert_type3A_115, %xor3A_120 : vector<16xi32>
        %select_n3A_122 = arith.select %ge3A_118, %bitcast_convert_type3A_115, %xor3A_121 : vector<16xi1>, vector<16xi32>
        %bitcast_convert_type3A_123 = tpu.bitcast %select_n3A_122 : vector<16xi32> -> vector<16xf32>
        %ge3A_124 = arith.cmpi sge, %bitcast_convert_type3A_115, %scan3A_36 : vector<16xi32>
        %jit3A_125 = arith.constant 0.000000e+00 : f32
        %broadcast_in_dim3A_126 = vector.broadcast %jit3A_125 : f32 to vector<16xf32>
        %select_n3A_127 = arith.select %ge3A_124, %bitcast_convert_type3A_123, %broadcast_in_dim3A_126 : vector<16xi1>, vector<16xf32>
        %swap3A_128 = arith.index_cast %scan3A_94 : i32 to index
        %swap3A_129 = arith.constant 16 : index
        %swap3A_130 = tpu.vector_load %arg4[%swap3A_128, %swap3A_129] {strides = array<i32>} : memref<768x128xf32, #tpu.memory_space<vmem>>, vector<1x16xf32>,
        %swap3A_131 = vector.shape_cast %swap3A_130 : vector<1x16xf32> to vector<16xf32>
        %swap3A_132 = vector.shape_cast %select_n3A_127 : vector<16xf32> to vector<1x16xf32>
        tpu.vector_store %arg4[%swap3A_128, %swap3A_129], %swap3A_132 {strides = array<i32>} : memref<768x128xf32, #tpu.memory_space<vmem>>, vector<1x16xf32>,
        %get3A_133 = arith.index_cast %scan3A_94 : i32 to index
        %get3A_134 = arith.constant 32 : index
        %get3A_135 = tpu.vector_load %arg4[%get3A_133, %get3A_134] {strides = array<i32>} : memref<768x128xf32, #tpu.memory_space<vmem>>, vector<1x16xf32>,
        %get3A_136 = vector.shape_cast %get3A_135 : vector<1x16xf32> to vector<16xf32>
        %bitcast_convert_type3A_137 = tpu.bitcast %get3A_136 : vector<16xf32> -> vector<16xi32>
        %ge3A_138 = arith.constant 0 : i32
        %ge3A_139 = vector.broadcast %ge3A_138 : i32 to vector<16xi32>
        %ge3A_140 = arith.cmpi sge, %bitcast_convert_type3A_137, %ge3A_139 : vector<16xi32>
        %xor3A_141 = arith.constant 2147483647 : i32
        %xor3A_142 = vector.broadcast %xor3A_141 : i32 to vector<16xi32>
        %xor3A_143 = arith.xori %bitcast_convert_type3A_137, %xor3A_142 : vector<16xi32>
        %select_n3A_144 = arith.select %ge3A_140, %bitcast_convert_type3A_137, %xor3A_143 : vector<16xi1>, vector<16xi32>
        %bitcast_convert_type3A_145 = tpu.bitcast %select_n3A_144 : vector<16xi32> -> vector<16xf32>
        %ge3A_146 = arith.cmpi sge, %bitcast_convert_type3A_137, %scan3A_44 : vector<16xi32>
        %jit3A_147 = arith.constant 0.000000e+00 : f32
        %broadcast_in_dim3A_148 = vector.broadcast %jit3A_147 : f32 to vector<16xf32>
        %select_n3A_149 = arith.select %ge3A_146, %bitcast_convert_type3A_145, %broadcast_in_dim3A_148 : vector<16xi1>, vector<16xf32>
        %swap3A_150 = arith.index_cast %scan3A_94 : i32 to index
        %swap3A_151 = arith.constant 32 : index
        %swap3A_152 = tpu.vector_load %arg4[%swap3A_150, %swap3A_151] {strides = array<i32>} : memref<768x128xf32, #tpu.memory_space<vmem>>, vector<1x16xf32>,
        %swap3A_153 = vector.shape_cast %swap3A_152 : vector<1x16xf32> to vector<16xf32>
        %swap3A_154 = vector.shape_cast %select_n3A_149 : vector<16xf32> to vector<1x16xf32>
        tpu.vector_store %arg4[%swap3A_150, %swap3A_151], %swap3A_154 {strides = array<i32>} : memref<768x128xf32, #tpu.memory_space<vmem>>, vector<1x16xf32>,
        %get3A_155 = arith.index_cast %scan3A_94 : i32 to index
        %get3A_156 = arith.constant 48 : index
        %get3A_157 = tpu.vector_load %arg4[%get3A_155, %get3A_156] {strides = array<i32>} : memref<768x128xf32, #tpu.memory_space<vmem>>, vector<1x16xf32>,
        %get3A_158 = vector.shape_cast %get3A_157 : vector<1x16xf32> to vector<16xf32>
        %bitcast_convert_type3A_159 = tpu.bitcast %get3A_158 : vector<16xf32> -> vector<16xi32>
        %ge3A_160 = arith.constant 0 : i32
        %ge3A_161 = vector.broadcast %ge3A_160 : i32 to vector<16xi32>
        %ge3A_162 = arith.cmpi sge, %bitcast_convert_type3A_159, %ge3A_161 : vector<16xi32>
        %xor3A_163 = arith.constant 2147483647 : i32
        %xor3A_164 = vector.broadcast %xor3A_163 : i32 to vector<16xi32>
        %xor3A_165 = arith.xori %bitcast_convert_type3A_159, %xor3A_164 : vector<16xi32>
        %select_n3A_166 = arith.select %ge3A_162, %bitcast_convert_type3A_159, %xor3A_165 : vector<16xi1>, vector<16xi32>
        %bitcast_convert_type3A_167 = tpu.bitcast %select_n3A_166 : vector<16xi32> -> vector<16xf32>
        %ge3A_168 = arith.cmpi sge, %bitcast_convert_type3A_159, %scan3A_52 : vector<16xi32>
        %jit3A_169 = arith.constant 0.000000e+00 : f32
        %broadcast_in_dim3A_170 = vector.broadcast %jit3A_169 : f32 to vector<16xf32>
        %select_n3A_171 = arith.select %ge3A_168, %bitcast_convert_type3A_167, %broadcast_in_dim3A_170 : vector<16xi1>, vector<16xf32>
        %swap3A_172 = arith.index_cast %scan3A_94 : i32 to index
        %swap3A_173 = arith.constant 48 : index
        %swap3A_174 = tpu.vector_load %arg4[%swap3A_172, %swap3A_173] {strides = array<i32>} : memref<768x128xf32, #tpu.memory_space<vmem>>, vector<1x16xf32>,
        %swap3A_175 = vector.shape_cast %swap3A_174 : vector<1x16xf32> to vector<16xf32>
        %swap3A_176 = vector.shape_cast %select_n3A_171 : vector<16xf32> to vector<1x16xf32>
        tpu.vector_store %arg4[%swap3A_172, %swap3A_173], %swap3A_176 {strides = array<i32>} : memref<768x128xf32, #tpu.memory_space<vmem>>, vector<1x16xf32>,
        %get3A_177 = arith.index_cast %scan3A_94 : i32 to index
        %get3A_178 = arith.constant 64 : index
        %get3A_179 = tpu.vector_load %arg4[%get3A_177, %get3A_178] {strides = array<i32>} : memref<768x128xf32, #tpu.memory_space<vmem>>, vector<1x16xf32>,
        %get3A_180 = vector.shape_cast %get3A_179 : vector<1x16xf32> to vector<16xf32>
        %bitcast_convert_type3A_181 = tpu.bitcast %get3A_180 : vector<16xf32> -> vector<16xi32>
        %ge3A_182 = arith.constant 0 : i32
        %ge3A_183 = vector.broadcast %ge3A_182 : i32 to vector<16xi32>
        %ge3A_184 = arith.cmpi sge, %bitcast_convert_type3A_181, %ge3A_183 : vector<16xi32>
        %xor3A_185 = arith.constant 2147483647 : i32
        %xor3A_186 = vector.broadcast %xor3A_185 : i32 to vector<16xi32>
        %xor3A_187 = arith.xori %bitcast_convert_type3A_181, %xor3A_186 : vector<16xi32>
        %select_n3A_188 = arith.select %ge3A_184, %bitcast_convert_type3A_181, %xor3A_187 : vector<16xi1>, vector<16xi32>
        %bitcast_convert_type3A_189 = tpu.bitcast %select_n3A_188 : vector<16xi32> -> vector<16xf32>
        %ge3A_190 = arith.cmpi sge, %bitcast_convert_type3A_181, %scan3A_60 : vector<16xi32>
        %jit3A_191 = arith.constant 0.000000e+00 : f32
        %broadcast_in_dim3A_192 = vector.broadcast %jit3A_191 : f32 to vector<16xf32>
        %select_n3A_193 = arith.select %ge3A_190, %bitcast_convert_type3A_189, %broadcast_in_dim3A_192 : vector<16xi1>, vector<16xf32>
        %swap3A_194 = arith.index_cast %scan3A_94 : i32 to index
        %swap3A_195 = arith.constant 64 : index
        %swap3A_196 = tpu.vector_load %arg4[%swap3A_194, %swap3A_195] {strides = array<i32>} : memref<768x128xf32, #tpu.memory_space<vmem>>, vector<1x16xf32>,
        %swap3A_197 = vector.shape_cast %swap3A_196 : vector<1x16xf32> to vector<16xf32>
        %swap3A_198 = vector.shape_cast %select_n3A_193 : vector<16xf32> to vector<1x16xf32>
        tpu.vector_store %arg4[%swap3A_194, %swap3A_195], %swap3A_198 {strides = array<i32>} : memref<768x128xf32, #tpu.memory_space<vmem>>, vector<1x16xf32>,
        %get3A_199 = arith.index_cast %scan3A_94 : i32 to index
        %get3A_200 = arith.constant 80 : index
        %get3A_201 = tpu.vector_load %arg4[%get3A_199, %get3A_200] {strides = array<i32>} : memref<768x128xf32, #tpu.memory_space<vmem>>, vector<1x16xf32>,
        %get3A_202 = vector.shape_cast %get3A_201 : vector<1x16xf32> to vector<16xf32>
        %bitcast_convert_type3A_203 = tpu.bitcast %get3A_202 : vector<16xf32> -> vector<16xi32>
        %ge3A_204 = arith.constant 0 : i32
        %ge3A_205 = vector.broadcast %ge3A_204 : i32 to vector<16xi32>
        %ge3A_206 = arith.cmpi sge, %bitcast_convert_type3A_203, %ge3A_205 : vector<16xi32>
        %xor3A_207 = arith.constant 2147483647 : i32
        %xor3A_208 = vector.broadcast %xor3A_207 : i32 to vector<16xi32>
        %xor3A_209 = arith.xori %bitcast_convert_type3A_203, %xor3A_208 : vector<16xi32>
        %select_n3A_210 = arith.select %ge3A_206, %bitcast_convert_type3A_203, %xor3A_209 : vector<16xi1>, vector<16xi32>
        %bitcast_convert_type3A_211 = tpu.bitcast %select_n3A_210 : vector<16xi32> -> vector<16xf32>
        %ge3A_212 = arith.cmpi sge, %bitcast_convert_type3A_203, %scan3A_68 : vector<16xi32>
        %jit3A_213 = arith.constant 0.000000e+00 : f32
        %broadcast_in_dim3A_214 = vector.broadcast %jit3A_213 : f32 to vector<16xf32>
        %select_n3A_215 = arith.select %ge3A_212, %bitcast_convert_type3A_211, %broadcast_in_dim3A_214 : vector<16xi1>, vector<16xf32>
        %swap3A_216 = arith.index_cast %scan3A_94 : i32 to index
        %swap3A_217 = arith.constant 80 : index
        %swap3A_218 = tpu.vector_load %arg4[%swap3A_216, %swap3A_217] {strides = array<i32>} : memref<768x128xf32, #tpu.memory_space<vmem>>, vector<1x16xf32>,
        %swap3A_219 = vector.shape_cast %swap3A_218 : vector<1x16xf32> to vector<16xf32>
        %swap3A_220 = vector.shape_cast %select_n3A_215 : vector<16xf32> to vector<1x16xf32>
        tpu.vector_store %arg4[%swap3A_216, %swap3A_217], %swap3A_220 {strides = array<i32>} : memref<768x128xf32, #tpu.memory_space<vmem>>, vector<1x16xf32>,
        %get3A_221 = arith.index_cast %scan3A_94 : i32 to index
        %get3A_222 = arith.constant 96 : index
        %get3A_223 = tpu.vector_load %arg4[%get3A_221, %get3A_222] {strides = array<i32>} : memref<768x128xf32, #tpu.memory_space<vmem>>, vector<1x16xf32>,
        %get3A_224 = vector.shape_cast %get3A_223 : vector<1x16xf32> to vector<16xf32>
        %bitcast_convert_type3A_225 = tpu.bitcast %get3A_224 : vector<16xf32> -> vector<16xi32>
        %ge3A_226 = arith.constant 0 : i32
        %ge3A_227 = vector.broadcast %ge3A_226 : i32 to vector<16xi32>
        %ge3A_228 = arith.cmpi sge, %bitcast_convert_type3A_225, %ge3A_227 : vector<16xi32>
        %xor3A_229 = arith.constant 2147483647 : i32
        %xor3A_230 = vector.broadcast %xor3A_229 : i32 to vector<16xi32>
        %xor3A_231 = arith.xori %bitcast_convert_type3A_225, %xor3A_230 : vector<16xi32>
        %select_n3A_232 = arith.select %ge3A_228, %bitcast_convert_type3A_225, %xor3A_231 : vector<16xi1>, vector<16xi32>
        %bitcast_convert_type3A_233 = tpu.bitcast %select_n3A_232 : vector<16xi32> -> vector<16xf32>
        %ge3A_234 = arith.cmpi sge, %bitcast_convert_type3A_225, %scan3A_76 : vector<16xi32>
        %jit3A_235 = arith.constant 0.000000e+00 : f32
        %broadcast_in_dim3A_236 = vector.broadcast %jit3A_235 : f32 to vector<16xf32>
        %select_n3A_237 = arith.select %ge3A_234, %bitcast_convert_type3A_233, %broadcast_in_dim3A_236 : vector<16xi1>, vector<16xf32>
        %swap3A_238 = arith.index_cast %scan3A_94 : i32 to index
        %swap3A_239 = arith.constant 96 : index
        %swap3A_240 = tpu.vector_load %arg4[%swap3A_238, %swap3A_239] {strides = array<i32>} : memref<768x128xf32, #tpu.memory_space<vmem>>, vector<1x16xf32>,
        %swap3A_241 = vector.shape_cast %swap3A_240 : vector<1x16xf32> to vector<16xf32>
        %swap3A_242 = vector.shape_cast %select_n3A_237 : vector<16xf32> to vector<1x16xf32>
        tpu.vector_store %arg4[%swap3A_238, %swap3A_239], %swap3A_242 {strides = array<i32>} : memref<768x128xf32, #tpu.memory_space<vmem>>, vector<1x16xf32>,
        %get3A_243 = arith.index_cast %scan3A_94 : i32 to index
        %get3A_244 = arith.constant 112 : index
        %get3A_245 = tpu.vector_load %arg4[%get3A_243, %get3A_244] {strides = array<i32>} : memref<768x128xf32, #tpu.memory_space<vmem>>, vector<1x16xf32>,
        %get3A_246 = vector.shape_cast %get3A_245 : vector<1x16xf32> to vector<16xf32>
        %bitcast_convert_type3A_247 = tpu.bitcast %get3A_246 : vector<16xf32> -> vector<16xi32>
        %ge3A_248 = arith.constant 0 : i32
        %ge3A_249 = vector.broadcast %ge3A_248 : i32 to vector<16xi32>
        %ge3A_250 = arith.cmpi sge, %bitcast_convert_type3A_247, %ge3A_249 : vector<16xi32>
        %xor3A_251 = arith.constant 2147483647 : i32
        %xor3A_252 = vector.broadcast %xor3A_251 : i32 to vector<16xi32>
        %xor3A_253 = arith.xori %bitcast_convert_type3A_247, %xor3A_252 : vector<16xi32>
        %select_n3A_254 = arith.select %ge3A_250, %bitcast_convert_type3A_247, %xor3A_253 : vector<16xi1>, vector<16xi32>
        %bitcast_convert_type3A_255 = tpu.bitcast %select_n3A_254 : vector<16xi32> -> vector<16xf32>
        %ge3A_256 = arith.cmpi sge, %bitcast_convert_type3A_247, %scan3A_84 : vector<16xi32>
        %jit3A_257 = arith.constant 0.000000e+00 : f32
        %broadcast_in_dim3A_258 = vector.broadcast %jit3A_257 : f32 to vector<16xf32>
        %select_n3A_259 = arith.select %ge3A_256, %bitcast_convert_type3A_255, %broadcast_in_dim3A_258 : vector<16xi1>, vector<16xf32>
        %swap3A_260 = arith.index_cast %scan3A_94 : i32 to index
        %swap3A_261 = arith.constant 112 : index
        %swap3A_262 = tpu.vector_load %arg4[%swap3A_260, %swap3A_261] {strides = array<i32>} : memref<768x128xf32, #tpu.memory_space<vmem>>, vector<1x16xf32>,
        %swap3A_263 = vector.shape_cast %swap3A_262 : vector<1x16xf32> to vector<16xf32>
        %swap3A_264 = vector.shape_cast %select_n3A_259 : vector<16xf32> to vector<1x16xf32>
        tpu.vector_store %arg4[%swap3A_260, %swap3A_261], %swap3A_264 {strides = array<i32>} : memref<768x128xf32, #tpu.memory_space<vmem>>, vector<1x16xf32>,
        %scan3A_265 = arith.constant 0 : i32
        %scan3A_266 = arith.constant 1 : i32
        %scan3A_267 = arith.addi %scan3A_94, %scan3A_266 : i32
        %get3A_268 = arith.index_cast %scan3A_267 : i32 to index
        %get3A_269 = arith.constant 0 : index
        %get3A_270 = tpu.vector_load %arg4[%get3A_268, %get3A_269] {strides = array<i32>} : memref<768x128xf32, #tpu.memory_space<vmem>>, vector<1x16xf32>,
        %get3A_271 = vector.shape_cast %get3A_270 : vector<1x16xf32> to vector<16xf32>
        %bitcast_convert_type3A_272 = tpu.bitcast %get3A_271 : vector<16xf32> -> vector<16xi32>
        %ge3A_273 = arith.constant 0 : i32
        %ge3A_274 = vector.broadcast %ge3A_273 : i32 to vector<16xi32>
        %ge3A_275 = arith.cmpi sge, %bitcast_convert_type3A_272, %ge3A_274 : vector<16xi32>
        %xor3A_276 = arith.constant 2147483647 : i32
        %xor3A_277 = vector.broadcast %xor3A_276 : i32 to vector<16xi32>
        %xor3A_278 = arith.xori %bitcast_convert_type3A_272, %xor3A_277 : vector<16xi32>
        %select_n3A_279 = arith.select %ge3A_275, %bitcast_convert_type3A_272, %xor3A_278 : vector<16xi1>, vector<16xi32>
        %bitcast_convert_type3A_280 = tpu.bitcast %select_n3A_279 : vector<16xi32> -> vector<16xf32>
        %ge3A_281 = arith.cmpi sge, %bitcast_convert_type3A_272, %scan3A_28 : vector<16xi32>
        %jit3A_282 = arith.constant 0.000000e+00 : f32
        %broadcast_in_dim3A_283 = vector.broadcast %jit3A_282 : f32 to vector<16xf32>
        %select_n3A_284 = arith.select %ge3A_281, %bitcast_convert_type3A_280, %broadcast_in_dim3A_283 : vector<16xi1>, vector<16xf32>
        %swap3A_285 = arith.index_cast %scan3A_267 : i32 to index
        %swap3A_286 = arith.constant 0 : index
        %swap3A_287 = tpu.vector_load %arg4[%swap3A_285, %swap3A_286] {strides = array<i32>} : memref<768x128xf32, #tpu.memory_space<vmem>>, vector<1x16xf32>,
        %swap3A_288 = vector.shape_cast %swap3A_287 : vector<1x16xf32> to vector<16xf32>
        %swap3A_289 = vector.shape_cast %select_n3A_284 : vector<16xf32> to vector<1x16xf32>
        tpu.vector_store %arg4[%swap3A_285, %swap3A_286], %swap3A_289 {strides = array<i32>} : memref<768x128xf32, #tpu.memory_space<vmem>>, vector<1x16xf32>,
        %get3A_290 = arith.index_cast %scan3A_267 : i32 to index
        %get3A_291 = arith.constant 16 : index
        %get3A_292 = tpu.vector_load %arg4[%get3A_290, %get3A_291] {strides = array<i32>} : memref<768x128xf32, #tpu.memory_space<vmem>>, vector<1x16xf32>,
        %get3A_293 = vector.shape_cast %get3A_292 : vector<1x16xf32> to vector<16xf32>
        %bitcast_convert_type3A_294 = tpu.bitcast %get3A_293 : vector<16xf32> -> vector<16xi32>
        %ge3A_295 = arith.constant 0 : i32
        %ge3A_296 = vector.broadcast %ge3A_295 : i32 to vector<16xi32>
        %ge3A_297 = arith.cmpi sge, %bitcast_convert_type3A_294, %ge3A_296 : vector<16xi32>
        %xor3A_298 = arith.constant 2147483647 : i32
        %xor3A_299 = vector.broadcast %xor3A_298 : i32 to vector<16xi32>
        %xor3A_300 = arith.xori %bitcast_convert_type3A_294, %xor3A_299 : vector<16xi32>
        %select_n3A_301 = arith.select %ge3A_297, %bitcast_convert_type3A_294, %xor3A_300 : vector<16xi1>, vector<16xi32>
        %bitcast_convert_type3A_302 = tpu.bitcast %select_n3A_301 : vector<16xi32> -> vector<16xf32>
        %ge3A_303 = arith.cmpi sge, %bitcast_convert_type3A_294, %scan3A_36 : vector<16xi32>
        %jit3A_304 = arith.constant 0.000000e+00 : f32
        %broadcast_in_dim3A_305 = vector.broadcast %jit3A_304 : f32 to vector<16xf32>
        %select_n3A_306 = arith.select %ge3A_303, %bitcast_convert_type3A_302, %broadcast_in_dim3A_305 : vector<16xi1>, vector<16xf32>
        %swap3A_307 = arith.index_cast %scan3A_267 : i32 to index
        %swap3A_308 = arith.constant 16 : index
        %swap3A_309 = tpu.vector_load %arg4[%swap3A_307, %swap3A_308] {strides = array<i32>} : memref<768x128xf32, #tpu.memory_space<vmem>>, vector<1x16xf32>,
        %swap3A_310 = vector.shape_cast %swap3A_309 : vector<1x16xf32> to vector<16xf32>
        %swap3A_311 = vector.shape_cast %select_n3A_306 : vector<16xf32> to vector<1x16xf32>
        tpu.vector_store %arg4[%swap3A_307, %swap3A_308], %swap3A_311 {strides = array<i32>} : memref<768x128xf32, #tpu.memory_space<vmem>>, vector<1x16xf32>,
        %get3A_312 = arith.index_cast %scan3A_267 : i32 to index
        %get3A_313 = arith.constant 32 : index
        %get3A_314 = tpu.vector_load %arg4[%get3A_312, %get3A_313] {strides = array<i32>} : memref<768x128xf32, #tpu.memory_space<vmem>>, vector<1x16xf32>,
        %get3A_315 = vector.shape_cast %get3A_314 : vector<1x16xf32> to vector<16xf32>
        %bitcast_convert_type3A_316 = tpu.bitcast %get3A_315 : vector<16xf32> -> vector<16xi32>
        %ge3A_317 = arith.constant 0 : i32
        %ge3A_318 = vector.broadcast %ge3A_317 : i32 to vector<16xi32>
        %ge3A_319 = arith.cmpi sge, %bitcast_convert_type3A_316, %ge3A_318 : vector<16xi32>
        %xor3A_320 = arith.constant 2147483647 : i32
        %xor3A_321 = vector.broadcast %xor3A_320 : i32 to vector<16xi32>
        %xor3A_322 = arith.xori %bitcast_convert_type3A_316, %xor3A_321 : vector<16xi32>
        %select_n3A_323 = arith.select %ge3A_319, %bitcast_convert_type3A_316, %xor3A_322 : vector<16xi1>, vector<16xi32>
        %bitcast_convert_type3A_324 = tpu.bitcast %select_n3A_323 : vector<16xi32> -> vector<16xf32>
        %ge3A_325 = arith.cmpi sge, %bitcast_convert_type3A_316, %scan3A_44 : vector<16xi32>
        %jit3A_326 = arith.constant 0.000000e+00 : f32
        %broadcast_in_dim3A_327 = vector.broadcast %jit3A_326 : f32 to vector<16xf32>
        %select_n3A_328 = arith.select %ge3A_325, %bitcast_convert_type3A_324, %broadcast_in_dim3A_327 : vector<16xi1>, vector<16xf32>
        %swap3A_329 = arith.index_cast %scan3A_267 : i32 to index
        %swap3A_330 = arith.constant 32 : index
        %swap3A_331 = tpu.vector_load %arg4[%swap3A_329, %swap3A_330] {strides = array<i32>} : memref<768x128xf32, #tpu.memory_space<vmem>>, vector<1x16xf32>,
        %swap3A_332 = vector.shape_cast %swap3A_331 : vector<1x16xf32> to vector<16xf32>
        %swap3A_333 = vector.shape_cast %select_n3A_328 : vector<16xf32> to vector<1x16xf32>
        tpu.vector_store %arg4[%swap3A_329, %swap3A_330], %swap3A_333 {strides = array<i32>} : memref<768x128xf32, #tpu.memory_space<vmem>>, vector<1x16xf32>,
        %get3A_334 = arith.index_cast %scan3A_267 : i32 to index
        %get3A_335 = arith.constant 48 : index
        %get3A_336 = tpu.vector_load %arg4[%get3A_334, %get3A_335] {strides = array<i32>} : memref<768x128xf32, #tpu.memory_space<vmem>>, vector<1x16xf32>,
        %get3A_337 = vector.shape_cast %get3A_336 : vector<1x16xf32> to vector<16xf32>
        %bitcast_convert_type3A_338 = tpu.bitcast %get3A_337 : vector<16xf32> -> vector<16xi32>
        %ge3A_339 = arith.constant 0 : i32
        %ge3A_340 = vector.broadcast %ge3A_339 : i32 to vector<16xi32>
        %ge3A_341 = arith.cmpi sge, %bitcast_convert_type3A_338, %ge3A_340 : vector<16xi32>
        %xor3A_342 = arith.constant 2147483647 : i32
        %xor3A_343 = vector.broadcast %xor3A_342 : i32 to vector<16xi32>
        %xor3A_344 = arith.xori %bitcast_convert_type3A_338, %xor3A_343 : vector<16xi32>
        %select_n3A_345 = arith.select %ge3A_341, %bitcast_convert_type3A_338, %xor3A_344 : vector<16xi1>, vector<16xi32>
        %bitcast_convert_type3A_346 = tpu.bitcast %select_n3A_345 : vector<16xi32> -> vector<16xf32>
        %ge3A_347 = arith.cmpi sge, %bitcast_convert_type3A_338, %scan3A_52 : vector<16xi32>
        %jit3A_348 = arith.constant 0.000000e+00 : f32
        %broadcast_in_dim3A_349 = vector.broadcast %jit3A_348 : f32 to vector<16xf32>
        %select_n3A_350 = arith.select %ge3A_347, %bitcast_convert_type3A_346, %broadcast_in_dim3A_349 : vector<16xi1>, vector<16xf32>
        %swap3A_351 = arith.index_cast %scan3A_267 : i32 to index
        %swap3A_352 = arith.constant 48 : index
        %swap3A_353 = tpu.vector_load %arg4[%swap3A_351, %swap3A_352] {strides = array<i32>} : memref<768x128xf32, #tpu.memory_space<vmem>>, vector<1x16xf32>,
        %swap3A_354 = vector.shape_cast %swap3A_353 : vector<1x16xf32> to vector<16xf32>
        %swap3A_355 = vector.shape_cast %select_n3A_350 : vector<16xf32> to vector<1x16xf32>
        tpu.vector_store %arg4[%swap3A_351, %swap3A_352], %swap3A_355 {strides = array<i32>} : memref<768x128xf32, #tpu.memory_space<vmem>>, vector<1x16xf32>,
        %get3A_356 = arith.index_cast %scan3A_267 : i32 to index
        %get3A_357 = arith.constant 64 : index
        %get3A_358 = tpu.vector_load %arg4[%get3A_356, %get3A_357] {strides = array<i32>} : memref<768x128xf32, #tpu.memory_space<vmem>>, vector<1x16xf32>,
        %get3A_359 = vector.shape_cast %get3A_358 : vector<1x16xf32> to vector<16xf32>
        %bitcast_convert_type3A_360 = tpu.bitcast %get3A_359 : vector<16xf32> -> vector<16xi32>
        %ge3A_361 = arith.constant 0 : i32
        %ge3A_362 = vector.broadcast %ge3A_361 : i32 to vector<16xi32>
        %ge3A_363 = arith.cmpi sge, %bitcast_convert_type3A_360, %ge3A_362 : vector<16xi32>
        %xor3A_364 = arith.constant 2147483647 : i32
        %xor3A_365 = vector.broadcast %xor3A_364 : i32 to vector<16xi32>
        %xor3A_366 = arith.xori %bitcast_convert_type3A_360, %xor3A_365 : vector<16xi32>
        %select_n3A_367 = arith.select %ge3A_363, %bitcast_convert_type3A_360, %xor3A_366 : vector<16xi1>, vector<16xi32>
        %bitcast_convert_type3A_368 = tpu.bitcast %select_n3A_367 : vector<16xi32> -> vector<16xf32>
        %ge3A_369 = arith.cmpi sge, %bitcast_convert_type3A_360, %scan3A_60 : vector<16xi32>
        %jit3A_370 = arith.constant 0.000000e+00 : f32
        %broadcast_in_dim3A_371 = vector.broadcast %jit3A_370 : f32 to vector<16xf32>
        %select_n3A_372 = arith.select %ge3A_369, %bitcast_convert_type3A_368, %broadcast_in_dim3A_371 : vector<16xi1>, vector<16xf32>
        %swap3A_373 = arith.index_cast %scan3A_267 : i32 to index
        %swap3A_374 = arith.constant 64 : index
        %swap3A_375 = tpu.vector_load %arg4[%swap3A_373, %swap3A_374] {strides = array<i32>} : memref<768x128xf32, #tpu.memory_space<vmem>>, vector<1x16xf32>,
        %swap3A_376 = vector.shape_cast %swap3A_375 : vector<1x16xf32> to vector<16xf32>
        %swap3A_377 = vector.shape_cast %select_n3A_372 : vector<16xf32> to vector<1x16xf32>
        tpu.vector_store %arg4[%swap3A_373, %swap3A_374], %swap3A_377 {strides = array<i32>} : memref<768x128xf32, #tpu.memory_space<vmem>>, vector<1x16xf32>,
        %get3A_378 = arith.index_cast %scan3A_267 : i32 to index
        %get3A_379 = arith.constant 80 : index
        %get3A_380 = tpu.vector_load %arg4[%get3A_378, %get3A_379] {strides = array<i32>} : memref<768x128xf32, #tpu.memory_space<vmem>>, vector<1x16xf32>,
        %get3A_381 = vector.shape_cast %get3A_380 : vector<1x16xf32> to vector<16xf32>
        %bitcast_convert_type3A_382 = tpu.bitcast %get3A_381 : vector<16xf32> -> vector<16xi32>
        %ge3A_383 = arith.constant 0 : i32
        %ge3A_384 = vector.broadcast %ge3A_383 : i32 to vector<16xi32>
        %ge3A_385 = arith.cmpi sge, %bitcast_convert_type3A_382, %ge3A_384 : vector<16xi32>
        %xor3A_386 = arith.constant 2147483647 : i32
        %xor3A_387 = vector.broadcast %xor3A_386 : i32 to vector<16xi32>
        %xor3A_388 = arith.xori %bitcast_convert_type3A_382, %xor3A_387 : vector<16xi32>
        %select_n3A_389 = arith.select %ge3A_385, %bitcast_convert_type3A_382, %xor3A_388 : vector<16xi1>, vector<16xi32>
        %bitcast_convert_type3A_390 = tpu.bitcast %select_n3A_389 : vector<16xi32> -> vector<16xf32>
        %ge3A_391 = arith.cmpi sge, %bitcast_convert_type3A_382, %scan3A_68 : vector<16xi32>
        %jit3A_392 = arith.constant 0.000000e+00 : f32
        %broadcast_in_dim3A_393 = vector.broadcast %jit3A_392 : f32 to vector<16xf32>
        %select_n3A_394 = arith.select %ge3A_391, %bitcast_convert_type3A_390, %broadcast_in_dim3A_393 : vector<16xi1>, vector<16xf32>
        %swap3A_395 = arith.index_cast %scan3A_267 : i32 to index
        %swap3A_396 = arith.constant 80 : index
        %swap3A_397 = tpu.vector_load %arg4[%swap3A_395, %swap3A_396] {strides = array<i32>} : memref<768x128xf32, #tpu.memory_space<vmem>>, vector<1x16xf32>,
        %swap3A_398 = vector.shape_cast %swap3A_397 : vector<1x16xf32> to vector<16xf32>
        %swap3A_399 = vector.shape_cast %select_n3A_394 : vector<16xf32> to vector<1x16xf32>
        tpu.vector_store %arg4[%swap3A_395, %swap3A_396], %swap3A_399 {strides = array<i32>} : memref<768x128xf32, #tpu.memory_space<vmem>>, vector<1x16xf32>,
        %get3A_400 = arith.index_cast %scan3A_267 : i32 to index
        %get3A_401 = arith.constant 96 : index
        %get3A_402 = tpu.vector_load %arg4[%get3A_400, %get3A_401] {strides = array<i32>} : memref<768x128xf32, #tpu.memory_space<vmem>>, vector<1x16xf32>,
        %get3A_403 = vector.shape_cast %get3A_402 : vector<1x16xf32> to vector<16xf32>
        %bitcast_convert_type3A_404 = tpu.bitcast %get3A_403 : vector<16xf32> -> vector<16xi32>
        %ge3A_405 = arith.constant 0 : i32
        %ge3A_406 = vector.broadcast %ge3A_405 : i32 to vector<16xi32>
        %ge3A_407 = arith.cmpi sge, %bitcast_convert_type3A_404, %ge3A_406 : vector<16xi32>
        %xor3A_408 = arith.constant 2147483647 : i32
        %xor3A_409 = vector.broadcast %xor3A_408 : i32 to vector<16xi32>
        %xor3A_410 = arith.xori %bitcast_convert_type3A_404, %xor3A_409 : vector<16xi32>
        %select_n3A_411 = arith.select %ge3A_407, %bitcast_convert_type3A_404, %xor3A_410 : vector<16xi1>, vector<16xi32>
        %bitcast_convert_type3A_412 = tpu.bitcast %select_n3A_411 : vector<16xi32> -> vector<16xf32>
        %ge3A_413 = arith.cmpi sge, %bitcast_convert_type3A_404, %scan3A_76 : vector<16xi32>
        %jit3A_414 = arith.constant 0.000000e+00 : f32
        %broadcast_in_dim3A_415 = vector.broadcast %jit3A_414 : f32 to vector<16xf32>
        %select_n3A_416 = arith.select %ge3A_413, %bitcast_convert_type3A_412, %broadcast_in_dim3A_415 : vector<16xi1>, vector<16xf32>
        %swap3A_417 = arith.index_cast %scan3A_267 : i32 to index
        %swap3A_418 = arith.constant 96 : index
        %swap3A_419 = tpu.vector_load %arg4[%swap3A_417, %swap3A_418] {strides = array<i32>} : memref<768x128xf32, #tpu.memory_space<vmem>>, vector<1x16xf32>,
        %swap3A_420 = vector.shape_cast %swap3A_419 : vector<1x16xf32> to vector<16xf32>
        %swap3A_421 = vector.shape_cast %select_n3A_416 : vector<16xf32> to vector<1x16xf32>
        tpu.vector_store %arg4[%swap3A_417, %swap3A_418], %swap3A_421 {strides = array<i32>} : memref<768x128xf32, #tpu.memory_space<vmem>>, vector<1x16xf32>,
        %get3A_422 = arith.index_cast %scan3A_267 : i32 to index
        %get3A_423 = arith.constant 112 : index
        %get3A_424 = tpu.vector_load %arg4[%get3A_422, %get3A_423] {strides = array<i32>} : memref<768x128xf32, #tpu.memory_space<vmem>>, vector<1x16xf32>,
        %get3A_425 = vector.shape_cast %get3A_424 : vector<1x16xf32> to vector<16xf32>
        %bitcast_convert_type3A_426 = tpu.bitcast %get3A_425 : vector<16xf32> -> vector<16xi32>
        %ge3A_427 = arith.constant 0 : i32
        %ge3A_428 = vector.broadcast %ge3A_427 : i32 to vector<16xi32>
        %ge3A_429 = arith.cmpi sge, %bitcast_convert_type3A_426, %ge3A_428 : vector<16xi32>
        %xor3A_430 = arith.constant 2147483647 : i32
        %xor3A_431 = vector.broadcast %xor3A_430 : i32 to vector<16xi32>
        %xor3A_432 = arith.xori %bitcast_convert_type3A_426, %xor3A_431 : vector<16xi32>
        %select_n3A_433 = arith.select %ge3A_429, %bitcast_convert_type3A_426, %xor3A_432 : vector<16xi1>, vector<16xi32>
        %bitcast_convert_type3A_434 = tpu.bitcast %select_n3A_433 : vector<16xi32> -> vector<16xf32>
        %ge3A_435 = arith.cmpi sge, %bitcast_convert_type3A_426, %scan3A_84 : vector<16xi32>
        %jit3A_436 = arith.constant 0.000000e+00 : f32
        %broadcast_in_dim3A_437 = vector.broadcast %jit3A_436 : f32 to vector<16xf32>
        %select_n3A_438 = arith.select %ge3A_435, %bitcast_convert_type3A_434, %broadcast_in_dim3A_437 : vector<16xi1>, vector<16xf32>
        %swap3A_439 = arith.index_cast %scan3A_267 : i32 to index
        %swap3A_440 = arith.constant 112 : index
        %swap3A_441 = tpu.vector_load %arg4[%swap3A_439, %swap3A_440] {strides = array<i32>} : memref<768x128xf32, #tpu.memory_space<vmem>>, vector<1x16xf32>,
        %swap3A_442 = vector.shape_cast %swap3A_441 : vector<1x16xf32> to vector<16xf32>
        %swap3A_443 = vector.shape_cast %select_n3A_438 : vector<16xf32> to vector<1x16xf32>
        tpu.vector_store %arg4[%swap3A_439, %swap3A_440], %swap3A_443 {strides = array<i32>} : memref<768x128xf32, #tpu.memory_space<vmem>>, vector<1x16xf32>,
        %scan3A_444 = arith.constant 0 : i32
        %scan3A_445 = arith.constant 2 : i32
        %scan3A_446 = arith.addi %scan3A_94, %scan3A_445 : i32
        %get3A_447 = arith.index_cast %scan3A_446 : i32 to index
        %get3A_448 = arith.constant 0 : index
        %get3A_449 = tpu.vector_load %arg4[%get3A_447, %get3A_448] {strides = array<i32>} : memref<768x128xf32, #tpu.memory_space<vmem>>, vector<1x16xf32>,
        %get3A_450 = vector.shape_cast %get3A_449 : vector<1x16xf32> to vector<16xf32>
        %bitcast_convert_type3A_451 = tpu.bitcast %get3A_450 : vector<16xf32> -> vector<16xi32>
        %ge3A_452 = arith.constant 0 : i32
        %ge3A_453 = vector.broadcast %ge3A_452 : i32 to vector<16xi32>
        %ge3A_454 = arith.cmpi sge, %bitcast_convert_type3A_451, %ge3A_453 : vector<16xi32>
        %xor3A_455 = arith.constant 2147483647 : i32
        %xor3A_456 = vector.broadcast %xor3A_455 : i32 to vector<16xi32>
        %xor3A_457 = arith.xori %bitcast_convert_type3A_451, %xor3A_456 : vector<16xi32>
        %select_n3A_458 = arith.select %ge3A_454, %bitcast_convert_type3A_451, %xor3A_457 : vector<16xi1>, vector<16xi32>
        %bitcast_convert_type3A_459 = tpu.bitcast %select_n3A_458 : vector<16xi32> -> vector<16xf32>
        %ge3A_460 = arith.cmpi sge, %bitcast_convert_type3A_451, %scan3A_28 : vector<16xi32>
        %jit3A_461 = arith.constant 0.000000e+00 : f32
        %broadcast_in_dim3A_462 = vector.broadcast %jit3A_461 : f32 to vector<16xf32>
        %select_n3A_463 = arith.select %ge3A_460, %bitcast_convert_type3A_459, %broadcast_in_dim3A_462 : vector<16xi1>, vector<16xf32>
        %swap3A_464 = arith.index_cast %scan3A_446 : i32 to index
        %swap3A_465 = arith.constant 0 : index
        %swap3A_466 = tpu.vector_load %arg4[%swap3A_464, %swap3A_465] {strides = array<i32>} : memref<768x128xf32, #tpu.memory_space<vmem>>, vector<1x16xf32>,
        %swap3A_467 = vector.shape_cast %swap3A_466 : vector<1x16xf32> to vector<16xf32>
        %swap3A_468 = vector.shape_cast %select_n3A_463 : vector<16xf32> to vector<1x16xf32>
        tpu.vector_store %arg4[%swap3A_464, %swap3A_465], %swap3A_468 {strides = array<i32>} : memref<768x128xf32, #tpu.memory_space<vmem>>, vector<1x16xf32>,
        %get3A_469 = arith.index_cast %scan3A_446 : i32 to index
        %get3A_470 = arith.constant 16 : index
        %get3A_471 = tpu.vector_load %arg4[%get3A_469, %get3A_470] {strides = array<i32>} : memref<768x128xf32, #tpu.memory_space<vmem>>, vector<1x16xf32>,
        %get3A_472 = vector.shape_cast %get3A_471 : vector<1x16xf32> to vector<16xf32>
        %bitcast_convert_type3A_473 = tpu.bitcast %get3A_472 : vector<16xf32> -> vector<16xi32>
        %ge3A_474 = arith.constant 0 : i32
        %ge3A_475 = vector.broadcast %ge3A_474 : i32 to vector<16xi32>
        %ge3A_476 = arith.cmpi sge, %bitcast_convert_type3A_473, %ge3A_475 : vector<16xi32>
        %xor3A_477 = arith.constant 2147483647 : i32
        %xor3A_478 = vector.broadcast %xor3A_477 : i32 to vector<16xi32>
        %xor3A_479 = arith.xori %bitcast_convert_type3A_473, %xor3A_478 : vector<16xi32>
        %select_n3A_480 = arith.select %ge3A_476, %bitcast_convert_type3A_473, %xor3A_479 : vector<16xi1>, vector<16xi32>
        %bitcast_convert_type3A_481 = tpu.bitcast %select_n3A_480 : vector<16xi32> -> vector<16xf32>
        %ge3A_482 = arith.cmpi sge, %bitcast_convert_type3A_473, %scan3A_36 : vector<16xi32>
        %jit3A_483 = arith.constant 0.000000e+00 : f32
        %broadcast_in_dim3A_484 = vector.broadcast %jit3A_483 : f32 to vector<16xf32>
        %select_n3A_485 = arith.select %ge3A_482, %bitcast_convert_type3A_481, %broadcast_in_dim3A_484 : vector<16xi1>, vector<16xf32>
        %swap3A_486 = arith.index_cast %scan3A_446 : i32 to index
        %swap3A_487 = arith.constant 16 : index
        %swap3A_488 = tpu.vector_load %arg4[%swap3A_486, %swap3A_487] {strides = array<i32>} : memref<768x128xf32, #tpu.memory_space<vmem>>, vector<1x16xf32>,
        %swap3A_489 = vector.shape_cast %swap3A_488 : vector<1x16xf32> to vector<16xf32>
        %swap3A_490 = vector.shape_cast %select_n3A_485 : vector<16xf32> to vector<1x16xf32>
        tpu.vector_store %arg4[%swap3A_486, %swap3A_487], %swap3A_490 {strides = array<i32>} : memref<768x128xf32, #tpu.memory_space<vmem>>, vector<1x16xf32>,
        %get3A_491 = arith.index_cast %scan3A_446 : i32 to index
        %get3A_492 = arith.constant 32 : index
        %get3A_493 = tpu.vector_load %arg4[%get3A_491, %get3A_492] {strides = array<i32>} : memref<768x128xf32, #tpu.memory_space<vmem>>, vector<1x16xf32>,
        %get3A_494 = vector.shape_cast %get3A_493 : vector<1x16xf32> to vector<16xf32>
        %bitcast_convert_type3A_495 = tpu.bitcast %get3A_494 : vector<16xf32> -> vector<16xi32>
        %ge3A_496 = arith.constant 0 : i32
        %ge3A_497 = vector.broadcast %ge3A_496 : i32 to vector<16xi32>
        %ge3A_498 = arith.cmpi sge, %bitcast_convert_type3A_495, %ge3A_497 : vector<16xi32>
        %xor3A_499 = arith.constant 2147483647 : i32
        %xor3A_500 = vector.broadcast %xor3A_499 : i32 to vector<16xi32>
        %xor3A_501 = arith.xori %bitcast_convert_type3A_495, %xor3A_500 : vector<16xi32>
        %select_n3A_502 = arith.select %ge3A_498, %bitcast_convert_type3A_495, %xor3A_501 : vector<16xi1>, vector<16xi32>
        %bitcast_convert_type3A_503 = tpu.bitcast %select_n3A_502 : vector<16xi32> -> vector<16xf32>
        %ge3A_504 = arith.cmpi sge, %bitcast_convert_type3A_495, %scan3A_44 : vector<16xi32>
        %jit3A_505 = arith.constant 0.000000e+00 : f32
        %broadcast_in_dim3A_506 = vector.broadcast %jit3A_505 : f32 to vector<16xf32>
        %select_n3A_507 = arith.select %ge3A_504, %bitcast_convert_type3A_503, %broadcast_in_dim3A_506 : vector<16xi1>, vector<16xf32>
        %swap3A_508 = arith.index_cast %scan3A_446 : i32 to index
        %swap3A_509 = arith.constant 32 : index
        %swap3A_510 = tpu.vector_load %arg4[%swap3A_508, %swap3A_509] {strides = array<i32>} : memref<768x128xf32, #tpu.memory_space<vmem>>, vector<1x16xf32>,
        %swap3A_511 = vector.shape_cast %swap3A_510 : vector<1x16xf32> to vector<16xf32>
        %swap3A_512 = vector.shape_cast %select_n3A_507 : vector<16xf32> to vector<1x16xf32>
        tpu.vector_store %arg4[%swap3A_508, %swap3A_509], %swap3A_512 {strides = array<i32>} : memref<768x128xf32, #tpu.memory_space<vmem>>, vector<1x16xf32>,
        %get3A_513 = arith.index_cast %scan3A_446 : i32 to index
        %get3A_514 = arith.constant 48 : index
        %get3A_515 = tpu.vector_load %arg4[%get3A_513, %get3A_514] {strides = array<i32>} : memref<768x128xf32, #tpu.memory_space<vmem>>, vector<1x16xf32>,
        %get3A_516 = vector.shape_cast %get3A_515 : vector<1x16xf32> to vector<16xf32>
        %bitcast_convert_type3A_517 = tpu.bitcast %get3A_516 : vector<16xf32> -> vector<16xi32>
        %ge3A_518 = arith.constant 0 : i32
        %ge3A_519 = vector.broadcast %ge3A_518 : i32 to vector<16xi32>
        %ge3A_520 = arith.cmpi sge, %bitcast_convert_type3A_517, %ge3A_519 : vector<16xi32>
        %xor3A_521 = arith.constant 2147483647 : i32
        %xor3A_522 = vector.broadcast %xor3A_521 : i32 to vector<16xi32>
        %xor3A_523 = arith.xori %bitcast_convert_type3A_517, %xor3A_522 : vector<16xi32>
        %select_n3A_524 = arith.select %ge3A_520, %bitcast_convert_type3A_517, %xor3A_523 : vector<16xi1>, vector<16xi32>
        %bitcast_convert_type3A_525 = tpu.bitcast %select_n3A_524 : vector<16xi32> -> vector<16xf32>
        %ge3A_526 = arith.cmpi sge, %bitcast_convert_type3A_517, %scan3A_52 : vector<16xi32>
        %jit3A_527 = arith.constant 0.000000e+00 : f32
        %broadcast_in_dim3A_528 = vector.broadcast %jit3A_527 : f32 to vector<16xf32>
        %select_n3A_529 = arith.select %ge3A_526, %bitcast_convert_type3A_525, %broadcast_in_dim3A_528 : vector<16xi1>, vector<16xf32>
        %swap3A_530 = arith.index_cast %scan3A_446 : i32 to index
        %swap3A_531 = arith.constant 48 : index
        %swap3A_532 = tpu.vector_load %arg4[%swap3A_530, %swap3A_531] {strides = array<i32>} : memref<768x128xf32, #tpu.memory_space<vmem>>, vector<1x16xf32>,
        %swap3A_533 = vector.shape_cast %swap3A_532 : vector<1x16xf32> to vector<16xf32>
        %swap3A_534 = vector.shape_cast %select_n3A_529 : vector<16xf32> to vector<1x16xf32>
        tpu.vector_store %arg4[%swap3A_530, %swap3A_531], %swap3A_534 {strides = array<i32>} : memref<768x128xf32, #tpu.memory_space<vmem>>, vector<1x16xf32>,
        %get3A_535 = arith.index_cast %scan3A_446 : i32 to index
        %get3A_536 = arith.constant 64 : index
        %get3A_537 = tpu.vector_load %arg4[%get3A_535, %get3A_536] {strides = array<i32>} : memref<768x128xf32, #tpu.memory_space<vmem>>, vector<1x16xf32>,
        %get3A_538 = vector.shape_cast %get3A_537 : vector<1x16xf32> to vector<16xf32>
        %bitcast_convert_type3A_539 = tpu.bitcast %get3A_538 : vector<16xf32> -> vector<16xi32>
        %ge3A_540 = arith.constant 0 : i32
        %ge3A_541 = vector.broadcast %ge3A_540 : i32 to vector<16xi32>
        %ge3A_542 = arith.cmpi sge, %bitcast_convert_type3A_539, %ge3A_541 : vector<16xi32>
        %xor3A_543 = arith.constant 2147483647 : i32
        %xor3A_544 = vector.broadcast %xor3A_543 : i32 to vector<16xi32>
        %xor3A_545 = arith.xori %bitcast_convert_type3A_539, %xor3A_544 : vector<16xi32>
        %select_n3A_546 = arith.select %ge3A_542, %bitcast_convert_type3A_539, %xor3A_545 : vector<16xi1>, vector<16xi32>
        %bitcast_convert_type3A_547 = tpu.bitcast %select_n3A_546 : vector<16xi32> -> vector<16xf32>
        %ge3A_548 = arith.cmpi sge, %bitcast_convert_type3A_539, %scan3A_60 : vector<16xi32>
        %jit3A_549 = arith.constant 0.000000e+00 : f32
        %broadcast_in_dim3A_550 = vector.broadcast %jit3A_549 : f32 to vector<16xf32>
        %select_n3A_551 = arith.select %ge3A_548, %bitcast_convert_type3A_547, %broadcast_in_dim3A_550 : vector<16xi1>, vector<16xf32>
        %swap3A_552 = arith.index_cast %scan3A_446 : i32 to index
        %swap3A_553 = arith.constant 64 : index
        %swap3A_554 = tpu.vector_load %arg4[%swap3A_552, %swap3A_553] {strides = array<i32>} : memref<768x128xf32, #tpu.memory_space<vmem>>, vector<1x16xf32>,
        %swap3A_555 = vector.shape_cast %swap3A_554 : vector<1x16xf32> to vector<16xf32>
        %swap3A_556 = vector.shape_cast %select_n3A_551 : vector<16xf32> to vector<1x16xf32>
        tpu.vector_store %arg4[%swap3A_552, %swap3A_553], %swap3A_556 {strides = array<i32>} : memref<768x128xf32, #tpu.memory_space<vmem>>, vector<1x16xf32>,
        %get3A_557 = arith.index_cast %scan3A_446 : i32 to index
        %get3A_558 = arith.constant 80 : index
        %get3A_559 = tpu.vector_load %arg4[%get3A_557, %get3A_558] {strides = array<i32>} : memref<768x128xf32, #tpu.memory_space<vmem>>, vector<1x16xf32>,
        %get3A_560 = vector.shape_cast %get3A_559 : vector<1x16xf32> to vector<16xf32>
        %bitcast_convert_type3A_561 = tpu.bitcast %get3A_560 : vector<16xf32> -> vector<16xi32>
        %ge3A_562 = arith.constant 0 : i32
        %ge3A_563 = vector.broadcast %ge3A_562 : i32 to vector<16xi32>
        %ge3A_564 = arith.cmpi sge, %bitcast_convert_type3A_561, %ge3A_563 : vector<16xi32>
        %xor3A_565 = arith.constant 2147483647 : i32
        %xor3A_566 = vector.broadcast %xor3A_565 : i32 to vector<16xi32>
        %xor3A_567 = arith.xori %bitcast_convert_type3A_561, %xor3A_566 : vector<16xi32>
        %select_n3A_568 = arith.select %ge3A_564, %bitcast_convert_type3A_561, %xor3A_567 : vector<16xi1>, vector<16xi32>
        %bitcast_convert_type3A_569 = tpu.bitcast %select_n3A_568 : vector<16xi32> -> vector<16xf32>
        %ge3A_570 = arith.cmpi sge, %bitcast_convert_type3A_561, %scan3A_68 : vector<16xi32>
        %jit3A_571 = arith.constant 0.000000e+00 : f32
        %broadcast_in_dim3A_572 = vector.broadcast %jit3A_571 : f32 to vector<16xf32>
        %select_n3A_573 = arith.select %ge3A_570, %bitcast_convert_type3A_569, %broadcast_in_dim3A_572 : vector<16xi1>, vector<16xf32>
        %swap3A_574 = arith.index_cast %scan3A_446 : i32 to index
        %swap3A_575 = arith.constant 80 : index
        %swap3A_576 = tpu.vector_load %arg4[%swap3A_574, %swap3A_575] {strides = array<i32>} : memref<768x128xf32, #tpu.memory_space<vmem>>, vector<1x16xf32>,
        %swap3A_577 = vector.shape_cast %swap3A_576 : vector<1x16xf32> to vector<16xf32>
        %swap3A_578 = vector.shape_cast %select_n3A_573 : vector<16xf32> to vector<1x16xf32>
        tpu.vector_store %arg4[%swap3A_574, %swap3A_575], %swap3A_578 {strides = array<i32>} : memref<768x128xf32, #tpu.memory_space<vmem>>, vector<1x16xf32>,
        %get3A_579 = arith.index_cast %scan3A_446 : i32 to index
        %get3A_580 = arith.constant 96 : index
        %get3A_581 = tpu.vector_load %arg4[%get3A_579, %get3A_580] {strides = array<i32>} : memref<768x128xf32, #tpu.memory_space<vmem>>, vector<1x16xf32>,
        %get3A_582 = vector.shape_cast %get3A_581 : vector<1x16xf32> to vector<16xf32>
        %bitcast_convert_type3A_583 = tpu.bitcast %get3A_582 : vector<16xf32> -> vector<16xi32>
        %ge3A_584 = arith.constant 0 : i32
        %ge3A_585 = vector.broadcast %ge3A_584 : i32 to vector<16xi32>
        %ge3A_586 = arith.cmpi sge, %bitcast_convert_type3A_583, %ge3A_585 : vector<16xi32>
        %xor3A_587 = arith.constant 2147483647 : i32
        %xor3A_588 = vector.broadcast %xor3A_587 : i32 to vector<16xi32>
        %xor3A_589 = arith.xori %bitcast_convert_type3A_583, %xor3A_588 : vector<16xi32>
        %select_n3A_590 = arith.select %ge3A_586, %bitcast_convert_type3A_583, %xor3A_589 : vector<16xi1>, vector<16xi32>
        %bitcast_convert_type3A_591 = tpu.bitcast %select_n3A_590 : vector<16xi32> -> vector<16xf32>
        %ge3A_592 = arith.cmpi sge, %bitcast_convert_type3A_583, %scan3A_76 : vector<16xi32>
        %jit3A_593 = arith.constant 0.000000e+00 : f32
        %broadcast_in_dim3A_594 = vector.broadcast %jit3A_593 : f32 to vector<16xf32>
        %select_n3A_595 = arith.select %ge3A_592, %bitcast_convert_type3A_591, %broadcast_in_dim3A_594 : vector<16xi1>, vector<16xf32>
        %swap3A_596 = arith.index_cast %scan3A_446 : i32 to index
        %swap3A_597 = arith.constant 96 : index
        %swap3A_598 = tpu.vector_load %arg4[%swap3A_596, %swap3A_597] {strides = array<i32>} : memref<768x128xf32, #tpu.memory_space<vmem>>, vector<1x16xf32>,
        %swap3A_599 = vector.shape_cast %swap3A_598 : vector<1x16xf32> to vector<16xf32>
        %swap3A_600 = vector.shape_cast %select_n3A_595 : vector<16xf32> to vector<1x16xf32>
        tpu.vector_store %arg4[%swap3A_596, %swap3A_597], %swap3A_600 {strides = array<i32>} : memref<768x128xf32, #tpu.memory_space<vmem>>, vector<1x16xf32>,
        %get3A_601 = arith.index_cast %scan3A_446 : i32 to index
        %get3A_602 = arith.constant 112 : index
        %get3A_603 = tpu.vector_load %arg4[%get3A_601, %get3A_602] {strides = array<i32>} : memref<768x128xf32, #tpu.memory_space<vmem>>, vector<1x16xf32>,
        %get3A_604 = vector.shape_cast %get3A_603 : vector<1x16xf32> to vector<16xf32>
        %bitcast_convert_type3A_605 = tpu.bitcast %get3A_604 : vector<16xf32> -> vector<16xi32>
        %ge3A_606 = arith.constant 0 : i32
        %ge3A_607 = vector.broadcast %ge3A_606 : i32 to vector<16xi32>
        %ge3A_608 = arith.cmpi sge, %bitcast_convert_type3A_605, %ge3A_607 : vector<16xi32>
        %xor3A_609 = arith.constant 2147483647 : i32
        %xor3A_610 = vector.broadcast %xor3A_609 : i32 to vector<16xi32>
        %xor3A_611 = arith.xori %bitcast_convert_type3A_605, %xor3A_610 : vector<16xi32>
        %select_n3A_612 = arith.select %ge3A_608, %bitcast_convert_type3A_605, %xor3A_611 : vector<16xi1>, vector<16xi32>
        %bitcast_convert_type3A_613 = tpu.bitcast %select_n3A_612 : vector<16xi32> -> vector<16xf32>
        %ge3A_614 = arith.cmpi sge, %bitcast_convert_type3A_605, %scan3A_84 : vector<16xi32>
        %jit3A_615 = arith.constant 0.000000e+00 : f32
        %broadcast_in_dim3A_616 = vector.broadcast %jit3A_615 : f32 to vector<16xf32>
        %select_n3A_617 = arith.select %ge3A_614, %bitcast_convert_type3A_613, %broadcast_in_dim3A_616 : vector<16xi1>, vector<16xf32>
        %swap3A_618 = arith.index_cast %scan3A_446 : i32 to index
        %swap3A_619 = arith.constant 112 : index
        %swap3A_620 = tpu.vector_load %arg4[%swap3A_618, %swap3A_619] {strides = array<i32>} : memref<768x128xf32, #tpu.memory_space<vmem>>, vector<1x16xf32>,
        %swap3A_621 = vector.shape_cast %swap3A_620 : vector<1x16xf32> to vector<16xf32>
        %swap3A_622 = vector.shape_cast %select_n3A_617 : vector<16xf32> to vector<1x16xf32>
        tpu.vector_store %arg4[%swap3A_618, %swap3A_619], %swap3A_622 {strides = array<i32>} : memref<768x128xf32, #tpu.memory_space<vmem>>, vector<1x16xf32>,
        %scan3A_623 = arith.constant 0 : i32
        %scan3A_624 = arith.constant 3 : i32
        %scan3A_625 = arith.addi %scan3A_94, %scan3A_624 : i32
        %get3A_626 = arith.index_cast %scan3A_625 : i32 to index
        %get3A_627 = arith.constant 0 : index
        %get3A_628 = tpu.vector_load %arg4[%get3A_626, %get3A_627] {strides = array<i32>} : memref<768x128xf32, #tpu.memory_space<vmem>>, vector<1x16xf32>,
        %get3A_629 = vector.shape_cast %get3A_628 : vector<1x16xf32> to vector<16xf32>
        %bitcast_convert_type3A_630 = tpu.bitcast %get3A_629 : vector<16xf32> -> vector<16xi32>
        %ge3A_631 = arith.constant 0 : i32
        %ge3A_632 = vector.broadcast %ge3A_631 : i32 to vector<16xi32>
        %ge3A_633 = arith.cmpi sge, %bitcast_convert_type3A_630, %ge3A_632 : vector<16xi32>
        %xor3A_634 = arith.constant 2147483647 : i32
        %xor3A_635 = vector.broadcast %xor3A_634 : i32 to vector<16xi32>
        %xor3A_636 = arith.xori %bitcast_convert_type3A_630, %xor3A_635 : vector<16xi32>
        %select_n3A_637 = arith.select %ge3A_633, %bitcast_convert_type3A_630, %xor3A_636 : vector<16xi1>, vector<16xi32>
        %bitcast_convert_type3A_638 = tpu.bitcast %select_n3A_637 : vector<16xi32> -> vector<16xf32>
        %ge3A_639 = arith.cmpi sge, %bitcast_convert_type3A_630, %scan3A_28 : vector<16xi32>
        %jit3A_640 = arith.constant 0.000000e+00 : f32
        %broadcast_in_dim3A_641 = vector.broadcast %jit3A_640 : f32 to vector<16xf32>
        %select_n3A_642 = arith.select %ge3A_639, %bitcast_convert_type3A_638, %broadcast_in_dim3A_641 : vector<16xi1>, vector<16xf32>
        %swap3A_643 = arith.index_cast %scan3A_625 : i32 to index
        %swap3A_644 = arith.constant 0 : index
        %swap3A_645 = tpu.vector_load %arg4[%swap3A_643, %swap3A_644] {strides = array<i32>} : memref<768x128xf32, #tpu.memory_space<vmem>>, vector<1x16xf32>,
        %swap3A_646 = vector.shape_cast %swap3A_645 : vector<1x16xf32> to vector<16xf32>
        %swap3A_647 = vector.shape_cast %select_n3A_642 : vector<16xf32> to vector<1x16xf32>
        tpu.vector_store %arg4[%swap3A_643, %swap3A_644], %swap3A_647 {strides = array<i32>} : memref<768x128xf32, #tpu.memory_space<vmem>>, vector<1x16xf32>,
        %get3A_648 = arith.index_cast %scan3A_625 : i32 to index
        %get3A_649 = arith.constant 16 : index
        %get3A_650 = tpu.vector_load %arg4[%get3A_648, %get3A_649] {strides = array<i32>} : memref<768x128xf32, #tpu.memory_space<vmem>>, vector<1x16xf32>,
        %get3A_651 = vector.shape_cast %get3A_650 : vector<1x16xf32> to vector<16xf32>
        %bitcast_convert_type3A_652 = tpu.bitcast %get3A_651 : vector<16xf32> -> vector<16xi32>
        %ge3A_653 = arith.constant 0 : i32
        %ge3A_654 = vector.broadcast %ge3A_653 : i32 to vector<16xi32>
        %ge3A_655 = arith.cmpi sge, %bitcast_convert_type3A_652, %ge3A_654 : vector<16xi32>
        %xor3A_656 = arith.constant 2147483647 : i32
        %xor3A_657 = vector.broadcast %xor3A_656 : i32 to vector<16xi32>
        %xor3A_658 = arith.xori %bitcast_convert_type3A_652, %xor3A_657 : vector<16xi32>
        %select_n3A_659 = arith.select %ge3A_655, %bitcast_convert_type3A_652, %xor3A_658 : vector<16xi1>, vector<16xi32>
        %bitcast_convert_type3A_660 = tpu.bitcast %select_n3A_659 : vector<16xi32> -> vector<16xf32>
        %ge3A_661 = arith.cmpi sge, %bitcast_convert_type3A_652, %scan3A_36 : vector<16xi32>
        %jit3A_662 = arith.constant 0.000000e+00 : f32
        %broadcast_in_dim3A_663 = vector.broadcast %jit3A_662 : f32 to vector<16xf32>
        %select_n3A_664 = arith.select %ge3A_661, %bitcast_convert_type3A_660, %broadcast_in_dim3A_663 : vector<16xi1>, vector<16xf32>
        %swap3A_665 = arith.index_cast %scan3A_625 : i32 to index
        %swap3A_666 = arith.constant 16 : index
        %swap3A_667 = tpu.vector_load %arg4[%swap3A_665, %swap3A_666] {strides = array<i32>} : memref<768x128xf32, #tpu.memory_space<vmem>>, vector<1x16xf32>,
        %swap3A_668 = vector.shape_cast %swap3A_667 : vector<1x16xf32> to vector<16xf32>
        %swap3A_669 = vector.shape_cast %select_n3A_664 : vector<16xf32> to vector<1x16xf32>
        tpu.vector_store %arg4[%swap3A_665, %swap3A_666], %swap3A_669 {strides = array<i32>} : memref<768x128xf32, #tpu.memory_space<vmem>>, vector<1x16xf32>,
        %get3A_670 = arith.index_cast %scan3A_625 : i32 to index
        %get3A_671 = arith.constant 32 : index
        %get3A_672 = tpu.vector_load %arg4[%get3A_670, %get3A_671] {strides = array<i32>} : memref<768x128xf32, #tpu.memory_space<vmem>>, vector<1x16xf32>,
        %get3A_673 = vector.shape_cast %get3A_672 : vector<1x16xf32> to vector<16xf32>
        %bitcast_convert_type3A_674 = tpu.bitcast %get3A_673 : vector<16xf32> -> vector<16xi32>
        %ge3A_675 = arith.constant 0 : i32
        %ge3A_676 = vector.broadcast %ge3A_675 : i32 to vector<16xi32>
        %ge3A_677 = arith.cmpi sge, %bitcast_convert_type3A_674, %ge3A_676 : vector<16xi32>
        %xor3A_678 = arith.constant 2147483647 : i32
        %xor3A_679 = vector.broadcast %xor3A_678 : i32 to vector<16xi32>
        %xor3A_680 = arith.xori %bitcast_convert_type3A_674, %xor3A_679 : vector<16xi32>
        %select_n3A_681 = arith.select %ge3A_677, %bitcast_convert_type3A_674, %xor3A_680 : vector<16xi1>, vector<16xi32>
        %bitcast_convert_type3A_682 = tpu.bitcast %select_n3A_681 : vector<16xi32> -> vector<16xf32>
        %ge3A_683 = arith.cmpi sge, %bitcast_convert_type3A_674, %scan3A_44 : vector<16xi32>
        %jit3A_684 = arith.constant 0.000000e+00 : f32
        %broadcast_in_dim3A_685 = vector.broadcast %jit3A_684 : f32 to vector<16xf32>
        %select_n3A_686 = arith.select %ge3A_683, %bitcast_convert_type3A_682, %broadcast_in_dim3A_685 : vector<16xi1>, vector<16xf32>
        %swap3A_687 = arith.index_cast %scan3A_625 : i32 to index
        %swap3A_688 = arith.constant 32 : index
        %swap3A_689 = tpu.vector_load %arg4[%swap3A_687, %swap3A_688] {strides = array<i32>} : memref<768x128xf32, #tpu.memory_space<vmem>>, vector<1x16xf32>,
        %swap3A_690 = vector.shape_cast %swap3A_689 : vector<1x16xf32> to vector<16xf32>
        %swap3A_691 = vector.shape_cast %select_n3A_686 : vector<16xf32> to vector<1x16xf32>
        tpu.vector_store %arg4[%swap3A_687, %swap3A_688], %swap3A_691 {strides = array<i32>} : memref<768x128xf32, #tpu.memory_space<vmem>>, vector<1x16xf32>,
        %get3A_692 = arith.index_cast %scan3A_625 : i32 to index
        %get3A_693 = arith.constant 48 : index
        %get3A_694 = tpu.vector_load %arg4[%get3A_692, %get3A_693] {strides = array<i32>} : memref<768x128xf32, #tpu.memory_space<vmem>>, vector<1x16xf32>,
        %get3A_695 = vector.shape_cast %get3A_694 : vector<1x16xf32> to vector<16xf32>
        %bitcast_convert_type3A_696 = tpu.bitcast %get3A_695 : vector<16xf32> -> vector<16xi32>
        %ge3A_697 = arith.constant 0 : i32
        %ge3A_698 = vector.broadcast %ge3A_697 : i32 to vector<16xi32>
        %ge3A_699 = arith.cmpi sge, %bitcast_convert_type3A_696, %ge3A_698 : vector<16xi32>
        %xor3A_700 = arith.constant 2147483647 : i32
        %xor3A_701 = vector.broadcast %xor3A_700 : i32 to vector<16xi32>
        %xor3A_702 = arith.xori %bitcast_convert_type3A_696, %xor3A_701 : vector<16xi32>
        %select_n3A_703 = arith.select %ge3A_699, %bitcast_convert_type3A_696, %xor3A_702 : vector<16xi1>, vector<16xi32>
        %bitcast_convert_type3A_704 = tpu.bitcast %select_n3A_703 : vector<16xi32> -> vector<16xf32>
        %ge3A_705 = arith.cmpi sge, %bitcast_convert_type3A_696, %scan3A_52 : vector<16xi32>
        %jit3A_706 = arith.constant 0.000000e+00 : f32
        %broadcast_in_dim3A_707 = vector.broadcast %jit3A_706 : f32 to vector<16xf32>
        %select_n3A_708 = arith.select %ge3A_705, %bitcast_convert_type3A_704, %broadcast_in_dim3A_707 : vector<16xi1>, vector<16xf32>
        %swap3A_709 = arith.index_cast %scan3A_625 : i32 to index
        %swap3A_710 = arith.constant 48 : index
        %swap3A_711 = tpu.vector_load %arg4[%swap3A_709, %swap3A_710] {strides = array<i32>} : memref<768x128xf32, #tpu.memory_space<vmem>>, vector<1x16xf32>,
        %swap3A_712 = vector.shape_cast %swap3A_711 : vector<1x16xf32> to vector<16xf32>
        %swap3A_713 = vector.shape_cast %select_n3A_708 : vector<16xf32> to vector<1x16xf32>
        tpu.vector_store %arg4[%swap3A_709, %swap3A_710], %swap3A_713 {strides = array<i32>} : memref<768x128xf32, #tpu.memory_space<vmem>>, vector<1x16xf32>,
        %get3A_714 = arith.index_cast %scan3A_625 : i32 to index
        %get3A_715 = arith.constant 64 : index
        %get3A_716 = tpu.vector_load %arg4[%get3A_714, %get3A_715] {strides = array<i32>} : memref<768x128xf32, #tpu.memory_space<vmem>>, vector<1x16xf32>,
        %get3A_717 = vector.shape_cast %get3A_716 : vector<1x16xf32> to vector<16xf32>
        %bitcast_convert_type3A_718 = tpu.bitcast %get3A_717 : vector<16xf32> -> vector<16xi32>
        %ge3A_719 = arith.constant 0 : i32
        %ge3A_720 = vector.broadcast %ge3A_719 : i32 to vector<16xi32>
        %ge3A_721 = arith.cmpi sge, %bitcast_convert_type3A_718, %ge3A_720 : vector<16xi32>
        %xor3A_722 = arith.constant 2147483647 : i32
        %xor3A_723 = vector.broadcast %xor3A_722 : i32 to vector<16xi32>
        %xor3A_724 = arith.xori %bitcast_convert_type3A_718, %xor3A_723 : vector<16xi32>
        %select_n3A_725 = arith.select %ge3A_721, %bitcast_convert_type3A_718, %xor3A_724 : vector<16xi1>, vector<16xi32>
        %bitcast_convert_type3A_726 = tpu.bitcast %select_n3A_725 : vector<16xi32> -> vector<16xf32>
        %ge3A_727 = arith.cmpi sge, %bitcast_convert_type3A_718, %scan3A_60 : vector<16xi32>
        %jit3A_728 = arith.constant 0.000000e+00 : f32
        %broadcast_in_dim3A_729 = vector.broadcast %jit3A_728 : f32 to vector<16xf32>
        %select_n3A_730 = arith.select %ge3A_727, %bitcast_convert_type3A_726, %broadcast_in_dim3A_729 : vector<16xi1>, vector<16xf32>
        %swap3A_731 = arith.index_cast %scan3A_625 : i32 to index
        %swap3A_732 = arith.constant 64 : index
        %swap3A_733 = tpu.vector_load %arg4[%swap3A_731, %swap3A_732] {strides = array<i32>} : memref<768x128xf32, #tpu.memory_space<vmem>>, vector<1x16xf32>,
        %swap3A_734 = vector.shape_cast %swap3A_733 : vector<1x16xf32> to vector<16xf32>
        %swap3A_735 = vector.shape_cast %select_n3A_730 : vector<16xf32> to vector<1x16xf32>
        tpu.vector_store %arg4[%swap3A_731, %swap3A_732], %swap3A_735 {strides = array<i32>} : memref<768x128xf32, #tpu.memory_space<vmem>>, vector<1x16xf32>,
        %get3A_736 = arith.index_cast %scan3A_625 : i32 to index
        %get3A_737 = arith.constant 80 : index
        %get3A_738 = tpu.vector_load %arg4[%get3A_736, %get3A_737] {strides = array<i32>} : memref<768x128xf32, #tpu.memory_space<vmem>>, vector<1x16xf32>,
        %get3A_739 = vector.shape_cast %get3A_738 : vector<1x16xf32> to vector<16xf32>
        %bitcast_convert_type3A_740 = tpu.bitcast %get3A_739 : vector<16xf32> -> vector<16xi32>
        %ge3A_741 = arith.constant 0 : i32
        %ge3A_742 = vector.broadcast %ge3A_741 : i32 to vector<16xi32>
        %ge3A_743 = arith.cmpi sge, %bitcast_convert_type3A_740, %ge3A_742 : vector<16xi32>
        %xor3A_744 = arith.constant 2147483647 : i32
        %xor3A_745 = vector.broadcast %xor3A_744 : i32 to vector<16xi32>
        %xor3A_746 = arith.xori %bitcast_convert_type3A_740, %xor3A_745 : vector<16xi32>
        %select_n3A_747 = arith.select %ge3A_743, %bitcast_convert_type3A_740, %xor3A_746 : vector<16xi1>, vector<16xi32>
        %bitcast_convert_type3A_748 = tpu.bitcast %select_n3A_747 : vector<16xi32> -> vector<16xf32>
        %ge3A_749 = arith.cmpi sge, %bitcast_convert_type3A_740, %scan3A_68 : vector<16xi32>
        %jit3A_750 = arith.constant 0.000000e+00 : f32
        %broadcast_in_dim3A_751 = vector.broadcast %jit3A_750 : f32 to vector<16xf32>
        %select_n3A_752 = arith.select %ge3A_749, %bitcast_convert_type3A_748, %broadcast_in_dim3A_751 : vector<16xi1>, vector<16xf32>
        %swap3A_753 = arith.index_cast %scan3A_625 : i32 to index
        %swap3A_754 = arith.constant 80 : index
        %swap3A_755 = tpu.vector_load %arg4[%swap3A_753, %swap3A_754] {strides = array<i32>} : memref<768x128xf32, #tpu.memory_space<vmem>>, vector<1x16xf32>,
        %swap3A_756 = vector.shape_cast %swap3A_755 : vector<1x16xf32> to vector<16xf32>
        %swap3A_757 = vector.shape_cast %select_n3A_752 : vector<16xf32> to vector<1x16xf32>
        tpu.vector_store %arg4[%swap3A_753, %swap3A_754], %swap3A_757 {strides = array<i32>} : memref<768x128xf32, #tpu.memory_space<vmem>>, vector<1x16xf32>,
        %get3A_758 = arith.index_cast %scan3A_625 : i32 to index
        %get3A_759 = arith.constant 96 : index
        %get3A_760 = tpu.vector_load %arg4[%get3A_758, %get3A_759] {strides = array<i32>} : memref<768x128xf32, #tpu.memory_space<vmem>>, vector<1x16xf32>,
        %get3A_761 = vector.shape_cast %get3A_760 : vector<1x16xf32> to vector<16xf32>
        %bitcast_convert_type3A_762 = tpu.bitcast %get3A_761 : vector<16xf32> -> vector<16xi32>
        %ge3A_763 = arith.constant 0 : i32
        %ge3A_764 = vector.broadcast %ge3A_763 : i32 to vector<16xi32>
        %ge3A_765 = arith.cmpi sge, %bitcast_convert_type3A_762, %ge3A_764 : vector<16xi32>
        %xor3A_766 = arith.constant 2147483647 : i32
        %xor3A_767 = vector.broadcast %xor3A_766 : i32 to vector<16xi32>
        %xor3A_768 = arith.xori %bitcast_convert_type3A_762, %xor3A_767 : vector<16xi32>
        %select_n3A_769 = arith.select %ge3A_765, %bitcast_convert_type3A_762, %xor3A_768 : vector<16xi1>, vector<16xi32>
        %bitcast_convert_type3A_770 = tpu.bitcast %select_n3A_769 : vector<16xi32> -> vector<16xf32>
        %ge3A_771 = arith.cmpi sge, %bitcast_convert_type3A_762, %scan3A_76 : vector<16xi32>
        %jit3A_772 = arith.constant 0.000000e+00 : f32
        %broadcast_in_dim3A_773 = vector.broadcast %jit3A_772 : f32 to vector<16xf32>
        %select_n3A_774 = arith.select %ge3A_771, %bitcast_convert_type3A_770, %broadcast_in_dim3A_773 : vector<16xi1>, vector<16xf32>
        %swap3A_775 = arith.index_cast %scan3A_625 : i32 to index
        %swap3A_776 = arith.constant 96 : index
        %swap3A_777 = tpu.vector_load %arg4[%swap3A_775, %swap3A_776] {strides = array<i32>} : memref<768x128xf32, #tpu.memory_space<vmem>>, vector<1x16xf32>,
        %swap3A_778 = vector.shape_cast %swap3A_777 : vector<1x16xf32> to vector<16xf32>
        %swap3A_779 = vector.shape_cast %select_n3A_774 : vector<16xf32> to vector<1x16xf32>
        tpu.vector_store %arg4[%swap3A_775, %swap3A_776], %swap3A_779 {strides = array<i32>} : memref<768x128xf32, #tpu.memory_space<vmem>>, vector<1x16xf32>,
        %get3A_780 = arith.index_cast %scan3A_625 : i32 to index
        %get3A_781 = arith.constant 112 : index
        %get3A_782 = tpu.vector_load %arg4[%get3A_780, %get3A_781] {strides = array<i32>} : memref<768x128xf32, #tpu.memory_space<vmem>>, vector<1x16xf32>,
        %get3A_783 = vector.shape_cast %get3A_782 : vector<1x16xf32> to vector<16xf32>
        %bitcast_convert_type3A_784 = tpu.bitcast %get3A_783 : vector<16xf32> -> vector<16xi32>
        %ge3A_785 = arith.constant 0 : i32
        %ge3A_786 = vector.broadcast %ge3A_785 : i32 to vector<16xi32>
        %ge3A_787 = arith.cmpi sge, %bitcast_convert_type3A_784, %ge3A_786 : vector<16xi32>
        %xor3A_788 = arith.constant 2147483647 : i32
        %xor3A_789 = vector.broadcast %xor3A_788 : i32 to vector<16xi32>
        %xor3A_790 = arith.xori %bitcast_convert_type3A_784, %xor3A_789 : vector<16xi32>
        %select_n3A_791 = arith.select %ge3A_787, %bitcast_convert_type3A_784, %xor3A_790 : vector<16xi1>, vector<16xi32>
        %bitcast_convert_type3A_792 = tpu.bitcast %select_n3A_791 : vector<16xi32> -> vector<16xf32>
        %ge3A_793 = arith.cmpi sge, %bitcast_convert_type3A_784, %scan3A_84 : vector<16xi32>
        %jit3A_794 = arith.constant 0.000000e+00 : f32
        %broadcast_in_dim3A_795 = vector.broadcast %jit3A_794 : f32 to vector<16xf32>
        %select_n3A_796 = arith.select %ge3A_793, %bitcast_convert_type3A_792, %broadcast_in_dim3A_795 : vector<16xi1>, vector<16xf32>
        %swap3A_797 = arith.index_cast %scan3A_625 : i32 to index
        %swap3A_798 = arith.constant 112 : index
        %swap3A_799 = tpu.vector_load %arg4[%swap3A_797, %swap3A_798] {strides = array<i32>} : memref<768x128xf32, #tpu.memory_space<vmem>>, vector<1x16xf32>,
        %swap3A_800 = vector.shape_cast %swap3A_799 : vector<1x16xf32> to vector<16xf32>
        %swap3A_801 = vector.shape_cast %select_n3A_796 : vector<16xf32> to vector<1x16xf32>
        tpu.vector_store %arg4[%swap3A_797, %swap3A_798], %swap3A_801 {strides = array<i32>} : memref<768x128xf32, #tpu.memory_space<vmem>>, vector<1x16xf32>,
        %scan3A_802 = arith.constant 0 : i32
        scf.yield %scan3A_802 : i32
      }
      %scan3A_92 = arith.constant 768 : i32
      "tpu.region"() ({
        %run_scoped3A = tpu.sem_alloc : memref<!tpu.dma_semaphore, #tpu.memory_space<semaphore_mem>>
        %dma_start3A = arith.constant 0 : i32
        %dma_start3A_94 = tpu.memref_slice %arg3[%div3A_12, %dma_start3A, %multiple_of3A] : memref<8x768x1024xf32, #tpu.memory_space<hbm>> -> memref<1x768x128xf32, #tpu.memory_space<hbm>>
        %dma_start3A_95 = tpu.memref_squeeze %dma_start3A_94 : memref<1x768x128xf32, #tpu.memory_space<hbm>> -> memref<768x128xf32, #tpu.memory_space<hbm>>
        %dma_start3A_96 = arith.constant 0 : i32
        %dma_start3A_97 = tpu.memref_slice %arg3[%div3A_12, %dma_start3A_96, %multiple_of3A] : memref<8x768x1024xf32, #tpu.memory_space<hbm>> -> memref<1x768x128xf32, #tpu.memory_space<hbm>>
        %dma_start3A_98 = tpu.memref_squeeze %dma_start3A_97 : memref<1x768x128xf32, #tpu.memory_space<hbm>> -> memref<768x128xf32, #tpu.memory_space<hbm>>
        tpu.enqueue_dma source(%arg4 : memref<768x128xf32, #tpu.memory_space<vmem>>) target(%dma_start3A_98 : memref<768x128xf32, #tpu.memory_space<hbm>>) target_semaphore(%run_scoped3A : memref<!tpu.dma_semaphore, #tpu.memory_space<semaphore_mem>>)
        %dma_wait3A = arith.constant 0 : i32
        %dma_wait3A_99 = tpu.memref_slice %arg3[%div3A_12, %dma_wait3A, %multiple_of3A] : memref<8x768x1024xf32, #tpu.memory_space<hbm>> -> memref<1x768x128xf32, #tpu.memory_space<hbm>>
        %dma_wait3A_100 = tpu.memref_squeeze %dma_wait3A_99 : memref<1x768x128xf32, #tpu.memory_space<hbm>> -> memref<768x128xf32, #tpu.memory_space<hbm>>
        %dma_wait3A_101 = arith.constant 0 : i32
        %dma_wait3A_102 = tpu.memref_slice %arg3[%div3A_12, %dma_wait3A_101, %multiple_of3A] : memref<8x768x1024xf32, #tpu.memory_space<hbm>> -> memref<1x768x128xf32, #tpu.memory_space<hbm>>
        %dma_wait3A_103 = tpu.memref_squeeze %dma_wait3A_102 : memref<1x768x128xf32, #tpu.memory_space<hbm>> -> memref<768x128xf32, #tpu.memory_space<hbm>>
        tpu.wait_dma2 semaphore(%run_scoped3A : memref<!tpu.dma_semaphore, #tpu.memory_space<semaphore_mem>>) src(%arg4 : memref<768x128xf32, #tpu.memory_space<vmem>>) dst(%dma_wait3A_103 : memref<768x128xf32, #tpu.memory_space<hbm>>)
        tpu.yield
      }) : () -> ()
      %scan3A_93 = arith.constant 0 : i32
      scf.yield %scan3A_93 : i32
    }
    %scan3A_6 = arith.constant 2 : i32
    return
  }
}

module attributes {stable_mosaic.version = 14 : i64} {
  func.func @_topk_mask_body(%arg0: i32, %arg1: memref<1x768x1024xf32, #tpu.memory_space<vmem>>, %arg2: memref<1x768x1024xf32, #tpu.memory_space<vmem>>) attributes {dimension_semantics = [#tpu.dimension_semantics<arbitrary>], iteration_bounds = array<i64: 24>, scalar_prefetch = 0 : i64, scratch_operands = 0 : i64, tpu.core_type = #tpu.core_type<tc>, window_params = [{transform_indices = @transform_0, window_bounds = array<i64: 1, 768, 1024>}, {transform_indices = @transform_1, window_bounds = array<i64: 1, 768, 1024>}]} {
    %get3A = arith.constant 0 : index
    %get3A_0 = arith.constant 0 : index
    %get3A_1 = arith.constant 0 : index
    %get3A_2 = vector.load %arg1[%get3A, %get3A_0, %get3A_1] : memref<1x768x1024xf32, #tpu.memory_space<vmem>>, vector<1x768x1024xf32>
    %get3A_3 = vector.shape_cast %get3A_2 : vector<1x768x1024xf32> to vector<768x1024xf32>
    %ge3A = arith.constant 0.000000e+00 : f32
    %ge3A_4 = vector.broadcast %ge3A : f32 to vector<768x1024xf32>
    %ge3A_5 = arith.cmpf oge, %get3A_3, %ge3A_4 : vector<768x1024xf32>
    %mul3A = arith.constant 1.000000e-01 : f32
    %mul3A_6 = vector.broadcast %mul3A : f32 to vector<768x1024xf32>
    %mul3A_7 = arith.mulf %mul3A_6, %get3A_3 : vector<768x1024xf32>
    %select_n3A = arith.select %ge3A_5, %get3A_3, %mul3A_7 : vector<768x1024xi1>, vector<768x1024xf32>
    %bitcast_convert_type3A = tpu.bitcast %select_n3A : vector<768x1024xf32> -> vector<768x1024xi32>
    %ge3A_8 = arith.constant 0 : i32
    %ge3A_9 = vector.broadcast %ge3A_8 : i32 to vector<768x1024xi32>
    %ge3A_10 = arith.cmpi sge, %bitcast_convert_type3A, %ge3A_9 : vector<768x1024xi32>
    %xor3A = arith.constant 2147483647 : i32
    %xor3A_11 = vector.broadcast %xor3A : i32 to vector<768x1024xi32>
    %xor3A_12 = arith.xori %bitcast_convert_type3A, %xor3A_11 : vector<768x1024xi32>
    %select_n3A_13 = arith.select %ge3A_10, %bitcast_convert_type3A, %xor3A_12 : vector<768x1024xi1>, vector<768x1024xi32>
    %broadcast_in_dim3A = arith.constant -2147483648 : i32
    %broadcast_in_dim3A_14 = vector.broadcast %broadcast_in_dim3A : i32 to vector<1x1024xi32>
    %scan3A = arith.constant 0 : i32
    %scan3A_15 = arith.constant 26 : i32
    %scan3A_16 = arith.addi %scan3A, %scan3A_15 : i32
    %scan3A_17 = arith.constant 1 : i32
    %scan3A_18 = scf.for %scan3A_29 = %scan3A to %scan3A_16 step %scan3A_17 iter_args(%scan3A_30 = %broadcast_in_dim3A_14) -> (vector<1x1024xi32>)  : i32 {
      %sub3A = arith.constant 31 : i32
      %sub3A_31 = arith.subi %sub3A, %scan3A_29 : i32
      %shift_left3A = arith.constant 1 : i32
      %shift_left3A_32 = arith.shli %shift_left3A, %sub3A_31 : i32
      %add3A = vector.broadcast %shift_left3A_32 : i32 to vector<1x1024xi32>
      %add3A_33 = arith.addi %scan3A_30, %add3A : vector<1x1024xi32>
      %ge3A_34 = vector.broadcast %add3A_33 : vector<1x1024xi32> to vector<768x1024xi32>
      %ge3A_35 = arith.cmpi sge, %select_n3A_13, %ge3A_34 : vector<768x1024xi32>
      %convert_element_type3A = arith.extui %ge3A_35 : vector<768x1024xi1> to vector<768x1024xi32>
      %reduce_sum3A = arith.constant dense<0> : vector<1024xi32>
      %reduce_sum3A_36 = vector.multi_reduction <add>, %convert_element_type3A, %reduce_sum3A [0] : vector<768x1024xi32> to vector<1024xi32>
      %broadcast_in_dim3A_37 = vector.shape_cast %reduce_sum3A_36 : vector<1024xi32> to vector<1x1024xi32>
      %ge3A_38 = arith.constant 153 : i32
      %ge3A_39 = vector.broadcast %ge3A_38 : i32 to vector<1x1024xi32>
      %ge3A_40 = arith.cmpi sge, %broadcast_in_dim3A_37, %ge3A_39 : vector<1x1024xi32>
      %select_n3A_41 = arith.select %ge3A_40, %add3A_33, %scan3A_30 : vector<1x1024xi1>, vector<1x1024xi32>
      scf.yield %select_n3A_41 : vector<1x1024xi32>
    }
    %scan3A_19 = arith.constant 26 : i32
    %ge3A_20 = vector.broadcast %scan3A_18 : vector<1x1024xi32> to vector<768x1024xi32>
    %ge3A_21 = arith.cmpi sge, %select_n3A_13, %ge3A_20 : vector<768x1024xi32>
    %jit3A = arith.constant 0.000000e+00 : f32
    %broadcast_in_dim3A_22 = vector.broadcast %jit3A : f32 to vector<768x1024xf32>
    %select_n3A_23 = arith.select %ge3A_21, %select_n3A, %broadcast_in_dim3A_22 : vector<768x1024xi1>, vector<768x1024xf32>
    %swap3A = arith.constant 0 : index
    %swap3A_24 = arith.constant 0 : index
    %swap3A_25 = arith.constant 0 : index
    %swap3A_26 = vector.load %arg2[%swap3A, %swap3A_24, %swap3A_25] : memref<1x768x1024xf32, #tpu.memory_space<vmem>>, vector<1x768x1024xf32>
    %swap3A_27 = vector.shape_cast %swap3A_26 : vector<1x768x1024xf32> to vector<768x1024xf32>
    %swap3A_28 = vector.shape_cast %select_n3A_23 : vector<768x1024xf32> to vector<1x768x1024xf32>
    tpu.vector_store %arg2[%swap3A, %swap3A_24, %swap3A_25], %swap3A_28 {strides = array<i32>} : memref<1x768x1024xf32, #tpu.memory_space<vmem>>, vector<1x768x1024xf32>,
    return
  }
  func.func @transform_0(%arg0: i32) -> (i32, i32, i32) {
    %add3A = arith.constant 8 : i32
    %add3A_0 = arith.addi %arg0, %add3A : i32
    %c0_i32 = arith.constant 0 : i32
    %c0_i32_1 = arith.constant 0 : i32
    %c0_i32_2 = arith.constant 0 : i32
    return %add3A_0, %c0_i32, %c0_i32_1 : i32, i32, i32
  }
  func.func @transform_1(%arg0: i32) -> (i32, i32, i32) {
    %add3A = arith.constant 8 : i32
    %add3A_0 = arith.addi %arg0, %add3A : i32
    %c0_i32 = arith.constant 0 : i32
    %c0_i32_1 = arith.constant 0 : i32
    %c0_i32_2 = arith.constant 0 : i32
    return %add3A_0, %c0_i32, %c0_i32_1 : i32, i32, i32
  }
}

</mosaic_0001>

<sc_bundles>
// kernel: kernel.4.cloned.1.call-start
scs
__scs_entry_jumppad:
0x0: {  	(pc) =	sbr.rel $0x88, $3  }
0x1: {  	(tag) =	ssettag $0x0;
	lr =	simm.s32 $0x1  }
0x2: {  	[smem:$0x3FA0] =	sst lr;
	_ =	strace $0xD0000000  }
0x3: {  	_ = 	snop  }
0x4: {  	_ = 	snop  }
0x5: {  	_ = 	snop  }
0x6: {  	_ = 	snop  }
0x7: {  	_ = 	snop  }
__scs_overlays_trampoline_lowered:
0x8: {  	[smem:$0x3FAF] =	sst s0  }
0x9: {  	[smem:$0x3FB0] =	sst s1  }
0xa: {  	[smem:$0x3FB1] =	sst s2  }
0xb: {  	[smem:$0x3FB2] =	sst s3  }
0xc: {  	[smem:$0x3FB3] =	sst s4  }
0xd: {  	[smem:$0x3FB4] =	sst s5  }
0xe: {  	[smem:$0x3FB5] =	sst s6  }
0xf: {  	[smem:$0x3FB6] =	sst s7  }
0x10: {  	[smem:$0x3FB7] =	sst s8  }
0x11: {  	[smem:$0x3FB8] =	sst s9;
	s0 =	simm.s32 @!p0 $0x0  }
0x12: {  	s1 =	sld [smem:$0x3F9E];
	s0 =	simm.s32 @p0 $0x1  }
0x13: {  	[smem:$0x3FB9] =	sst s0;
	s0 =	simm.s32 @!p1 $0x0  }
0x14: {  	s2 =	sld [smem:$0x3F9D];
	s0 =	simm.s32 @p1 $0x1  }
0x15: {  	[smem:$0x3FBA] =	sst s0;
	s0 =	simm.s32 @!p2 $0x0  }
0x16: {  	s3 =	sld [smem:$0x3FDB];
	s0 =	simm.s32 @p2 $0x1  }
0x17: {  	s4 =	simm.s32 $0x1BF5;
	[smem:$0x3FBC] =	sst s0  }
0x18: {  	s0 =	sld [smem:$0x3F9F];
	_ =	swait.ge [sflag:s4], $0x0  }
0x19: {  	s7 =	sld [smem:$0x3FA0]  }
0x1a: {  	s8 =	sadd.s32 $0xFFFFE003, lr  }
0x1b: {  	s9 =	sadd.s32 $0xFFFFFEF7, lr;
	s5 =	simm.s32 $0xFFFFFFFF;
	p2 =	slt.u32 s8, $0xFFFFF086  }
0x1c: {  	p1 =	slt.u32 s9, $0xF7A;
	s5 =	simm.s32 @!p2 $0x0  }
0x1d: {  	s5 =	simm.s32 @p1 $0x1;
	p0 =	seq.s32 s7, s2  }
0x1e: {  	s7 =	smul.u32 @!p0 $0xF7A, s2;
	p2 =	seq.s32 @!p0 s5, $0x0  }
0x1f: {  	s9 =	smul.u32 $0xF7A, s1;
	s8 =	simm.s32 @!p0 $0x1BF5;
	p2 =	por !p2, p0  }
0x20: {  	[sflag:s8] =	ssyncset.s32 @!p0 $0xFFFFF086;
	s6 =	sadd.s32 @!p0 s3, s7;
	s7 =	simm.s32 @!p0 $0x108  }
0x21: {  	s3 =	sadd.s32 s3, s9;
	s6 =	sadd.s32 @!p0 $0x88, s6;
	s7 =	simm.s32 @p2 $0x1082  }
0x22: {  	[simem:s7], [sflag:s8] =	dma.local @!p0 [hbm:s6], $0xF7A  }
0x23: {  	s9 =	sor.u32 $0xD0000000, s2;
	s6 =	simm.s32 $0x108;
	_ =	swait.ge @!p0 [sflag:s8], $0x0  }
0x24: {  	s3 =	sadd.s32 $0x88, s3;
	s6 =	simm.s32 @!p1 $0x1082;
	[sflag:s4] =	ssyncset.s32 $0xFFFFF086  }
0x25: {  	[simem:s6], [sflag:s4] =	dma.local [hbm:s3], $0xF7A  }
0x26: {  	[smem:$0x3FA0] =	sst s1;
	(tag) =	ssettag s2;
	_ =	strace s9  }
0x27: {  	s1 =	sld [smem:$0x3FB0]  }
0x28: {  	s2 =	sld [smem:$0x3FB1]  }
0x29: {  	s4 =	sld [smem:$0x3FB3]  }
0x2a: {  	p0 =	seq.s32 s5, $0x0;
	s5 =	sld [smem:$0x3FB4]  }
0x2b: {  	s6 =	sld [smem:$0x3FB5]  }
0x2c: {  	s7 =	sld [smem:$0x3FB6]  }
0x2d: {  	s3 =	simm.s32 $0x108;
	s8 =	sld [smem:$0x3FB7]  }
0x2e: {  	s3 =	simm.s32 @!p0 $0x1082;
	s9 =	sld [smem:$0x3FB8]  }
0x2f: {  	lr =	sadd.s32 s0, s3;
	s0 =	sld [smem:$0x3FAF]  }
0x30: {  	s3 =	sld [smem:$0x3FB2]  }
0x31: {  	[smem:$0x3FBB] =	sst s10  }
0x32: {  	s10 =	sld [smem:$0x3FB9];
	_ =	sdelay $0x3  }
0x33: {  	p0 =	seq.s32 s10, $0x1;
	s10 =	sld [smem:$0x3FBB];
	_ =	sdelay $0x3  }
0x34: {  	[smem:$0x3FBB] =	sst s10  }
0x35: {  	s10 =	sld [smem:$0x3FBA];
	_ =	sdelay $0x3  }
0x36: {  	p1 =	seq.s32 s10, $0x1;
	s10 =	sld [smem:$0x3FBB];
	_ =	sdelay $0x3  }
0x37: {  	[smem:$0x3FBB] =	sst s10  }
0x38: {  	s10 =	sld [smem:$0x3FBC]  }
0x39: {  	_ = 	snop;
	(pc) =	sbr.ind lr, $3  }
0x3a: {  	_ = 	snop  }
0x3b: {  	_ = 	snop  }
0x3c: {  	p2 =	seq.s32 s10, $0x1;
	s10 =	sld [smem:$0x3FBB]  }
0x3d: {  	_ =	shalt  }
0x3e: {  	_ =	shalt  }
0x3f: {  	_ =	shalt  }
0x40: {  	_ =	shalt  }
0x41: {  	_ =	shalt  }
0x42: {  	_ =	shalt  }
0x43: {  	_ =	shalt  }
0x44: {  	_ =	shalt  }
0x45: {  	_ =	shalt  }
0x46: {  	_ =	shalt  }
0x47: {  	_ =	shalt  }
0x48: {  	_ =	shalt  }
0x49: {  	_ =	shalt  }
0x4a: {  	_ =	shalt  }
0x4b: {  	_ =	shalt  }
0x4c: {  	_ =	shalt  }
0x4d: {  	_ =	shalt  }
0x4e: {  	_ =	shalt  }
0x4f: {  	_ =	shalt  }
0x50: {  	_ =	shalt  }
0x51: {  	_ =	shalt  }
0x52: {  	_ =	shalt  }
0x53: {  	_ =	shalt  }
0x54: {  	_ =	shalt  }
0x55: {  	_ =	shalt  }
0x56: {  	_ =	shalt  }
0x57: {  	_ =	shalt  }
0x58: {  	_ =	shalt  }
0x59: {  	_ =	shalt  }
0x5a: {  	_ =	shalt  }
0x5b: {  	_ =	shalt  }
0x5c: {  	_ =	shalt  }
0x5d: {  	_ =	shalt  }
0x5e: {  	_ =	shalt  }
0x5f: {  	_ =	shalt  }
0x60: {  	_ =	shalt  }
0x61: {  	_ =	shalt  }
0x62: {  	_ =	shalt  }
0x63: {  	_ =	shalt  }
0x64: {  	_ =	shalt  }
0x65: {  	_ =	shalt  }
0x66: {  	_ =	shalt  }
0x67: {  	_ =	shalt  }
0x68: {  	_ =	shalt  }
0x69: {  	_ =	shalt  }
0x6a: {  	_ =	shalt  }
0x6b: {  	_ =	shalt  }
0x6c: {  	_ =	shalt  }
0x6d: {  	_ =	shalt  }
0x6e: {  	_ =	shalt  }
0x6f: {  	_ =	shalt  }
0x70: {  	_ =	shalt  }
0x71: {  	_ =	shalt  }
0x72: {  	_ =	shalt  }
0x73: {  	_ =	shalt  }
0x74: {  	_ =	shalt  }
0x75: {  	_ =	shalt  }
0x76: {  	_ =	shalt  }
0x77: {  	_ =	shalt  }
0x78: {  	_ =	shalt  }
0x79: {  	_ =	shalt  }
0x7a: {  	_ =	shalt  }
0x7b: {  	_ =	shalt  }
0x7c: {  	_ =	shalt  }
0x7d: {  	_ =	shalt  }
0x7e: {  	_ =	shalt  }
0x7f: {  	_ =	shalt  }
0x80: {  	_ =	shalt  }
0x81: {  	_ =	shalt  }
0x82: {  	_ =	shalt  }
0x83: {  	_ =	shalt  }
0x84: {  	_ =	shalt  }
0x85: {  	_ =	shalt  }
0x86: {  	_ =	shalt  }
0x87: {  	_ =	shalt  }
.Lfunc_end0:
.L_simem_size_0:
called_computation.1_lowered:
.L_overlay_start_0:
0x88: {  	s2 =	sld [smem:$0x3FD9]  }
0x89: {  	s3 =	sld [smem:$0x3FFE];
	_ =	sdelay $0x1  }
0x8a: {  	s1 =	srdreg.scid  }
0x8b: {  	s0 =	sand.u32 $0x1, s1  }
0x8c: {  	s17 =	sshll.u32 s0, $0xA;
	s2 =	sadd.s32 s3, s2  }
0x8d: {  	s2 =	sadd.s32 s2, s17  }
0x8e: {  	[smem:$0x3FC7] =	sst s2  }
0x8f: {  	_ = 	snop  }
0x90: {  	s2 =	sld [smem:$0x3FD0];
	(tm) =	ssettm $0x1  }
0x91: {  	s18 =	sld [smem:$0x3FFB];
	_ =	sdelay $0x3  }
0x92: {  	_ =	strace s18  }
0x93: {  	s3 =	sld [smem:$0x3FFC];
	_ =	sdelay $0x3  }
0x94: {  	_ =	strace s3  }
0x95: {  	s3 =	sld [smem:$0x3FFD];
	_ =	sdelay $0x3  }
0x96: {  	_ =	strace s3  }
0x97: {  	_ =	strace $0x8FFFFFFF  }
0x98: {  	s19 =	sld [smem:$0x3FDB];
	_ =	sdelay $0x1  }
0x99: {  	s4 =	simm.s32 $_scs_section_size  }
0x9a: {  	s5 =	simm.s32 $_size__tile_overlayer_lowered;
	s6 =	simm.s32 $_tile_overlayer_lowered  }
0x9b: {  	s22 =	simm.s32 $0x1BFF;
	s21 =	sshll.u32 s6, $0x1;
	s3 =	sadd.s32 s4, s19  }
0x9c: {  	s7 =	simm.s32 $0x0;
	s20 =	sshll.u32 s5, $0x1;
	s5 =	sadd.s32 s21, s3  }
0x9d: {  	[timem:s7], [sflag:s22] =	dma.local [hbm:s5], s20  }
0x9e: {  	_ =	swait.ge [sflag:s22], s20  }
0x9f: {  	s4 =	ssub.s32 $0x0, s20;
	[sflag:s22] =	ssyncset.done $0x0  }
0xa0: {  	[sflag:s22] =	ssyncadd.s32 s4;
	_ =	sdelay $0x1  }
0xa1: {  	s23 =	simm.s32 $0x1B8B  }
0xa2: {  	_ =	swait.ge [sflag:s23], $0x1  }
0xa3: {  	[sflag:s23] =	ssyncset.done $0x0  }
0xa4: {  	s25 =	simm.s32 $0x1B8E;
	s24 =	sld [smem:$0x3FFE];
	[sflag:s23] =	ssyncadd.s32 $0xFFFFFFFF  }
0xa5: {  	s26 =	simm.s32 $execute0_lowered;
	[smem:$0x3FD2] =	sst s25  }
0xa6: {  	s5 =	sshll.u32 s26, $0x1;
	_ =	strace $0x80000046;
	[dreg:$0x1] =	wrdreg $0xFFFFFFFF  }
0xa7: {  	s28 =	simm.s32 $_size_execute0_lowered;
	s3 =	sadd.s32 s3, s5;
	[dreg:$0x0] =	wrdreg $0x0  }
0xa8: {  	s5 =	sshll.u32 s28, $0x1;
	[dreg:$0x2] =	wrdreg s3  }
0xa9: {  	[dreg:$0x3] =	wrdreg s5  }
0xaa: {  	[dreg:$0x4] =	wrdreg $0xC0  }
0xab: {  	_ =	task [dreg:s7], $0x5FFFF  }
0xac: {  	[dreg:$0x1] =	wrdreg $0xFFFFFFFF  }
0xad: {  	[dreg:$0x0] =	wrdreg $0x60  }
0xae: {  	[dreg:$0x2] =	wrdreg s2  }
0xaf: {  	[dreg:$0x3] =	wrdreg s24  }
0xb0: {  	[dreg:$0x4] =	wrdreg $0x9  }
0xb1: {  	_ =	task.clear_ibuf [dreg:s7], $0x5FFFF;
	_ =	strace $0x90000046  }
0xb2: {  	s29 =	simm.s32 $0x9;
	_ =	strace $0x80000048  }
0xb3: {  	_ =	swait.ge [sflag:s29], $0x1  }
0xb4: {  	[sflag:s29] =	ssyncadd.s32 $0xFFFFFFFF  }
0xb5: {  	_ =	strace $0x90000048  }
0xb6: {  	_ =	sfence  }
0xb7: {  	s30 =	sld [smem:$0x0];
	_ =	sdelay $0x2  }
0xb8: {  	s31 =	sshll.u32 s1, $0xD;
	s1 =	sshrl.u32 s1, $0x2  }
0xb9: {  	s3 =	sand.u32 $0x4000, s31;
	s1 =	sadd.s32 s1, s30  }
0xba: {  	s0 =	sor.u32 s3, s0;
	s1 =	sshll.u32 s1, $0x11  }
0xbb: {  	s0 =	sor.u32 s1, s0  }
0xbc: {  	s0 =	sadd.s32 $0x8F2B, s0  }
0xbd: {  	[sflag:s0] =	ssyncadd.remote.s32 $0x1  }
0xbe: {  	_ =	sfence.sel $0xFFFF  }
0xbf: {  	[dreg:$0x0] =	wrdreg $0xFFFFFFFF;
	(pc) =	sbr.abs _section_cstart, $3  }
0xc0: {  	[dreg:$0x1] =	wrdreg $0xFFFFFFFF  }
0xc1: {  	_ =	task.clear_ibuf [dreg:s7], $0x2FFFF;
	_ =	strace $0x9FFFFFFF  }
0xc2: {  	(tm) =	ssettm $0x7FFFFFFF  }
0xc3: {  	_ =	shalt  }
tec
execute0_lowered:
.L_overlay_start_1:
0x0: {  	(tag) =	ssettag $0x1  }
0x1: {  	s1 =	rddreg [dreg:$0x0]  }
0x2: {  	s4 =	rddreg [dreg:$0x1]  }
0x3: {  	s3 =	srdreg.scid;
	s0 =	rddreg [dreg:$0x2];
	s2 =	simm.s32 $0x0  }
0x4: {  	s9 =	simm.s32 $0x1;
	s10 =	simm.s32 $0x80000000;
	s11 =	simm.s32 $0x0  }
0x5: {  	s5 =	sand.u32 $0x1, s3;
	[smem:$0x7FF] =	sst s2;
	s3 =	stileid.u32  }
0x6: {  	s4 =	sadd.s32 $0x800, s4;
	s6 =	ssub.s32 $0x2, s5;
	s31 =	sshrl.u32 s3, $0x1  }
0x7: {  	s8 =	sshll.u32 s3, $0xC;
	s5 =	sshll.u32 s5, $0xB;
	s7 =	sshrl.u32 s6, $0x1  }
0x8: {  	s8 =	sand.u32 $0x1000, s8;
	s6 =	ssub.s32 s6, s7;
	s7 =	smul.u32 $0xC0000, s31  }
0x9: {  	_ =	strace $0x80000047;
	s8 =	sor.u32 s5, s8;
	s5 =	smax.u32 s6, $0x1  }
0xa: {  	v0 =	vimm.s32 $0x0;
	s6 =	sor.u32 s7, s8;
	s7 =	simm.s32 $0x400;
	s8 =	simm.s32 $0x2000  }
.LBB2_1:
0xb: {  	p1 =	por $0x1, $0x1;
	s12 =	simm.s32 $0x0  }
.LBB2_2:
0xc: {  	s12 =	sor.u32 s6, s12  }
0xd: {  	s12 =	sshrl.u32 s12, $0x3  }
0xe: {  	s13 =	sadd.s32 s1, s12  }
0xf: {  	[tilespmem:s2], [sflag:$0x1] =	stream.strided.gather [hbm4b:s13+s7], $0x18000, s8, s7, $0x38;
	[tilespmem:$0x18000] =	vst v63  }
0x10: {  	_ =	swait.ge [sflag:s9], $0x18000  }
0x11: {  	[sflag:s9] =	ssyncset.done $0x0  }
0x12: {  	s13 =	simm.s32 $0x100;
	[sflag:s9] =	ssyncadd.s32 $0xFFFE8000  }
0x13: {  	v1 =	vld [tilespmem:s13+$0xFFFFFF00]  }
0x14: {  	v2 =	vld [tilespmem:s13+$0xFFFFFFF0]  }
0x15: {  	v3 =	vld [tilespmem:s13+$0xFFFFFF10]  }
0x16: {  	v4 =	vld [tilespmem:s13+$0xFFFFFF20]  }
0x17: {  	v9 =	vld [tilespmem:s13+$0xFFFFFF40]  }
0x18: {  	v10 =	vld [tilespmem:s13+$0xFFFFFF60]  }
0x19: {  	v12 =	vld [tilespmem:s13+$0xFFFFFF80]  }
0x1a: {  	v14 =	vld [tilespmem:s13+$0xFFFFFFA0]  }
0x1b: {  	v34 =	vld [tilespmem:s13+$0xFFFFFFB0]  }
0x1c: {  	v16 =	vld [tilespmem:s13+$0xFFFFFFC0]  }
0x1d: {  	v37 =	vld [tilespmem:s13+$0xFFFFFFD0]  }
0x1e: {  	v18 =	vld [tilespmem:s13+$0xFFFFFFE0]  }
0x1f: {  	v41 =	vld [tilespmem:s13+$0x0]  }
0x20: {  	v20 =	vld [tilespmem:s13+$0x10];
	v5 =	vmul.f32 $1.000000010e-01, v1;
	vm0 =	vge.f32 v1, $0.0e+00  }
0x21: {  	v45 =	vld [tilespmem:s13+$0x20];
	v6 =	vmul.f32 $1.000000010e-01, v2;
	vm1 =	vge.f32 v2, $0.0e+00;
	v8 =	vmul.f32 $1.000000010e-01, v3  }
0x22: {  	v49 =	vld [tilespmem:s13+$0x40];
	vm12 =	vge.f32 v3, $0.0e+00;
	vm13 =	vge.f32 v4, $0.0e+00;
	v11 =	vmul.f32 $1.000000010e-01, v9  }
0x23: {  	v57 =	vld [tilespmem:s13+$0x90];
	vm15 =	vge.f32 v9, $0.0e+00;
	v13 =	vmul.f32 $1.000000010e-01, v10;
	v15 =	vmul.f32 $1.000000010e-01, v12  }
0x24: {  	vm5 =	vge.f32 v10, $0.0e+00;
	v17 =	vmul.f32 $1.000000010e-01, v14;
	v39 =	vmul.f32 $1.000000010e-01, v34  }
0x25: {  	vm7 =	vge.f32 v12, $0.0e+00;
	v19 =	vmul.f32 $1.000000010e-01, v16;
	v43 =	vmul.f32 $1.000000010e-01, v37  }
0x26: {  	v22 =	vld [tilespmem:s13+$0x30];
	vm9 =	vge.f32 v14, $0.0e+00;
	v21 =	vmul.f32 $1.000000010e-01, v18;
	v47 =	vmul.f32 $1.000000010e-01, v41  }
0x27: {  	v52 =	vld [tilespmem:s13+$0x50];
	vm10 =	vge.f32 v34, $0.0e+00;
	v23 =	vmul.f32 $1.000000010e-01, v20;
	v51 =	vmul.f32 $1.000000010e-01, v45  }
0x28: {  	v56 =	vld [tilespmem:s13+$0x70];
	vm11 =	vge.f32 v16, $0.0e+00;
	v55 =	vmul.f32 $1.000000010e-01, v49;
	v61 =	vmul.f32 $1.000000010e-01, v57  }
0x29: {  	v1 =	vsel vm0, v1, v5;
	v2 =	vsel vm1, v2, v6;
	v6 =	vmul.f32 $1.000000010e-01, v4  }
0x2a: {  	v3 =	vsel vm12, v3, v8;
	v10 =	vsel vm5, v10, v13;
	v12 =	vsel vm7, v12, v15  }
0x2b: {  	v58 =	vld [tilespmem:s13+$0xA0];
	v14 =	vsel vm9, v14, v17;
	v13 =	vsel vm10, v34, v39;
	v16 =	vsel vm11, v16, v19  }
0x2c: {  	vm12 =	vge.f32 v37, $0.0e+00;
	vm5 =	vge.f32 v22, $0.0e+00;
	vm7 =	vge.f32 v52, $0.0e+00  }
0x2d: {  	vm9 =	vge.f32 v56, $0.0e+00;
	vm11 =	vge.f32 v57, $0.0e+00;
	v7 =	vxor.u32 $0x7FFFFFFF, v1  }
0x2e: {  	v5 =	vld [tilespmem:s13+$0xFFFFFF30];
	vm0 =	vlt.s32 v1, $0x0;
	vm1 =	vlt.s32 v3, $0x0;
	v38 =	vxor.u32 $0x7FFFFFFF, v14  }
0x2f: {  	v40 =	vxor.u32 $0x7FFFFFFF, v13;
	v42 =	vxor.u32 $0x7FFFFFFF, v16;
	v15 =	vsel vm12, v37, v43  }
0x30: {  	vm12 =	vge.f32 v58, $0.0e+00;
	v1 =	vsel vm0, v7, v1;
	v7 =	vxor.u32 $0x7FFFFFFF, v3  }
0x31: {  	v4 =	vsel vm13, v4, v6;
	v6 =	vld [tilespmem:s13+$0xFFFFFF50];
	vm13 =	vge.f32 v18, $0.0e+00;
	v44 =	vxor.u32 $0x7FFFFFFF, v15  }
0x32: {  	v3 =	vsel vm1, v7, v3;
	v7 =	vxor.u32 $0x7FFFFFFF, v4;
	vm0 =	vlt.s32 v4, $0x0  }
0x33: {  	v18 =	vsel vm13, v18, v21;
	[tilespmem:s13+$0xFFFFFF10] =	vst v3;
	v3 =	vmul.f32 $1.000000010e-01, v22;
	v8 =	vmul.f32 $1.000000010e-01, v5  }
0x34: {  	v4 =	vsel vm0, v7, v4;
	v46 =	vxor.u32 $0x7FFFFFFF, v18;
	vm14 =	vge.f32 v5, $0.0e+00  }
0x35: {  	v3 =	vsel vm5, v22, v3;
	v5 =	vsel vm14, v5, v8;
	v8 =	vsel vm15, v9, v11  }
0x36: {  	v11 =	vmul.f32 $1.000000010e-01, v6;
	vm4 =	vge.f32 v6, $0.0e+00;
	vm14 =	vge.f32 v41, $0.0e+00  }
0x37: {  	vm15 =	vge.f32 v20, $0.0e+00;
	v7 =	vxor.u32 $0x7FFFFFFF, v5;
	vm1 =	vlt.s32 v5, $0x0  }
0x38: {  	v9 =	vld [tilespmem:s13+$0xFFFFFF70];
	vm0 =	vlt.s32 v8, $0x0;
	v17 =	vsel vm14, v41, v47;
	v20 =	vsel vm15, v20, v23  }
0x39: {  	v5 =	vsel vm1, v7, v5;
	v7 =	vxor.u32 $0x7FFFFFFF, v8;
	v6 =	vsel vm4, v6, v11  }
0x3a: {  	v48 =	vxor.u32 $0x7FFFFFFF, v17;
	v50 =	vxor.u32 $0x7FFFFFFF, v20;
	vm4 =	vge.f32 v45, $0.0e+00  }
0x3b: {  	v11 =	vld [tilespmem:s13+$0xFFFFFF90];
	v7 =	vsel vm0, v7, v8;
	v8 =	vxor.u32 $0x7FFFFFFF, v6;
	vm1 =	vlt.s32 v6, $0x0  }
0x3c: {  	vm0 =	vlt.s32 v10, $0x0;
	v53 =	vsel vm4, v45, v51;
	v6 =	vsel vm1, v8, v6  }
0x3d: {  	[tilespmem:s13+$0xFFFFFF30] =	vst v5;
	v8 =	vxor.u32 $0x7FFFFFFF, v10;
	v5 =	vxor.u32 $0x7FFFFFFF, v53;
	v33 =	vmul.f32 $1.000000010e-01, v9  }
0x3e: {  	v54 =	vld [tilespmem:s13+$0x60];
	[tilespmem:s13+$0xFFFFFF40] =	vst v7;
	v7 =	vxor.u32 $0x7FFFFFFF, v3;
	vm6 =	vge.f32 v9, $0.0e+00;
	v8 =	vsel vm0, v8, v10  }
0x3f: {  	vm0 =	vlt.s32 v12, $0x0;
	[tilespmem:s13+$0xFFFFFF50] =	vst v6;
	v6 =	vmul.f32 $1.000000010e-01, v52;
	v9 =	vsel vm6, v9, v33  }
0x40: {  	v35 =	vmul.f32 $1.000000010e-01, v11;
	vm8 =	vge.f32 v11, $0.0e+00;
	vm6 =	vge.f32 v49, $0.0e+00  }
0x41: {  	v6 =	vsel vm7, v52, v6;
	v10 =	vxor.u32 $0x7FFFFFFF, v9;
	vm1 =	vlt.s32 v9, $0x0  }
0x42: {  	v9 =	vsel vm1, v10, v9;
	v10 =	vxor.u32 $0x7FFFFFFF, v12;
	v11 =	vsel vm8, v11, v35  }
0x43: {  	vm8 =	vge.f32 v54, $0.0e+00;
	v36 =	vxor.u32 $0x7FFFFFFF, v11;
	vm1 =	vlt.s32 v11, $0x0  }
0x44: {  	v10 =	vsel vm0, v10, v12;
	vm0 =	vlt.s32 v14, $0x0;
	v11 =	vsel vm1, v36, v11  }
0x45: {  	[tilespmem:s13+$0xFFFFFF00] =	vst v1;
	v12 =	vsel vm0, v38, v14;
	vm1 =	vlt.s32 v13, $0x0;
	vm0 =	vlt.s32 v16, $0x0  }
0x46: {  	[tilespmem:s13+$0xFFFFFF20] =	vst v4;
	v13 =	vsel vm1, v40, v13;
	v14 =	vsel vm0, v42, v16;
	vm1 =	vlt.s32 v15, $0x0  }
0x47: {  	vm0 =	vlt.s32 v18, $0x0;
	[tilespmem:s13+$0xFFFFFF90] =	vst v11;
	v11 =	vmul.f32 $1.000000010e-01, v56;
	v15 =	vsel vm1, v44, v15  }
0x48: {  	[tilespmem:s13+$0xFFFFFF70] =	vst v9;
	v9 =	vld [tilespmem:s13+$0x80];
	v16 =	vsel vm0, v46, v18;
	vm1 =	vlt.s32 v17, $0x0;
	vm0 =	vlt.s32 v20, $0x0  }
0x49: {  	[tilespmem:s13+$0xFFFFFF80] =	vst v10;
	v10 =	vmul.f32 $1.000000010e-01, v54;
	v1 =	vsel vm1, v48, v17;
	v4 =	vsel vm0, v50, v20  }
0x4a: {  	vm1 =	vlt.s32 v53, $0x0;
	vm0 =	vlt.s32 v3, $0x0;
	v11 =	vsel vm9, v56, v11  }
0x4b: {  	v5 =	vsel vm1, v5, v53;
	v3 =	vsel vm0, v7, v3;
	v7 =	vsel vm6, v49, v55  }
0x4c: {  	[tilespmem:s13+$0xFFFFFF60] =	vst v8;
	vm0 =	vlt.s32 v6, $0x0;
	v8 =	vxor.u32 $0x7FFFFFFF, v7;
	vm1 =	vlt.s32 v7, $0x0  }
0x4d: {  	[tilespmem:s13+$0xFFFFFFA0] =	vst v12;
	v59 =	vmul.f32 $1.000000010e-01, v9;
	v7 =	vsel vm1, v8, v7;
	v8 =	vxor.u32 $0x7FFFFFFF, v6  }
0x4e: {  	v60 =	vld [tilespmem:s13+$0xB0];
	[tilespmem:s13+$0xFFFFFFB0] =	vst v13;
	vm10 =	vge.f32 v9, $0.0e+00;
	v6 =	vsel vm0, v8, v6;
	v8 =	vsel vm8, v54, v10  }
0x4f: {  	[tilespmem:s13+$0xFFFFFFC0] =	vst v14;
	v9 =	vsel vm10, v9, v59;
	v10 =	vxor.u32 $0x7FFFFFFF, v8;
	vm1 =	vlt.s32 v8, $0x0  }
0x50: {  	[tilespmem:s13+$0xFFFFFFD0] =	vst v15;
	vm0 =	vlt.s32 v11, $0x0;
	v8 =	vsel vm1, v10, v8;
	v10 =	vxor.u32 $0x7FFFFFFF, v11  }
0x51: {  	[tilespmem:s13+$0x0] =	vst v1;
	v1 =	vxor.u32 $0x7FFFFFFF, v9;
	vm1 =	vlt.s32 v9, $0x0;
	v10 =	vsel vm0, v10, v11  }
0x52: {  	v62 =	vld [tilespmem:s13+$0xC0];
	[tilespmem:s13+$0x10] =	vst v4;
	v11 =	vsel vm11, v57, v61;
	v1 =	vsel vm1, v1, v9;
	v9 =	vmul.f32 $1.000000010e-01, v58  }
0x53: {  	v63 =	vld [tilespmem:s13+$0xD0];
	[tilespmem:s13+$0x20] =	vst v5;
	v5 =	vmul.f32 $1.000000010e-01, v60;
	v4 =	vxor.u32 $0x7FFFFFFF, v11;
	vm0 =	vlt.s32 v11, $0x0  }
0x54: {  	vm13 =	vge.f32 v60, $0.0e+00;
	[tilespmem:s13+$0xFFFFFFE0] =	vst v16;
	v11 =	vsel vm0, v4, v11;
	v4 =	vsel vm12, v58, v9  }
0x55: {  	[tilespmem:s13+$0x40] =	vst v7;
	v9 =	vsel vm13, v60, v5;
	v7 =	vxor.u32 $0x7FFFFFFF, v4;
	vm1 =	vlt.s32 v4, $0x0  }
0x56: {  	[tilespmem:s13+$0x30] =	vst v3;
	v3 =	vld [tilespmem:s13+$0xE0];
	vm0 =	vlt.s32 v9, $0x0;
	v5 =	vsel vm1, v7, v4;
	v4 =	vxor.u32 $0x7FFFFFFF, v9  }
0x57: {  	[tilespmem:s13+$0x50] =	vst v6;
	v7 =	vmul.f32 $1.000000010e-01, v62;
	v6 =	vsel vm0, v4, v9;
	v4 =	vld [tilespmem:s13+$0xF0]  }
0x58: {  	vm14 =	vge.f32 v62, $0.0e+00;
	[tilespmem:s13+$0x60] =	vst v8;
	v8 =	vmul.f32 $1.000000010e-01, v63  }
0x59: {  	vm15 =	vge.f32 v63, $0.0e+00;
	[tilespmem:s13+$0x70] =	vst v10;
	v9 =	vsel vm14, v62, v7  }
0x5a: {  	[tilespmem:s13+$0x80] =	vst v1;
	v7 =	vsel vm15, v63, v8;
	v1 =	vxor.u32 $0x7FFFFFFF, v9;
	vm1 =	vlt.s32 v9, $0x0  }
0x5b: {  	p0 =	por p1, p1;
	s14 =	simm.s32 $0x0;
	s15 =	simm.s32 $0x300;
	v10 =	vmul.f32 $1.000000010e-01, v3;
	[tilespmem:s13+$0x90] =	vst v11;
	v8 =	vsel vm1, v1, v9;
	v9 =	vxor.u32 $0x7FFFFFFF, v7  }
.LBB2_3:
0x5c: {  	v11 =	vld [tilespmem:s15+$0xFFFFFF00];
	[tilespmem:s13+$0xA0] =	vst v5;
	vm0 =	vlt.s32 v7, $0x0;
	vm1 =	vge.f32 v3, $0.0e+00;
	v1 =	vmul.f32 $1.000000010e-01, v4  }
0x5d: {  	v5 =	vld [tilespmem:s15+$0xFFFFFFF0];
	[tilespmem:s13+$0xB0] =	vst v6;
	v6 =	vsel vm0, v9, v7;
	v3 =	vsel vm1, v3, v10;
	vm0 =	vge.f32 v4, $0.0e+00  }
0x5e: {  	[tilespmem:s13+$0xC0] =	vst v8;
	v7 =	vxor.u32 $0x7FFFFFFF, v3;
	vm1 =	vlt.s32 v3, $0x0;
	v1 =	vsel vm0, v4, v1  }
0x5f: {  	v4 =	vld [tilespmem:s15+$0xFFFFFF10];
	[tilespmem:s13+$0xD0] =	vst v6;
	v3 =	vsel vm1, v7, v3;
	v6 =	vxor.u32 $0x7FFFFFFF, v1;
	vm0 =	vlt.s32 v1, $0x0  }
0x60: {  	v8 =	vxor.u32 $0x7FFFFFFF, v2;
	vm1 =	vlt.s32 v2, $0x0;
	v7 =	vld [tilespmem:s15+$0xFFFFFF20];
	[tilespmem:s13+$0xE0] =	vst v3;
	v1 =	vsel vm0, v6, v1  }
0x61: {  	v2 =	vsel vm1, v8, v2;
	v3 =	vmul.f32 $1.000000010e-01, v11;
	[tilespmem:s13+$0xF0] =	vst v1;
	v1 =	vimm.s32 $0x80000000  }
0x62: {  	vm0 =	vge.f32 v11, $0.0e+00;
	vm1 =	vge.f32 v5, $0.0e+00;
	v6 =	vmul.f32 $1.000000010e-01, v5;
	[tilespmem:s13+$0xFFFFFFF0] =	vst v2;
	s13 =	smov.u32 s15  }
0x63: {  	v3 =	vsel vm0, v11, v3;
	v8 =	vld [tilespmem:s15+$0xFFFFFF30]  }
0x64: {  	v9 =	vxor.u32 $0x7FFFFFFF, v3;
	v10 =	vmul.f32 $1.000000010e-01, v4;
	v11 =	vld [tilespmem:s15+$0xFFFFFF40];
	v2 =	vsel vm1, v5, v6  }
0x65: {  	vm0 =	vlt.s32 v3, $0x0;
	vm1 =	vge.f32 v4, $0.0e+00;
	v5 =	vmul.f32 $1.000000010e-01, v7  }
0x66: {  	v3 =	vsel vm0, v9, v3;
	vm0 =	vge.f32 v7, $0.0e+00;
	v4 =	vsel vm1, v4, v10  }
0x67: {  	v6 =	vxor.u32 $0x7FFFFFFF, v4;
	vm1 =	vlt.s32 v4, $0x0;
	v5 =	vsel vm0, v7, v5;
	v7 =	vld [tilespmem:s15+$0xFFFFFF50]  }
0x68: {  	v4 =	vsel vm1, v6, v4;
	v6 =	vxor.u32 $0x7FFFFFFF, v5;
	v9 =	vmul.f32 $1.000000010e-01, v8;
	v10 =	vld [tilespmem:s15+$0xFFFFFF60]  }
0x69: {  	vm0 =	vlt.s32 v5, $0x0;
	vm1 =	vge.f32 v8, $0.0e+00;
	v12 =	vmul.f32 $1.000000010e-01, v11  }
0x6a: {  	v5 =	vsel vm0, v6, v5;
	vm0 =	vge.f32 v11, $0.0e+00;
	v6 =	vsel vm1, v8, v9  }
0x6b: {  	v8 =	vxor.u32 $0x7FFFFFFF, v6;
	vm1 =	vlt.s32 v6, $0x0;
	v9 =	vsel vm0, v11, v12;
	v11 =	vld [tilespmem:s15+$0xFFFFFF70]  }
0x6c: {  	v6 =	vsel vm1, v8, v6;
	v8 =	vxor.u32 $0x7FFFFFFF, v9;
	v12 =	vmul.f32 $1.000000010e-01, v7;
	v13 =	vld [tilespmem:s15+$0xFFFFFF80]  }
0x6d: {  	vm0 =	vlt.s32 v9, $0x0;
	vm1 =	vge.f32 v7, $0.0e+00;
	v14 =	vmul.f32 $1.000000010e-01, v10  }
0x6e: {  	v8 =	vsel vm0, v8, v9;
	vm0 =	vge.f32 v10, $0.0e+00;
	v7 =	vsel vm1, v7, v12  }
0x6f: {  	v9 =	vxor.u32 $0x7FFFFFFF, v7;
	vm1 =	vlt.s32 v7, $0x0;
	v10 =	vsel vm0, v10, v14;
	v12 =	vld [tilespmem:s15+$0xFFFFFF90]  }
0x70: {  	v7 =	vsel vm1, v9, v7;
	v9 =	vxor.u32 $0x7FFFFFFF, v10;
	v14 =	vmul.f32 $1.000000010e-01, v11;
	v15 =	vld [tilespmem:s15+$0xFFFFFFA0]  }
0x71: {  	vm0 =	vlt.s32 v10, $0x0;
	vm1 =	vge.f32 v11, $0.0e+00;
	v16 =	vmul.f32 $1.000000010e-01, v13  }
0x72: {  	v9 =	vsel vm0, v9, v10;
	vm0 =	vge.f32 v13, $0.0e+00;
	v10 =	vsel vm1, v11, v14  }
0x73: {  	v11 =	vxor.u32 $0x7FFFFFFF, v10;
	vm1 =	vlt.s32 v10, $0x0;
	v13 =	vsel vm0, v13, v16;
	v14 =	vld [tilespmem:s15+$0xFFFFFFB0]  }
0x74: {  	v10 =	vsel vm1, v11, v10;
	v11 =	vxor.u32 $0x7FFFFFFF, v13;
	v16 =	vmul.f32 $1.000000010e-01, v12;
	v17 =	vld [tilespmem:s15+$0xFFFFFFC0]  }
0x75: {  	vm0 =	vlt.s32 v13, $0x0;
	vm1 =	vge.f32 v12, $0.0e+00;
	v18 =	vmul.f32 $1.000000010e-01, v15  }
0x76: {  	v11 =	vsel vm0, v11, v13;
	vm0 =	vge.f32 v15, $0.0e+00;
	v12 =	vsel vm1, v12, v16  }
0x77: {  	v13 =	vxor.u32 $0x7FFFFFFF, v12;
	vm1 =	vlt.s32 v12, $0x0;
	v15 =	vsel vm0, v15, v18;
	v16 =	vld [tilespmem:s15+$0xFFFFFFD0]  }
0x78: {  	v12 =	vsel vm1, v13, v12;
	v13 =	vxor.u32 $0x7FFFFFFF, v15;
	v18 =	vmul.f32 $1.000000010e-01, v14;
	v19 =	vld [tilespmem:s15+$0xFFFFFFE0]  }
0x79: {  	vm0 =	vlt.s32 v15, $0x0;
	vm1 =	vge.f32 v14, $0.0e+00;
	v20 =	vmul.f32 $1.000000010e-01, v17  }
0x7a: {  	v13 =	vsel vm0, v13, v15;
	vm0 =	vge.f32 v17, $0.0e+00;
	v14 =	vsel vm1, v14, v18  }
0x7b: {  	v15 =	vxor.u32 $0x7FFFFFFF, v14;
	vm1 =	vlt.s32 v14, $0x0;
	v17 =	vsel vm0, v17, v20;
	v18 =	vld [tilespmem:s15+$0x0]  }
0x7c: {  	v14 =	vsel vm1, v15, v14;
	v15 =	vxor.u32 $0x7FFFFFFF, v17;
	v20 =	vmul.f32 $1.000000010e-01, v16;
	v21 =	vld [tilespmem:s15+$0x10]  }
0x7d: {  	vm0 =	vlt.s32 v17, $0x0;
	vm1 =	vge.f32 v16, $0.0e+00;
	v22 =	vmul.f32 $1.000000010e-01, v19  }
0x7e: {  	v15 =	vsel vm0, v15, v17;
	vm0 =	vge.f32 v19, $0.0e+00;
	v16 =	vsel vm1, v16, v20  }
0x7f: {  	v17 =	vxor.u32 $0x7FFFFFFF, v16;
	vm1 =	vlt.s32 v16, $0x0;
	v19 =	vsel vm0, v19, v22;
	v20 =	vld [tilespmem:s15+$0x20]  }
0x80: {  	v16 =	vsel vm1, v17, v16;
	v17 =	vxor.u32 $0x7FFFFFFF, v19;
	v22 =	vmul.f32 $1.000000010e-01, v18;
	v23 =	vld [tilespmem:s15+$0x30]  }
0x81: {  	vm0 =	vlt.s32 v19, $0x0;
	vm1 =	vge.f32 v18, $0.0e+00;
	v24 =	vmul.f32 $1.000000010e-01, v21  }
0x82: {  	v17 =	vsel vm0, v17, v19;
	vm0 =	vge.f32 v21, $0.0e+00;
	v18 =	vsel vm1, v18, v22  }
0x83: {  	v19 =	vxor.u32 $0x7FFFFFFF, v18;
	vm1 =	vlt.s32 v18, $0x0;
	v21 =	vsel vm0, v21, v24;
	v22 =	vld [tilespmem:s15+$0x40]  }
0x84: {  	[tilespmem:s15+$0xFFFFFF00] =	vst v3;
	v3 =	vsel vm1, v19, v18;
	v18 =	vxor.u32 $0x7FFFFFFF, v21;
	v19 =	vmul.f32 $1.000000010e-01, v20;
	v24 =	vld [tilespmem:s15+$0x50]  }
0x85: {  	vm0 =	vlt.s32 v21, $0x0;
	vm1 =	vge.f32 v20, $0.0e+00;
	[tilespmem:s15+$0xFFFFFF10] =	vst v4;
	v4 =	vmul.f32 $1.000000010e-01, v23  }
0x86: {  	[tilespmem:s15+$0xFFFFFF20] =	vst v5;
	v5 =	vsel vm0, v18, v21;
	v18 =	vsel vm1, v20, v19;
	vm0 =	vge.f32 v23, $0.0e+00  }
0x87: {  	[tilespmem:s15+$0xFFFFFF30] =	vst v6;
	v6 =	vxor.u32 $0x7FFFFFFF, v18;
	vm1 =	vlt.s32 v18, $0x0;
	v4 =	vsel vm0, v23, v4;
	v19 =	vld [tilespmem:s15+$0x60]  }
0x88: {  	[tilespmem:s15+$0xFFFFFF40] =	vst v8;
	v6 =	vsel vm1, v6, v18;
	v8 =	vxor.u32 $0x7FFFFFFF, v4;
	v18 =	vmul.f32 $1.000000010e-01, v22;
	v20 =	vld [tilespmem:s15+$0x70]  }
0x89: {  	vm0 =	vlt.s32 v4, $0x0;
	vm1 =	vge.f32 v22, $0.0e+00;
	[tilespmem:s15+$0xFFFFFF50] =	vst v7;
	v7 =	vmul.f32 $1.000000010e-01, v24  }
0x8a: {  	v4 =	vsel vm0, v8, v4;
	vm0 =	vge.f32 v24, $0.0e+00;
	[tilespmem:s15+$0xFFFFFF60] =	vst v9;
	v8 =	vsel vm1, v22, v18  }
0x8b: {  	[tilespmem:s15+$0xFFFFFF70] =	vst v10;
	v9 =	vxor.u32 $0x7FFFFFFF, v8;
	vm1 =	vlt.s32 v8, $0x0;
	v7 =	vsel vm0, v24, v7;
	v10 =	vld [tilespmem:s15+$0x80]  }
0x8c: {  	[tilespmem:s15+$0xFFFFFF80] =	vst v11;
	v8 =	vsel vm1, v9, v8;
	v9 =	vxor.u32 $0x7FFFFFFF, v7;
	v11 =	vmul.f32 $1.000000010e-01, v19;
	v18 =	vld [tilespmem:s15+$0x90]  }
0x8d: {  	vm0 =	vlt.s32 v7, $0x0;
	vm1 =	vge.f32 v19, $0.0e+00;
	[tilespmem:s15+$0xFFFFFF90] =	vst v12;
	v12 =	vmul.f32 $1.000000010e-01, v20  }
0x8e: {  	v7 =	vsel vm0, v9, v7;
	vm0 =	vge.f32 v20, $0.0e+00;
	[tilespmem:s15+$0xFFFFFFA0] =	vst v13;
	v9 =	vsel vm1, v19, v11  }
0x8f: {  	[tilespmem:s15+$0xFFFFFFB0] =	vst v14;
	v11 =	vxor.u32 $0x7FFFFFFF, v9;
	vm1 =	vlt.s32 v9, $0x0;
	v12 =	vsel vm0, v20, v12;
	v13 =	vld [tilespmem:s15+$0xA0]  }
0x90: {  	[tilespmem:s15+$0xFFFFFFC0] =	vst v15;
	v9 =	vsel vm1, v11, v9;
	v11 =	vxor.u32 $0x7FFFFFFF, v12;
	v14 =	vmul.f32 $1.000000010e-01, v10;
	v15 =	vld [tilespmem:s15+$0xB0]  }
0x91: {  	vm0 =	vlt.s32 v12, $0x0;
	vm1 =	vge.f32 v10, $0.0e+00;
	[tilespmem:s15+$0xFFFFFFD0] =	vst v16;
	v16 =	vmul.f32 $1.000000010e-01, v18  }
0x92: {  	v11 =	vsel vm0, v11, v12;
	vm0 =	vge.f32 v18, $0.0e+00;
	[tilespmem:s15+$0xFFFFFFE0] =	vst v17;
	v10 =	vsel vm1, v10, v14  }
0x93: {  	[tilespmem:s15+$0x0] =	vst v3;
	v3 =	vxor.u32 $0x7FFFFFFF, v10;
	vm1 =	vlt.s32 v10, $0x0;
	v12 =	vsel vm0, v18, v16;
	v14 =	vld [tilespmem:s15+$0xC0]  }
0x94: {  	[tilespmem:s15+$0x10] =	vst v5;
	v10 =	vsel vm1, v3, v10;
	v3 =	vxor.u32 $0x7FFFFFFF, v12;
	v5 =	vmul.f32 $1.000000010e-01, v13;
	v16 =	vld [tilespmem:s15+$0xD0]  }
0x95: {  	vm0 =	vlt.s32 v12, $0x0;
	vm1 =	vge.f32 v13, $0.0e+00;
	[tilespmem:s15+$0x20] =	vst v6;
	v6 =	vmul.f32 $1.000000010e-01, v15  }
0x96: {  	v12 =	vsel vm0, v3, v12;
	vm0 =	vge.f32 v15, $0.0e+00;
	[tilespmem:s15+$0x30] =	vst v4;
	v4 =	vsel vm1, v13, v5  }
0x97: {  	s14 =	sadd.s32 $0x4, s14;
	[tilespmem:s15+$0x40] =	vst v8;
	v5 =	vxor.u32 $0x7FFFFFFF, v4;
	vm1 =	vlt.s32 v4, $0x0;
	v6 =	vsel vm0, v15, v6;
	v3 =	vld [tilespmem:s15+$0xE0]  }
0x98: {  	p1 =	slt.u32 s14, $0x2FC;
	[tilespmem:s15+$0x50] =	vst v7;
	v7 =	vxor.u32 $0x7FFFFFFF, v6  }
.Ltmp0:
0x99: {  	v5 =	vsel vm1, v5, v4;
	v8 =	vmul.f32 $1.000000010e-01, v14;
	v4 =	vld [tilespmem:s15+$0xF0];
	(pc) =	sbr.rel @p1 .LBB2_3-.Ltmp0, $4  }
0x9a: {  	vm0 =	vlt.s32 v6, $0x0;
	vm1 =	vge.f32 v14, $0.0e+00;
	[tilespmem:s15+$0x60] =	vst v9;
	v9 =	vmul.f32 $1.000000010e-01, v16  }
0x9b: {  	v6 =	vsel vm0, v7, v6;
	vm0 =	vge.f32 v16, $0.0e+00;
	[tilespmem:s15+$0x70] =	vst v11;
	v8 =	vsel vm1, v14, v8  }
0x9c: {  	[tilespmem:s15+$0x80] =	vst v10;
	v10 =	vxor.u32 $0x7FFFFFFF, v8;
	vm1 =	vlt.s32 v8, $0x0;
	v7 =	vsel vm0, v16, v9  }
0x9d: {  	s15 =	sadd.s32 $0x200, s15;
	[tilespmem:s13+$0x90] =	vst v12;
	v8 =	vsel vm1, v10, v8;
	v9 =	vxor.u32 $0x7FFFFFFF, v7;
	v10 =	vmul.f32 $1.000000010e-01, v3  }
0x9e: {  	[tilespmem:s13+$0xA0] =	vst v5;
	vm0 =	vlt.s32 v7, $0x0;
	vm1 =	vge.f32 v3, $0.0e+00;
	v60 =	vmul.f32 $1.000000010e-01, v4  }
0x9f: {  	[tilespmem:s13+$0xB0] =	vst v6;
	vm14 =	vge.f32 v4, $0.0e+00;
	v63 =	vxor.u32 $0x7FFFFFFF, v2;
	vm15 =	vlt.s32 v2, $0x0  }
0xa0: {  	[tilespmem:s13+$0xC0] =	vst v8;
	v61 =	vsel vm0, v9, v7;
	v3 =	vsel vm1, v3, v10;
	v2 =	vsel vm15, v63, v2  }
0xa1: {  	v62 =	vxor.u32 $0x7FFFFFFF, v3;
	vm1 =	vlt.s32 v3, $0x0;
	v4 =	vsel vm14, v4, v60;
	[tilespmem:s13+$0xD0] =	vst v61  }
0xa2: {  	[tilespmem:s13+$0xFFFFFFF0] =	vst v2;
	v3 =	vsel vm1, v62, v3;
	v5 =	vxor.u32 $0x7FFFFFFF, v4;
	vm0 =	vlt.s32 v4, $0x0  }
0xa3: {  	[tilespmem:s13+$0xE0] =	vst v3;
	v3 =	vsel vm0, v5, v4  }
0xa4: {  	s14 =	simm.s32 $0x0;
	[tilespmem:s13+$0xF0] =	vst v3  }
.LBB2_5:
0xa5: {  	s15 =	simm.s32 $0x200  }
0xa6: {  	v4 =	vld [tilespmem:s15+$0xFFFFFE00]  }
0xa7: {  	v6 =	vld [tilespmem:s15+$0xFFFFFE80]  }
0xa8: {  	v7 =	vld [tilespmem:s15+$0xFFFFFF00]  }
0xa9: {  	s13 =	sshrl.u32 s10, s14;
	v5 =	vld [tilespmem:s15+$0xFFFFFF80]  }
0xaa: {  	v2 =	vadd.s32 s13, v1;
	v3 =	vld [tilespmem:s15+$0x0]  }
0xab: {  	vm0 =	vge.s32 v4, v2;
	v4 =	vld [tilespmem:s15+$0x80]  }
0xac: {  	v8 =	vimm.s32 $0x0;
	v9 =	vsel vm0, $0x1, v0;
	vm0 =	vge.s32 v6, v2;
	v6 =	vld [tilespmem:s15+$0x100]  }
0xad: {  	s13 =	simm.s32 $0x0;
	v8 =	vadd.s32 v9, v8;
	v9 =	vsel vm0, $0x1, v0;
	vm0 =	vge.s32 v7, v2;
	v7 =	vld [tilespmem:s15+$0x180];
	s15 =	simm.s32 $0x600  }
.LBB2_6:
0xae: {  	v10 =	vld [tilespmem:s15+$0xFFFFFE00];
	s13 =	sadd.s32 $0x8, s13;
	v8 =	vadd.s32 v9, v8;
	v9 =	vsel vm0, $0x1, v0;
	vm0 =	vge.s32 v5, v2  }
0xaf: {  	v11 =	vld [tilespmem:s15+$0xFFFFFE80];
	p1 =	slt.u32 s13, $0x2F8;
	v5 =	vadd.s32 v9, v8;
	v8 =	vsel vm0, $0x1, v0;
	vm0 =	vge.s32 v3, v2  }
0xb0: {  	v12 =	vld [tilespmem:s15+$0xFFFFFF00];
	v3 =	vadd.s32 v8, v5;
	v8 =	vsel vm0, $0x1, v0;
	vm0 =	vge.s32 v4, v2  }
.Ltmp1:
0xb1: {  	v5 =	vld [tilespmem:s15+$0xFFFFFF80];
	v4 =	vadd.s32 v8, v3;
	v8 =	vsel vm0, $0x1, v0;
	vm0 =	vge.s32 v6, v2;
	(pc) =	sbr.rel @p1 .LBB2_6-.Ltmp1, $4  }
0xb2: {  	v3 =	vld [tilespmem:s15+$0x0];
	v6 =	vadd.s32 v8, v4;
	v8 =	vsel vm0, $0x1, v0;
	vm0 =	vge.s32 v7, v2  }
0xb3: {  	vm1 =	vge.s32 v10, v2;
	v4 =	vld [tilespmem:s15+$0x80];
	v7 =	vadd.s32 v8, v6;
	v8 =	vsel vm0, $0x1, v0  }
0xb4: {  	v9 =	vsel vm1, $0x1, v0;
	vm0 =	vge.s32 v11, v2;
	v6 =	vld [tilespmem:s15+$0x100];
	v7 =	vadd.s32 v8, v7  }
0xb5: {  	v8 =	vadd.s32 v9, v7;
	v9 =	vsel vm0, $0x1, v0;
	vm0 =	vge.s32 v12, v2;
	v7 =	vld [tilespmem:s15+$0x180];
	s15 =	sadd.s32 $0x400, s15  }
0xb6: {  	v8 =	vadd.s32 v9, v8;
	v58 =	vsel vm0, $0x1, v0;
	vm10 =	vge.s32 v5, v2  }
0xb7: {  	v59 =	vadd.s32 v58, v8;
	v60 =	vsel vm10, $0x1, v0;
	vm11 =	vge.s32 v3, v2  }
0xb8: {  	s14 =	sadd.s32 $0x1, s14;
	v3 =	vadd.s32 v60, v59;
	v61 =	vsel vm11, $0x1, v0;
	vm12 =	vge.s32 v4, v2  }
0xb9: {  	p1 =	sne.s32 s14, $0x1A;
	v3 =	vadd.s32 v61, v3;
	v4 =	vsel vm12, $0x1, v0;
	vm13 =	vge.s32 v6, v2  }
.Ltmp2:
0xba: {  	v3 =	vadd.s32 v4, v3;
	v62 =	vsel vm13, $0x1, v0;
	vm14 =	vge.s32 v7, v2;
	(pc) =	sbr.rel @p1 .LBB2_5-.Ltmp2, $4  }
0xbb: {  	v3 =	vadd.s32 v62, v3;
	v63 =	vsel vm14, $0x1, v0  }
0xbc: {  	v3 =	vadd.s32 v63, v3  }
0xbd: {  	vm15 =	vgt.s32 v3, $0x98  }
0xbe: {  	v1 =	vsel vm15, v2, v1  }
0xbf: {  	s13 =	simm.s32 $0x0;
	v2 =	vimm.s32 $0x80000000  }
.LBB2_9:
0xc0: {  	s15 =	simm.s32 $0x210  }
0xc1: {  	v5 =	vld [tilespmem:s15+$0xFFFFFE00]  }
0xc2: {  	v7 =	vld [tilespmem:s15+$0xFFFFFE80]  }
0xc3: {  	v8 =	vld [tilespmem:s15+$0xFFFFFF00]  }
0xc4: {  	s14 =	sshrl.u32 s10, s13;
	v6 =	vld [tilespmem:s15+$0xFFFFFF80]  }
0xc5: {  	v3 =	vadd.s32 s14, v2;
	v4 =	vld [tilespmem:s15+$0x0]  }
0xc6: {  	vm0 =	vge.s32 v5, v3;
	v5 =	vld [tilespmem:s15+$0x80]  }
0xc7: {  	v9 =	vimm.s32 $0x0;
	v10 =	vsel vm0, $0x1, v0;
	vm0 =	vge.s32 v7, v3;
	v7 =	vld [tilespmem:s15+$0x100]  }
0xc8: {  	s14 =	simm.s32 $0x0;
	v9 =	vadd.s32 v10, v9;
	v10 =	vsel vm0, $0x1, v0;
	vm0 =	vge.s32 v8, v3;
	v8 =	vld [tilespmem:s15+$0x180];
	s15 =	simm.s32 $0x610  }
.LBB2_10:
0xc9: {  	v11 =	vld [tilespmem:s15+$0xFFFFFE00];
	s14 =	sadd.s32 $0x8, s14;
	v9 =	vadd.s32 v10, v9;
	v10 =	vsel vm0, $0x1, v0;
	vm0 =	vge.s32 v6, v3  }
0xca: {  	v12 =	vld [tilespmem:s15+$0xFFFFFE80];
	p1 =	slt.u32 s14, $0x2F8;
	v6 =	vadd.s32 v10, v9;
	v9 =	vsel vm0, $0x1, v0;
	vm0 =	vge.s32 v4, v3  }
0xcb: {  	v13 =	vld [tilespmem:s15+$0xFFFFFF00];
	v4 =	vadd.s32 v9, v6;
	v9 =	vsel vm0, $0x1, v0;
	vm0 =	vge.s32 v5, v3  }
.Ltmp3:
0xcc: {  	v6 =	vld [tilespmem:s15+$0xFFFFFF80];
	v5 =	vadd.s32 v9, v4;
	v9 =	vsel vm0, $0x1, v0;
	vm0 =	vge.s32 v7, v3;
	(pc) =	sbr.rel @p1 .LBB2_10-.Ltmp3, $4  }
0xcd: {  	v4 =	vld [tilespmem:s15+$0x0];
	v7 =	vadd.s32 v9, v5;
	v9 =	vsel vm0, $0x1, v0;
	vm0 =	vge.s32 v8, v3  }
0xce: {  	vm1 =	vge.s32 v11, v3;
	v5 =	vld [tilespmem:s15+$0x80];
	v8 =	vadd.s32 v9, v7;
	v9 =	vsel vm0, $0x1, v0  }
0xcf: {  	v10 =	vsel vm1, $0x1, v0;
	vm0 =	vge.s32 v12, v3;
	v7 =	vld [tilespmem:s15+$0x100];
	v8 =	vadd.s32 v9, v8  }
0xd0: {  	v9 =	vadd.s32 v10, v8;
	v10 =	vsel vm0, $0x1, v0;
	vm0 =	vge.s32 v13, v3;
	v8 =	vld [tilespmem:s15+$0x180];
	s15 =	sadd.s32 $0x400, s15  }
0xd1: {  	v9 =	vadd.s32 v10, v9;
	v57 =	vsel vm0, $0x1, v0;
	vm10 =	vge.s32 v6, v3  }
0xd2: {  	v58 =	vadd.s32 v57, v9;
	v59 =	vsel vm10, $0x1, v0;
	vm11 =	vge.s32 v4, v3  }
0xd3: {  	s13 =	sadd.s32 $0x1, s13;
	v60 =	vadd.s32 v59, v58;
	v61 =	vsel vm11, $0x1, v0;
	vm12 =	vge.s32 v5, v3  }
0xd4: {  	p1 =	sne.s32 s13, $0x1A;
	v4 =	vadd.s32 v61, v60;
	v5 =	vsel vm12, $0x1, v0;
	vm13 =	vge.s32 v7, v3  }
.Ltmp4:
0xd5: {  	v4 =	vadd.s32 v5, v4;
	v62 =	vsel vm13, $0x1, v0;
	vm14 =	vge.s32 v8, v3;
	(pc) =	sbr.rel @p1 .LBB2_9-.Ltmp4, $4  }
0xd6: {  	v4 =	vadd.s32 v62, v4;
	v63 =	vsel vm14, $0x1, v0  }
0xd7: {  	v4 =	vadd.s32 v63, v4  }
0xd8: {  	vm15 =	vgt.s32 v4, $0x98  }
0xd9: {  	v2 =	vsel vm15, v3, v2  }
0xda: {  	s13 =	simm.s32 $0x0;
	v3 =	vimm.s32 $0x80000000  }
.LBB2_13:
0xdb: {  	s15 =	simm.s32 $0x220  }
0xdc: {  	v6 =	vld [tilespmem:s15+$0xFFFFFE00]  }
0xdd: {  	v8 =	vld [tilespmem:s15+$0xFFFFFE80]  }
0xde: {  	v9 =	vld [tilespmem:s15+$0xFFFFFF00]  }
0xdf: {  	s14 =	sshrl.u32 s10, s13;
	v7 =	vld [tilespmem:s15+$0xFFFFFF80]  }
0xe0: {  	v4 =	vadd.s32 s14, v3;
	v5 =	vld [tilespmem:s15+$0x0]  }
0xe1: {  	vm0 =	vge.s32 v6, v4;
	v6 =	vld [tilespmem:s15+$0x80]  }
0xe2: {  	v10 =	vimm.s32 $0x0;
	v11 =	vsel vm0, $0x1, v0;
	vm0 =	vge.s32 v8, v4;
	v8 =	vld [tilespmem:s15+$0x100]  }
0xe3: {  	s14 =	simm.s32 $0x0;
	v10 =	vadd.s32 v11, v10;
	v11 =	vsel vm0, $0x1, v0;
	vm0 =	vge.s32 v9, v4;
	v9 =	vld [tilespmem:s15+$0x180];
	s15 =	simm.s32 $0x620  }
.LBB2_14:
0xe4: {  	v12 =	vld [tilespmem:s15+$0xFFFFFE00];
	s14 =	sadd.s32 $0x8, s14;
	v10 =	vadd.s32 v11, v10;
	v11 =	vsel vm0, $0x1, v0;
	vm0 =	vge.s32 v7, v4  }
0xe5: {  	v13 =	vld [tilespmem:s15+$0xFFFFFE80];
	p1 =	slt.u32 s14, $0x2F8;
	v7 =	vadd.s32 v11, v10;
	v10 =	vsel vm0, $0x1, v0;
	vm0 =	vge.s32 v5, v4  }
0xe6: {  	v14 =	vld [tilespmem:s15+$0xFFFFFF00];
	v5 =	vadd.s32 v10, v7;
	v10 =	vsel vm0, $0x1, v0;
	vm0 =	vge.s32 v6, v4  }
.Ltmp5:
0xe7: {  	v7 =	vld [tilespmem:s15+$0xFFFFFF80];
	v6 =	vadd.s32 v10, v5;
	v10 =	vsel vm0, $0x1, v0;
	vm0 =	vge.s32 v8, v4;
	(pc) =	sbr.rel @p1 .LBB2_14-.Ltmp5, $4  }
0xe8: {  	v5 =	vld [tilespmem:s15+$0x0];
	v8 =	vadd.s32 v10, v6;
	v10 =	vsel vm0, $0x1, v0;
	vm0 =	vge.s32 v9, v4  }
0xe9: {  	vm1 =	vge.s32 v12, v4;
	v6 =	vld [tilespmem:s15+$0x80];
	v9 =	vadd.s32 v10, v8;
	v10 =	vsel vm0, $0x1, v0  }
0xea: {  	v11 =	vsel vm1, $0x1, v0;
	vm0 =	vge.s32 v13, v4;
	v8 =	vld [tilespmem:s15+$0x100];
	v9 =	vadd.s32 v10, v9  }
0xeb: {  	v10 =	vadd.s32 v11, v9;
	v11 =	vsel vm0, $0x1, v0;
	vm0 =	vge.s32 v14, v4;
	v9 =	vld [tilespmem:s15+$0x180];
	s15 =	sadd.s32 $0x400, s15  }
0xec: {  	v10 =	vadd.s32 v11, v10;
	v58 =	vsel vm0, $0x1, v0;
	vm10 =	vge.s32 v7, v4  }
0xed: {  	v59 =	vadd.s32 v58, v10;
	v60 =	vsel vm10, $0x1, v0;
	vm11 =	vge.s32 v5, v4  }
0xee: {  	s13 =	sadd.s32 $0x1, s13;
	v5 =	vadd.s32 v60, v59;
	v61 =	vsel vm11, $0x1, v0;
	vm12 =	vge.s32 v6, v4  }
0xef: {  	p1 =	sne.s32 s13, $0x1A;
	v5 =	vadd.s32 v61, v5;
	v6 =	vsel vm12, $0x1, v0;
	vm13 =	vge.s32 v8, v4  }
.Ltmp6:
0xf0: {  	v5 =	vadd.s32 v6, v5;
	v62 =	vsel vm13, $0x1, v0;
	vm14 =	vge.s32 v9, v4;
	(pc) =	sbr.rel @p1 .LBB2_13-.Ltmp6, $4  }
0xf1: {  	v5 =	vadd.s32 v62, v5;
	v63 =	vsel vm14, $0x1, v0  }
0xf2: {  	v5 =	vadd.s32 v63, v5  }
0xf3: {  	vm15 =	vgt.s32 v5, $0x98  }
0xf4: {  	v3 =	vsel vm15, v4, v3  }
0xf5: {  	s13 =	simm.s32 $0x0;
	v4 =	vimm.s32 $0x80000000  }
.LBB2_17:
0xf6: {  	s15 =	simm.s32 $0x230  }
0xf7: {  	v7 =	vld [tilespmem:s15+$0xFFFFFE00]  }
0xf8: {  	v9 =	vld [tilespmem:s15+$0xFFFFFE80]  }
0xf9: {  	v10 =	vld [tilespmem:s15+$0xFFFFFF00]  }
0xfa: {  	s14 =	sshrl.u32 s10, s13;
	v8 =	vld [tilespmem:s15+$0xFFFFFF80]  }
0xfb: {  	v5 =	vadd.s32 s14, v4;
	v6 =	vld [tilespmem:s15+$0x0]  }
0xfc: {  	vm0 =	vge.s32 v7, v5;
	v7 =	vld [tilespmem:s15+$0x80]  }
0xfd: {  	v11 =	vimm.s32 $0x0;
	v12 =	vsel vm0, $0x1, v0;
	vm0 =	vge.s32 v9, v5;
	v9 =	vld [tilespmem:s15+$0x100]  }
0xfe: {  	s14 =	simm.s32 $0x0;
	v11 =	vadd.s32 v12, v11;
	v12 =	vsel vm0, $0x1, v0;
	vm0 =	vge.s32 v10, v5;
	v10 =	vld [tilespmem:s15+$0x180];
	s15 =	simm.s32 $0x630  }
.LBB2_18:
0xff: {  	v13 =	vld [tilespmem:s15+$0xFFFFFE00];
	s14 =	sadd.s32 $0x8, s14;
	v11 =	vadd.s32 v12, v11;
	v12 =	vsel vm0, $0x1, v0;
	vm0 =	vge.s32 v8, v5  }
0x100: {  	v14 =	vld [tilespmem:s15+$0xFFFFFE80];
	p1 =	slt.u32 s14, $0x2F8;
	v8 =	vadd.s32 v12, v11;
	v11 =	vsel vm0, $0x1, v0;
	vm0 =	vge.s32 v6, v5  }
0x101: {  	v15 =	vld [tilespmem:s15+$0xFFFFFF00];
	v6 =	vadd.s32 v11, v8;
	v11 =	vsel vm0, $0x1, v0;
	vm0 =	vge.s32 v7, v5  }
.Ltmp7:
0x102: {  	v8 =	vld [tilespmem:s15+$0xFFFFFF80];
	v7 =	vadd.s32 v11, v6;
	v11 =	vsel vm0, $0x1, v0;
	vm0 =	vge.s32 v9, v5;
	(pc) =	sbr.rel @p1 .LBB2_18-.Ltmp7, $4  }
0x103: {  	v6 =	vld [tilespmem:s15+$0x0];
	v9 =	vadd.s32 v11, v7;
	v11 =	vsel vm0, $0x1, v0;
	vm0 =	vge.s32 v10, v5  }
0x104: {  	vm1 =	vge.s32 v13, v5;
	v7 =	vld [tilespmem:s15+$0x80];
	v10 =	vadd.s32 v11, v9;
	v11 =	vsel vm0, $0x1, v0  }
0x105: {  	v12 =	vsel vm1, $0x1, v0;
	vm0 =	vge.s32 v14, v5;
	v9 =	vld [tilespmem:s15+$0x100];
	v10 =	vadd.s32 v11, v10  }
0x106: {  	v11 =	vadd.s32 v12, v10;
	v12 =	vsel vm0, $0x1, v0;
	vm0 =	vge.s32 v15, v5;
	v10 =	vld [tilespmem:s15+$0x180];
	s15 =	sadd.s32 $0x400, s15  }
0x107: {  	v11 =	vadd.s32 v12, v11;
	v60 =	vsel vm0, $0x1, v0;
	vm10 =	vge.s32 v8, v5  }
0x108: {  	v61 =	vadd.s32 v60, v11;
	v62 =	vsel vm10, $0x1, v0;
	vm11 =	vge.s32 v6, v5  }
0x109: {  	s13 =	sadd.s32 $0x1, s13;
	v6 =	vadd.s32 v62, v61;
	v63 =	vsel vm11, $0x1, v0;
	vm12 =	vge.s32 v7, v5  }
0x10a: {  	p1 =	sne.s32 s13, $0x1A;
	v6 =	vadd.s32 v63, v6;
	v7 =	vsel vm12, $0x1, v0;
	vm13 =	vge.s32 v9, v5  }
.Ltmp8:
0x10b: {  	v6 =	vadd.s32 v7, v6;
	v7 =	vsel vm13, $0x1, v0;
	vm14 =	vge.s32 v10, v5;
	(pc) =	sbr.rel @p1 .LBB2_17-.Ltmp8, $4  }
0x10c: {  	v6 =	vadd.s32 v7, v6;
	v7 =	vsel vm14, $0x1, v0  }
0x10d: {  	v6 =	vadd.s32 v7, v6  }
0x10e: {  	vm15 =	vgt.s32 v6, $0x98  }
0x10f: {  	v4 =	vsel vm15, v5, v4  }
0x110: {  	s13 =	simm.s32 $0x0;
	v5 =	vimm.s32 $0x80000000  }
.LBB2_21:
0x111: {  	s15 =	simm.s32 $0x240  }
0x112: {  	v8 =	vld [tilespmem:s15+$0xFFFFFE00]  }
0x113: {  	v10 =	vld [tilespmem:s15+$0xFFFFFE80]  }
0x114: {  	v11 =	vld [tilespmem:s15+$0xFFFFFF00]  }
0x115: {  	s14 =	sshrl.u32 s10, s13;
	v9 =	vld [tilespmem:s15+$0xFFFFFF80]  }
0x116: {  	v6 =	vadd.s32 s14, v5;
	v7 =	vld [tilespmem:s15+$0x0]  }
0x117: {  	vm0 =	vge.s32 v8, v6;
	v8 =	vld [tilespmem:s15+$0x80]  }
0x118: {  	v12 =	vimm.s32 $0x0;
	v13 =	vsel vm0, $0x1, v0;
	vm0 =	vge.s32 v10, v6;
	v10 =	vld [tilespmem:s15+$0x100]  }
0x119: {  	s14 =	simm.s32 $0x0;
	v12 =	vadd.s32 v13, v12;
	v13 =	vsel vm0, $0x1, v0;
	vm0 =	vge.s32 v11, v6;
	v11 =	vld [tilespmem:s15+$0x180];
	s15 =	simm.s32 $0x640  }
.LBB2_22:
0x11a: {  	v14 =	vld [tilespmem:s15+$0xFFFFFE00];
	s14 =	sadd.s32 $0x8, s14;
	v12 =	vadd.s32 v13, v12;
	v13 =	vsel vm0, $0x1, v0;
	vm0 =	vge.s32 v9, v6  }
0x11b: {  	v15 =	vld [tilespmem:s15+$0xFFFFFE80];
	p1 =	slt.u32 s14, $0x2F8;
	v9 =	vadd.s32 v13, v12;
	v12 =	vsel vm0, $0x1, v0;
	vm0 =	vge.s32 v7, v6  }
0x11c: {  	v16 =	vld [tilespmem:s15+$0xFFFFFF00];
	v7 =	vadd.s32 v12, v9;
	v12 =	vsel vm0, $0x1, v0;
	vm0 =	vge.s32 v8, v6  }
.Ltmp9:
0x11d: {  	v9 =	vld [tilespmem:s15+$0xFFFFFF80];
	v8 =	vadd.s32 v12, v7;
	v12 =	vsel vm0, $0x1, v0;
	vm0 =	vge.s32 v10, v6;
	(pc) =	sbr.rel @p1 .LBB2_22-.Ltmp9, $4  }
0x11e: {  	v7 =	vld [tilespmem:s15+$0x0];
	v10 =	vadd.s32 v12, v8;
	v12 =	vsel vm0, $0x1, v0;
	vm0 =	vge.s32 v11, v6  }
0x11f: {  	vm1 =	vge.s32 v14, v6;
	v8 =	vld [tilespmem:s15+$0x80];
	v11 =	vadd.s32 v12, v10;
	v12 =	vsel vm0, $0x1, v0  }
0x120: {  	v13 =	vsel vm1, $0x1, v0;
	vm0 =	vge.s32 v15, v6;
	v10 =	vld [tilespmem:s15+$0x100];
	v11 =	vadd.s32 v12, v11  }
0x121: {  	v12 =	vadd.s32 v13, v11;
	v13 =	vsel vm0, $0x1, v0;
	vm0 =	vge.s32 v16, v6;
	v11 =	vld [tilespmem:s15+$0x180];
	s15 =	sadd.s32 $0x400, s15  }
0x122: {  	v12 =	vadd.s32 v13, v12;
	v58 =	vsel vm0, $0x1, v0;
	vm10 =	vge.s32 v9, v6  }
0x123: {  	v59 =	vadd.s32 v58, v12;
	v60 =	vsel vm10, $0x1, v0;
	vm11 =	vge.s32 v7, v6  }
0x124: {  	s13 =	sadd.s32 $0x1, s13;
	v7 =	vadd.s32 v60, v59;
	v61 =	vsel vm11, $0x1, v0;
	vm12 =	vge.s32 v8, v6  }
0x125: {  	p1 =	sne.s32 s13, $0x1A;
	v7 =	vadd.s32 v61, v7;
	v8 =	vsel vm12, $0x1, v0;
	vm13 =	vge.s32 v10, v6  }
.Ltmp10:
0x126: {  	v7 =	vadd.s32 v8, v7;
	v62 =	vsel vm13, $0x1, v0;
	vm14 =	vge.s32 v11, v6;
	(pc) =	sbr.rel @p1 .LBB2_21-.Ltmp10, $4  }
0x127: {  	v7 =	vadd.s32 v62, v7;
	v63 =	vsel vm14, $0x1, v0  }
0x128: {  	v7 =	vadd.s32 v63, v7  }
0x129: {  	vm15 =	vgt.s32 v7, $0x98  }
0x12a: {  	v5 =	vsel vm15, v6, v5  }
0x12b: {  	s13 =	simm.s32 $0x0;
	v6 =	vimm.s32 $0x80000000  }
.LBB2_25:
0x12c: {  	s15 =	simm.s32 $0x250  }
0x12d: {  	v9 =	vld [tilespmem:s15+$0xFFFFFE00]  }
0x12e: {  	v11 =	vld [tilespmem:s15+$0xFFFFFE80]  }
0x12f: {  	v12 =	vld [tilespmem:s15+$0xFFFFFF00]  }
0x130: {  	s14 =	sshrl.u32 s10, s13;
	v10 =	vld [tilespmem:s15+$0xFFFFFF80]  }
0x131: {  	v7 =	vadd.s32 s14, v6;
	v8 =	vld [tilespmem:s15+$0x0]  }
0x132: {  	vm0 =	vge.s32 v9, v7;
	v9 =	vld [tilespmem:s15+$0x80]  }
0x133: {  	v13 =	vimm.s32 $0x0;
	v14 =	vsel vm0, $0x1, v0;
	vm0 =	vge.s32 v11, v7;
	v11 =	vld [tilespmem:s15+$0x100]  }
0x134: {  	s14 =	simm.s32 $0x0;
	v13 =	vadd.s32 v14, v13;
	v14 =	vsel vm0, $0x1, v0;
	vm0 =	vge.s32 v12, v7;
	v12 =	vld [tilespmem:s15+$0x180];
	s15 =	simm.s32 $0x650  }
.LBB2_26:
0x135: {  	v15 =	vld [tilespmem:s15+$0xFFFFFE00];
	s14 =	sadd.s32 $0x8, s14;
	v13 =	vadd.s32 v14, v13;
	v14 =	vsel vm0, $0x1, v0;
	vm0 =	vge.s32 v10, v7  }
0x136: {  	v16 =	vld [tilespmem:s15+$0xFFFFFE80];
	p1 =	slt.u32 s14, $0x2F8;
	v10 =	vadd.s32 v14, v13;
	v13 =	vsel vm0, $0x1, v0;
	vm0 =	vge.s32 v8, v7  }
0x137: {  	v17 =	vld [tilespmem:s15+$0xFFFFFF00];
	v8 =	vadd.s32 v13, v10;
	v13 =	vsel vm0, $0x1, v0;
	vm0 =	vge.s32 v9, v7  }
.Ltmp11:
0x138: {  	v10 =	vld [tilespmem:s15+$0xFFFFFF80];
	v9 =	vadd.s32 v13, v8;
	v13 =	vsel vm0, $0x1, v0;
	vm0 =	vge.s32 v11, v7;
	(pc) =	sbr.rel @p1 .LBB2_26-.Ltmp11, $4  }
0x139: {  	v8 =	vld [tilespmem:s15+$0x0];
	v11 =	vadd.s32 v13, v9;
	v13 =	vsel vm0, $0x1, v0;
	vm0 =	vge.s32 v12, v7  }
0x13a: {  	vm1 =	vge.s32 v15, v7;
	v9 =	vld [tilespmem:s15+$0x80];
	v12 =	vadd.s32 v13, v11;
	v13 =	vsel vm0, $0x1, v0  }
0x13b: {  	v14 =	vsel vm1, $0x1, v0;
	vm0 =	vge.s32 v16, v7;
	v11 =	vld [tilespmem:s15+$0x100];
	v12 =	vadd.s32 v13, v12  }
0x13c: {  	v13 =	vadd.s32 v14, v12;
	v14 =	vsel vm0, $0x1, v0;
	vm0 =	vge.s32 v17, v7;
	v12 =	vld [tilespmem:s15+$0x180];
	s15 =	sadd.s32 $0x400, s15  }
0x13d: {  	v13 =	vadd.s32 v14, v13;
	v58 =	vsel vm0, $0x1, v0;
	vm10 =	vge.s32 v10, v7  }
0x13e: {  	v59 =	vadd.s32 v58, v13;
	v60 =	vsel vm10, $0x1, v0;
	vm11 =	vge.s32 v8, v7  }
0x13f: {  	s13 =	sadd.s32 $0x1, s13;
	v8 =	vadd.s32 v60, v59;
	v61 =	vsel vm11, $0x1, v0;
	vm12 =	vge.s32 v9, v7  }
0x140: {  	p1 =	sne.s32 s13, $0x1A;
	v8 =	vadd.s32 v61, v8;
	v9 =	vsel vm12, $0x1, v0;
	vm13 =	vge.s32 v11, v7  }
.Ltmp12:
0x141: {  	v8 =	vadd.s32 v9, v8;
	v62 =	vsel vm13, $0x1, v0;
	vm14 =	vge.s32 v12, v7;
	(pc) =	sbr.rel @p1 .LBB2_25-.Ltmp12, $4  }
0x142: {  	v8 =	vadd.s32 v62, v8;
	v63 =	vsel vm14, $0x1, v0  }
0x143: {  	v8 =	vadd.s32 v63, v8  }
0x144: {  	vm15 =	vgt.s32 v8, $0x98  }
0x145: {  	v6 =	vsel vm15, v7, v6  }
0x146: {  	s13 =	simm.s32 $0x0;
	v7 =	vimm.s32 $0x80000000  }
.LBB2_29:
0x147: {  	s15 =	simm.s32 $0x260  }
0x148: {  	v10 =	vld [tilespmem:s15+$0xFFFFFE00]  }
0x149: {  	v12 =	vld [tilespmem:s15+$0xFFFFFE80]  }
0x14a: {  	v13 =	vld [tilespmem:s15+$0xFFFFFF00]  }
0x14b: {  	s14 =	sshrl.u32 s10, s13;
	v11 =	vld [tilespmem:s15+$0xFFFFFF80]  }
0x14c: {  	v8 =	vadd.s32 s14, v7;
	v9 =	vld [tilespmem:s15+$0x0]  }
0x14d: {  	vm0 =	vge.s32 v10, v8;
	v10 =	vld [tilespmem:s15+$0x80]  }
0x14e: {  	v14 =	vimm.s32 $0x0;
	v15 =	vsel vm0, $0x1, v0;
	vm0 =	vge.s32 v12, v8;
	v12 =	vld [tilespmem:s15+$0x100]  }
0x14f: {  	s14 =	simm.s32 $0x0;
	v14 =	vadd.s32 v15, v14;
	v15 =	vsel vm0, $0x1, v0;
	vm0 =	vge.s32 v13, v8;
	v13 =	vld [tilespmem:s15+$0x180];
	s15 =	simm.s32 $0x660  }
.LBB2_30:
0x150: {  	v16 =	vld [tilespmem:s15+$0xFFFFFE00];
	s14 =	sadd.s32 $0x8, s14;
	v14 =	vadd.s32 v15, v14;
	v15 =	vsel vm0, $0x1, v0;
	vm0 =	vge.s32 v11, v8  }
0x151: {  	v17 =	vld [tilespmem:s15+$0xFFFFFE80];
	p1 =	slt.u32 s14, $0x2F8;
	v11 =	vadd.s32 v15, v14;
	v14 =	vsel vm0, $0x1, v0;
	vm0 =	vge.s32 v9, v8  }
0x152: {  	v18 =	vld [tilespmem:s15+$0xFFFFFF00];
	v9 =	vadd.s32 v14, v11;
	v14 =	vsel vm0, $0x1, v0;
	vm0 =	vge.s32 v10, v8  }
.Ltmp13:
0x153: {  	v11 =	vld [tilespmem:s15+$0xFFFFFF80];
	v10 =	vadd.s32 v14, v9;
	v14 =	vsel vm0, $0x1, v0;
	vm0 =	vge.s32 v12, v8;
	(pc) =	sbr.rel @p1 .LBB2_30-.Ltmp13, $4  }
0x154: {  	v9 =	vld [tilespmem:s15+$0x0];
	v12 =	vadd.s32 v14, v10;
	v14 =	vsel vm0, $0x1, v0;
	vm0 =	vge.s32 v13, v8  }
0x155: {  	vm1 =	vge.s32 v16, v8;
	v10 =	vld [tilespmem:s15+$0x80];
	v13 =	vadd.s32 v14, v12;
	v14 =	vsel vm0, $0x1, v0  }
0x156: {  	v15 =	vsel vm1, $0x1, v0;
	vm0 =	vge.s32 v17, v8;
	v12 =	vld [tilespmem:s15+$0x100];
	v13 =	vadd.s32 v14, v13  }
0x157: {  	v14 =	vadd.s32 v15, v13;
	v15 =	vsel vm0, $0x1, v0;
	vm0 =	vge.s32 v18, v8;
	v13 =	vld [tilespmem:s15+$0x180];
	s15 =	sadd.s32 $0x400, s15  }
0x158: {  	v14 =	vadd.s32 v15, v14;
	v57 =	vsel vm0, $0x1, v0;
	vm10 =	vge.s32 v11, v8  }
0x159: {  	v58 =	vadd.s32 v57, v14;
	v59 =	vsel vm10, $0x1, v0;
	vm11 =	vge.s32 v9, v8  }
0x15a: {  	s13 =	sadd.s32 $0x1, s13;
	v60 =	vadd.s32 v59, v58;
	v61 =	vsel vm11, $0x1, v0;
	vm12 =	vge.s32 v10, v8  }
0x15b: {  	p1 =	sne.s32 s13, $0x1A;
	v9 =	vadd.s32 v61, v60;
	v10 =	vsel vm12, $0x1, v0;
	vm13 =	vge.s32 v12, v8  }
.Ltmp14:
0x15c: {  	v9 =	vadd.s32 v10, v9;
	v62 =	vsel vm13, $0x1, v0;
	vm14 =	vge.s32 v13, v8;
	(pc) =	sbr.rel @p1 .LBB2_29-.Ltmp14, $4  }
0x15d: {  	v9 =	vadd.s32 v62, v9;
	v63 =	vsel vm14, $0x1, v0  }
0x15e: {  	v9 =	vadd.s32 v63, v9  }
0x15f: {  	vm15 =	vgt.s32 v9, $0x98  }
0x160: {  	v7 =	vsel vm15, v8, v7  }
0x161: {  	s13 =	simm.s32 $0x0;
	v8 =	vimm.s32 $0x80000000  }
.LBB2_33:
0x162: {  	s15 =	simm.s32 $0x270  }
0x163: {  	v11 =	vld [tilespmem:s15+$0xFFFFFE00]  }
0x164: {  	v13 =	vld [tilespmem:s15+$0xFFFFFE80]  }
0x165: {  	v14 =	vld [tilespmem:s15+$0xFFFFFF00]  }
0x166: {  	s14 =	sshrl.u32 s10, s13;
	v12 =	vld [tilespmem:s15+$0xFFFFFF80]  }
0x167: {  	v9 =	vadd.s32 s14, v8;
	v10 =	vld [tilespmem:s15+$0x0]  }
0x168: {  	vm0 =	vge.s32 v11, v9;
	v11 =	vld [tilespmem:s15+$0x80]  }
0x169: {  	v15 =	vimm.s32 $0x0;
	v16 =	vsel vm0, $0x1, v0;
	vm0 =	vge.s32 v13, v9;
	v13 =	vld [tilespmem:s15+$0x100]  }
0x16a: {  	s14 =	simm.s32 $0x0;
	v15 =	vadd.s32 v16, v15;
	v16 =	vsel vm0, $0x1, v0;
	vm0 =	vge.s32 v14, v9;
	v14 =	vld [tilespmem:s15+$0x180];
	s15 =	simm.s32 $0x670  }
.LBB2_34:
0x16b: {  	v17 =	vld [tilespmem:s15+$0xFFFFFE00];
	s14 =	sadd.s32 $0x8, s14;
	v15 =	vadd.s32 v16, v15;
	v16 =	vsel vm0, $0x1, v0;
	vm0 =	vge.s32 v12, v9  }
0x16c: {  	v18 =	vld [tilespmem:s15+$0xFFFFFE80];
	p1 =	slt.u32 s14, $0x2F8;
	v12 =	vadd.s32 v16, v15;
	v15 =	vsel vm0, $0x1, v0;
	vm0 =	vge.s32 v10, v9  }
0x16d: {  	v19 =	vld [tilespmem:s15+$0xFFFFFF00];
	v10 =	vadd.s32 v15, v12;
	v15 =	vsel vm0, $0x1, v0;
	vm0 =	vge.s32 v11, v9  }
.Ltmp15:
0x16e: {  	v12 =	vld [tilespmem:s15+$0xFFFFFF80];
	v11 =	vadd.s32 v15, v10;
	v15 =	vsel vm0, $0x1, v0;
	vm0 =	vge.s32 v13, v9;
	(pc) =	sbr.rel @p1 .LBB2_34-.Ltmp15, $4  }
0x16f: {  	v10 =	vld [tilespmem:s15+$0x0];
	v13 =	vadd.s32 v15, v11;
	v15 =	vsel vm0, $0x1, v0;
	vm0 =	vge.s32 v14, v9  }
0x170: {  	vm1 =	vge.s32 v17, v9;
	v11 =	vld [tilespmem:s15+$0x80];
	v14 =	vadd.s32 v15, v13;
	v15 =	vsel vm0, $0x1, v0  }
0x171: {  	v16 =	vsel vm1, $0x1, v0;
	vm0 =	vge.s32 v18, v9;
	v13 =	vld [tilespmem:s15+$0x100];
	v14 =	vadd.s32 v15, v14  }
0x172: {  	v15 =	vadd.s32 v16, v14;
	v16 =	vsel vm0, $0x1, v0;
	vm0 =	vge.s32 v19, v9;
	v14 =	vld [tilespmem:s15+$0x180];
	s15 =	sadd.s32 $0x400, s15  }
0x173: {  	v15 =	vadd.s32 v16, v15;
	v60 =	vsel vm0, $0x1, v0;
	vm10 =	vge.s32 v12, v9  }
0x174: {  	v61 =	vadd.s32 v60, v15;
	v62 =	vsel vm10, $0x1, v0;
	vm11 =	vge.s32 v10, v9  }
0x175: {  	s13 =	sadd.s32 $0x1, s13;
	v10 =	vadd.s32 v62, v61;
	v63 =	vsel vm11, $0x1, v0;
	vm12 =	vge.s32 v11, v9  }
0x176: {  	p1 =	sne.s32 s13, $0x1A;
	v10 =	vadd.s32 v63, v10;
	v11 =	vsel vm12, $0x1, v0;
	vm13 =	vge.s32 v13, v9  }
.Ltmp16:
0x177: {  	v10 =	vadd.s32 v11, v10;
	v11 =	vsel vm13, $0x1, v0;
	vm14 =	vge.s32 v14, v9;
	(pc) =	sbr.rel @p1 .LBB2_33-.Ltmp16, $4  }
0x178: {  	v10 =	vadd.s32 v11, v10;
	v11 =	vsel vm14, $0x1, v0  }
0x179: {  	v10 =	vadd.s32 v11, v10  }
0x17a: {  	vm15 =	vgt.s32 v10, $0x98  }
0x17b: {  	v8 =	vsel vm15, v9, v8  }
0x17c: {  	s13 =	simm.s32 $0x100  }
0x17d: {  	v10 =	vld [tilespmem:s13+$0xFFFFFF00]  }
0x17e: {  	v11 =	vld [tilespmem:s13+$0xFFFFFF10]  }
0x17f: {  	v12 =	vld [tilespmem:s13+$0xFFFFFF20]  }
0x180: {  	v14 =	vld [tilespmem:s13+$0xFFFFFF30]  }
0x181: {  	v16 =	vld [tilespmem:s13+$0xFFFFFF40]  }
0x182: {  	v17 =	vld [tilespmem:s13+$0xFFFFFF50]  }
0x183: {  	v18 =	vld [tilespmem:s13+$0xFFFFFF60]  }
0x184: {  	v20 =	vld [tilespmem:s13+$0xFFFFFF70]  }
0x185: {  	v40 =	vld [tilespmem:s13+$0xFFFFFF80]  }
0x186: {  	v21 =	vld [tilespmem:s13+$0xFFFFFF90]  }
0x187: {  	v23 =	vld [tilespmem:s13+$0xFFFFFFA0]  }
0x188: {  	v43 =	vld [tilespmem:s13+$0xFFFFFFB0];
	v13 =	vxor.u32 $0x7FFFFFFF, v10;
	vm0 =	vlt.s32 v10, v1  }
0x189: {  	v24 =	vld [tilespmem:s13+$0xFFFFFFC0];
	vm1 =	vlt.s32 v10, $0x0;
	v15 =	vxor.u32 $0x7FFFFFFF, v11;
	vm2 =	vlt.s32 v11, $0x0  }
0x18a: {  	v26 =	vld [tilespmem:s13+$0xFFFFFFD0];
	vm5 =	vlt.s32 v11, v2;
	vm6 =	vlt.s32 v12, $0x0;
	vm7 =	vlt.s32 v12, v3  }
0x18b: {  	v54 =	vld [tilespmem:s13+$0x40];
	vm8 =	vlt.s32 v14, v4;
	vm9 =	vlt.s32 v14, $0x0;
	v19 =	vxor.u32 $0x7FFFFFFF, v16  }
0x18c: {  	v57 =	vld [tilespmem:s13+$0x70];
	vm3 =	vlt.s32 v16, $0x0;
	vm10 =	vlt.s32 v16, v5;
	vm11 =	vlt.s32 v17, $0x0  }
0x18d: {  	vm12 =	vlt.s32 v17, v6;
	vm13 =	vlt.s32 v18, v7;
	vm14 =	vlt.s32 v18, $0x0  }
0x18e: {  	v22 =	vxor.u32 $0x7FFFFFFF, v20;
	vm15 =	vlt.s32 v20, $0x0;
	vm4 =	vlt.s32 v20, v8  }
0x18f: {  	v42 =	vxor.u32 $0x7FFFFFFF, v40;
	v44 =	vxor.u32 $0x7FFFFFFF, v21;
	v25 =	vxor.u32 $0x7FFFFFFF, v23  }
0x190: {  	v53 =	vld [tilespmem:s13+$0x30];
	v46 =	vxor.u32 $0x7FFFFFFF, v43;
	v48 =	vxor.u32 $0x7FFFFFFF, v24;
	v28 =	vxor.u32 $0x7FFFFFFF, v26  }
0x191: {  	v56 =	vxor.u32 $0x7FFFFFFF, v54;
	v60 =	vxor.u32 $0x7FFFFFFF, v57;
	v10 =	vsel vm1, v13, v10  }
0x192: {  	v13 =	vsel vm2, v15, v11;
	v15 =	vxor.u32 $0x7FFFFFFF, v12;
	v41 =	vsel vm15, v22, v20  }
0x193: {  	v47 =	vld [tilespmem:s13+$0xFFFFFFE0];
	vm15 =	vlt.s32 v26, $0x0;
	v11 =	vsel vm0, $0x0, v10;
	v13 =	vsel vm5, $0x0, v13  }
0x194: {  	v12 =	vsel vm6, v15, v12;
	v15 =	vxor.u32 $0x7FFFFFFF, v14;
	vm5 =	vlt.s32 v40, $0x0  }
0x195: {  	vm6 =	vlt.s32 v40, v1;
	v49 =	vsel vm15, v28, v26;
	vm15 =	vlt.s32 v53, $0x0  }
0x196: {  	v14 =	vsel vm9, v15, v14;
	v15 =	vsel vm3, v19, v16;
	v12 =	vsel vm7, $0x0, v12  }
0x197: {  	v27 =	vld [tilespmem:s13+$0x0];
	v16 =	vxor.u32 $0x7FFFFFFF, v17;
	v19 =	vsel vm5, v42, v40;
	vm7 =	vlt.s32 v21, v2  }
0x198: {  	vm9 =	vlt.s32 v23, $0x0;
	vm5 =	vlt.s32 v26, v6;
	[tilespmem:s13+$0xFFFFFF10] =	vst v13;
	v13 =	vxor.u32 $0x7FFFFFFF, v47  }
0x199: {  	v14 =	vsel vm8, $0x0, v14;
	v15 =	vsel vm10, $0x0, v15;
	v16 =	vsel vm11, v16, v17  }
0x19a: {  	v17 =	vxor.u32 $0x7FFFFFFF, v18;
	vm8 =	vlt.s32 v21, $0x0;
	v45 =	vsel vm9, v25, v23  }
0x19b: {  	v29 =	vld [tilespmem:s13+$0x10];
	vm10 =	vlt.s32 v23, v3;
	v19 =	vsel vm6, $0x0, v19;
	vm11 =	vlt.s32 v43, $0x0  }
0x19c: {  	v52 =	vld [tilespmem:s13+$0x20];
	v51 =	vsel vm5, $0x0, v49;
	vm6 =	vlt.s32 v47, $0x0;
	vm9 =	vlt.s32 v27, $0x0  }
0x19d: {  	v17 =	vsel vm14, v17, v18;
	v16 =	vsel vm12, $0x0, v16;
	v18 =	vsel vm4, $0x0, v41  }
0x19e: {  	v20 =	vsel vm8, v44, v21;
	v21 =	vsel vm10, $0x0, v45;
	vm12 =	vlt.s32 v43, v4  }
0x19f: {  	[tilespmem:s13+$0xFFFFFF20] =	vst v12;
	v22 =	vsel vm11, v46, v43;
	vm14 =	vlt.s32 v24, $0x0;
	v12 =	vsel vm6, v13, v47  }
0x1a0: {  	v55 =	vld [tilespmem:s13+$0x60];
	v13 =	vxor.u32 $0x7FFFFFFF, v27;
	vm8 =	vlt.s32 v27, v1;
	[tilespmem:s13+$0xFFFFFF30] =	vst v14;
	v14 =	vxor.u32 $0x7FFFFFFF, v29  }
0x1a1: {  	v59 =	vld [tilespmem:s13+$0x90];
	vm10 =	vlt.s32 v29, $0x0;
	[tilespmem:s13+$0xFFFFFF40] =	vst v15;
	vm11 =	vlt.s32 v29, v2;
	v15 =	vxor.u32 $0x7FFFFFFF, v52  }
0x1a2: {  	vm6 =	vlt.s32 v54, $0x0;
	v17 =	vsel vm13, $0x0, v17;
	v20 =	vsel vm7, $0x0, v20  }
0x1a3: {  	[tilespmem:s13+$0xFFFFFF00] =	vst v11;
	vm13 =	vlt.s32 v24, v5;
	v23 =	vsel vm14, v48, v24;
	v11 =	vsel vm12, $0x0, v22  }
0x1a4: {  	[tilespmem:s13+$0xFFFFFF80] =	vst v19;
	vm7 =	vlt.s32 v47, v7;
	v13 =	vsel vm9, v13, v27;
	v14 =	vsel vm10, v14, v29  }
0x1a5: {  	[tilespmem:s13+$0xFFFFFFD0] =	vst v51;
	vm12 =	vlt.s32 v52, $0x0;
	vm14 =	vlt.s32 v53, v4;
	v19 =	vsel vm6, v56, v54  }
0x1a6: {  	[tilespmem:s13+$0xFFFFFF50] =	vst v16;
	v16 =	vld [tilespmem:s13+$0x50];
	vm10 =	vlt.s32 v55, v7;
	vm6 =	vlt.s32 v59, v2;
	v50 =	vsel vm13, $0x0, v23  }
0x1a7: {  	[tilespmem:s13+$0xFFFFFF70] =	vst v18;
	v12 =	vsel vm7, $0x0, v12;
	v13 =	vsel vm8, $0x0, v13;
	v14 =	vsel vm11, $0x0, v14  }
0x1a8: {  	v58 =	vld [tilespmem:s13+$0x80];
	[tilespmem:s13+$0xFFFFFF60] =	vst v17;
	vm13 =	vlt.s32 v52, v3;
	v15 =	vsel vm12, v15, v52;
	v17 =	vxor.u32 $0x7FFFFFFF, v53  }
0x1a9: {  	[tilespmem:s13+$0xFFFFFFA0] =	vst v21;
	vm7 =	vlt.s32 v54, v5;
	vm11 =	vlt.s32 v55, $0x0;
	vm12 =	vlt.s32 v57, $0x0  }
0x1aa: {  	[tilespmem:s13+$0xFFFFFF90] =	vst v20;
	v17 =	vsel vm15, v17, v53;
	v15 =	vsel vm13, $0x0, v15;
	v19 =	vsel vm7, $0x0, v19  }
0x1ab: {  	v61 =	vld [tilespmem:s13+$0xA0];
	[tilespmem:s13+$0xFFFFFFB0] =	vst v11;
	vm13 =	vlt.s32 v57, v8;
	v11 =	vxor.u32 $0x7FFFFFFF, v16;
	vm8 =	vlt.s32 v16, $0x0  }
0x1ac: {  	v63 =	vld [tilespmem:s13+$0xD0];
	[tilespmem:s13+$0xFFFFFFE0] =	vst v12;
	vm9 =	vlt.s32 v16, v6;
	v11 =	vsel vm8, v11, v16;
	v16 =	vxor.u32 $0x7FFFFFFF, v55  }
0x1ad: {  	v62 =	vld [tilespmem:s13+$0xC0];
	[tilespmem:s13+$0x10] =	vst v14;
	v14 =	vxor.u32 $0x7FFFFFFF, v58;
	v12 =	vsel vm11, v16, v55;
	v16 =	vsel vm12, v60, v57  }
0x1ae: {  	[tilespmem:s13+$0x0] =	vst v13;
	vm15 =	vlt.s32 v58, v1;
	vm7 =	vlt.s32 v59, $0x0;
	v13 =	vsel vm13, $0x0, v16;
	v16 =	vld [tilespmem:s13+$0xB0]  }
0x1af: {  	v17 =	vsel vm14, $0x0, v17;
	vm14 =	vlt.s32 v58, $0x0;
	[tilespmem:s13+$0x20] =	vst v15;
	v15 =	vxor.u32 $0x7FFFFFFF, v59  }
0x1b0: {  	v14 =	vsel vm14, v14, v58;
	[tilespmem:s13+$0x30] =	vst v17;
	v17 =	vxor.u32 $0x7FFFFFFF, v61;
	v11 =	vsel vm9, $0x0, v11  }
0x1b1: {  	v9 =	vld [tilespmem:s13+$0xFFFFFFF0];
	v15 =	vsel vm7, v15, v59;
	vm14 =	vlt.s32 v63, $0x0;
	v12 =	vsel vm10, $0x0, v12;
	[tilespmem:s13+$0x50] =	vst v11  }
0x1b2: {  	v11 =	vsel vm15, $0x0, v14;
	v14 =	vsel vm6, $0x0, v15;
	vm13 =	vlt.s32 v62, $0x0;
	[tilespmem:s13+$0x60] =	vst v12  }
0x1b3: {  	[tilespmem:s13+$0x80] =	vst v11;
	v11 =	vxor.u32 $0x7FFFFFFF, v63;
	v12 =	vxor.u32 $0x7FFFFFFF, v16;
	vm10 =	vlt.s32 v16, $0x0  }
0x1b4: {  	[tilespmem:s13+$0x70] =	vst v13;
	vm11 =	vlt.s32 v16, v4;
	v13 =	vsel vm10, v12, v16;
	v16 =	vxor.u32 $0x7FFFFFFF, v62;
	v12 =	vld [tilespmem:s13+$0xE0]  }
0x1b5: {  	vm8 =	vlt.s32 v61, $0x0;
	[tilespmem:s13+$0x90] =	vst v14;
	v14 =	vsel vm13, v16, v62;
	v16 =	vsel vm14, v11, v63;
	v11 =	vld [tilespmem:s13+$0xF0]  }
0x1b6: {  	v10 =	vxor.u32 $0x7FFFFFFF, v9;
	[tilespmem:s13+$0xFFFFFFC0] =	vst v50;
	v17 =	vsel vm8, v17, v61;
	vm9 =	vlt.s32 v61, v3  }
0x1b7: {  	[tilespmem:s13+$0x40] =	vst v19;
	vm12 =	vlt.s32 v62, v5;
	v15 =	vsel vm9, $0x0, v17;
	vm15 =	vlt.s32 v63, v6  }
0x1b8: {  	s14 =	simm.s32 $0x0;
	s15 =	simm.s32 $0x300;
	[tilespmem:s13+$0xA0] =	vst v15;
	v15 =	vsel vm11, $0x0, v13;
	v14 =	vsel vm12, $0x0, v14;
	v13 =	vsel vm15, $0x0, v16  }
.LBB2_37:
0x1b9: {  	v16 =	vld [tilespmem:s15+$0xFFFFFF00];
	[tilespmem:s13+$0xB0] =	vst v15;
	v15 =	vxor.u32 $0x7FFFFFFF, v12;
	vm0 =	vlt.s32 v12, $0x0;
	vm1 =	vlt.s32 v12, v7  }
0x1ba: {  	v17 =	vld [tilespmem:s15+$0xFFFFFF10];
	[tilespmem:s13+$0xC0] =	vst v14;
	v12 =	vsel vm0, v15, v12;
	v14 =	vxor.u32 $0x7FFFFFFF, v11;
	vm0 =	vlt.s32 v11, $0x0  }
0x1bb: {  	v15 =	vld [tilespmem:s15+$0xFFFFFFF0];
	[tilespmem:s13+$0xD0] =	vst v13;
	v12 =	vsel vm1, $0x0, v12;
	v13 =	vsel vm0, v14, v11;
	vm0 =	vlt.s32 v11, v8  }
0x1bc: {  	vm2 =	vlt.s32 v9, v8;
	vm1 =	vlt.s32 v9, $0x0;
	[tilespmem:s13+$0xE0] =	vst v12;
	v11 =	vsel vm0, $0x0, v13  }
0x1bd: {  	v9 =	vsel vm1, v10, v9;
	v12 =	vld [tilespmem:s15+$0xFFFFFF20];
	[tilespmem:s13+$0xF0] =	vst v11  }
0x1be: {  	v18 =	vsel vm2, $0x0, v9;
	v10 =	vxor.u32 $0x7FFFFFFF, v16;
	vm0 =	vlt.s32 v16, v1;
	v11 =	vld [tilespmem:s15+$0xFFFFFF30]  }
0x1bf: {  	vm1 =	vlt.s32 v16, $0x0;
	v13 =	vxor.u32 $0x7FFFFFFF, v17;
	vm2 =	vlt.s32 v17, $0x0;
	v14 =	vld [tilespmem:s15+$0xFFFFFF40];
	[tilespmem:s13+$0xFFFFFFF0] =	vst v18;
	s13 =	smov.u32 s15  }
0x1c0: {  	v10 =	vsel vm1, v10, v16;
	vm1 =	vlt.s32 v17, v2;
	v13 =	vsel vm2, v13, v17;
	v9 =	vmovc v15  }
0x1c1: {  	v15 =	vsel vm0, $0x0, v10;
	v13 =	vsel vm1, $0x0, v13;
	v10 =	vxor.u32 $0x7FFFFFFF, v9  }
0x1c2: {  	v16 =	vxor.u32 $0x7FFFFFFF, v12;
	vm0 =	vlt.s32 v12, $0x0;
	vm1 =	vlt.s32 v12, v3;
	v17 =	vld [tilespmem:s15+$0xFFFFFF50]  }
0x1c3: {  	v12 =	vsel vm0, v16, v12;
	v16 =	vxor.u32 $0x7FFFFFFF, v11;
	vm0 =	vlt.s32 v11, v4;
	v18 =	vld [tilespmem:s15+$0xFFFFFF60]  }
0x1c4: {  	vm2 =	vlt.s32 v11, $0x0;
	v19 =	vxor.u32 $0x7FFFFFFF, v14;
	vm3 =	vlt.s32 v14, $0x0;
	v20 =	vld [tilespmem:s15+$0xFFFFFF70]  }
0x1c5: {  	v11 =	vsel vm2, v16, v11;
	vm2 =	vlt.s32 v14, v5;
	v16 =	vsel vm3, v19, v14  }
0x1c6: {  	v12 =	vsel vm1, $0x0, v12;
	v11 =	vsel vm0, $0x0, v11;
	v14 =	vsel vm2, $0x0, v16  }
0x1c7: {  	v16 =	vxor.u32 $0x7FFFFFFF, v17;
	vm0 =	vlt.s32 v17, $0x0;
	vm1 =	vlt.s32 v17, v6;
	v19 =	vld [tilespmem:s15+$0xFFFFFF80]  }
0x1c8: {  	v16 =	vsel vm0, v16, v17;
	v17 =	vxor.u32 $0x7FFFFFFF, v18;
	vm0 =	vlt.s32 v18, v7;
	v21 =	vld [tilespmem:s15+$0xFFFFFF90]  }
0x1c9: {  	vm2 =	vlt.s32 v18, $0x0;
	v22 =	vxor.u32 $0x7FFFFFFF, v20;
	vm3 =	vlt.s32 v20, $0x0;
	v23 =	vld [tilespmem:s15+$0xFFFFFFA0]  }
0x1ca: {  	v17 =	vsel vm2, v17, v18;
	vm2 =	vlt.s32 v20, v8;
	v18 =	vsel vm3, v22, v20  }
0x1cb: {  	v16 =	vsel vm1, $0x0, v16;
	v17 =	vsel vm0, $0x0, v17;
	v18 =	vsel vm2, $0x0, v18  }
0x1cc: {  	v20 =	vxor.u32 $0x7FFFFFFF, v19;
	vm0 =	vlt.s32 v19, $0x0;
	vm1 =	vlt.s32 v19, v1;
	v22 =	vld [tilespmem:s15+$0xFFFFFFB0]  }
0x1cd: {  	v19 =	vsel vm0, v20, v19;
	v20 =	vxor.u32 $0x7FFFFFFF, v21;
	vm0 =	vlt.s32 v21, v2;
	v24 =	vld [tilespmem:s15+$0xFFFFFFC0]  }
0x1ce: {  	vm2 =	vlt.s32 v21, $0x0;
	v25 =	vxor.u32 $0x7FFFFFFF, v23;
	vm3 =	vlt.s32 v23, $0x0;
	v26 =	vld [tilespmem:s15+$0xFFFFFFD0]  }
0x1cf: {  	v20 =	vsel vm2, v20, v21;
	vm2 =	vlt.s32 v23, v3;
	v21 =	vsel vm3, v25, v23  }
0x1d0: {  	v19 =	vsel vm1, $0x0, v19;
	v20 =	vsel vm0, $0x0, v20;
	v21 =	vsel vm2, $0x0, v21  }
0x1d1: {  	v23 =	vxor.u32 $0x7FFFFFFF, v22;
	vm0 =	vlt.s32 v22, $0x0;
	vm1 =	vlt.s32 v22, v4;
	v25 =	vld [tilespmem:s15+$0xFFFFFFE0]  }
0x1d2: {  	v22 =	vsel vm0, v23, v22;
	v23 =	vxor.u32 $0x7FFFFFFF, v24;
	vm0 =	vlt.s32 v24, v5;
	v27 =	vld [tilespmem:s15+$0x0]  }
0x1d3: {  	vm2 =	vlt.s32 v24, $0x0;
	v28 =	vxor.u32 $0x7FFFFFFF, v26;
	vm3 =	vlt.s32 v26, $0x0;
	v29 =	vld [tilespmem:s15+$0x10]  }
0x1d4: {  	v23 =	vsel vm2, v23, v24;
	vm2 =	vlt.s32 v26, v6;
	v24 =	vsel vm3, v28, v26  }
0x1d5: {  	[tilespmem:s15+$0xFFFFFF00] =	vst v15;
	v15 =	vsel vm1, $0x0, v22;
	v22 =	vsel vm0, $0x0, v23;
	v23 =	vsel vm2, $0x0, v24  }
0x1d6: {  	[tilespmem:s15+$0xFFFFFF10] =	vst v13;
	v13 =	vxor.u32 $0x7FFFFFFF, v25;
	vm0 =	vlt.s32 v25, $0x0;
	vm1 =	vlt.s32 v25, v7;
	v24 =	vld [tilespmem:s15+$0x20]  }
0x1d7: {  	[tilespmem:s15+$0xFFFFFF20] =	vst v12;
	v12 =	vsel vm0, v13, v25;
	v13 =	vxor.u32 $0x7FFFFFFF, v27;
	vm0 =	vlt.s32 v27, v1;
	v25 =	vld [tilespmem:s15+$0x30]  }
0x1d8: {  	vm2 =	vlt.s32 v27, $0x0;
	[tilespmem:s15+$0xFFFFFF30] =	vst v11;
	v11 =	vxor.u32 $0x7FFFFFFF, v29;
	vm3 =	vlt.s32 v29, $0x0;
	v26 =	vld [tilespmem:s15+$0x40]  }
0x1d9: {  	v13 =	vsel vm2, v13, v27;
	vm2 =	vlt.s32 v29, v2;
	[tilespmem:s15+$0xFFFFFF40] =	vst v14;
	v11 =	vsel vm3, v11, v29  }
0x1da: {  	v12 =	vsel vm1, $0x0, v12;
	v13 =	vsel vm0, $0x0, v13;
	[tilespmem:s15+$0xFFFFFF50] =	vst v16;
	v11 =	vsel vm2, $0x0, v11  }
0x1db: {  	[tilespmem:s15+$0xFFFFFF60] =	vst v17;
	v14 =	vxor.u32 $0x7FFFFFFF, v24;
	vm0 =	vlt.s32 v24, $0x0;
	vm1 =	vlt.s32 v24, v3;
	v16 =	vld [tilespmem:s15+$0x50]  }
0x1dc: {  	[tilespmem:s15+$0xFFFFFF70] =	vst v18;
	v14 =	vsel vm0, v14, v24;
	v17 =	vxor.u32 $0x7FFFFFFF, v25;
	vm0 =	vlt.s32 v25, v4;
	v18 =	vld [tilespmem:s15+$0x60]  }
0x1dd: {  	vm2 =	vlt.s32 v25, $0x0;
	[tilespmem:s15+$0xFFFFFF80] =	vst v19;
	v19 =	vxor.u32 $0x7FFFFFFF, v26;
	vm3 =	vlt.s32 v26, $0x0;
	v24 =	vld [tilespmem:s15+$0x70]  }
0x1de: {  	v17 =	vsel vm2, v17, v25;
	vm2 =	vlt.s32 v26, v5;
	[tilespmem:s15+$0xFFFFFF90] =	vst v20;
	v19 =	vsel vm3, v19, v26  }
0x1df: {  	v14 =	vsel vm1, $0x0, v14;
	v17 =	vsel vm0, $0x0, v17;
	[tilespmem:s15+$0xFFFFFFA0] =	vst v21;
	v19 =	vsel vm2, $0x0, v19  }
0x1e0: {  	[tilespmem:s15+$0xFFFFFFB0] =	vst v15;
	v15 =	vxor.u32 $0x7FFFFFFF, v16;
	vm0 =	vlt.s32 v16, $0x0;
	vm1 =	vlt.s32 v16, v6;
	v20 =	vld [tilespmem:s15+$0x80]  }
0x1e1: {  	[tilespmem:s15+$0xFFFFFFC0] =	vst v22;
	v15 =	vsel vm0, v15, v16;
	v16 =	vxor.u32 $0x7FFFFFFF, v18;
	vm0 =	vlt.s32 v18, v7;
	v21 =	vld [tilespmem:s15+$0x90]  }
0x1e2: {  	vm2 =	vlt.s32 v18, $0x0;
	[tilespmem:s15+$0xFFFFFFD0] =	vst v23;
	v22 =	vxor.u32 $0x7FFFFFFF, v24;
	vm3 =	vlt.s32 v24, $0x0;
	v23 =	vld [tilespmem:s15+$0xA0]  }
0x1e3: {  	[tilespmem:s15+$0xFFFFFFE0] =	vst v12;
	v12 =	vsel vm2, v16, v18;
	v16 =	vsel vm3, v22, v24;
	vm2 =	vlt.s32 v24, v8  }
0x1e4: {  	[tilespmem:s15+$0x0] =	vst v13;
	v13 =	vsel vm1, $0x0, v15;
	v12 =	vsel vm0, $0x0, v12;
	v15 =	vsel vm2, $0x0, v16  }
0x1e5: {  	[tilespmem:s15+$0x10] =	vst v11;
	v11 =	vxor.u32 $0x7FFFFFFF, v20;
	vm0 =	vlt.s32 v20, $0x0;
	vm1 =	vlt.s32 v20, v1;
	v16 =	vld [tilespmem:s15+$0xB0]  }
0x1e6: {  	[tilespmem:s15+$0x20] =	vst v14;
	v11 =	vsel vm0, v11, v20;
	v14 =	vxor.u32 $0x7FFFFFFF, v21;
	vm0 =	vlt.s32 v21, v2;
	v18 =	vld [tilespmem:s15+$0xC0]  }
0x1e7: {  	vm2 =	vlt.s32 v21, $0x0;
	[tilespmem:s15+$0x30] =	vst v17;
	v17 =	vxor.u32 $0x7FFFFFFF, v23;
	vm3 =	vlt.s32 v23, $0x0;
	v20 =	vld [tilespmem:s15+$0xD0]  }
0x1e8: {  	s14 =	sadd.s32 $0x4, s14;
	v14 =	vsel vm2, v14, v21;
	vm2 =	vlt.s32 v23, v3;
	[tilespmem:s15+$0x40] =	vst v19;
	v17 =	vsel vm3, v17, v23  }
0x1e9: {  	p1 =	slt.u32 s14, $0x2FC;
	v14 =	vsel vm0, $0x0, v14;
	[tilespmem:s15+$0x50] =	vst v13;
	v13 =	vsel vm1, $0x0, v11;
	v17 =	vsel vm2, $0x0, v17  }
.Ltmp17:
0x1ea: {  	[tilespmem:s15+$0x60] =	vst v12;
	v11 =	vxor.u32 $0x7FFFFFFF, v16;
	vm0 =	vlt.s32 v16, $0x0;
	vm1 =	vlt.s32 v16, v4;
	v12 =	vld [tilespmem:s15+$0xE0];
	(pc) =	sbr.rel @p1 .LBB2_37-.Ltmp17, $4  }
0x1eb: {  	[tilespmem:s15+$0x70] =	vst v15;
	v15 =	vsel vm0, v11, v16;
	v16 =	vxor.u32 $0x7FFFFFFF, v18;
	vm0 =	vlt.s32 v18, v5;
	v11 =	vld [tilespmem:s15+$0xF0]  }
0x1ec: {  	vm2 =	vlt.s32 v18, $0x0;
	[tilespmem:s15+$0x80] =	vst v13;
	v13 =	vxor.u32 $0x7FFFFFFF, v20;
	vm3 =	vlt.s32 v20, $0x0  }
0x1ed: {  	[tilespmem:s15+$0x90] =	vst v14;
	v14 =	vsel vm2, v16, v18;
	v13 =	vsel vm3, v13, v20;
	vm2 =	vlt.s32 v20, v6  }
0x1ee: {  	v15 =	vsel vm1, $0x0, v15;
	s15 =	sadd.s32 $0x200, s15;
	[tilespmem:s13+$0xA0] =	vst v17;
	v14 =	vsel vm0, $0x0, v14;
	v13 =	vsel vm2, $0x0, v13  }
0x1ef: {  	v1 =	vxor.u32 $0x7FFFFFFF, v12  }
0x1f0: {  	vm0 =	vlt.s32 v12, $0x0;
	[tilespmem:s13+$0xB0] =	vst v15;
	vm1 =	vlt.s32 v12, v7;
	vm15 =	vlt.s32 v9, $0x0  }
0x1f1: {  	[tilespmem:s13+$0xC0] =	vst v14;
	v1 =	vsel vm0, v1, v12;
	v2 =	vxor.u32 $0x7FFFFFFF, v11;
	vm13 =	vlt.s32 v11, $0x0  }
0x1f2: {  	[tilespmem:s13+$0xD0] =	vst v13;
	vm14 =	vlt.s32 v11, v8;
	v1 =	vsel vm1, $0x0, v1;
	v2 =	vsel vm13, v2, v11  }
0x1f3: {  	vm2 =	vlt.s32 v9, v8;
	[tilespmem:s13+$0xE0] =	vst v1;
	v1 =	vsel vm14, $0x0, v2;
	v2 =	vsel vm15, v10, v9  }
0x1f4: {  	[tilespmem:s13+$0xF0] =	vst v1;
	v1 =	vsel vm2, $0x0, v2  }
.Ltmp18:
0x1f5: {  	s31 =	sadd.s32 s4, s12;
	s12 =	simm.s32 $0x400;
	[tilespmem:s13+$0xFFFFFFF0] =	vst v1;
	(pc) =	sbr.rel @p0 .LBB2_2-.Ltmp18, $4  }
0x1f6: {  	[hbm4b:s31+s12] =	stream.strided.scatter [tilespmem:s2], [sflag:$0x1], $0x18000, s8, s12, $0x38;
	[tilespmem:$0x18000] =	vst v63  }
0x1f7: {  	_ =	swait.ge [sflag:s9], $0x18000  }
0x1f8: {  	[sflag:s9] =	ssyncset.done $0x0  }
0x1f9: {  	p1 =	por $0x0, $0x0;
	[sflag:s9] =	ssyncadd.s32 $0xFFFE8000  }
0x1fa: {  	s11 =	sadd.s32 $0x1, s11  }
0x1fb: {  	p0 =	sne.s32 s11, s5  }
.Ltmp19:
0x1fc: {  	_ = 	snop;
	(pc) =	sbr.rel @p0 .LBB2_1-.Ltmp19, $1  }
0x1fd: {  	_ =	sdelay $0x3  }
0x1fe: {  	_ =	sfence.sel $0x180000  }
0x1ff: {  	[bflag:$0x0] =	sbarrier.arrive $0xFFFF  }
0x200: {  	p0 =	sne.s32 s3, $0x0;
	_ =	strace $0x90000047  }
0x201: {  	s0 =	sadd.s32 @!p0 $0x100000, s0;
	[bflag:$0x2] =	sbarrier.arrive $0xFFFF  }
0x202: {  	[sflag:s0] =	ssyncadd.tile.s32 @!p0 $0x1;
	_ =	shalt  }
.Lfunc_end2:
_tile_overlayer_lowered:
.L_overlay_start_2:
0x203: {  	(tag) =	ssettag $0x2  }
0x204: {  	s0 =	rddreg [dreg:$0x0];
	s2 =	stileid.u32  }
0x205: {  	s1 =	rddreg [dreg:$0x1];
	p0 =	sne.s32 s2, $0x0  }
0x206: {  	s3 =	rddreg [dreg:$0x2];
	[bflag:$0x3] =	sbarrier.arrive $0xFFFF;
	s2 =	simm.s32 @!p0 $0x1C01  }
0x207: {  	[timem:s3], [sflag:s2] =	dma.local @!p0 [hbm:s0], s1  }
0x208: {  	s0 =	simm.s32 @!p0 $0x1  }
0x209: {  	_ =	swait.ge @!p0 [sflag:s0], s1  }
0x20a: {  	s1 =	ssub.s32 @!p0 $0x0, s1;
	[sflag:s0] =	ssyncset.done @!p0 $0x0  }
0x20b: {  	[sflag:s0] =	ssyncadd.s32 @!p0 s1  }
0x20c: {  	[bflag:$0x3] =	sbarrier.arrive $0xFFFF  }
0x20d: {  	_ =	shalt  }

// kernel: sparse-core-data-format-call.cloned.1.call-start
scs
called_computation_lowered:
.L_overlay_start_0:
0x0: {  	s2 =	sld [smem:$0x3FD9]  }
0x1: {  	s3 =	sld [smem:$0x3FFE];
	_ =	sdelay $0x1  }
0x2: {  	s1 =	srdreg.scid  }
0x3: {  	s0 =	sand.u32 $0x1, s1  }
0x4: {  	s18 =	sshll.u32 s0, $0xA;
	s2 =	sadd.s32 s3, s2  }
0x5: {  	s2 =	sadd.s32 s2, s18  }
0x6: {  	[smem:$0x3FC7] =	sst s2  }
0x7: {  	_ = 	snop  }
0x8: {  	s2 =	sld [smem:$0x3FD0];
	(tm) =	ssettm $0x1  }
0x9: {  	s19 =	sld [smem:$0x3FFB];
	_ =	sdelay $0x3  }
0xa: {  	_ =	strace s19  }
0xb: {  	s3 =	sld [smem:$0x3FFC];
	_ =	sdelay $0x3  }
0xc: {  	_ =	strace s3  }
0xd: {  	s3 =	sld [smem:$0x3FFD];
	_ =	sdelay $0x3  }
0xe: {  	_ =	strace s3  }
0xf: {  	_ =	strace $0x8FFFFFFF  }
0x10: {  	s20 =	sld [smem:$0x3FDB];
	_ =	sdelay $0x1  }
0x11: {  	s4 =	simm.s32 $_scs_section_size  }
0x12: {  	s5 =	simm.s32 $_size__tile_overlayer_lowered;
	s6 =	simm.s32 $_tile_overlayer_lowered  }
0x13: {  	s23 =	simm.s32 $0x1BFF;
	s22 =	sshll.u32 s6, $0x1;
	s3 =	sadd.s32 s4, s20  }
0x14: {  	s7 =	simm.s32 $0x0;
	s21 =	sshll.u32 s5, $0x1;
	s5 =	sadd.s32 s22, s3  }
0x15: {  	[timem:s7], [sflag:s23] =	dma.local [hbm:s5], s21  }
0x16: {  	_ =	swait.ge [sflag:s23], s21  }
0x17: {  	s4 =	ssub.s32 $0x0, s21;
	[sflag:s23] =	ssyncset.done $0x0  }
0x18: {  	[sflag:s23] =	ssyncadd.s32 s4;
	_ =	sdelay $0x1  }
0x19: {  	s24 =	simm.s32 $0x1B8B  }
0x1a: {  	_ =	swait.ge [sflag:s24], $0x1  }
0x1b: {  	[sflag:s24] =	ssyncset.done $0x0  }
0x1c: {  	s26 =	simm.s32 $0x1B8E;
	s25 =	sld [smem:$0x3FFE];
	[sflag:s24] =	ssyncadd.s32 $0xFFFFFFFF  }
0x1d: {  	s27 =	simm.s32 $execute0_lowered;
	[smem:$0x3FD2] =	sst s26  }
0x1e: {  	s5 =	sshll.u32 s27, $0x1;
	_ =	strace $0x80000049;
	[dreg:$0x1] =	wrdreg $0xFFFFFFFF  }
0x1f: {  	s28 =	simm.s32 $_size_execute0_lowered;
	s3 =	sadd.s32 s3, s5;
	[dreg:$0x0] =	wrdreg $0x0  }
0x20: {  	s5 =	sshll.u32 s28, $0x1;
	[dreg:$0x2] =	wrdreg s3  }
0x21: {  	[dreg:$0x3] =	wrdreg s5  }
0x22: {  	[dreg:$0x4] =	wrdreg $0xC0  }
0x23: {  	_ =	task [dreg:s7], $0x5FFFF  }
0x24: {  	[dreg:$0x1] =	wrdreg $0xFFFFFFFF  }
0x25: {  	[dreg:$0x0] =	wrdreg $0x60  }
0x26: {  	[dreg:$0x2] =	wrdreg s25  }
0x27: {  	[dreg:$0x3] =	wrdreg s2  }
0x28: {  	[dreg:$0x4] =	wrdreg $0x9  }
0x29: {  	_ =	task.clear_ibuf [dreg:s7], $0x5FFFF;
	_ =	strace $0x90000049  }
0x2a: {  	s29 =	simm.s32 $0x9;
	_ =	strace $0x8000004B  }
0x2b: {  	_ =	swait.ge [sflag:s29], $0x1  }
0x2c: {  	[sflag:s29] =	ssyncadd.s32 $0xFFFFFFFF  }
0x2d: {  	_ =	strace $0x9000004B  }
0x2e: {  	_ =	sfence  }
0x2f: {  	s30 =	sld [smem:$0x0];
	_ =	sdelay $0x2  }
0x30: {  	s31 =	sshll.u32 s1, $0xD;
	s1 =	sshrl.u32 s1, $0x2  }
0x31: {  	s3 =	sand.u32 $0x4000, s31;
	s1 =	sadd.s32 s1, s30  }
0x32: {  	s0 =	sor.u32 s3, s0;
	s1 =	sshll.u32 s1, $0x11  }
0x33: {  	s0 =	sor.u32 s1, s0  }
0x34: {  	s0 =	sadd.s32 $0x8F2B, s0  }
0x35: {  	[sflag:s0] =	ssyncadd.remote.s32 $0x1  }
0x36: {  	_ =	sfence.sel $0xFFFF  }
0x37: {  	[dreg:$0x0] =	wrdreg $0xFFFFFFFF;
	(pc) =	sbr.abs _section_cstart, $3  }
0x38: {  	[dreg:$0x1] =	wrdreg $0xFFFFFFFF  }
0x39: {  	_ =	task.clear_ibuf [dreg:s7], $0x2FFFF;
	_ =	strace $0x9FFFFFFF  }
0x3a: {  	(tm) =	ssettm $0x7FFFFFFF  }
0x3b: {  	_ =	shalt  }
tec
execute0_lowered:
.L_overlay_start_1:
0x0: {  	(tag) =	ssettag $0x1  }
0x1: {  	s1 =	rddreg [dreg:$0x0]  }
0x2: {  	s2 =	rddreg [dreg:$0x1]  }
0x3: {  	s0 =	rddreg [dreg:$0x2]  }
0x4: {  	s4 =	srdreg.scid;
	_ =	strace $0x8000004A;
	s6 =	simm.s32 $0x2  }
0x5: {  	s13 =	simm.s32 $0x0;
	p0 =	por $0x0, $0x0;
	s12 =	simm.s32 $0x0  }
.Ltmp0:
0x6: {  	s11 =	simm.s32 $0x0;
	s8 =	simm.s32 $0x0;
	(pc) =	sbr.rel .LBB1_1-.Ltmp0, $4  }
0x7: {  	s9 =	simm.s32 $0x0;
	s3 =	sadd.s32 $0xC0800, s1;
	s4 =	sshll.u32 s4, $0x4  }
0x8: {  	s1 =	stileid.u32;
	s5 =	sand.u32 $0x10, s4;
	s4 =	simm.s32 $0x1  }
0x9: {  	s7 =	simm.s32 $0x0;
	s5 =	sor.u32 s1, s5;
	[sflag:s4] =	ssyncpa.u1 $0x0  }
0xa: {  	[sflag:s6] =	ssyncpa.u1 $0x0;
	s6 =	simm.s32 $0x1800;
	s10 =	smov.u32 s5  }
.LBB1_5:
0xb: {  	s14 =	sadd.s32 $0x80, s8  }
0xc: {  	s11 =	sadd.s32 $0x80, s9;
	s15 =	smov.u32 s9;
	p2 =	sgt.s32 s14, $0x3FF  }
0xd: {  	s15 =	smov.u32 @p2 s11  }
0xe: {  	s17 =	smov.u32 s10;
	s11 =	sadd.s32 $0x20, s10;
	p3 =	sgt.s32 s15, $0x2FF  }
0xf: {  	p1 =	slt.u32 s7, $0x2;
	s17 =	smov.u32 @p3 s11  }
0x10: {  	s7 =	sadd.s32 $0x1, s7;
	s14 =	simm.s32 @p2 $0x0;
	p2 =	sgt.s32 s17, $0x1F  }
0x11: {  	s17 =	smov.u32 @p2 s5;
	p2 =	sne.s32 s7, $0x32  }
.Ltmp1:
0x12: {  	s16 =	simm.s32 @!p1 $0x2;
	(pc) =	sbr.rel @!p2 .LBB1_6-.Ltmp1, $4  }
0x13: {  	s13 =	smov.u32 s8;
	_ =	swait.ge @!p1 [sflag:s16], $0x4000  }
0x14: {  	s12 =	smov.u32 s9;
	p0 =	por !p0, !p0;
	[sflag:s16] =	ssyncset.done @!p1 $0x0  }
0x15: {  	s8 =	smov.u32 s14;
	s15 =	simm.s32 @p3 $0x0;
	s11 =	smov.u32 s10  }
0x16: {  	[sflag:s16] =	ssyncadd.s32 @!p1 $0xFFFFC000;
	s9 =	smov.u32 s15;
	s10 =	smov.u32 s17  }
.LBB1_1:
0x17: {  	p1 =	sgt.u32 s7, $0x2F  }
0x18: {  	s14 =	sshll.u32 @!p1 s9, $0xA  }
0x19: {  	s15 =	sshll.u32 @!p1 s8, $0x3;
	s14 =	sand.u32 @!p1 $0xFFFFE000, s14  }
0x1a: {  	s14 =	sadd.s32 @!p1 s14, s15  }
0x1b: {  	s14 =	sshrl.u32 @!p1 s14, $0xA  }
0x1c: {  	s15 =	smulhi.u32 @!p1 $0x555556, s14  }
0x1d: {  	s16 =	sshll.u32 @!p1 s9, $0x7;
	s18 =	smul.u32 @!p1 $0x18000, s10  }
0x1e: {  	s17 =	sand.u32 @!p1 $0x78, s8;
	s16 =	sand.u32 @!p1 $0x380, s16;
	s15 =	smul.u32 @!p1 $0x300, s15  }
0x1f: {  	s16 =	sor.u32 @!p1 s17, s16;
	s17 =	sadd.s32 @!p1 s3, s18  }
0x20: {  	s16 =	sshrl.u32 @!p1 s16, $0x3;
	s14 =	ssub.s32 @!p1 s14, s15;
	s15 =	sxor.u32 @!p1 $0xFFFFFFFF, s7  }
0x21: {  	s16 =	sadd.s32 @!p1 s16, s17;
	s17 =	sand.u32 @!p1 $0x7, s8;
	s15 =	sshll.u32 @!p1 s15, $0xE  }
0x22: {  	s17 =	sshll.u32 @!p1 s17, $0x12;
	s14 =	sshll.u32 @!p1 s14, $0x7;
	s15 =	sand.u32 @!p1 $0x4000, s15  }
0x23: {  	s14 =	sadd.s32 @!p1 s14, s16;
	s16 =	sor.u32 @!p1 $0x400, s17;
	s17 =	simm.s32 @!p1 $0x2000  }
0x24: {  	[tilespmem:s15], [sflag:$0x1] =	stream.strided.gather @!p1 [hbm4b:s14+s16], $0x4000, s17, s16, $0x38;
	[tilespmem:$0x10100] =	vst v63  }
0x25: {  	p1 =	seq.s32 s7, $0x0  }
0x26: {  	p2 =	seq.s32 @!p1 s7, $0x31  }
0x27: {  	p1 =	por p1, p2  }
.Ltmp2:
0x28: {  	_ = 	snop;
	(pc) =	sbr.rel @p1 .LBB1_5-.Ltmp2, $1  }
0x29: {  	_ =	sdelay $0x3  }
0x2a: {  	s14 =	simm.s32 $0x1  }
0x2b: {  	_ =	swait.ge [sflag:s4], $0x4000;
	s14 =	simm.s32 @!p0 $0x0  }
0x2c: {  	[sflag:s4] =	ssyncset.done $0x0;
	s15 =	sshll.u32 s14, $0xE  }
0x2d: {  	[sflag:s4] =	ssyncadd.s32 $0xFFFFC000;
	s17 =	sor.u32 $0x40, s15  }
0x2e: {  	s14 =	smul.u32 $0x10200, s14;
	v0 =	vld [tilespmem:s17+$0x30]  }
0x2f: {  	v1 =	vld [tilespmem:s17+$0xFFFFFFD0]  }
0x30: {  	s14 =	sshrl.u32 s14, $0x2;
	v5 =	vld [tilespmem:s17+$0xFFFFFFE0]  }
0x31: {  	v6 =	vld [tilespmem:s17+$0xFFFFFFF0];
	s15 =	sor.u32 $0x8000, s14  }
0x32: {  	s31 =	sand.u32 $0x1, s7;
	v4 =	vld [tilespmem:s17+$0x0];
	s16 =	sadd.s32 $0x0, s15  }
0x33: {  	v3 =	vld [tilespmem:s17+$0x10];
	s14 =	smul.u32 $0x10200, s31;
	[tilespmem:s16+$0x3870 ss:$0x81] =	vst.msk $0xffff, v0  }
0x34: {  	v2 =	vld [tilespmem:s17+$0x20];
	[tilespmem:s16+$0x810 ss:$0x81] =	vst.msk $0xffff, v1  }
0x35: {  	s14 =	sshrl.u32 s14, $0x2;
	v0 =	vld [tilespmem:s17+$0xFFFFFFC0];
	[tilespmem:s16+$0x1020 ss:$0x81] =	vst.msk $0xffff, v5;
	s17 =	sadd.s32 $0x80, s17  }
0x36: {  	s18 =	simm.s32 $0x4;
	s19 =	simm.s32 $0x8;
	s14 =	sor.u32 $0x8000, s14;
	[tilespmem:s16+$0x1830 ss:$0x81] =	vst.msk $0xffff, v6;
	v1 =	vld [tilespmem:s17+$0x30]  }
.LBB1_3:
0x37: {  	p1 =	sne.s32 s19, $0x1FC;
	v5 =	vld [tilespmem:s17+$0xFFFFFFD0];
	[tilespmem:s16+$0x2040 ss:$0x81] =	vst.msk $0xffff, v4  }
0x38: {  	v6 =	vld [tilespmem:s17+$0xFFFFFFE0];
	[tilespmem:s16+$0x2850 ss:$0x81] =	vst.msk $0xffff, v3  }
0x39: {  	s20 =	sshra.s32 s18, $0x2;
	s18 =	smov.u32 s19;
	v7 =	vld [tilespmem:s17+$0xFFFFFFF0];
	[tilespmem:s16+$0x3060 ss:$0x81] =	vst.msk $0xffff, v2  }
.Ltmp3:
0x3a: {  	v4 =	vld [tilespmem:s17+$0x0];
	[tilespmem:s16+$0x0 ss:$0x81] =	vst.msk $0xffff, v0;
	s16 =	sadd.s32 s20, s15;
	(pc) =	sbr.rel @p1 .LBB1_3-.Ltmp3, $4  }
0x3b: {  	v3 =	vld [tilespmem:s17+$0x10];
	[tilespmem:s16+$0x3870 ss:$0x81] =	vst.msk $0xffff, v1  }
0x3c: {  	[tilespmem:s16+$0x810 ss:$0x81] =	vst.msk $0xffff, v5;
	v2 =	vld [tilespmem:s17+$0x20]  }
0x3d: {  	v0 =	vld [tilespmem:s17+$0xFFFFFFC0];
	[tilespmem:s16+$0x1020 ss:$0x81] =	vst.msk $0xffff, v6;
	s17 =	sadd.s32 $0x80, s17  }
0x3e: {  	s19 =	sadd.s32 $0x4, s19;
	v1 =	vld [tilespmem:s17+$0x30];
	[tilespmem:s16+$0x1830 ss:$0x81] =	vst.msk $0xffff, v7  }
0x3f: {  	s19 =	sshrl.u32 s13, $0x3  }
0x40: {  	s20 =	sshll.u32 s12, $0x3;
	s19 =	smul.u32 $0x1800, s19  }
0x41: {  	s27 =	sshll.u32 s13, $0x7;
	s20 =	sand.u32 $0xFFFFFC00, s20  }
0x42: {  	v5 =	vld [tilespmem:s17+$0xFFFFFFD0];
	[tilespmem:s16+$0x2040 ss:$0x81] =	vst.msk $0xffff, v4;
	s13 =	sand.u32 $0x380, s27;
	s19 =	sadd.s32 s20, s19  }
0x43: {  	v58 =	vld [tilespmem:s17+$0xFFFFFFE0];
	s28 =	sand.u32 $0x7F, s12;
	[tilespmem:s16+$0x2850 ss:$0x81] =	vst.msk $0xffff, v3;
	s13 =	sor.u32 s13, s19  }
0x44: {  	s18 =	sshra.s32 s18, $0x2;
	v59 =	vld [tilespmem:s17+$0xFFFFFFF0];
	[tilespmem:s16+$0x3060 ss:$0x81] =	vst.msk $0xffff, v2;
	s12 =	sor.u32 s28, s13;
	s13 =	smulhi.u32 $0xAAAAAAAB, s13  }
0x45: {  	v60 =	vld [tilespmem:s17+$0x0];
	s15 =	sadd.s32 s18, s15;
	[tilespmem:s16+$0x0 ss:$0x81] =	vst.msk $0xffff, v0;
	s29 =	smulhi.u32 $0xAAAAAAAB, s12  }
0x46: {  	v61 =	vld [tilespmem:s17+$0x10];
	[tilespmem:s15+$0x3870 ss:$0x81] =	vst.msk $0xffff, v1  }
0x47: {  	v62 =	vld [tilespmem:s17+$0x20];
	s11 =	smul.u32 $0x18000, s11;
	[tilespmem:s15+$0x810 ss:$0x81] =	vst.msk $0xffff, v5;
	s13 =	sshrl.u32 s13, $0x9;
	s16 =	sshrl.u32 s29, $0x9  }
0x48: {  	v63 =	vld [tilespmem:s17+$0xFFFFFFC0];
	[tilespmem:s15+$0x1020 ss:$0x81] =	vst.msk $0xffff, v58;
	s13 =	sand.u32 $0x3FF, s13;
	s16 =	smul.u32 $0x300, s16  }
0x49: {  	[tilespmem:s15+$0x1830 ss:$0x81] =	vst.msk $0xffff, v59;
	s13 =	smul.u32 $0x60, s13  }
.Ltmp4:
0x4a: {  	[tilespmem:s15+$0x2040 ss:$0x81] =	vst.msk $0xffff, v60;
	s12 =	ssub.s32 s12, s16;
	(pc) =	sbr.rel .LBB1_5-.Ltmp4, $4  }
0x4b: {  	s11 =	sadd.s32 s2, s11;
	[tilespmem:s15+$0x2850 ss:$0x81] =	vst.msk $0xffff, v61;
	s16 =	sand.u32 $0x7, s12  }
0x4c: {  	[tilespmem:s15+$0x3060 ss:$0x81] =	vst.msk $0xffff, v62;
	s11 =	sadd.s32 s13, s11;
	s12 =	sshrl.u32 s12, $0x3;
	s30 =	sshll.u32 s16, $0x12  }
0x4d: {  	[tilespmem:s15+$0x0 ss:$0x81] =	vst.msk $0xffff, v63;
	s11 =	sadd.s32 s12, s11;
	s31 =	sor.u32 $0x400, s30  }
0x4e: {  	[hbm4b:s11+s31] =	stream.strided.scatter [tilespmem:s14], [sflag:$0x2], $0x4000, s6, s31, $0x20;
	[tilespmem:$0x10100] =	vst v63  }
.LBB1_6:
0x4f: {  	_ =	sfence.sel $0x180000  }
0x50: {  	s2 =	simm.s32 $0x1;
	[bflag:$0x0] =	sbarrier.arrive $0xFFFF  }
0x51: {  	s31 =	simm.s32 $0x2;
	[sflag:s2] =	ssyncpa.u1 $0x1  }
0x52: {  	[sflag:s31] =	ssyncpa.u1 $0x1  }
0x53: {  	p0 =	sne.s32 s1, $0x0;
	_ =	strace $0x9000004A  }
0x54: {  	s0 =	sadd.s32 @!p0 $0x100000, s0;
	[bflag:$0x2] =	sbarrier.arrive $0xFFFF  }
0x55: {  	[sflag:s0] =	ssyncadd.tile.s32 @!p0 $0x1;
	_ =	shalt  }
.Lfunc_end1:
_tile_overlayer_lowered:
.L_overlay_start_2:
0x56: {  	(tag) =	ssettag $0x2  }
0x57: {  	s0 =	rddreg [dreg:$0x0];
	s2 =	stileid.u32  }
0x58: {  	s1 =	rddreg [dreg:$0x1];
	p0 =	sne.s32 s2, $0x0  }
0x59: {  	s3 =	rddreg [dreg:$0x2];
	[bflag:$0x3] =	sbarrier.arrive $0xFFFF;
	s2 =	simm.s32 @!p0 $0x1C01  }
0x5a: {  	[timem:s3], [sflag:s2] =	dma.local @!p0 [hbm:s0], s1  }
0x5b: {  	s0 =	simm.s32 @!p0 $0x1  }
0x5c: {  	_ =	swait.ge @!p0 [sflag:s0], s1  }
0x5d: {  	s1 =	ssub.s32 @!p0 $0x0, s1;
	[sflag:s0] =	ssyncset.done @!p0 $0x0  }
0x5e: {  	[sflag:s0] =	ssyncadd.s32 @!p0 s1  }
0x5f: {  	[bflag:$0x3] =	sbarrier.arrive $0xFFFF  }
0x60: {  	_ =	shalt  }

</sc_bundles>
